<compile_context>
chip_gen: v7x
topology: tpu7x:2x2x1
jax: 0.10.2.dev20260603
libtpu: 0.0.44.dev20260713+nightly
codegen_flags: <defaults>
</compile_context>

<pallas_src>
import functools

import jax
import jax.numpy as jnp
from jax import lax
from jax.experimental import pallas as pl
from jax.experimental.pallas import tpu as pltpu
from jax.experimental.pallas import tpu_sc as plsc

NUM_EXPERTS = 64
HIDDEN = 768
FFN = 1024
SEQ = 2048
TILE = 128
MAX_TILES = 96
TE_PAD = 128
SLOTS = MAX_TILES * TILE
NW = 32
CHUNK = SEQ // NW
LANES = 16
WREP = 128


def _cumsum_rows(m):
    n = m.shape[0]
    s = m
    k = 1
    while k < n:
        shifted = jnp.concatenate(
            [jnp.zeros((k, m.shape[1]), m.dtype), s[: n - k, :]], axis=0)
        s = s + shifted
        k *= 2
    return s


def _router_meta_body(x_ref, gw_ref, logits_ref, d0_ref, d1_ref,
                      w0_ref, w1_ref, tok_ref, te_ref, nt_ref):
    x = x_ref[...]
    gw = gw_ref[...]
    logits = jnp.dot(x, gw, preferred_element_type=jnp.float32)
    logits_ref[...] = logits

    lane = lax.broadcasted_iota(jnp.int32, (SEQ, NUM_EXPERTS), 1)
    m1 = jnp.max(logits, axis=1, keepdims=True)
    i1 = jnp.min(jnp.where(logits == m1, lane, NUM_EXPERTS), axis=1,
                 keepdims=True)
    mask1 = lane == i1
    logits2 = jnp.where(mask1, -jnp.inf, logits)
    m2 = jnp.max(logits2, axis=1, keepdims=True)
    i2 = jnp.min(jnp.where(logits2 == m2, lane, NUM_EXPERTS), axis=1,
                 keepdims=True)

    g = jnp.exp(m2 - m1)
    w0 = 1.0 / (1.0 + g)
    w1v = 1.0 - w0
    w0_ref[...] = jnp.broadcast_to(w0, (SEQ, WREP))
    w1_ref[...] = jnp.broadcast_to(w1v, (SEQ, WREP))
    trow = lax.broadcasted_iota(jnp.int32, (SEQ, 1), 0)
    tok_ref[...] = jnp.broadcast_to(trow, (SEQ, WREP))

    m0i = mask1.astype(jnp.int32)
    m1i = (lane == i2).astype(jnp.int32)
    cs0 = _cumsum_rows(m0i)
    cs1 = _cumsum_rows(m1i)
    counts0 = jnp.sum(m0i, axis=0, keepdims=True)
    counts = counts0 + jnp.sum(m1i, axis=0, keepdims=True)
    rank0 = jnp.sum(m0i * cs0, axis=1, keepdims=True) - 1
    rank1 = jnp.sum(m1i * (cs1 + counts0), axis=1, keepdims=True) - 1

    ptiles = (counts + (TILE - 1)) // TILE
    tri = (lax.broadcasted_iota(jnp.int32, (NUM_EXPERTS, NUM_EXPERTS), 0)
           < lax.broadcasted_iota(jnp.int32, (NUM_EXPERTS, NUM_EXPERTS), 1)
           ).astype(jnp.float32)
    tstart = jnp.dot(ptiles.astype(jnp.float32), tri,
                     preferred_element_type=jnp.float32).astype(jnp.int32)
    pstart = tstart * TILE

    d0_ref[...] = jnp.sum(m0i * pstart, axis=1, keepdims=True) + rank0
    d1_ref[...] = jnp.sum(m1i * pstart, axis=1, keepdims=True) + rank1

    ti = lax.broadcasted_iota(jnp.int32, (TE_PAD, NUM_EXPERTS), 0)
    lane_e = lax.broadcasted_iota(jnp.int32, (TE_PAD, NUM_EXPERTS), 1)
    in_e = (ti >= tstart) & (ti < tstart + ptiles)
    te_ref[...] = jnp.sum(jnp.where(in_e, lane_e, 0), axis=1, keepdims=True)
    nt_ref[...] = jnp.sum(ptiles, axis=1, keepdims=True)


def _router_meta(x, gate_w):
    return pl.pallas_call(
        _router_meta_body,
        out_shape=[
            jax.ShapeDtypeStruct((SEQ, NUM_EXPERTS), jnp.float32),
            jax.ShapeDtypeStruct((SEQ, 1), jnp.int32),
            jax.ShapeDtypeStruct((SEQ, 1), jnp.int32),
            jax.ShapeDtypeStruct((SEQ, WREP), jnp.float32),
            jax.ShapeDtypeStruct((SEQ, WREP), jnp.float32),
            jax.ShapeDtypeStruct((SEQ, WREP), jnp.int32),
            jax.ShapeDtypeStruct((TE_PAD, 1), jnp.int32),
            jax.ShapeDtypeStruct((1, 1), jnp.int32),
        ],
    )(x, gate_w)


def _build_src_body(tok_hbm, d0_hbm, d1_hbm, srcw_hbm, tok_v, d0_v, d1_v,
                    sem):
    wid = lax.axis_index("c") * 16 + lax.axis_index("s")
    base = wid * CHUNK
    ld0 = pltpu.async_copy(d0_hbm.at[pl.ds(base, CHUNK)], d0_v, sem)
    ld1 = pltpu.async_copy(d1_hbm.at[pl.ds(base, CHUNK)], d1_v, sem)
    ldt = pltpu.async_copy(tok_hbm.at[pl.ds(base, CHUNK)], tok_v, sem)
    ld0.wait()
    ld1.wait()
    ldt.wait()
    cp0 = pltpu.async_copy(tok_v, srcw_hbm.at[d0_v], sem)
    cp1 = pltpu.async_copy(tok_v, srcw_hbm.at[d1_v], sem)
    cp0.wait()
    cp1.wait()


def _build_src(tokrep, d0, d1):
    mesh = plsc.VectorSubcoreMesh(core_axis_name="c", subcore_axis_name="s")
    fn = functools.partial(
        pl.kernel,
        mesh=mesh,
        out_type=jax.ShapeDtypeStruct((SLOTS, WREP), jnp.int32),
        scratch_types=[
            pltpu.VMEM((CHUNK, WREP), jnp.int32),
            pltpu.VMEM((CHUNK,), jnp.int32),
            pltpu.VMEM((CHUNK,), jnp.int32),
            pltpu.SemaphoreType.DMA,
        ],
    )(_build_src_body)
    return fn(tokrep, d0, d1)


def _mlp_body(te_ref, src_ref, x_ref, w1_ref, w3_ref, w2_ref, out_ref,
              xg_s):
    for r in range(TILE):
        t = src_ref[0, 0, r]
        t = jnp.minimum(jnp.maximum(t, 0), SEQ - 1)
        xg_s[r, :] = x_ref[pl.ds(t, 1), :][0]
    xg = xg_s[...]
    a1 = jnp.dot(xg, w1_ref[0], preferred_element_type=jnp.float32)
    a3 = jnp.dot(xg, w3_ref[0], preferred_element_type=jnp.float32)
    inter = (a1 / (1.0 + jnp.exp(-a1))) * a3
    out_ref[...] = jnp.dot(inter, w2_ref[0], preferred_element_type=jnp.float32)


def _mlp(nt, te, srcw, x, W1, W3, W2):
    grid_spec = pltpu.PrefetchScalarGridSpec(
        num_scalar_prefetch=1,
        grid=(nt,),
        in_specs=[
            pl.BlockSpec((1, 1, TILE), lambda i, te: (i, 0, 0),
                         memory_space=pltpu.SMEM),
            pl.BlockSpec((SEQ, HIDDEN), lambda i, te: (0, 0)),
            pl.BlockSpec((1, HIDDEN, FFN), lambda i, te: (te[i], 0, 0)),
            pl.BlockSpec((1, HIDDEN, FFN), lambda i, te: (te[i], 0, 0)),
            pl.BlockSpec((1, FFN, HIDDEN), lambda i, te: (te[i], 0, 0)),
        ],
        out_specs=pl.BlockSpec((TILE, HIDDEN), lambda i, te: (i, 0)),
        scratch_shapes=[pltpu.VMEM((TILE, HIDDEN), jnp.float32)],
    )
    return pl.pallas_call(
        _mlp_body,
        grid_spec=grid_spec,
        out_shape=jax.ShapeDtypeStruct((SLOTS, HIDDEN), jnp.float32),
    )(te, srcw, x, W1, W3, W2)


GC = CHUNK // 2


def _combine_body(outp_hbm, d0_hbm, d1_hbm, w0_hbm, w1_hbm, final_hbm,
                  a_v, b_v, w0_v, w1_v, d0_v, d1_v, sem0, sem1, semw,
                  sem_st):
    wid = lax.axis_index("c") * 16 + lax.axis_index("s")
    base = wid * CHUNK
    ld0 = pltpu.async_copy(d0_hbm.at[pl.ds(base, CHUNK)], d0_v, semw)
    ld1 = pltpu.async_copy(d1_hbm.at[pl.ds(base, CHUNK)], d1_v, semw)
    lw0 = pltpu.async_copy(w0_hbm.at[pl.ds(base, CHUNK)], w0_v, semw)
    lw1 = pltpu.async_copy(w1_hbm.at[pl.ds(base, CHUNK)], w1_v, semw)
    ld0.wait()
    ld1.wait()
    sems = (sem0, sem1)
    cps = []
    for g in range(2):
        gsl = pl.ds(g * GC, GC)
        cps.append(pltpu.async_copy(outp_hbm.at[d0_v.at[gsl]], a_v.at[gsl],
                                    sems[g]))
        cps.append(pltpu.async_copy(outp_hbm.at[d1_v.at[gsl]], b_v.at[gsl],
                                    sems[g]))
    lw0.wait()
    lw1.wait()

    def row_body(r, carry):
        wa = w0_v[r, pl.ds(0, LANES)]
        wb = w1_v[r, pl.ds(0, LANES)]
        for c in range(HIDDEN // LANES):
            sl = pl.ds(c * LANES, LANES)
            a_v[r, sl] = wa * a_v[r, sl] + wb * b_v[r, sl]
        return carry

    sts = []
    for g in range(2):
        cps[2 * g].wait()
        cps[2 * g + 1].wait()
        lax.fori_loop(g * GC, (g + 1) * GC, row_body, 0)
        gsl = pl.ds(g * GC, GC)
        sts.append(pltpu.async_copy(
            a_v.at[gsl], final_hbm.at[pl.ds(base + g * GC, GC)], sem_st))
    sts[0].wait()
    sts[1].wait()


def _combine(outp, d0, d1, w0r, w1r):
    mesh = plsc.VectorSubcoreMesh(core_axis_name="c", subcore_axis_name="s")
    fn = functools.partial(
        pl.kernel,
        mesh=mesh,
        out_type=jax.ShapeDtypeStruct((SEQ, HIDDEN), jnp.float32),
        scratch_types=[
            pltpu.VMEM((CHUNK, HIDDEN), jnp.float32),
            pltpu.VMEM((CHUNK, HIDDEN), jnp.float32),
            pltpu.VMEM((CHUNK, WREP), jnp.float32),
            pltpu.VMEM((CHUNK, WREP), jnp.float32),
            pltpu.VMEM((CHUNK,), jnp.int32),
            pltpu.VMEM((CHUNK,), jnp.int32),
            pltpu.SemaphoreType.DMA,
            pltpu.SemaphoreType.DMA,
            pltpu.SemaphoreType.DMA,
            pltpu.SemaphoreType.DMA,
        ],
    )(_combine_body)
    return fn(outp, d0, d1, w0r, w1r)


def kernel(hidden_states, gate_w, W1, W3, W2):
    b, s, h = hidden_states.shape
    x = hidden_states.reshape(-1, h)
    logits, d0, d1, w0r, w1r, tokrep, te, nt = _router_meta(x, gate_w)
    d0 = d0.reshape(SEQ)
    d1 = d1.reshape(SEQ)
    srcw = _build_src(tokrep, d0, d1)
    src3d = srcw[:, 0].reshape(MAX_TILES, 1, TILE)
    outp = _mlp(nt.reshape(())[()], te.reshape(TE_PAD), src3d, x, W1, W3, W2)
    final = _combine(outp, d0, d1, w0r, w1r)
    return final.reshape(b, s, h), logits

# --- scband reference (transcript-rebuilt; emitter-appended) ---
"""Pipeline reference for scband-qmixtral-sparse-moe-block-59554016526379 (READ-ONLY COPY).

The authoritative reference and input builder live on the scoring server;
editing this copy changes nothing except your own understanding.
"""

import jax, jax.numpy as jnp
import numpy as np

NUM_EXPERTS = 64
TOP_K = 2
HIDDEN = 768
FFN = 1024
BATCH = 1
SEQ = 2048


def setup_inputs(seed: int = 0) -> dict:
    key = jax.random.key(seed)
    ks = jax.random.split(key, 5)
    hidden_states = jax.random.normal(ks[0], (BATCH, SEQ, HIDDEN), dtype=jnp.float32)
    gate_w = jax.random.normal(ks[1], (HIDDEN, NUM_EXPERTS), dtype=jnp.float32) * 0.02
    W1 = jax.random.normal(ks[2], (NUM_EXPERTS, HIDDEN, FFN), dtype=jnp.float32) * 0.02
    W3 = jax.random.normal(ks[3], (NUM_EXPERTS, HIDDEN, FFN), dtype=jnp.float32) * 0.02
    W2 = jax.random.normal(ks[4], (NUM_EXPERTS, FFN, HIDDEN), dtype=jnp.float32) * 0.02
    return {"hidden_states": hidden_states, "gate_w": gate_w, "W1": W1, "W3": W3, "W2": W2}


def reference(hidden_states, gate_w, W1, W3, W2):
    b, s, h = hidden_states.shape
    x = hidden_states.reshape(-1, h)
    # router
    router_logits = x @ gate_w
    routing_weights = jax.nn.softmax(router_logits.astype(jnp.float32), axis=1)
    topw, selected_experts = jax.lax.top_k(routing_weights, TOP_K)
    topw = topw / jnp.sum(topw, axis=-1, keepdims=True)
    topw = topw.astype(x.dtype)
    final = jnp.zeros((b * s, h), dtype=x.dtype)
    # dispatch tokens to experts: gather -> expert SwiGLU MLP -> weighted scatter-add
    for e in range(NUM_EXPERTS):
        w_e = jnp.sum(jnp.where(selected_experts == e, topw, jnp.zeros_like(topw)), axis=-1)
        inter = jax.nn.silu(x @ W1[e]) * (x @ W3[e])
        out = (inter @ W2[e]) * w_e[:, None]
        final = final + out
    final = final.reshape(b, s, h)
    return (final, router_logits)

if __name__ == "__main__":
    import jax
    _d = setup_inputs()
    print(jax.jit(kernel)(*tuple(_d.values())))

</pallas_src>

<mosaic_0001>
#map = affine_map<(d0, d1) -> (0, 0)>
#map1 = affine_map<(d0, d1) -> (0)>
module attributes {stable_mosaic.version = 14 : i64} {
  func.func @_combine_body(%arg0: i32, %arg1: i32, %arg2: memref<12288x768xf32, #tpu.memory_space<hbm>>, %arg3: memref<2048xi32, #tpu.memory_space<hbm>>, %arg4: memref<2048xi32, #tpu.memory_space<hbm>>, %arg5: memref<2048x128xf32, #tpu.memory_space<hbm>>, %arg6: memref<2048x128xf32, #tpu.memory_space<hbm>>, %arg7: memref<2048x768xf32, #tpu.memory_space<hbm>>, %arg8: memref<64x768xf32, #tpu.memory_space<vmem>>, %arg9: memref<64x768xf32, #tpu.memory_space<vmem>>, %arg10: memref<64x128xf32, #tpu.memory_space<vmem>>, %arg11: memref<64x128xf32, #tpu.memory_space<vmem>>, %arg12: memref<64xi32, #tpu.memory_space<vmem>>, %arg13: memref<64xi32, #tpu.memory_space<vmem>>, %arg14: memref<!tpu.dma_semaphore, #tpu.memory_space<semaphore_mem>>, %arg15: memref<!tpu.dma_semaphore, #tpu.memory_space<semaphore_mem>>, %arg16: memref<!tpu.dma_semaphore, #tpu.memory_space<semaphore_mem>>, %arg17: memref<!tpu.dma_semaphore, #tpu.memory_space<semaphore_mem>>) attributes {dimension_semantics = [#tpu.dimension_semantics<core_parallel>, #tpu.dimension_semantics<subcore_parallel>], iteration_bounds = array<i64: 2, 16>, scalar_prefetch = 0 : i64, scratch_operands = 10 : i64, tpu.core_type = #tpu.core_type<sc_vector_subcore>, window_params = [{transform_indices = #map}, {transform_indices = #map1}, {transform_indices = #map1}, {transform_indices = #map}, {transform_indices = #map}, {transform_indices = #map}]} {
    %mul3A = arith.constant 16 : i32
    %mul3A_0 = arith.muli %arg0, %mul3A : i32
    %add3A = arith.addi %mul3A_0, %arg1 : i32
    %mul3A_1 = arith.constant 64 : i32
    %mul3A_2 = arith.muli %add3A, %mul3A_1 : i32
    %dma_start3A = tpu.memref_slice %arg3[%mul3A_2] : memref<2048xi32, #tpu.memory_space<hbm>> -> memref<64xi32, #tpu.memory_space<hbm>>
    %dma_start3A_3 = tpu.memref_slice %arg3[%mul3A_2] : memref<2048xi32, #tpu.memory_space<hbm>> -> memref<64xi32, #tpu.memory_space<hbm>>
    tpu.enqueue_dma source(%dma_start3A_3 : memref<64xi32, #tpu.memory_space<hbm>>) target(%arg12 : memref<64xi32, #tpu.memory_space<vmem>>) target_semaphore(%arg16 : memref<!tpu.dma_semaphore, #tpu.memory_space<semaphore_mem>>)
    %dma_start3A_4 = tpu.memref_slice %arg4[%mul3A_2] : memref<2048xi32, #tpu.memory_space<hbm>> -> memref<64xi32, #tpu.memory_space<hbm>>
    %dma_start3A_5 = tpu.memref_slice %arg4[%mul3A_2] : memref<2048xi32, #tpu.memory_space<hbm>> -> memref<64xi32, #tpu.memory_space<hbm>>
    tpu.enqueue_dma source(%dma_start3A_5 : memref<64xi32, #tpu.memory_space<hbm>>) target(%arg13 : memref<64xi32, #tpu.memory_space<vmem>>) target_semaphore(%arg16 : memref<!tpu.dma_semaphore, #tpu.memory_space<semaphore_mem>>)
    %dma_start3A_6 = arith.constant 0 : i32
    %dma_start3A_7 = tpu.memref_slice %arg5[%mul3A_2, %dma_start3A_6] : memref<2048x128xf32, #tpu.memory_space<hbm>> -> memref<64x128xf32, #tpu.memory_space<hbm>>
    %dma_start3A_8 = arith.constant 0 : i32
    %dma_start3A_9 = tpu.memref_slice %arg5[%mul3A_2, %dma_start3A_8] : memref<2048x128xf32, #tpu.memory_space<hbm>> -> memref<64x128xf32, #tpu.memory_space<hbm>>
    tpu.enqueue_dma source(%dma_start3A_9 : memref<64x128xf32, #tpu.memory_space<hbm>>) target(%arg10 : memref<64x128xf32, #tpu.memory_space<vmem>>) target_semaphore(%arg16 : memref<!tpu.dma_semaphore, #tpu.memory_space<semaphore_mem>>)
    %dma_start3A_10 = arith.constant 0 : i32
    %dma_start3A_11 = tpu.memref_slice %arg6[%mul3A_2, %dma_start3A_10] : memref<2048x128xf32, #tpu.memory_space<hbm>> -> memref<64x128xf32, #tpu.memory_space<hbm>>
    %dma_start3A_12 = arith.constant 0 : i32
    %dma_start3A_13 = tpu.memref_slice %arg6[%mul3A_2, %dma_start3A_12] : memref<2048x128xf32, #tpu.memory_space<hbm>> -> memref<64x128xf32, #tpu.memory_space<hbm>>
    tpu.enqueue_dma source(%dma_start3A_13 : memref<64x128xf32, #tpu.memory_space<hbm>>) target(%arg11 : memref<64x128xf32, #tpu.memory_space<vmem>>) target_semaphore(%arg16 : memref<!tpu.dma_semaphore, #tpu.memory_space<semaphore_mem>>)
    %dma_wait3A = tpu.memref_slice %arg3[%mul3A_2] : memref<2048xi32, #tpu.memory_space<hbm>> -> memref<64xi32, #tpu.memory_space<hbm>>
    %dma_wait3A_14 = tpu.memref_slice %arg3[%mul3A_2] : memref<2048xi32, #tpu.memory_space<hbm>> -> memref<64xi32, #tpu.memory_space<hbm>>
    tpu.wait_dma2 semaphore(%arg16 : memref<!tpu.dma_semaphore, #tpu.memory_space<semaphore_mem>>) src(%dma_wait3A_14 : memref<64xi32, #tpu.memory_space<hbm>>) dst(%arg12 : memref<64xi32, #tpu.memory_space<vmem>>)
    %dma_wait3A_15 = tpu.memref_slice %arg4[%mul3A_2] : memref<2048xi32, #tpu.memory_space<hbm>> -> memref<64xi32, #tpu.memory_space<hbm>>
    %dma_wait3A_16 = tpu.memref_slice %arg4[%mul3A_2] : memref<2048xi32, #tpu.memory_space<hbm>> -> memref<64xi32, #tpu.memory_space<hbm>>
    tpu.wait_dma2 semaphore(%arg16 : memref<!tpu.dma_semaphore, #tpu.memory_space<semaphore_mem>>) src(%dma_wait3A_16 : memref<64xi32, #tpu.memory_space<hbm>>) dst(%arg13 : memref<64xi32, #tpu.memory_space<vmem>>)
    %dma_start3A_17 = arith.constant 0 : i32
    %dma_start3A_18 = arith.constant 0 : i32
    %dma_start3A_19 = tpu.memref_slice %arg8[%dma_start3A_17, %dma_start3A_18] : memref<64x768xf32, #tpu.memory_space<vmem>> -> memref<32x768xf32, #tpu.memory_space<vmem>>
    %dma_start3A_20 = arith.constant 0 : i32
    %dma_start3A_21 = tpu.memref_slice %arg12[%dma_start3A_20] : memref<64xi32, #tpu.memory_space<vmem>> -> memref<32xi32, #tpu.memory_space<vmem>>
    %dma_start3A_22 = arith.constant 0 : i32
    %dma_start3A_23 = arith.constant 0 : i32
    %dma_start3A_24 = tpu.memref_slice %arg2[%dma_start3A_22, %dma_start3A_23] : memref<12288x768xf32, #tpu.memory_space<hbm>> -> memref<12288x768xf32, #tpu.memory_space<hbm>>
    tpu.enqueue_indirect_dma source(%dma_start3A_24 : memref<12288x768xf32, #tpu.memory_space<hbm>>) target(%dma_start3A_19 : memref<32x768xf32, #tpu.memory_space<vmem>>) offsets(%dma_start3A_21 : memref<32xi32, #tpu.memory_space<vmem>>) semaphore(%arg14 : memref<!tpu.dma_semaphore, #tpu.memory_space<semaphore_mem>>)
    %dma_start3A_25 = arith.constant 0 : i32
    %dma_start3A_26 = arith.constant 0 : i32
    %dma_start3A_27 = tpu.memref_slice %arg9[%dma_start3A_25, %dma_start3A_26] : memref<64x768xf32, #tpu.memory_space<vmem>> -> memref<32x768xf32, #tpu.memory_space<vmem>>
    %dma_start3A_28 = arith.constant 0 : i32
    %dma_start3A_29 = tpu.memref_slice %arg13[%dma_start3A_28] : memref<64xi32, #tpu.memory_space<vmem>> -> memref<32xi32, #tpu.memory_space<vmem>>
    %dma_start3A_30 = arith.constant 0 : i32
    %dma_start3A_31 = arith.constant 0 : i32
    %dma_start3A_32 = tpu.memref_slice %arg2[%dma_start3A_30, %dma_start3A_31] : memref<12288x768xf32, #tpu.memory_space<hbm>> -> memref<12288x768xf32, #tpu.memory_space<hbm>>
    tpu.enqueue_indirect_dma source(%dma_start3A_32 : memref<12288x768xf32, #tpu.memory_space<hbm>>) target(%dma_start3A_27 : memref<32x768xf32, #tpu.memory_space<vmem>>) offsets(%dma_start3A_29 : memref<32xi32, #tpu.memory_space<vmem>>) semaphore(%arg14 : memref<!tpu.dma_semaphore, #tpu.memory_space<semaphore_mem>>)
    %dma_start3A_33 = arith.constant 32 : i32
    %dma_start3A_34 = arith.constant 0 : i32
    %dma_start3A_35 = tpu.memref_slice %arg8[%dma_start3A_33, %dma_start3A_34] : memref<64x768xf32, #tpu.memory_space<vmem>> -> memref<32x768xf32, #tpu.memory_space<vmem>>
    %dma_start3A_36 = arith.constant 32 : i32
    %dma_start3A_37 = tpu.memref_slice %arg12[%dma_start3A_36] : memref<64xi32, #tpu.memory_space<vmem>> -> memref<32xi32, #tpu.memory_space<vmem>>
    %dma_start3A_38 = arith.constant 0 : i32
    %dma_start3A_39 = arith.constant 0 : i32
    %dma_start3A_40 = tpu.memref_slice %arg2[%dma_start3A_38, %dma_start3A_39] : memref<12288x768xf32, #tpu.memory_space<hbm>> -> memref<12288x768xf32, #tpu.memory_space<hbm>>
    tpu.enqueue_indirect_dma source(%dma_start3A_40 : memref<12288x768xf32, #tpu.memory_space<hbm>>) target(%dma_start3A_35 : memref<32x768xf32, #tpu.memory_space<vmem>>) offsets(%dma_start3A_37 : memref<32xi32, #tpu.memory_space<vmem>>) semaphore(%arg15 : memref<!tpu.dma_semaphore, #tpu.memory_space<semaphore_mem>>)
    %dma_start3A_41 = arith.constant 32 : i32
    %dma_start3A_42 = arith.constant 0 : i32
    %dma_start3A_43 = tpu.memref_slice %arg9[%dma_start3A_41, %dma_start3A_42] : memref<64x768xf32, #tpu.memory_space<vmem>> -> memref<32x768xf32, #tpu.memory_space<vmem>>
    %dma_start3A_44 = arith.constant 32 : i32
    %dma_start3A_45 = tpu.memref_slice %arg13[%dma_start3A_44] : memref<64xi32, #tpu.memory_space<vmem>> -> memref<32xi32, #tpu.memory_space<vmem>>
    %dma_start3A_46 = arith.constant 0 : i32
    %dma_start3A_47 = arith.constant 0 : i32
    %dma_start3A_48 = tpu.memref_slice %arg2[%dma_start3A_46, %dma_start3A_47] : memref<12288x768xf32, #tpu.memory_space<hbm>> -> memref<12288x768xf32, #tpu.memory_space<hbm>>
    tpu.enqueue_indirect_dma source(%dma_start3A_48 : memref<12288x768xf32, #tpu.memory_space<hbm>>) target(%dma_start3A_43 : memref<32x768xf32, #tpu.memory_space<vmem>>) offsets(%dma_start3A_45 : memref<32xi32, #tpu.memory_space<vmem>>) semaphore(%arg15 : memref<!tpu.dma_semaphore, #tpu.memory_space<semaphore_mem>>)
    %dma_wait3A_49 = arith.constant 0 : i32
    %dma_wait3A_50 = tpu.memref_slice %arg5[%mul3A_2, %dma_wait3A_49] : memref<2048x128xf32, #tpu.memory_space<hbm>> -> memref<64x128xf32, #tpu.memory_space<hbm>>
    %dma_wait3A_51 = arith.constant 0 : i32
    %dma_wait3A_52 = tpu.memref_slice %arg5[%mul3A_2, %dma_wait3A_51] : memref<2048x128xf32, #tpu.memory_space<hbm>> -> memref<64x128xf32, #tpu.memory_space<hbm>>
    tpu.wait_dma2 semaphore(%arg16 : memref<!tpu.dma_semaphore, #tpu.memory_space<semaphore_mem>>) src(%dma_wait3A_52 : memref<64x128xf32, #tpu.memory_space<hbm>>) dst(%arg10 : memref<64x128xf32, #tpu.memory_space<vmem>>)
    %dma_wait3A_53 = arith.constant 0 : i32
    %dma_wait3A_54 = tpu.memref_slice %arg6[%mul3A_2, %dma_wait3A_53] : memref<2048x128xf32, #tpu.memory_space<hbm>> -> memref<64x128xf32, #tpu.memory_space<hbm>>
    %dma_wait3A_55 = arith.constant 0 : i32
    %dma_wait3A_56 = tpu.memref_slice %arg6[%mul3A_2, %dma_wait3A_55] : memref<2048x128xf32, #tpu.memory_space<hbm>> -> memref<64x128xf32, #tpu.memory_space<hbm>>
    tpu.wait_dma2 semaphore(%arg16 : memref<!tpu.dma_semaphore, #tpu.memory_space<semaphore_mem>>) src(%dma_wait3A_56 : memref<64x128xf32, #tpu.memory_space<hbm>>) dst(%arg11 : memref<64x128xf32, #tpu.memory_space<vmem>>)
    %dma_wait3A_57 = arith.constant 0 : i32
    %dma_wait3A_58 = arith.constant 0 : i32
    %dma_wait3A_59 = tpu.memref_slice %arg8[%dma_wait3A_57, %dma_wait3A_58] : memref<64x768xf32, #tpu.memory_space<vmem>> -> memref<32x768xf32, #tpu.memory_space<vmem>>
    %dma_wait3A_60 = arith.constant 0 : i32
    %dma_wait3A_61 = tpu.memref_slice %arg12[%dma_wait3A_60] : memref<64xi32, #tpu.memory_space<vmem>> -> memref<32xi32, #tpu.memory_space<vmem>>
    %dma_wait3A_62 = arith.constant 0 : i32
    %dma_wait3A_63 = arith.constant 0 : i32
    %dma_wait3A_64 = tpu.memref_slice %arg2[%dma_wait3A_62, %dma_wait3A_63] : memref<12288x768xf32, #tpu.memory_space<hbm>> -> memref<12288x768xf32, #tpu.memory_space<hbm>>
    tpu.wait_indirect_dma semaphore(%arg14 : memref<!tpu.dma_semaphore, #tpu.memory_space<semaphore_mem>>) src(%dma_wait3A_64 : memref<12288x768xf32, #tpu.memory_space<hbm>>) dst(%dma_wait3A_59 : memref<32x768xf32, #tpu.memory_space<vmem>>)
    %dma_wait3A_65 = arith.constant 0 : i32
    %dma_wait3A_66 = arith.constant 0 : i32
    %dma_wait3A_67 = tpu.memref_slice %arg9[%dma_wait3A_65, %dma_wait3A_66] : memref<64x768xf32, #tpu.memory_space<vmem>> -> memref<32x768xf32, #tpu.memory_space<vmem>>
    %dma_wait3A_68 = arith.constant 0 : i32
    %dma_wait3A_69 = tpu.memref_slice %arg13[%dma_wait3A_68] : memref<64xi32, #tpu.memory_space<vmem>> -> memref<32xi32, #tpu.memory_space<vmem>>
    %dma_wait3A_70 = arith.constant 0 : i32
    %dma_wait3A_71 = arith.constant 0 : i32
    %dma_wait3A_72 = tpu.memref_slice %arg2[%dma_wait3A_70, %dma_wait3A_71] : memref<12288x768xf32, #tpu.memory_space<hbm>> -> memref<12288x768xf32, #tpu.memory_space<hbm>>
    tpu.wait_indirect_dma semaphore(%arg14 : memref<!tpu.dma_semaphore, #tpu.memory_space<semaphore_mem>>) src(%dma_wait3A_72 : memref<12288x768xf32, #tpu.memory_space<hbm>>) dst(%dma_wait3A_67 : memref<32x768xf32, #tpu.memory_space<vmem>>)
    %scan3A = arith.constant 0 : i32
    %scan3A_73 = arith.constant 0 : i32
    %scan3A_74 = arith.constant 32 : i32
    %scan3A_75 = arith.addi %scan3A_73, %scan3A_74 : i32
    %scan3A_76 = arith.constant 1 : i32
    scf.for %scan3A_144 = %scan3A_73 to %scan3A_75 step %scan3A_76  : i32 {
      %get3A = arith.index_cast %scan3A_144 : i32 to index
      %get3A_145 = arith.constant 0 : index
      %get3A_146 = tpu.vector_load %arg10[%get3A, %get3A_145] {strides = array<i32>} : memref<64x128xf32, #tpu.memory_space<vmem>>, vector<1x16xf32>,
      %get3A_147 = vector.shape_cast %get3A_146 : vector<1x16xf32> to vector<16xf32>
      %get3A_148 = arith.index_cast %scan3A_144 : i32 to index
      %get3A_149 = arith.constant 0 : index
      %get3A_150 = tpu.vector_load %arg11[%get3A_148, %get3A_149] {strides = array<i32>} : memref<64x128xf32, #tpu.memory_space<vmem>>, vector<1x16xf32>,
      %get3A_151 = vector.shape_cast %get3A_150 : vector<1x16xf32> to vector<16xf32>
      %get3A_152 = arith.index_cast %scan3A_144 : i32 to index
      %get3A_153 = arith.constant 0 : index
      %get3A_154 = tpu.vector_load %arg8[%get3A_152, %get3A_153] {strides = array<i32>} : memref<64x768xf32, #tpu.memory_space<vmem>>, vector<1x16xf32>,
      %get3A_155 = vector.shape_cast %get3A_154 : vector<1x16xf32> to vector<16xf32>
      %mul3A_156 = arith.mulf %get3A_147, %get3A_155 : vector<16xf32>
      %get3A_157 = arith.index_cast %scan3A_144 : i32 to index
      %get3A_158 = arith.constant 0 : index
      %get3A_159 = tpu.vector_load %arg9[%get3A_157, %get3A_158] {strides = array<i32>} : memref<64x768xf32, #tpu.memory_space<vmem>>, vector<1x16xf32>,
      %get3A_160 = vector.shape_cast %get3A_159 : vector<1x16xf32> to vector<16xf32>
      %mul3A_161 = arith.mulf %get3A_151, %get3A_160 : vector<16xf32>
      %add3A_162 = arith.addf %mul3A_156, %mul3A_161 : vector<16xf32>
      %swap3A = arith.index_cast %scan3A_144 : i32 to index
      %swap3A_163 = arith.constant 0 : index
      %swap3A_164 = tpu.vector_load %arg8[%swap3A, %swap3A_163] {strides = array<i32>} : memref<64x768xf32, #tpu.memory_space<vmem>>, vector<1x16xf32>,
      %swap3A_165 = vector.shape_cast %swap3A_164 : vector<1x16xf32> to vector<16xf32>
      %swap3A_166 = vector.shape_cast %add3A_162 : vector<16xf32> to vector<1x16xf32>
      tpu.vector_store %arg8[%swap3A, %swap3A_163], %swap3A_166 {strides = array<i32>} : memref<64x768xf32, #tpu.memory_space<vmem>>, vector<1x16xf32>,
      %get3A_167 = arith.index_cast %scan3A_144 : i32 to index
      %get3A_168 = arith.constant 16 : index
      %get3A_169 = tpu.vector_load %arg8[%get3A_167, %get3A_168] {strides = array<i32>} : memref<64x768xf32, #tpu.memory_space<vmem>>, vector<1x16xf32>,
      %get3A_170 = vector.shape_cast %get3A_169 : vector<1x16xf32> to vector<16xf32>
      %mul3A_171 = arith.mulf %get3A_147, %get3A_170 : vector<16xf32>
      %get3A_172 = arith.index_cast %scan3A_144 : i32 to index
      %get3A_173 = arith.constant 16 : index
      %get3A_174 = tpu.vector_load %arg9[%get3A_172, %get3A_173] {strides = array<i32>} : memref<64x768xf32, #tpu.memory_space<vmem>>, vector<1x16xf32>,
      %get3A_175 = vector.shape_cast %get3A_174 : vector<1x16xf32> to vector<16xf32>
      %mul3A_176 = arith.mulf %get3A_151, %get3A_175 : vector<16xf32>
      %add3A_177 = arith.addf %mul3A_171, %mul3A_176 : vector<16xf32>
      %swap3A_178 = arith.index_cast %scan3A_144 : i32 to index
      %swap3A_179 = arith.constant 16 : index
      %swap3A_180 = tpu.vector_load %arg8[%swap3A_178, %swap3A_179] {strides = array<i32>} : memref<64x768xf32, #tpu.memory_space<vmem>>, vector<1x16xf32>,
      %swap3A_181 = vector.shape_cast %swap3A_180 : vector<1x16xf32> to vector<16xf32>
      %swap3A_182 = vector.shape_cast %add3A_177 : vector<16xf32> to vector<1x16xf32>
      tpu.vector_store %arg8[%swap3A_178, %swap3A_179], %swap3A_182 {strides = array<i32>} : memref<64x768xf32, #tpu.memory_space<vmem>>, vector<1x16xf32>,
      %get3A_183 = arith.index_cast %scan3A_144 : i32 to index
      %get3A_184 = arith.constant 32 : index
      %get3A_185 = tpu.vector_load %arg8[%get3A_183, %get3A_184] {strides = array<i32>} : memref<64x768xf32, #tpu.memory_space<vmem>>, vector<1x16xf32>,
      %get3A_186 = vector.shape_cast %get3A_185 : vector<1x16xf32> to vector<16xf32>
      %mul3A_187 = arith.mulf %get3A_147, %get3A_186 : vector<16xf32>
      %get3A_188 = arith.index_cast %scan3A_144 : i32 to index
      %get3A_189 = arith.constant 32 : index
      %get3A_190 = tpu.vector_load %arg9[%get3A_188, %get3A_189] {strides = array<i32>} : memref<64x768xf32, #tpu.memory_space<vmem>>, vector<1x16xf32>,
      %get3A_191 = vector.shape_cast %get3A_190 : vector<1x16xf32> to vector<16xf32>
      %mul3A_192 = arith.mulf %get3A_151, %get3A_191 : vector<16xf32>
      %add3A_193 = arith.addf %mul3A_187, %mul3A_192 : vector<16xf32>
      %swap3A_194 = arith.index_cast %scan3A_144 : i32 to index
      %swap3A_195 = arith.constant 32 : index
      %swap3A_196 = tpu.vector_load %arg8[%swap3A_194, %swap3A_195] {strides = array<i32>} : memref<64x768xf32, #tpu.memory_space<vmem>>, vector<1x16xf32>,
      %swap3A_197 = vector.shape_cast %swap3A_196 : vector<1x16xf32> to vector<16xf32>
      %swap3A_198 = vector.shape_cast %add3A_193 : vector<16xf32> to vector<1x16xf32>
      tpu.vector_store %arg8[%swap3A_194, %swap3A_195], %swap3A_198 {strides = array<i32>} : memref<64x768xf32, #tpu.memory_space<vmem>>, vector<1x16xf32>,
      %get3A_199 = arith.index_cast %scan3A_144 : i32 to index
      %get3A_200 = arith.constant 48 : index
      %get3A_201 = tpu.vector_load %arg8[%get3A_199, %get3A_200] {strides = array<i32>} : memref<64x768xf32, #tpu.memory_space<vmem>>, vector<1x16xf32>,
      %get3A_202 = vector.shape_cast %get3A_201 : vector<1x16xf32> to vector<16xf32>
      %mul3A_203 = arith.mulf %get3A_147, %get3A_202 : vector<16xf32>
      %get3A_204 = arith.index_cast %scan3A_144 : i32 to index
      %get3A_205 = arith.constant 48 : index
      %get3A_206 = tpu.vector_load %arg9[%get3A_204, %get3A_205] {strides = array<i32>} : memref<64x768xf32, #tpu.memory_space<vmem>>, vector<1x16xf32>,
      %get3A_207 = vector.shape_cast %get3A_206 : vector<1x16xf32> to vector<16xf32>
      %mul3A_208 = arith.mulf %get3A_151, %get3A_207 : vector<16xf32>
      %add3A_209 = arith.addf %mul3A_203, %mul3A_208 : vector<16xf32>
      %swap3A_210 = arith.index_cast %scan3A_144 : i32 to index
      %swap3A_211 = arith.constant 48 : index
      %swap3A_212 = tpu.vector_load %arg8[%swap3A_210, %swap3A_211] {strides = array<i32>} : memref<64x768xf32, #tpu.memory_space<vmem>>, vector<1x16xf32>,
      %swap3A_213 = vector.shape_cast %swap3A_212 : vector<1x16xf32> to vector<16xf32>
      %swap3A_214 = vector.shape_cast %add3A_209 : vector<16xf32> to vector<1x16xf32>
      tpu.vector_store %arg8[%swap3A_210, %swap3A_211], %swap3A_214 {strides = array<i32>} : memref<64x768xf32, #tpu.memory_space<vmem>>, vector<1x16xf32>,
      %get3A_215 = arith.index_cast %scan3A_144 : i32 to index
      %get3A_216 = arith.constant 64 : index
      %get3A_217 = tpu.vector_load %arg8[%get3A_215, %get3A_216] {strides = array<i32>} : memref<64x768xf32, #tpu.memory_space<vmem>>, vector<1x16xf32>,
      %get3A_218 = vector.shape_cast %get3A_217 : vector<1x16xf32> to vector<16xf32>
      %mul3A_219 = arith.mulf %get3A_147, %get3A_218 : vector<16xf32>
      %get3A_220 = arith.index_cast %scan3A_144 : i32 to index
      %get3A_221 = arith.constant 64 : index
      %get3A_222 = tpu.vector_load %arg9[%get3A_220, %get3A_221] {strides = array<i32>} : memref<64x768xf32, #tpu.memory_space<vmem>>, vector<1x16xf32>,
      %get3A_223 = vector.shape_cast %get3A_222 : vector<1x16xf32> to vector<16xf32>
      %mul3A_224 = arith.mulf %get3A_151, %get3A_223 : vector<16xf32>
      %add3A_225 = arith.addf %mul3A_219, %mul3A_224 : vector<16xf32>
      %swap3A_226 = arith.index_cast %scan3A_144 : i32 to index
      %swap3A_227 = arith.constant 64 : index
      %swap3A_228 = tpu.vector_load %arg8[%swap3A_226, %swap3A_227] {strides = array<i32>} : memref<64x768xf32, #tpu.memory_space<vmem>>, vector<1x16xf32>,
      %swap3A_229 = vector.shape_cast %swap3A_228 : vector<1x16xf32> to vector<16xf32>
      %swap3A_230 = vector.shape_cast %add3A_225 : vector<16xf32> to vector<1x16xf32>
      tpu.vector_store %arg8[%swap3A_226, %swap3A_227], %swap3A_230 {strides = array<i32>} : memref<64x768xf32, #tpu.memory_space<vmem>>, vector<1x16xf32>,
      %get3A_231 = arith.index_cast %scan3A_144 : i32 to index
      %get3A_232 = arith.constant 80 : index
      %get3A_233 = tpu.vector_load %arg8[%get3A_231, %get3A_232] {strides = array<i32>} : memref<64x768xf32, #tpu.memory_space<vmem>>, vector<1x16xf32>,
      %get3A_234 = vector.shape_cast %get3A_233 : vector<1x16xf32> to vector<16xf32>
      %mul3A_235 = arith.mulf %get3A_147, %get3A_234 : vector<16xf32>
      %get3A_236 = arith.index_cast %scan3A_144 : i32 to index
      %get3A_237 = arith.constant 80 : index
      %get3A_238 = tpu.vector_load %arg9[%get3A_236, %get3A_237] {strides = array<i32>} : memref<64x768xf32, #tpu.memory_space<vmem>>, vector<1x16xf32>,
      %get3A_239 = vector.shape_cast %get3A_238 : vector<1x16xf32> to vector<16xf32>
      %mul3A_240 = arith.mulf %get3A_151, %get3A_239 : vector<16xf32>
      %add3A_241 = arith.addf %mul3A_235, %mul3A_240 : vector<16xf32>
      %swap3A_242 = arith.index_cast %scan3A_144 : i32 to index
      %swap3A_243 = arith.constant 80 : index
      %swap3A_244 = tpu.vector_load %arg8[%swap3A_242, %swap3A_243] {strides = array<i32>} : memref<64x768xf32, #tpu.memory_space<vmem>>, vector<1x16xf32>,
      %swap3A_245 = vector.shape_cast %swap3A_244 : vector<1x16xf32> to vector<16xf32>
      %swap3A_246 = vector.shape_cast %add3A_241 : vector<16xf32> to vector<1x16xf32>
      tpu.vector_store %arg8[%swap3A_242, %swap3A_243], %swap3A_246 {strides = array<i32>} : memref<64x768xf32, #tpu.memory_space<vmem>>, vector<1x16xf32>,
      %get3A_247 = arith.index_cast %scan3A_144 : i32 to index
      %get3A_248 = arith.constant 96 : index
      %get3A_249 = tpu.vector_load %arg8[%get3A_247, %get3A_248] {strides = array<i32>} : memref<64x768xf32, #tpu.memory_space<vmem>>, vector<1x16xf32>,
      %get3A_250 = vector.shape_cast %get3A_249 : vector<1x16xf32> to vector<16xf32>
      %mul3A_251 = arith.mulf %get3A_147, %get3A_250 : vector<16xf32>
      %get3A_252 = arith.index_cast %scan3A_144 : i32 to index
      %get3A_253 = arith.constant 96 : index
      %get3A_254 = tpu.vector_load %arg9[%get3A_252, %get3A_253] {strides = array<i32>} : memref<64x768xf32, #tpu.memory_space<vmem>>, vector<1x16xf32>,
      %get3A_255 = vector.shape_cast %get3A_254 : vector<1x16xf32> to vector<16xf32>
      %mul3A_256 = arith.mulf %get3A_151, %get3A_255 : vector<16xf32>
      %add3A_257 = arith.addf %mul3A_251, %mul3A_256 : vector<16xf32>
      %swap3A_258 = arith.index_cast %scan3A_144 : i32 to index
      %swap3A_259 = arith.constant 96 : index
      %swap3A_260 = tpu.vector_load %arg8[%swap3A_258, %swap3A_259] {strides = array<i32>} : memref<64x768xf32, #tpu.memory_space<vmem>>, vector<1x16xf32>,
      %swap3A_261 = vector.shape_cast %swap3A_260 : vector<1x16xf32> to vector<16xf32>
      %swap3A_262 = vector.shape_cast %add3A_257 : vector<16xf32> to vector<1x16xf32>
      tpu.vector_store %arg8[%swap3A_258, %swap3A_259], %swap3A_262 {strides = array<i32>} : memref<64x768xf32, #tpu.memory_space<vmem>>, vector<1x16xf32>,
      %get3A_263 = arith.index_cast %scan3A_144 : i32 to index
      %get3A_264 = arith.constant 112 : index
      %get3A_265 = tpu.vector_load %arg8[%get3A_263, %get3A_264] {strides = array<i32>} : memref<64x768xf32, #tpu.memory_space<vmem>>, vector<1x16xf32>,
      %get3A_266 = vector.shape_cast %get3A_265 : vector<1x16xf32> to vector<16xf32>
      %mul3A_267 = arith.mulf %get3A_147, %get3A_266 : vector<16xf32>
      %get3A_268 = arith.index_cast %scan3A_144 : i32 to index
      %get3A_269 = arith.constant 112 : index
      %get3A_270 = tpu.vector_load %arg9[%get3A_268, %get3A_269] {strides = array<i32>} : memref<64x768xf32, #tpu.memory_space<vmem>>, vector<1x16xf32>,
      %get3A_271 = vector.shape_cast %get3A_270 : vector<1x16xf32> to vector<16xf32>
      %mul3A_272 = arith.mulf %get3A_151, %get3A_271 : vector<16xf32>
      %add3A_273 = arith.addf %mul3A_267, %mul3A_272 : vector<16xf32>
      %swap3A_274 = arith.index_cast %scan3A_144 : i32 to index
      %swap3A_275 = arith.constant 112 : index
      %swap3A_276 = tpu.vector_load %arg8[%swap3A_274, %swap3A_275] {strides = array<i32>} : memref<64x768xf32, #tpu.memory_space<vmem>>, vector<1x16xf32>,
      %swap3A_277 = vector.shape_cast %swap3A_276 : vector<1x16xf32> to vector<16xf32>
      %swap3A_278 = vector.shape_cast %add3A_273 : vector<16xf32> to vector<1x16xf32>
      tpu.vector_store %arg8[%swap3A_274, %swap3A_275], %swap3A_278 {strides = array<i32>} : memref<64x768xf32, #tpu.memory_space<vmem>>, vector<1x16xf32>,
      %get3A_279 = arith.index_cast %scan3A_144 : i32 to index
      %get3A_280 = arith.constant 128 : index
      %get3A_281 = tpu.vector_load %arg8[%get3A_279, %get3A_280] {strides = array<i32>} : memref<64x768xf32, #tpu.memory_space<vmem>>, vector<1x16xf32>,
      %get3A_282 = vector.shape_cast %get3A_281 : vector<1x16xf32> to vector<16xf32>
      %mul3A_283 = arith.mulf %get3A_147, %get3A_282 : vector<16xf32>
      %get3A_284 = arith.index_cast %scan3A_144 : i32 to index
      %get3A_285 = arith.constant 128 : index
      %get3A_286 = tpu.vector_load %arg9[%get3A_284, %get3A_285] {strides = array<i32>} : memref<64x768xf32, #tpu.memory_space<vmem>>, vector<1x16xf32>,
      %get3A_287 = vector.shape_cast %get3A_286 : vector<1x16xf32> to vector<16xf32>
      %mul3A_288 = arith.mulf %get3A_151, %get3A_287 : vector<16xf32>
      %add3A_289 = arith.addf %mul3A_283, %mul3A_288 : vector<16xf32>
      %swap3A_290 = arith.index_cast %scan3A_144 : i32 to index
      %swap3A_291 = arith.constant 128 : index
      %swap3A_292 = tpu.vector_load %arg8[%swap3A_290, %swap3A_291] {strides = array<i32>} : memref<64x768xf32, #tpu.memory_space<vmem>>, vector<1x16xf32>,
      %swap3A_293 = vector.shape_cast %swap3A_292 : vector<1x16xf32> to vector<16xf32>
      %swap3A_294 = vector.shape_cast %add3A_289 : vector<16xf32> to vector<1x16xf32>
      tpu.vector_store %arg8[%swap3A_290, %swap3A_291], %swap3A_294 {strides = array<i32>} : memref<64x768xf32, #tpu.memory_space<vmem>>, vector<1x16xf32>,
      %get3A_295 = arith.index_cast %scan3A_144 : i32 to index
      %get3A_296 = arith.constant 144 : index
      %get3A_297 = tpu.vector_load %arg8[%get3A_295, %get3A_296] {strides = array<i32>} : memref<64x768xf32, #tpu.memory_space<vmem>>, vector<1x16xf32>,
      %get3A_298 = vector.shape_cast %get3A_297 : vector<1x16xf32> to vector<16xf32>
      %mul3A_299 = arith.mulf %get3A_147, %get3A_298 : vector<16xf32>
      %get3A_300 = arith.index_cast %scan3A_144 : i32 to index
      %get3A_301 = arith.constant 144 : index
      %get3A_302 = tpu.vector_load %arg9[%get3A_300, %get3A_301] {strides = array<i32>} : memref<64x768xf32, #tpu.memory_space<vmem>>, vector<1x16xf32>,
      %get3A_303 = vector.shape_cast %get3A_302 : vector<1x16xf32> to vector<16xf32>
      %mul3A_304 = arith.mulf %get3A_151, %get3A_303 : vector<16xf32>
      %add3A_305 = arith.addf %mul3A_299, %mul3A_304 : vector<16xf32>
      %swap3A_306 = arith.index_cast %scan3A_144 : i32 to index
      %swap3A_307 = arith.constant 144 : index
      %swap3A_308 = tpu.vector_load %arg8[%swap3A_306, %swap3A_307] {strides = array<i32>} : memref<64x768xf32, #tpu.memory_space<vmem>>, vector<1x16xf32>,
      %swap3A_309 = vector.shape_cast %swap3A_308 : vector<1x16xf32> to vector<16xf32>
      %swap3A_310 = vector.shape_cast %add3A_305 : vector<16xf32> to vector<1x16xf32>
      tpu.vector_store %arg8[%swap3A_306, %swap3A_307], %swap3A_310 {strides = array<i32>} : memref<64x768xf32, #tpu.memory_space<vmem>>, vector<1x16xf32>,
      %get3A_311 = arith.index_cast %scan3A_144 : i32 to index
      %get3A_312 = arith.constant 160 : index
      %get3A_313 = tpu.vector_load %arg8[%get3A_311, %get3A_312] {strides = array<i32>} : memref<64x768xf32, #tpu.memory_space<vmem>>, vector<1x16xf32>,
      %get3A_314 = vector.shape_cast %get3A_313 : vector<1x16xf32> to vector<16xf32>
      %mul3A_315 = arith.mulf %get3A_147, %get3A_314 : vector<16xf32>
      %get3A_316 = arith.index_cast %scan3A_144 : i32 to index
      %get3A_317 = arith.constant 160 : index
      %get3A_318 = tpu.vector_load %arg9[%get3A_316, %get3A_317] {strides = array<i32>} : memref<64x768xf32, #tpu.memory_space<vmem>>, vector<1x16xf32>,
      %get3A_319 = vector.shape_cast %get3A_318 : vector<1x16xf32> to vector<16xf32>
      %mul3A_320 = arith.mulf %get3A_151, %get3A_319 : vector<16xf32>
      %add3A_321 = arith.addf %mul3A_315, %mul3A_320 : vector<16xf32>
      %swap3A_322 = arith.index_cast %scan3A_144 : i32 to index
      %swap3A_323 = arith.constant 160 : index
      %swap3A_324 = tpu.vector_load %arg8[%swap3A_322, %swap3A_323] {strides = array<i32>} : memref<64x768xf32, #tpu.memory_space<vmem>>, vector<1x16xf32>,
      %swap3A_325 = vector.shape_cast %swap3A_324 : vector<1x16xf32> to vector<16xf32>
      %swap3A_326 = vector.shape_cast %add3A_321 : vector<16xf32> to vector<1x16xf32>
      tpu.vector_store %arg8[%swap3A_322, %swap3A_323], %swap3A_326 {strides = array<i32>} : memref<64x768xf32, #tpu.memory_space<vmem>>, vector<1x16xf32>,
      %get3A_327 = arith.index_cast %scan3A_144 : i32 to index
      %get3A_328 = arith.constant 176 : index
      %get3A_329 = tpu.vector_load %arg8[%get3A_327, %get3A_328] {strides = array<i32>} : memref<64x768xf32, #tpu.memory_space<vmem>>, vector<1x16xf32>,
      %get3A_330 = vector.shape_cast %get3A_329 : vector<1x16xf32> to vector<16xf32>
      %mul3A_331 = arith.mulf %get3A_147, %get3A_330 : vector<16xf32>
      %get3A_332 = arith.index_cast %scan3A_144 : i32 to index
      %get3A_333 = arith.constant 176 : index
      %get3A_334 = tpu.vector_load %arg9[%get3A_332, %get3A_333] {strides = array<i32>} : memref<64x768xf32, #tpu.memory_space<vmem>>, vector<1x16xf32>,
      %get3A_335 = vector.shape_cast %get3A_334 : vector<1x16xf32> to vector<16xf32>
      %mul3A_336 = arith.mulf %get3A_151, %get3A_335 : vector<16xf32>
      %add3A_337 = arith.addf %mul3A_331, %mul3A_336 : vector<16xf32>
      %swap3A_338 = arith.index_cast %scan3A_144 : i32 to index
      %swap3A_339 = arith.constant 176 : index
      %swap3A_340 = tpu.vector_load %arg8[%swap3A_338, %swap3A_339] {strides = array<i32>} : memref<64x768xf32, #tpu.memory_space<vmem>>, vector<1x16xf32>,
      %swap3A_341 = vector.shape_cast %swap3A_340 : vector<1x16xf32> to vector<16xf32>
      %swap3A_342 = vector.shape_cast %add3A_337 : vector<16xf32> to vector<1x16xf32>
      tpu.vector_store %arg8[%swap3A_338, %swap3A_339], %swap3A_342 {strides = array<i32>} : memref<64x768xf32, #tpu.memory_space<vmem>>, vector<1x16xf32>,
      %get3A_343 = arith.index_cast %scan3A_144 : i32 to index
      %get3A_344 = arith.constant 192 : index
      %get3A_345 = tpu.vector_load %arg8[%get3A_343, %get3A_344] {strides = array<i32>} : memref<64x768xf32, #tpu.memory_space<vmem>>, vector<1x16xf32>,
      %get3A_346 = vector.shape_cast %get3A_345 : vector<1x16xf32> to vector<16xf32>
      %mul3A_347 = arith.mulf %get3A_147, %get3A_346 : vector<16xf32>
      %get3A_348 = arith.index_cast %scan3A_144 : i32 to index
      %get3A_349 = arith.constant 192 : index
      %get3A_350 = tpu.vector_load %arg9[%get3A_348, %get3A_349] {strides = array<i32>} : memref<64x768xf32, #tpu.memory_space<vmem>>, vector<1x16xf32>,
      %get3A_351 = vector.shape_cast %get3A_350 : vector<1x16xf32> to vector<16xf32>
      %mul3A_352 = arith.mulf %get3A_151, %get3A_351 : vector<16xf32>
      %add3A_353 = arith.addf %mul3A_347, %mul3A_352 : vector<16xf32>
      %swap3A_354 = arith.index_cast %scan3A_144 : i32 to index
      %swap3A_355 = arith.constant 192 : index
      %swap3A_356 = tpu.vector_load %arg8[%swap3A_354, %swap3A_355] {strides = array<i32>} : memref<64x768xf32, #tpu.memory_space<vmem>>, vector<1x16xf32>,
      %swap3A_357 = vector.shape_cast %swap3A_356 : vector<1x16xf32> to vector<16xf32>
      %swap3A_358 = vector.shape_cast %add3A_353 : vector<16xf32> to vector<1x16xf32>
      tpu.vector_store %arg8[%swap3A_354, %swap3A_355], %swap3A_358 {strides = array<i32>} : memref<64x768xf32, #tpu.memory_space<vmem>>, vector<1x16xf32>,
      %get3A_359 = arith.index_cast %scan3A_144 : i32 to index
      %get3A_360 = arith.constant 208 : index
      %get3A_361 = tpu.vector_load %arg8[%get3A_359, %get3A_360] {strides = array<i32>} : memref<64x768xf32, #tpu.memory_space<vmem>>, vector<1x16xf32>,
      %get3A_362 = vector.shape_cast %get3A_361 : vector<1x16xf32> to vector<16xf32>
      %mul3A_363 = arith.mulf %get3A_147, %get3A_362 : vector<16xf32>
      %get3A_364 = arith.index_cast %scan3A_144 : i32 to index
      %get3A_365 = arith.constant 208 : index
      %get3A_366 = tpu.vector_load %arg9[%get3A_364, %get3A_365] {strides = array<i32>} : memref<64x768xf32, #tpu.memory_space<vmem>>, vector<1x16xf32>,
      %get3A_367 = vector.shape_cast %get3A_366 : vector<1x16xf32> to vector<16xf32>
      %mul3A_368 = arith.mulf %get3A_151, %get3A_367 : vector<16xf32>
      %add3A_369 = arith.addf %mul3A_363, %mul3A_368 : vector<16xf32>
      %swap3A_370 = arith.index_cast %scan3A_144 : i32 to index
      %swap3A_371 = arith.constant 208 : index
      %swap3A_372 = tpu.vector_load %arg8[%swap3A_370, %swap3A_371] {strides = array<i32>} : memref<64x768xf32, #tpu.memory_space<vmem>>, vector<1x16xf32>,
      %swap3A_373 = vector.shape_cast %swap3A_372 : vector<1x16xf32> to vector<16xf32>
      %swap3A_374 = vector.shape_cast %add3A_369 : vector<16xf32> to vector<1x16xf32>
      tpu.vector_store %arg8[%swap3A_370, %swap3A_371], %swap3A_374 {strides = array<i32>} : memref<64x768xf32, #tpu.memory_space<vmem>>, vector<1x16xf32>,
      %get3A_375 = arith.index_cast %scan3A_144 : i32 to index
      %get3A_376 = arith.constant 224 : index
      %get3A_377 = tpu.vector_load %arg8[%get3A_375, %get3A_376] {strides = array<i32>} : memref<64x768xf32, #tpu.memory_space<vmem>>, vector<1x16xf32>,
      %get3A_378 = vector.shape_cast %get3A_377 : vector<1x16xf32> to vector<16xf32>
      %mul3A_379 = arith.mulf %get3A_147, %get3A_378 : vector<16xf32>
      %get3A_380 = arith.index_cast %scan3A_144 : i32 to index
      %get3A_381 = arith.constant 224 : index
      %get3A_382 = tpu.vector_load %arg9[%get3A_380, %get3A_381] {strides = array<i32>} : memref<64x768xf32, #tpu.memory_space<vmem>>, vector<1x16xf32>,
      %get3A_383 = vector.shape_cast %get3A_382 : vector<1x16xf32> to vector<16xf32>
      %mul3A_384 = arith.mulf %get3A_151, %get3A_383 : vector<16xf32>
      %add3A_385 = arith.addf %mul3A_379, %mul3A_384 : vector<16xf32>
      %swap3A_386 = arith.index_cast %scan3A_144 : i32 to index
      %swap3A_387 = arith.constant 224 : index
      %swap3A_388 = tpu.vector_load %arg8[%swap3A_386, %swap3A_387] {strides = array<i32>} : memref<64x768xf32, #tpu.memory_space<vmem>>, vector<1x16xf32>,
      %swap3A_389 = vector.shape_cast %swap3A_388 : vector<1x16xf32> to vector<16xf32>
      %swap3A_390 = vector.shape_cast %add3A_385 : vector<16xf32> to vector<1x16xf32>
      tpu.vector_store %arg8[%swap3A_386, %swap3A_387], %swap3A_390 {strides = array<i32>} : memref<64x768xf32, #tpu.memory_space<vmem>>, vector<1x16xf32>,
      %get3A_391 = arith.index_cast %scan3A_144 : i32 to index
      %get3A_392 = arith.constant 240 : index
      %get3A_393 = tpu.vector_load %arg8[%get3A_391, %get3A_392] {strides = array<i32>} : memref<64x768xf32, #tpu.memory_space<vmem>>, vector<1x16xf32>,
      %get3A_394 = vector.shape_cast %get3A_393 : vector<1x16xf32> to vector<16xf32>
      %mul3A_395 = arith.mulf %get3A_147, %get3A_394 : vector<16xf32>
      %get3A_396 = arith.index_cast %scan3A_144 : i32 to index
      %get3A_397 = arith.constant 240 : index
      %get3A_398 = tpu.vector_load %arg9[%get3A_396, %get3A_397] {strides = array<i32>} : memref<64x768xf32, #tpu.memory_space<vmem>>, vector<1x16xf32>,
      %get3A_399 = vector.shape_cast %get3A_398 : vector<1x16xf32> to vector<16xf32>
      %mul3A_400 = arith.mulf %get3A_151, %get3A_399 : vector<16xf32>
      %add3A_401 = arith.addf %mul3A_395, %mul3A_400 : vector<16xf32>
      %swap3A_402 = arith.index_cast %scan3A_144 : i32 to index
      %swap3A_403 = arith.constant 240 : index
      %swap3A_404 = tpu.vector_load %arg8[%swap3A_402, %swap3A_403] {strides = array<i32>} : memref<64x768xf32, #tpu.memory_space<vmem>>, vector<1x16xf32>,
      %swap3A_405 = vector.shape_cast %swap3A_404 : vector<1x16xf32> to vector<16xf32>
      %swap3A_406 = vector.shape_cast %add3A_401 : vector<16xf32> to vector<1x16xf32>
      tpu.vector_store %arg8[%swap3A_402, %swap3A_403], %swap3A_406 {strides = array<i32>} : memref<64x768xf32, #tpu.memory_space<vmem>>, vector<1x16xf32>,
      %get3A_407 = arith.index_cast %scan3A_144 : i32 to index
      %get3A_408 = arith.constant 256 : index
      %get3A_409 = tpu.vector_load %arg8[%get3A_407, %get3A_408] {strides = array<i32>} : memref<64x768xf32, #tpu.memory_space<vmem>>, vector<1x16xf32>,
      %get3A_410 = vector.shape_cast %get3A_409 : vector<1x16xf32> to vector<16xf32>
      %mul3A_411 = arith.mulf %get3A_147, %get3A_410 : vector<16xf32>
      %get3A_412 = arith.index_cast %scan3A_144 : i32 to index
      %get3A_413 = arith.constant 256 : index
      %get3A_414 = tpu.vector_load %arg9[%get3A_412, %get3A_413] {strides = array<i32>} : memref<64x768xf32, #tpu.memory_space<vmem>>, vector<1x16xf32>,
      %get3A_415 = vector.shape_cast %get3A_414 : vector<1x16xf32> to vector<16xf32>
      %mul3A_416 = arith.mulf %get3A_151, %get3A_415 : vector<16xf32>
      %add3A_417 = arith.addf %mul3A_411, %mul3A_416 : vector<16xf32>
      %swap3A_418 = arith.index_cast %scan3A_144 : i32 to index
      %swap3A_419 = arith.constant 256 : index
      %swap3A_420 = tpu.vector_load %arg8[%swap3A_418, %swap3A_419] {strides = array<i32>} : memref<64x768xf32, #tpu.memory_space<vmem>>, vector<1x16xf32>,
      %swap3A_421 = vector.shape_cast %swap3A_420 : vector<1x16xf32> to vector<16xf32>
      %swap3A_422 = vector.shape_cast %add3A_417 : vector<16xf32> to vector<1x16xf32>
      tpu.vector_store %arg8[%swap3A_418, %swap3A_419], %swap3A_422 {strides = array<i32>} : memref<64x768xf32, #tpu.memory_space<vmem>>, vector<1x16xf32>,
      %get3A_423 = arith.index_cast %scan3A_144 : i32 to index
      %get3A_424 = arith.constant 272 : index
      %get3A_425 = tpu.vector_load %arg8[%get3A_423, %get3A_424] {strides = array<i32>} : memref<64x768xf32, #tpu.memory_space<vmem>>, vector<1x16xf32>,
      %get3A_426 = vector.shape_cast %get3A_425 : vector<1x16xf32> to vector<16xf32>
      %mul3A_427 = arith.mulf %get3A_147, %get3A_426 : vector<16xf32>
      %get3A_428 = arith.index_cast %scan3A_144 : i32 to index
      %get3A_429 = arith.constant 272 : index
      %get3A_430 = tpu.vector_load %arg9[%get3A_428, %get3A_429] {strides = array<i32>} : memref<64x768xf32, #tpu.memory_space<vmem>>, vector<1x16xf32>,
      %get3A_431 = vector.shape_cast %get3A_430 : vector<1x16xf32> to vector<16xf32>
      %mul3A_432 = arith.mulf %get3A_151, %get3A_431 : vector<16xf32>
      %add3A_433 = arith.addf %mul3A_427, %mul3A_432 : vector<16xf32>
      %swap3A_434 = arith.index_cast %scan3A_144 : i32 to index
      %swap3A_435 = arith.constant 272 : index
      %swap3A_436 = tpu.vector_load %arg8[%swap3A_434, %swap3A_435] {strides = array<i32>} : memref<64x768xf32, #tpu.memory_space<vmem>>, vector<1x16xf32>,
      %swap3A_437 = vector.shape_cast %swap3A_436 : vector<1x16xf32> to vector<16xf32>
      %swap3A_438 = vector.shape_cast %add3A_433 : vector<16xf32> to vector<1x16xf32>
      tpu.vector_store %arg8[%swap3A_434, %swap3A_435], %swap3A_438 {strides = array<i32>} : memref<64x768xf32, #tpu.memory_space<vmem>>, vector<1x16xf32>,
      %get3A_439 = arith.index_cast %scan3A_144 : i32 to index
      %get3A_440 = arith.constant 288 : index
      %get3A_441 = tpu.vector_load %arg8[%get3A_439, %get3A_440] {strides = array<i32>} : memref<64x768xf32, #tpu.memory_space<vmem>>, vector<1x16xf32>,
      %get3A_442 = vector.shape_cast %get3A_441 : vector<1x16xf32> to vector<16xf32>
      %mul3A_443 = arith.mulf %get3A_147, %get3A_442 : vector<16xf32>
      %get3A_444 = arith.index_cast %scan3A_144 : i32 to index
      %get3A_445 = arith.constant 288 : index
      %get3A_446 = tpu.vector_load %arg9[%get3A_444, %get3A_445] {strides = array<i32>} : memref<64x768xf32, #tpu.memory_space<vmem>>, vector<1x16xf32>,
      %get3A_447 = vector.shape_cast %get3A_446 : vector<1x16xf32> to vector<16xf32>
      %mul3A_448 = arith.mulf %get3A_151, %get3A_447 : vector<16xf32>
      %add3A_449 = arith.addf %mul3A_443, %mul3A_448 : vector<16xf32>
      %swap3A_450 = arith.index_cast %scan3A_144 : i32 to index
      %swap3A_451 = arith.constant 288 : index
      %swap3A_452 = tpu.vector_load %arg8[%swap3A_450, %swap3A_451] {strides = array<i32>} : memref<64x768xf32, #tpu.memory_space<vmem>>, vector<1x16xf32>,
      %swap3A_453 = vector.shape_cast %swap3A_452 : vector<1x16xf32> to vector<16xf32>
      %swap3A_454 = vector.shape_cast %add3A_449 : vector<16xf32> to vector<1x16xf32>
      tpu.vector_store %arg8[%swap3A_450, %swap3A_451], %swap3A_454 {strides = array<i32>} : memref<64x768xf32, #tpu.memory_space<vmem>>, vector<1x16xf32>,
      %get3A_455 = arith.index_cast %scan3A_144 : i32 to index
      %get3A_456 = arith.constant 304 : index
      %get3A_457 = tpu.vector_load %arg8[%get3A_455, %get3A_456] {strides = array<i32>} : memref<64x768xf32, #tpu.memory_space<vmem>>, vector<1x16xf32>,
      %get3A_458 = vector.shape_cast %get3A_457 : vector<1x16xf32> to vector<16xf32>
      %mul3A_459 = arith.mulf %get3A_147, %get3A_458 : vector<16xf32>
      %get3A_460 = arith.index_cast %scan3A_144 : i32 to index
      %get3A_461 = arith.constant 304 : index
      %get3A_462 = tpu.vector_load %arg9[%get3A_460, %get3A_461] {strides = array<i32>} : memref<64x768xf32, #tpu.memory_space<vmem>>, vector<1x16xf32>,
      %get3A_463 = vector.shape_cast %get3A_462 : vector<1x16xf32> to vector<16xf32>
      %mul3A_464 = arith.mulf %get3A_151, %get3A_463 : vector<16xf32>
      %add3A_465 = arith.addf %mul3A_459, %mul3A_464 : vector<16xf32>
      %swap3A_466 = arith.index_cast %scan3A_144 : i32 to index
      %swap3A_467 = arith.constant 304 : index
      %swap3A_468 = tpu.vector_load %arg8[%swap3A_466, %swap3A_467] {strides = array<i32>} : memref<64x768xf32, #tpu.memory_space<vmem>>, vector<1x16xf32>,
      %swap3A_469 = vector.shape_cast %swap3A_468 : vector<1x16xf32> to vector<16xf32>
      %swap3A_470 = vector.shape_cast %add3A_465 : vector<16xf32> to vector<1x16xf32>
      tpu.vector_store %arg8[%swap3A_466, %swap3A_467], %swap3A_470 {strides = array<i32>} : memref<64x768xf32, #tpu.memory_space<vmem>>, vector<1x16xf32>,
      %get3A_471 = arith.index_cast %scan3A_144 : i32 to index
      %get3A_472 = arith.constant 320 : index
      %get3A_473 = tpu.vector_load %arg8[%get3A_471, %get3A_472] {strides = array<i32>} : memref<64x768xf32, #tpu.memory_space<vmem>>, vector<1x16xf32>,
      %get3A_474 = vector.shape_cast %get3A_473 : vector<1x16xf32> to vector<16xf32>
      %mul3A_475 = arith.mulf %get3A_147, %get3A_474 : vector<16xf32>
      %get3A_476 = arith.index_cast %scan3A_144 : i32 to index
      %get3A_477 = arith.constant 320 : index
      %get3A_478 = tpu.vector_load %arg9[%get3A_476, %get3A_477] {strides = array<i32>} : memref<64x768xf32, #tpu.memory_space<vmem>>, vector<1x16xf32>,
      %get3A_479 = vector.shape_cast %get3A_478 : vector<1x16xf32> to vector<16xf32>
      %mul3A_480 = arith.mulf %get3A_151, %get3A_479 : vector<16xf32>
      %add3A_481 = arith.addf %mul3A_475, %mul3A_480 : vector<16xf32>
      %swap3A_482 = arith.index_cast %scan3A_144 : i32 to index
      %swap3A_483 = arith.constant 320 : index
      %swap3A_484 = tpu.vector_load %arg8[%swap3A_482, %swap3A_483] {strides = array<i32>} : memref<64x768xf32, #tpu.memory_space<vmem>>, vector<1x16xf32>,
      %swap3A_485 = vector.shape_cast %swap3A_484 : vector<1x16xf32> to vector<16xf32>
      %swap3A_486 = vector.shape_cast %add3A_481 : vector<16xf32> to vector<1x16xf32>
      tpu.vector_store %arg8[%swap3A_482, %swap3A_483], %swap3A_486 {strides = array<i32>} : memref<64x768xf32, #tpu.memory_space<vmem>>, vector<1x16xf32>,
      %get3A_487 = arith.index_cast %scan3A_144 : i32 to index
      %get3A_488 = arith.constant 336 : index
      %get3A_489 = tpu.vector_load %arg8[%get3A_487, %get3A_488] {strides = array<i32>} : memref<64x768xf32, #tpu.memory_space<vmem>>, vector<1x16xf32>,
      %get3A_490 = vector.shape_cast %get3A_489 : vector<1x16xf32> to vector<16xf32>
      %mul3A_491 = arith.mulf %get3A_147, %get3A_490 : vector<16xf32>
      %get3A_492 = arith.index_cast %scan3A_144 : i32 to index
      %get3A_493 = arith.constant 336 : index
      %get3A_494 = tpu.vector_load %arg9[%get3A_492, %get3A_493] {strides = array<i32>} : memref<64x768xf32, #tpu.memory_space<vmem>>, vector<1x16xf32>,
      %get3A_495 = vector.shape_cast %get3A_494 : vector<1x16xf32> to vector<16xf32>
      %mul3A_496 = arith.mulf %get3A_151, %get3A_495 : vector<16xf32>
      %add3A_497 = arith.addf %mul3A_491, %mul3A_496 : vector<16xf32>
      %swap3A_498 = arith.index_cast %scan3A_144 : i32 to index
      %swap3A_499 = arith.constant 336 : index
      %swap3A_500 = tpu.vector_load %arg8[%swap3A_498, %swap3A_499] {strides = array<i32>} : memref<64x768xf32, #tpu.memory_space<vmem>>, vector<1x16xf32>,
      %swap3A_501 = vector.shape_cast %swap3A_500 : vector<1x16xf32> to vector<16xf32>
      %swap3A_502 = vector.shape_cast %add3A_497 : vector<16xf32> to vector<1x16xf32>
      tpu.vector_store %arg8[%swap3A_498, %swap3A_499], %swap3A_502 {strides = array<i32>} : memref<64x768xf32, #tpu.memory_space<vmem>>, vector<1x16xf32>,
      %get3A_503 = arith.index_cast %scan3A_144 : i32 to index
      %get3A_504 = arith.constant 352 : index
      %get3A_505 = tpu.vector_load %arg8[%get3A_503, %get3A_504] {strides = array<i32>} : memref<64x768xf32, #tpu.memory_space<vmem>>, vector<1x16xf32>,
      %get3A_506 = vector.shape_cast %get3A_505 : vector<1x16xf32> to vector<16xf32>
      %mul3A_507 = arith.mulf %get3A_147, %get3A_506 : vector<16xf32>
      %get3A_508 = arith.index_cast %scan3A_144 : i32 to index
      %get3A_509 = arith.constant 352 : index
      %get3A_510 = tpu.vector_load %arg9[%get3A_508, %get3A_509] {strides = array<i32>} : memref<64x768xf32, #tpu.memory_space<vmem>>, vector<1x16xf32>,
      %get3A_511 = vector.shape_cast %get3A_510 : vector<1x16xf32> to vector<16xf32>
      %mul3A_512 = arith.mulf %get3A_151, %get3A_511 : vector<16xf32>
      %add3A_513 = arith.addf %mul3A_507, %mul3A_512 : vector<16xf32>
      %swap3A_514 = arith.index_cast %scan3A_144 : i32 to index
      %swap3A_515 = arith.constant 352 : index
      %swap3A_516 = tpu.vector_load %arg8[%swap3A_514, %swap3A_515] {strides = array<i32>} : memref<64x768xf32, #tpu.memory_space<vmem>>, vector<1x16xf32>,
      %swap3A_517 = vector.shape_cast %swap3A_516 : vector<1x16xf32> to vector<16xf32>
      %swap3A_518 = vector.shape_cast %add3A_513 : vector<16xf32> to vector<1x16xf32>
      tpu.vector_store %arg8[%swap3A_514, %swap3A_515], %swap3A_518 {strides = array<i32>} : memref<64x768xf32, #tpu.memory_space<vmem>>, vector<1x16xf32>,
      %get3A_519 = arith.index_cast %scan3A_144 : i32 to index
      %get3A_520 = arith.constant 368 : index
      %get3A_521 = tpu.vector_load %arg8[%get3A_519, %get3A_520] {strides = array<i32>} : memref<64x768xf32, #tpu.memory_space<vmem>>, vector<1x16xf32>,
      %get3A_522 = vector.shape_cast %get3A_521 : vector<1x16xf32> to vector<16xf32>
      %mul3A_523 = arith.mulf %get3A_147, %get3A_522 : vector<16xf32>
      %get3A_524 = arith.index_cast %scan3A_144 : i32 to index
      %get3A_525 = arith.constant 368 : index
      %get3A_526 = tpu.vector_load %arg9[%get3A_524, %get3A_525] {strides = array<i32>} : memref<64x768xf32, #tpu.memory_space<vmem>>, vector<1x16xf32>,
      %get3A_527 = vector.shape_cast %get3A_526 : vector<1x16xf32> to vector<16xf32>
      %mul3A_528 = arith.mulf %get3A_151, %get3A_527 : vector<16xf32>
      %add3A_529 = arith.addf %mul3A_523, %mul3A_528 : vector<16xf32>
      %swap3A_530 = arith.index_cast %scan3A_144 : i32 to index
      %swap3A_531 = arith.constant 368 : index
      %swap3A_532 = tpu.vector_load %arg8[%swap3A_530, %swap3A_531] {strides = array<i32>} : memref<64x768xf32, #tpu.memory_space<vmem>>, vector<1x16xf32>,
      %swap3A_533 = vector.shape_cast %swap3A_532 : vector<1x16xf32> to vector<16xf32>
      %swap3A_534 = vector.shape_cast %add3A_529 : vector<16xf32> to vector<1x16xf32>
      tpu.vector_store %arg8[%swap3A_530, %swap3A_531], %swap3A_534 {strides = array<i32>} : memref<64x768xf32, #tpu.memory_space<vmem>>, vector<1x16xf32>,
      %get3A_535 = arith.index_cast %scan3A_144 : i32 to index
      %get3A_536 = arith.constant 384 : index
      %get3A_537 = tpu.vector_load %arg8[%get3A_535, %get3A_536] {strides = array<i32>} : memref<64x768xf32, #tpu.memory_space<vmem>>, vector<1x16xf32>,
      %get3A_538 = vector.shape_cast %get3A_537 : vector<1x16xf32> to vector<16xf32>
      %mul3A_539 = arith.mulf %get3A_147, %get3A_538 : vector<16xf32>
      %get3A_540 = arith.index_cast %scan3A_144 : i32 to index
      %get3A_541 = arith.constant 384 : index
      %get3A_542 = tpu.vector_load %arg9[%get3A_540, %get3A_541] {strides = array<i32>} : memref<64x768xf32, #tpu.memory_space<vmem>>, vector<1x16xf32>,
      %get3A_543 = vector.shape_cast %get3A_542 : vector<1x16xf32> to vector<16xf32>
      %mul3A_544 = arith.mulf %get3A_151, %get3A_543 : vector<16xf32>
      %add3A_545 = arith.addf %mul3A_539, %mul3A_544 : vector<16xf32>
      %swap3A_546 = arith.index_cast %scan3A_144 : i32 to index
      %swap3A_547 = arith.constant 384 : index
      %swap3A_548 = tpu.vector_load %arg8[%swap3A_546, %swap3A_547] {strides = array<i32>} : memref<64x768xf32, #tpu.memory_space<vmem>>, vector<1x16xf32>,
      %swap3A_549 = vector.shape_cast %swap3A_548 : vector<1x16xf32> to vector<16xf32>
      %swap3A_550 = vector.shape_cast %add3A_545 : vector<16xf32> to vector<1x16xf32>
      tpu.vector_store %arg8[%swap3A_546, %swap3A_547], %swap3A_550 {strides = array<i32>} : memref<64x768xf32, #tpu.memory_space<vmem>>, vector<1x16xf32>,
      %get3A_551 = arith.index_cast %scan3A_144 : i32 to index
      %get3A_552 = arith.constant 400 : index
      %get3A_553 = tpu.vector_load %arg8[%get3A_551, %get3A_552] {strides = array<i32>} : memref<64x768xf32, #tpu.memory_space<vmem>>, vector<1x16xf32>,
      %get3A_554 = vector.shape_cast %get3A_553 : vector<1x16xf32> to vector<16xf32>
      %mul3A_555 = arith.mulf %get3A_147, %get3A_554 : vector<16xf32>
      %get3A_556 = arith.index_cast %scan3A_144 : i32 to index
      %get3A_557 = arith.constant 400 : index
      %get3A_558 = tpu.vector_load %arg9[%get3A_556, %get3A_557] {strides = array<i32>} : memref<64x768xf32, #tpu.memory_space<vmem>>, vector<1x16xf32>,
      %get3A_559 = vector.shape_cast %get3A_558 : vector<1x16xf32> to vector<16xf32>
      %mul3A_560 = arith.mulf %get3A_151, %get3A_559 : vector<16xf32>
      %add3A_561 = arith.addf %mul3A_555, %mul3A_560 : vector<16xf32>
      %swap3A_562 = arith.index_cast %scan3A_144 : i32 to index
      %swap3A_563 = arith.constant 400 : index
      %swap3A_564 = tpu.vector_load %arg8[%swap3A_562, %swap3A_563] {strides = array<i32>} : memref<64x768xf32, #tpu.memory_space<vmem>>, vector<1x16xf32>,
      %swap3A_565 = vector.shape_cast %swap3A_564 : vector<1x16xf32> to vector<16xf32>
      %swap3A_566 = vector.shape_cast %add3A_561 : vector<16xf32> to vector<1x16xf32>
      tpu.vector_store %arg8[%swap3A_562, %swap3A_563], %swap3A_566 {strides = array<i32>} : memref<64x768xf32, #tpu.memory_space<vmem>>, vector<1x16xf32>,
      %get3A_567 = arith.index_cast %scan3A_144 : i32 to index
      %get3A_568 = arith.constant 416 : index
      %get3A_569 = tpu.vector_load %arg8[%get3A_567, %get3A_568] {strides = array<i32>} : memref<64x768xf32, #tpu.memory_space<vmem>>, vector<1x16xf32>,
      %get3A_570 = vector.shape_cast %get3A_569 : vector<1x16xf32> to vector<16xf32>
      %mul3A_571 = arith.mulf %get3A_147, %get3A_570 : vector<16xf32>
      %get3A_572 = arith.index_cast %scan3A_144 : i32 to index
      %get3A_573 = arith.constant 416 : index
      %get3A_574 = tpu.vector_load %arg9[%get3A_572, %get3A_573] {strides = array<i32>} : memref<64x768xf32, #tpu.memory_space<vmem>>, vector<1x16xf32>,
      %get3A_575 = vector.shape_cast %get3A_574 : vector<1x16xf32> to vector<16xf32>
      %mul3A_576 = arith.mulf %get3A_151, %get3A_575 : vector<16xf32>
      %add3A_577 = arith.addf %mul3A_571, %mul3A_576 : vector<16xf32>
      %swap3A_578 = arith.index_cast %scan3A_144 : i32 to index
      %swap3A_579 = arith.constant 416 : index
      %swap3A_580 = tpu.vector_load %arg8[%swap3A_578, %swap3A_579] {strides = array<i32>} : memref<64x768xf32, #tpu.memory_space<vmem>>, vector<1x16xf32>,
      %swap3A_581 = vector.shape_cast %swap3A_580 : vector<1x16xf32> to vector<16xf32>
      %swap3A_582 = vector.shape_cast %add3A_577 : vector<16xf32> to vector<1x16xf32>
      tpu.vector_store %arg8[%swap3A_578, %swap3A_579], %swap3A_582 {strides = array<i32>} : memref<64x768xf32, #tpu.memory_space<vmem>>, vector<1x16xf32>,
      %get3A_583 = arith.index_cast %scan3A_144 : i32 to index
      %get3A_584 = arith.constant 432 : index
      %get3A_585 = tpu.vector_load %arg8[%get3A_583, %get3A_584] {strides = array<i32>} : memref<64x768xf32, #tpu.memory_space<vmem>>, vector<1x16xf32>,
      %get3A_586 = vector.shape_cast %get3A_585 : vector<1x16xf32> to vector<16xf32>
      %mul3A_587 = arith.mulf %get3A_147, %get3A_586 : vector<16xf32>
      %get3A_588 = arith.index_cast %scan3A_144 : i32 to index
      %get3A_589 = arith.constant 432 : index
      %get3A_590 = tpu.vector_load %arg9[%get3A_588, %get3A_589] {strides = array<i32>} : memref<64x768xf32, #tpu.memory_space<vmem>>, vector<1x16xf32>,
      %get3A_591 = vector.shape_cast %get3A_590 : vector<1x16xf32> to vector<16xf32>
      %mul3A_592 = arith.mulf %get3A_151, %get3A_591 : vector<16xf32>
      %add3A_593 = arith.addf %mul3A_587, %mul3A_592 : vector<16xf32>
      %swap3A_594 = arith.index_cast %scan3A_144 : i32 to index
      %swap3A_595 = arith.constant 432 : index
      %swap3A_596 = tpu.vector_load %arg8[%swap3A_594, %swap3A_595] {strides = array<i32>} : memref<64x768xf32, #tpu.memory_space<vmem>>, vector<1x16xf32>,
      %swap3A_597 = vector.shape_cast %swap3A_596 : vector<1x16xf32> to vector<16xf32>
      %swap3A_598 = vector.shape_cast %add3A_593 : vector<16xf32> to vector<1x16xf32>
      tpu.vector_store %arg8[%swap3A_594, %swap3A_595], %swap3A_598 {strides = array<i32>} : memref<64x768xf32, #tpu.memory_space<vmem>>, vector<1x16xf32>,
      %get3A_599 = arith.index_cast %scan3A_144 : i32 to index
      %get3A_600 = arith.constant 448 : index
      %get3A_601 = tpu.vector_load %arg8[%get3A_599, %get3A_600] {strides = array<i32>} : memref<64x768xf32, #tpu.memory_space<vmem>>, vector<1x16xf32>,
      %get3A_602 = vector.shape_cast %get3A_601 : vector<1x16xf32> to vector<16xf32>
      %mul3A_603 = arith.mulf %get3A_147, %get3A_602 : vector<16xf32>
      %get3A_604 = arith.index_cast %scan3A_144 : i32 to index
      %get3A_605 = arith.constant 448 : index
      %get3A_606 = tpu.vector_load %arg9[%get3A_604, %get3A_605] {strides = array<i32>} : memref<64x768xf32, #tpu.memory_space<vmem>>, vector<1x16xf32>,
      %get3A_607 = vector.shape_cast %get3A_606 : vector<1x16xf32> to vector<16xf32>
      %mul3A_608 = arith.mulf %get3A_151, %get3A_607 : vector<16xf32>
      %add3A_609 = arith.addf %mul3A_603, %mul3A_608 : vector<16xf32>
      %swap3A_610 = arith.index_cast %scan3A_144 : i32 to index
      %swap3A_611 = arith.constant 448 : index
      %swap3A_612 = tpu.vector_load %arg8[%swap3A_610, %swap3A_611] {strides = array<i32>} : memref<64x768xf32, #tpu.memory_space<vmem>>, vector<1x16xf32>,
      %swap3A_613 = vector.shape_cast %swap3A_612 : vector<1x16xf32> to vector<16xf32>
      %swap3A_614 = vector.shape_cast %add3A_609 : vector<16xf32> to vector<1x16xf32>
      tpu.vector_store %arg8[%swap3A_610, %swap3A_611], %swap3A_614 {strides = array<i32>} : memref<64x768xf32, #tpu.memory_space<vmem>>, vector<1x16xf32>,
      %get3A_615 = arith.index_cast %scan3A_144 : i32 to index
      %get3A_616 = arith.constant 464 : index
      %get3A_617 = tpu.vector_load %arg8[%get3A_615, %get3A_616] {strides = array<i32>} : memref<64x768xf32, #tpu.memory_space<vmem>>, vector<1x16xf32>,
      %get3A_618 = vector.shape_cast %get3A_617 : vector<1x16xf32> to vector<16xf32>
      %mul3A_619 = arith.mulf %get3A_147, %get3A_618 : vector<16xf32>
      %get3A_620 = arith.index_cast %scan3A_144 : i32 to index
      %get3A_621 = arith.constant 464 : index
      %get3A_622 = tpu.vector_load %arg9[%get3A_620, %get3A_621] {strides = array<i32>} : memref<64x768xf32, #tpu.memory_space<vmem>>, vector<1x16xf32>,
      %get3A_623 = vector.shape_cast %get3A_622 : vector<1x16xf32> to vector<16xf32>
      %mul3A_624 = arith.mulf %get3A_151, %get3A_623 : vector<16xf32>
      %add3A_625 = arith.addf %mul3A_619, %mul3A_624 : vector<16xf32>
      %swap3A_626 = arith.index_cast %scan3A_144 : i32 to index
      %swap3A_627 = arith.constant 464 : index
      %swap3A_628 = tpu.vector_load %arg8[%swap3A_626, %swap3A_627] {strides = array<i32>} : memref<64x768xf32, #tpu.memory_space<vmem>>, vector<1x16xf32>,
      %swap3A_629 = vector.shape_cast %swap3A_628 : vector<1x16xf32> to vector<16xf32>
      %swap3A_630 = vector.shape_cast %add3A_625 : vector<16xf32> to vector<1x16xf32>
      tpu.vector_store %arg8[%swap3A_626, %swap3A_627], %swap3A_630 {strides = array<i32>} : memref<64x768xf32, #tpu.memory_space<vmem>>, vector<1x16xf32>,
      %get3A_631 = arith.index_cast %scan3A_144 : i32 to index
      %get3A_632 = arith.constant 480 : index
      %get3A_633 = tpu.vector_load %arg8[%get3A_631, %get3A_632] {strides = array<i32>} : memref<64x768xf32, #tpu.memory_space<vmem>>, vector<1x16xf32>,
      %get3A_634 = vector.shape_cast %get3A_633 : vector<1x16xf32> to vector<16xf32>
      %mul3A_635 = arith.mulf %get3A_147, %get3A_634 : vector<16xf32>
      %get3A_636 = arith.index_cast %scan3A_144 : i32 to index
      %get3A_637 = arith.constant 480 : index
      %get3A_638 = tpu.vector_load %arg9[%get3A_636, %get3A_637] {strides = array<i32>} : memref<64x768xf32, #tpu.memory_space<vmem>>, vector<1x16xf32>,
      %get3A_639 = vector.shape_cast %get3A_638 : vector<1x16xf32> to vector<16xf32>
      %mul3A_640 = arith.mulf %get3A_151, %get3A_639 : vector<16xf32>
      %add3A_641 = arith.addf %mul3A_635, %mul3A_640 : vector<16xf32>
      %swap3A_642 = arith.index_cast %scan3A_144 : i32 to index
      %swap3A_643 = arith.constant 480 : index
      %swap3A_644 = tpu.vector_load %arg8[%swap3A_642, %swap3A_643] {strides = array<i32>} : memref<64x768xf32, #tpu.memory_space<vmem>>, vector<1x16xf32>,
      %swap3A_645 = vector.shape_cast %swap3A_644 : vector<1x16xf32> to vector<16xf32>
      %swap3A_646 = vector.shape_cast %add3A_641 : vector<16xf32> to vector<1x16xf32>
      tpu.vector_store %arg8[%swap3A_642, %swap3A_643], %swap3A_646 {strides = array<i32>} : memref<64x768xf32, #tpu.memory_space<vmem>>, vector<1x16xf32>,
      %get3A_647 = arith.index_cast %scan3A_144 : i32 to index
      %get3A_648 = arith.constant 496 : index
      %get3A_649 = tpu.vector_load %arg8[%get3A_647, %get3A_648] {strides = array<i32>} : memref<64x768xf32, #tpu.memory_space<vmem>>, vector<1x16xf32>,
      %get3A_650 = vector.shape_cast %get3A_649 : vector<1x16xf32> to vector<16xf32>
      %mul3A_651 = arith.mulf %get3A_147, %get3A_650 : vector<16xf32>
      %get3A_652 = arith.index_cast %scan3A_144 : i32 to index
      %get3A_653 = arith.constant 496 : index
      %get3A_654 = tpu.vector_load %arg9[%get3A_652, %get3A_653] {strides = array<i32>} : memref<64x768xf32, #tpu.memory_space<vmem>>, vector<1x16xf32>,
      %get3A_655 = vector.shape_cast %get3A_654 : vector<1x16xf32> to vector<16xf32>
      %mul3A_656 = arith.mulf %get3A_151, %get3A_655 : vector<16xf32>
      %add3A_657 = arith.addf %mul3A_651, %mul3A_656 : vector<16xf32>
      %swap3A_658 = arith.index_cast %scan3A_144 : i32 to index
      %swap3A_659 = arith.constant 496 : index
      %swap3A_660 = tpu.vector_load %arg8[%swap3A_658, %swap3A_659] {strides = array<i32>} : memref<64x768xf32, #tpu.memory_space<vmem>>, vector<1x16xf32>,
      %swap3A_661 = vector.shape_cast %swap3A_660 : vector<1x16xf32> to vector<16xf32>
      %swap3A_662 = vector.shape_cast %add3A_657 : vector<16xf32> to vector<1x16xf32>
      tpu.vector_store %arg8[%swap3A_658, %swap3A_659], %swap3A_662 {strides = array<i32>} : memref<64x768xf32, #tpu.memory_space<vmem>>, vector<1x16xf32>,
      %get3A_663 = arith.index_cast %scan3A_144 : i32 to index
      %get3A_664 = arith.constant 512 : index
      %get3A_665 = tpu.vector_load %arg8[%get3A_663, %get3A_664] {strides = array<i32>} : memref<64x768xf32, #tpu.memory_space<vmem>>, vector<1x16xf32>,
      %get3A_666 = vector.shape_cast %get3A_665 : vector<1x16xf32> to vector<16xf32>
      %mul3A_667 = arith.mulf %get3A_147, %get3A_666 : vector<16xf32>
      %get3A_668 = arith.index_cast %scan3A_144 : i32 to index
      %get3A_669 = arith.constant 512 : index
      %get3A_670 = tpu.vector_load %arg9[%get3A_668, %get3A_669] {strides = array<i32>} : memref<64x768xf32, #tpu.memory_space<vmem>>, vector<1x16xf32>,
      %get3A_671 = vector.shape_cast %get3A_670 : vector<1x16xf32> to vector<16xf32>
      %mul3A_672 = arith.mulf %get3A_151, %get3A_671 : vector<16xf32>
      %add3A_673 = arith.addf %mul3A_667, %mul3A_672 : vector<16xf32>
      %swap3A_674 = arith.index_cast %scan3A_144 : i32 to index
      %swap3A_675 = arith.constant 512 : index
      %swap3A_676 = tpu.vector_load %arg8[%swap3A_674, %swap3A_675] {strides = array<i32>} : memref<64x768xf32, #tpu.memory_space<vmem>>, vector<1x16xf32>,
      %swap3A_677 = vector.shape_cast %swap3A_676 : vector<1x16xf32> to vector<16xf32>
      %swap3A_678 = vector.shape_cast %add3A_673 : vector<16xf32> to vector<1x16xf32>
      tpu.vector_store %arg8[%swap3A_674, %swap3A_675], %swap3A_678 {strides = array<i32>} : memref<64x768xf32, #tpu.memory_space<vmem>>, vector<1x16xf32>,
      %get3A_679 = arith.index_cast %scan3A_144 : i32 to index
      %get3A_680 = arith.constant 528 : index
      %get3A_681 = tpu.vector_load %arg8[%get3A_679, %get3A_680] {strides = array<i32>} : memref<64x768xf32, #tpu.memory_space<vmem>>, vector<1x16xf32>,
      %get3A_682 = vector.shape_cast %get3A_681 : vector<1x16xf32> to vector<16xf32>
      %mul3A_683 = arith.mulf %get3A_147, %get3A_682 : vector<16xf32>
      %get3A_684 = arith.index_cast %scan3A_144 : i32 to index
      %get3A_685 = arith.constant 528 : index
      %get3A_686 = tpu.vector_load %arg9[%get3A_684, %get3A_685] {strides = array<i32>} : memref<64x768xf32, #tpu.memory_space<vmem>>, vector<1x16xf32>,
      %get3A_687 = vector.shape_cast %get3A_686 : vector<1x16xf32> to vector<16xf32>
      %mul3A_688 = arith.mulf %get3A_151, %get3A_687 : vector<16xf32>
      %add3A_689 = arith.addf %mul3A_683, %mul3A_688 : vector<16xf32>
      %swap3A_690 = arith.index_cast %scan3A_144 : i32 to index
      %swap3A_691 = arith.constant 528 : index
      %swap3A_692 = tpu.vector_load %arg8[%swap3A_690, %swap3A_691] {strides = array<i32>} : memref<64x768xf32, #tpu.memory_space<vmem>>, vector<1x16xf32>,
      %swap3A_693 = vector.shape_cast %swap3A_692 : vector<1x16xf32> to vector<16xf32>
      %swap3A_694 = vector.shape_cast %add3A_689 : vector<16xf32> to vector<1x16xf32>
      tpu.vector_store %arg8[%swap3A_690, %swap3A_691], %swap3A_694 {strides = array<i32>} : memref<64x768xf32, #tpu.memory_space<vmem>>, vector<1x16xf32>,
      %get3A_695 = arith.index_cast %scan3A_144 : i32 to index
      %get3A_696 = arith.constant 544 : index
      %get3A_697 = tpu.vector_load %arg8[%get3A_695, %get3A_696] {strides = array<i32>} : memref<64x768xf32, #tpu.memory_space<vmem>>, vector<1x16xf32>,
      %get3A_698 = vector.shape_cast %get3A_697 : vector<1x16xf32> to vector<16xf32>
      %mul3A_699 = arith.mulf %get3A_147, %get3A_698 : vector<16xf32>
      %get3A_700 = arith.index_cast %scan3A_144 : i32 to index
      %get3A_701 = arith.constant 544 : index
      %get3A_702 = tpu.vector_load %arg9[%get3A_700, %get3A_701] {strides = array<i32>} : memref<64x768xf32, #tpu.memory_space<vmem>>, vector<1x16xf32>,
      %get3A_703 = vector.shape_cast %get3A_702 : vector<1x16xf32> to vector<16xf32>
      %mul3A_704 = arith.mulf %get3A_151, %get3A_703 : vector<16xf32>
      %add3A_705 = arith.addf %mul3A_699, %mul3A_704 : vector<16xf32>
      %swap3A_706 = arith.index_cast %scan3A_144 : i32 to index
      %swap3A_707 = arith.constant 544 : index
      %swap3A_708 = tpu.vector_load %arg8[%swap3A_706, %swap3A_707] {strides = array<i32>} : memref<64x768xf32, #tpu.memory_space<vmem>>, vector<1x16xf32>,
      %swap3A_709 = vector.shape_cast %swap3A_708 : vector<1x16xf32> to vector<16xf32>
      %swap3A_710 = vector.shape_cast %add3A_705 : vector<16xf32> to vector<1x16xf32>
      tpu.vector_store %arg8[%swap3A_706, %swap3A_707], %swap3A_710 {strides = array<i32>} : memref<64x768xf32, #tpu.memory_space<vmem>>, vector<1x16xf32>,
      %get3A_711 = arith.index_cast %scan3A_144 : i32 to index
      %get3A_712 = arith.constant 560 : index
      %get3A_713 = tpu.vector_load %arg8[%get3A_711, %get3A_712] {strides = array<i32>} : memref<64x768xf32, #tpu.memory_space<vmem>>, vector<1x16xf32>,
      %get3A_714 = vector.shape_cast %get3A_713 : vector<1x16xf32> to vector<16xf32>
      %mul3A_715 = arith.mulf %get3A_147, %get3A_714 : vector<16xf32>
      %get3A_716 = arith.index_cast %scan3A_144 : i32 to index
      %get3A_717 = arith.constant 560 : index
      %get3A_718 = tpu.vector_load %arg9[%get3A_716, %get3A_717] {strides = array<i32>} : memref<64x768xf32, #tpu.memory_space<vmem>>, vector<1x16xf32>,
      %get3A_719 = vector.shape_cast %get3A_718 : vector<1x16xf32> to vector<16xf32>
      %mul3A_720 = arith.mulf %get3A_151, %get3A_719 : vector<16xf32>
      %add3A_721 = arith.addf %mul3A_715, %mul3A_720 : vector<16xf32>
      %swap3A_722 = arith.index_cast %scan3A_144 : i32 to index
      %swap3A_723 = arith.constant 560 : index
      %swap3A_724 = tpu.vector_load %arg8[%swap3A_722, %swap3A_723] {strides = array<i32>} : memref<64x768xf32, #tpu.memory_space<vmem>>, vector<1x16xf32>,
      %swap3A_725 = vector.shape_cast %swap3A_724 : vector<1x16xf32> to vector<16xf32>
      %swap3A_726 = vector.shape_cast %add3A_721 : vector<16xf32> to vector<1x16xf32>
      tpu.vector_store %arg8[%swap3A_722, %swap3A_723], %swap3A_726 {strides = array<i32>} : memref<64x768xf32, #tpu.memory_space<vmem>>, vector<1x16xf32>,
      %get3A_727 = arith.index_cast %scan3A_144 : i32 to index
      %get3A_728 = arith.constant 576 : index
      %get3A_729 = tpu.vector_load %arg8[%get3A_727, %get3A_728] {strides = array<i32>} : memref<64x768xf32, #tpu.memory_space<vmem>>, vector<1x16xf32>,
      %get3A_730 = vector.shape_cast %get3A_729 : vector<1x16xf32> to vector<16xf32>
      %mul3A_731 = arith.mulf %get3A_147, %get3A_730 : vector<16xf32>
      %get3A_732 = arith.index_cast %scan3A_144 : i32 to index
      %get3A_733 = arith.constant 576 : index
      %get3A_734 = tpu.vector_load %arg9[%get3A_732, %get3A_733] {strides = array<i32>} : memref<64x768xf32, #tpu.memory_space<vmem>>, vector<1x16xf32>,
      %get3A_735 = vector.shape_cast %get3A_734 : vector<1x16xf32> to vector<16xf32>
      %mul3A_736 = arith.mulf %get3A_151, %get3A_735 : vector<16xf32>
      %add3A_737 = arith.addf %mul3A_731, %mul3A_736 : vector<16xf32>
      %swap3A_738 = arith.index_cast %scan3A_144 : i32 to index
      %swap3A_739 = arith.constant 576 : index
      %swap3A_740 = tpu.vector_load %arg8[%swap3A_738, %swap3A_739] {strides = array<i32>} : memref<64x768xf32, #tpu.memory_space<vmem>>, vector<1x16xf32>,
      %swap3A_741 = vector.shape_cast %swap3A_740 : vector<1x16xf32> to vector<16xf32>
      %swap3A_742 = vector.shape_cast %add3A_737 : vector<16xf32> to vector<1x16xf32>
      tpu.vector_store %arg8[%swap3A_738, %swap3A_739], %swap3A_742 {strides = array<i32>} : memref<64x768xf32, #tpu.memory_space<vmem>>, vector<1x16xf32>,
      %get3A_743 = arith.index_cast %scan3A_144 : i32 to index
      %get3A_744 = arith.constant 592 : index
      %get3A_745 = tpu.vector_load %arg8[%get3A_743, %get3A_744] {strides = array<i32>} : memref<64x768xf32, #tpu.memory_space<vmem>>, vector<1x16xf32>,
      %get3A_746 = vector.shape_cast %get3A_745 : vector<1x16xf32> to vector<16xf32>
      %mul3A_747 = arith.mulf %get3A_147, %get3A_746 : vector<16xf32>
      %get3A_748 = arith.index_cast %scan3A_144 : i32 to index
      %get3A_749 = arith.constant 592 : index
      %get3A_750 = tpu.vector_load %arg9[%get3A_748, %get3A_749] {strides = array<i32>} : memref<64x768xf32, #tpu.memory_space<vmem>>, vector<1x16xf32>,
      %get3A_751 = vector.shape_cast %get3A_750 : vector<1x16xf32> to vector<16xf32>
      %mul3A_752 = arith.mulf %get3A_151, %get3A_751 : vector<16xf32>
      %add3A_753 = arith.addf %mul3A_747, %mul3A_752 : vector<16xf32>
      %swap3A_754 = arith.index_cast %scan3A_144 : i32 to index
      %swap3A_755 = arith.constant 592 : index
      %swap3A_756 = tpu.vector_load %arg8[%swap3A_754, %swap3A_755] {strides = array<i32>} : memref<64x768xf32, #tpu.memory_space<vmem>>, vector<1x16xf32>,
      %swap3A_757 = vector.shape_cast %swap3A_756 : vector<1x16xf32> to vector<16xf32>
      %swap3A_758 = vector.shape_cast %add3A_753 : vector<16xf32> to vector<1x16xf32>
      tpu.vector_store %arg8[%swap3A_754, %swap3A_755], %swap3A_758 {strides = array<i32>} : memref<64x768xf32, #tpu.memory_space<vmem>>, vector<1x16xf32>,
      %get3A_759 = arith.index_cast %scan3A_144 : i32 to index
      %get3A_760 = arith.constant 608 : index
      %get3A_761 = tpu.vector_load %arg8[%get3A_759, %get3A_760] {strides = array<i32>} : memref<64x768xf32, #tpu.memory_space<vmem>>, vector<1x16xf32>,
      %get3A_762 = vector.shape_cast %get3A_761 : vector<1x16xf32> to vector<16xf32>
      %mul3A_763 = arith.mulf %get3A_147, %get3A_762 : vector<16xf32>
      %get3A_764 = arith.index_cast %scan3A_144 : i32 to index
      %get3A_765 = arith.constant 608 : index
      %get3A_766 = tpu.vector_load %arg9[%get3A_764, %get3A_765] {strides = array<i32>} : memref<64x768xf32, #tpu.memory_space<vmem>>, vector<1x16xf32>,
      %get3A_767 = vector.shape_cast %get3A_766 : vector<1x16xf32> to vector<16xf32>
      %mul3A_768 = arith.mulf %get3A_151, %get3A_767 : vector<16xf32>
      %add3A_769 = arith.addf %mul3A_763, %mul3A_768 : vector<16xf32>
      %swap3A_770 = arith.index_cast %scan3A_144 : i32 to index
      %swap3A_771 = arith.constant 608 : index
      %swap3A_772 = tpu.vector_load %arg8[%swap3A_770, %swap3A_771] {strides = array<i32>} : memref<64x768xf32, #tpu.memory_space<vmem>>, vector<1x16xf32>,
      %swap3A_773 = vector.shape_cast %swap3A_772 : vector<1x16xf32> to vector<16xf32>
      %swap3A_774 = vector.shape_cast %add3A_769 : vector<16xf32> to vector<1x16xf32>
      tpu.vector_store %arg8[%swap3A_770, %swap3A_771], %swap3A_774 {strides = array<i32>} : memref<64x768xf32, #tpu.memory_space<vmem>>, vector<1x16xf32>,
      %get3A_775 = arith.index_cast %scan3A_144 : i32 to index
      %get3A_776 = arith.constant 624 : index
      %get3A_777 = tpu.vector_load %arg8[%get3A_775, %get3A_776] {strides = array<i32>} : memref<64x768xf32, #tpu.memory_space<vmem>>, vector<1x16xf32>,
      %get3A_778 = vector.shape_cast %get3A_777 : vector<1x16xf32> to vector<16xf32>
      %mul3A_779 = arith.mulf %get3A_147, %get3A_778 : vector<16xf32>
      %get3A_780 = arith.index_cast %scan3A_144 : i32 to index
      %get3A_781 = arith.constant 624 : index
      %get3A_782 = tpu.vector_load %arg9[%get3A_780, %get3A_781] {strides = array<i32>} : memref<64x768xf32, #tpu.memory_space<vmem>>, vector<1x16xf32>,
      %get3A_783 = vector.shape_cast %get3A_782 : vector<1x16xf32> to vector<16xf32>
      %mul3A_784 = arith.mulf %get3A_151, %get3A_783 : vector<16xf32>
      %add3A_785 = arith.addf %mul3A_779, %mul3A_784 : vector<16xf32>
      %swap3A_786 = arith.index_cast %scan3A_144 : i32 to index
      %swap3A_787 = arith.constant 624 : index
      %swap3A_788 = tpu.vector_load %arg8[%swap3A_786, %swap3A_787] {strides = array<i32>} : memref<64x768xf32, #tpu.memory_space<vmem>>, vector<1x16xf32>,
      %swap3A_789 = vector.shape_cast %swap3A_788 : vector<1x16xf32> to vector<16xf32>
      %swap3A_790 = vector.shape_cast %add3A_785 : vector<16xf32> to vector<1x16xf32>
      tpu.vector_store %arg8[%swap3A_786, %swap3A_787], %swap3A_790 {strides = array<i32>} : memref<64x768xf32, #tpu.memory_space<vmem>>, vector<1x16xf32>,
      %get3A_791 = arith.index_cast %scan3A_144 : i32 to index
      %get3A_792 = arith.constant 640 : index
      %get3A_793 = tpu.vector_load %arg8[%get3A_791, %get3A_792] {strides = array<i32>} : memref<64x768xf32, #tpu.memory_space<vmem>>, vector<1x16xf32>,
      %get3A_794 = vector.shape_cast %get3A_793 : vector<1x16xf32> to vector<16xf32>
      %mul3A_795 = arith.mulf %get3A_147, %get3A_794 : vector<16xf32>
      %get3A_796 = arith.index_cast %scan3A_144 : i32 to index
      %get3A_797 = arith.constant 640 : index
      %get3A_798 = tpu.vector_load %arg9[%get3A_796, %get3A_797] {strides = array<i32>} : memref<64x768xf32, #tpu.memory_space<vmem>>, vector<1x16xf32>,
      %get3A_799 = vector.shape_cast %get3A_798 : vector<1x16xf32> to vector<16xf32>
      %mul3A_800 = arith.mulf %get3A_151, %get3A_799 : vector<16xf32>
      %add3A_801 = arith.addf %mul3A_795, %mul3A_800 : vector<16xf32>
      %swap3A_802 = arith.index_cast %scan3A_144 : i32 to index
      %swap3A_803 = arith.constant 640 : index
      %swap3A_804 = tpu.vector_load %arg8[%swap3A_802, %swap3A_803] {strides = array<i32>} : memref<64x768xf32, #tpu.memory_space<vmem>>, vector<1x16xf32>,
      %swap3A_805 = vector.shape_cast %swap3A_804 : vector<1x16xf32> to vector<16xf32>
      %swap3A_806 = vector.shape_cast %add3A_801 : vector<16xf32> to vector<1x16xf32>
      tpu.vector_store %arg8[%swap3A_802, %swap3A_803], %swap3A_806 {strides = array<i32>} : memref<64x768xf32, #tpu.memory_space<vmem>>, vector<1x16xf32>,
      %get3A_807 = arith.index_cast %scan3A_144 : i32 to index
      %get3A_808 = arith.constant 656 : index
      %get3A_809 = tpu.vector_load %arg8[%get3A_807, %get3A_808] {strides = array<i32>} : memref<64x768xf32, #tpu.memory_space<vmem>>, vector<1x16xf32>,
      %get3A_810 = vector.shape_cast %get3A_809 : vector<1x16xf32> to vector<16xf32>
      %mul3A_811 = arith.mulf %get3A_147, %get3A_810 : vector<16xf32>
      %get3A_812 = arith.index_cast %scan3A_144 : i32 to index
      %get3A_813 = arith.constant 656 : index
      %get3A_814 = tpu.vector_load %arg9[%get3A_812, %get3A_813] {strides = array<i32>} : memref<64x768xf32, #tpu.memory_space<vmem>>, vector<1x16xf32>,
      %get3A_815 = vector.shape_cast %get3A_814 : vector<1x16xf32> to vector<16xf32>
      %mul3A_816 = arith.mulf %get3A_151, %get3A_815 : vector<16xf32>
      %add3A_817 = arith.addf %mul3A_811, %mul3A_816 : vector<16xf32>
      %swap3A_818 = arith.index_cast %scan3A_144 : i32 to index
      %swap3A_819 = arith.constant 656 : index
      %swap3A_820 = tpu.vector_load %arg8[%swap3A_818, %swap3A_819] {strides = array<i32>} : memref<64x768xf32, #tpu.memory_space<vmem>>, vector<1x16xf32>,
      %swap3A_821 = vector.shape_cast %swap3A_820 : vector<1x16xf32> to vector<16xf32>
      %swap3A_822 = vector.shape_cast %add3A_817 : vector<16xf32> to vector<1x16xf32>
      tpu.vector_store %arg8[%swap3A_818, %swap3A_819], %swap3A_822 {strides = array<i32>} : memref<64x768xf32, #tpu.memory_space<vmem>>, vector<1x16xf32>,
      %get3A_823 = arith.index_cast %scan3A_144 : i32 to index
      %get3A_824 = arith.constant 672 : index
      %get3A_825 = tpu.vector_load %arg8[%get3A_823, %get3A_824] {strides = array<i32>} : memref<64x768xf32, #tpu.memory_space<vmem>>, vector<1x16xf32>,
      %get3A_826 = vector.shape_cast %get3A_825 : vector<1x16xf32> to vector<16xf32>
      %mul3A_827 = arith.mulf %get3A_147, %get3A_826 : vector<16xf32>
      %get3A_828 = arith.index_cast %scan3A_144 : i32 to index
      %get3A_829 = arith.constant 672 : index
      %get3A_830 = tpu.vector_load %arg9[%get3A_828, %get3A_829] {strides = array<i32>} : memref<64x768xf32, #tpu.memory_space<vmem>>, vector<1x16xf32>,
      %get3A_831 = vector.shape_cast %get3A_830 : vector<1x16xf32> to vector<16xf32>
      %mul3A_832 = arith.mulf %get3A_151, %get3A_831 : vector<16xf32>
      %add3A_833 = arith.addf %mul3A_827, %mul3A_832 : vector<16xf32>
      %swap3A_834 = arith.index_cast %scan3A_144 : i32 to index
      %swap3A_835 = arith.constant 672 : index
      %swap3A_836 = tpu.vector_load %arg8[%swap3A_834, %swap3A_835] {strides = array<i32>} : memref<64x768xf32, #tpu.memory_space<vmem>>, vector<1x16xf32>,
      %swap3A_837 = vector.shape_cast %swap3A_836 : vector<1x16xf32> to vector<16xf32>
      %swap3A_838 = vector.shape_cast %add3A_833 : vector<16xf32> to vector<1x16xf32>
      tpu.vector_store %arg8[%swap3A_834, %swap3A_835], %swap3A_838 {strides = array<i32>} : memref<64x768xf32, #tpu.memory_space<vmem>>, vector<1x16xf32>,
      %get3A_839 = arith.index_cast %scan3A_144 : i32 to index
      %get3A_840 = arith.constant 688 : index
      %get3A_841 = tpu.vector_load %arg8[%get3A_839, %get3A_840] {strides = array<i32>} : memref<64x768xf32, #tpu.memory_space<vmem>>, vector<1x16xf32>,
      %get3A_842 = vector.shape_cast %get3A_841 : vector<1x16xf32> to vector<16xf32>
      %mul3A_843 = arith.mulf %get3A_147, %get3A_842 : vector<16xf32>
      %get3A_844 = arith.index_cast %scan3A_144 : i32 to index
      %get3A_845 = arith.constant 688 : index
      %get3A_846 = tpu.vector_load %arg9[%get3A_844, %get3A_845] {strides = array<i32>} : memref<64x768xf32, #tpu.memory_space<vmem>>, vector<1x16xf32>,
      %get3A_847 = vector.shape_cast %get3A_846 : vector<1x16xf32> to vector<16xf32>
      %mul3A_848 = arith.mulf %get3A_151, %get3A_847 : vector<16xf32>
      %add3A_849 = arith.addf %mul3A_843, %mul3A_848 : vector<16xf32>
      %swap3A_850 = arith.index_cast %scan3A_144 : i32 to index
      %swap3A_851 = arith.constant 688 : index
      %swap3A_852 = tpu.vector_load %arg8[%swap3A_850, %swap3A_851] {strides = array<i32>} : memref<64x768xf32, #tpu.memory_space<vmem>>, vector<1x16xf32>,
      %swap3A_853 = vector.shape_cast %swap3A_852 : vector<1x16xf32> to vector<16xf32>
      %swap3A_854 = vector.shape_cast %add3A_849 : vector<16xf32> to vector<1x16xf32>
      tpu.vector_store %arg8[%swap3A_850, %swap3A_851], %swap3A_854 {strides = array<i32>} : memref<64x768xf32, #tpu.memory_space<vmem>>, vector<1x16xf32>,
      %get3A_855 = arith.index_cast %scan3A_144 : i32 to index
      %get3A_856 = arith.constant 704 : index
      %get3A_857 = tpu.vector_load %arg8[%get3A_855, %get3A_856] {strides = array<i32>} : memref<64x768xf32, #tpu.memory_space<vmem>>, vector<1x16xf32>,
      %get3A_858 = vector.shape_cast %get3A_857 : vector<1x16xf32> to vector<16xf32>
      %mul3A_859 = arith.mulf %get3A_147, %get3A_858 : vector<16xf32>
      %get3A_860 = arith.index_cast %scan3A_144 : i32 to index
      %get3A_861 = arith.constant 704 : index
      %get3A_862 = tpu.vector_load %arg9[%get3A_860, %get3A_861] {strides = array<i32>} : memref<64x768xf32, #tpu.memory_space<vmem>>, vector<1x16xf32>,
      %get3A_863 = vector.shape_cast %get3A_862 : vector<1x16xf32> to vector<16xf32>
      %mul3A_864 = arith.mulf %get3A_151, %get3A_863 : vector<16xf32>
      %add3A_865 = arith.addf %mul3A_859, %mul3A_864 : vector<16xf32>
      %swap3A_866 = arith.index_cast %scan3A_144 : i32 to index
      %swap3A_867 = arith.constant 704 : index
      %swap3A_868 = tpu.vector_load %arg8[%swap3A_866, %swap3A_867] {strides = array<i32>} : memref<64x768xf32, #tpu.memory_space<vmem>>, vector<1x16xf32>,
      %swap3A_869 = vector.shape_cast %swap3A_868 : vector<1x16xf32> to vector<16xf32>
      %swap3A_870 = vector.shape_cast %add3A_865 : vector<16xf32> to vector<1x16xf32>
      tpu.vector_store %arg8[%swap3A_866, %swap3A_867], %swap3A_870 {strides = array<i32>} : memref<64x768xf32, #tpu.memory_space<vmem>>, vector<1x16xf32>,
      %get3A_871 = arith.index_cast %scan3A_144 : i32 to index
      %get3A_872 = arith.constant 720 : index
      %get3A_873 = tpu.vector_load %arg8[%get3A_871, %get3A_872] {strides = array<i32>} : memref<64x768xf32, #tpu.memory_space<vmem>>, vector<1x16xf32>,
      %get3A_874 = vector.shape_cast %get3A_873 : vector<1x16xf32> to vector<16xf32>
      %mul3A_875 = arith.mulf %get3A_147, %get3A_874 : vector<16xf32>
      %get3A_876 = arith.index_cast %scan3A_144 : i32 to index
      %get3A_877 = arith.constant 720 : index
      %get3A_878 = tpu.vector_load %arg9[%get3A_876, %get3A_877] {strides = array<i32>} : memref<64x768xf32, #tpu.memory_space<vmem>>, vector<1x16xf32>,
      %get3A_879 = vector.shape_cast %get3A_878 : vector<1x16xf32> to vector<16xf32>
      %mul3A_880 = arith.mulf %get3A_151, %get3A_879 : vector<16xf32>
      %add3A_881 = arith.addf %mul3A_875, %mul3A_880 : vector<16xf32>
      %swap3A_882 = arith.index_cast %scan3A_144 : i32 to index
      %swap3A_883 = arith.constant 720 : index
      %swap3A_884 = tpu.vector_load %arg8[%swap3A_882, %swap3A_883] {strides = array<i32>} : memref<64x768xf32, #tpu.memory_space<vmem>>, vector<1x16xf32>,
      %swap3A_885 = vector.shape_cast %swap3A_884 : vector<1x16xf32> to vector<16xf32>
      %swap3A_886 = vector.shape_cast %add3A_881 : vector<16xf32> to vector<1x16xf32>
      tpu.vector_store %arg8[%swap3A_882, %swap3A_883], %swap3A_886 {strides = array<i32>} : memref<64x768xf32, #tpu.memory_space<vmem>>, vector<1x16xf32>,
      %get3A_887 = arith.index_cast %scan3A_144 : i32 to index
      %get3A_888 = arith.constant 736 : index
      %get3A_889 = tpu.vector_load %arg8[%get3A_887, %get3A_888] {strides = array<i32>} : memref<64x768xf32, #tpu.memory_space<vmem>>, vector<1x16xf32>,
      %get3A_890 = vector.shape_cast %get3A_889 : vector<1x16xf32> to vector<16xf32>
      %mul3A_891 = arith.mulf %get3A_147, %get3A_890 : vector<16xf32>
      %get3A_892 = arith.index_cast %scan3A_144 : i32 to index
      %get3A_893 = arith.constant 736 : index
      %get3A_894 = tpu.vector_load %arg9[%get3A_892, %get3A_893] {strides = array<i32>} : memref<64x768xf32, #tpu.memory_space<vmem>>, vector<1x16xf32>,
      %get3A_895 = vector.shape_cast %get3A_894 : vector<1x16xf32> to vector<16xf32>
      %mul3A_896 = arith.mulf %get3A_151, %get3A_895 : vector<16xf32>
      %add3A_897 = arith.addf %mul3A_891, %mul3A_896 : vector<16xf32>
      %swap3A_898 = arith.index_cast %scan3A_144 : i32 to index
      %swap3A_899 = arith.constant 736 : index
      %swap3A_900 = tpu.vector_load %arg8[%swap3A_898, %swap3A_899] {strides = array<i32>} : memref<64x768xf32, #tpu.memory_space<vmem>>, vector<1x16xf32>,
      %swap3A_901 = vector.shape_cast %swap3A_900 : vector<1x16xf32> to vector<16xf32>
      %swap3A_902 = vector.shape_cast %add3A_897 : vector<16xf32> to vector<1x16xf32>
      tpu.vector_store %arg8[%swap3A_898, %swap3A_899], %swap3A_902 {strides = array<i32>} : memref<64x768xf32, #tpu.memory_space<vmem>>, vector<1x16xf32>,
      %get3A_903 = arith.index_cast %scan3A_144 : i32 to index
      %get3A_904 = arith.constant 752 : index
      %get3A_905 = tpu.vector_load %arg8[%get3A_903, %get3A_904] {strides = array<i32>} : memref<64x768xf32, #tpu.memory_space<vmem>>, vector<1x16xf32>,
      %get3A_906 = vector.shape_cast %get3A_905 : vector<1x16xf32> to vector<16xf32>
      %mul3A_907 = arith.mulf %get3A_147, %get3A_906 : vector<16xf32>
      %get3A_908 = arith.index_cast %scan3A_144 : i32 to index
      %get3A_909 = arith.constant 752 : index
      %get3A_910 = tpu.vector_load %arg9[%get3A_908, %get3A_909] {strides = array<i32>} : memref<64x768xf32, #tpu.memory_space<vmem>>, vector<1x16xf32>,
      %get3A_911 = vector.shape_cast %get3A_910 : vector<1x16xf32> to vector<16xf32>
      %mul3A_912 = arith.mulf %get3A_151, %get3A_911 : vector<16xf32>
      %add3A_913 = arith.addf %mul3A_907, %mul3A_912 : vector<16xf32>
      %swap3A_914 = arith.index_cast %scan3A_144 : i32 to index
      %swap3A_915 = arith.constant 752 : index
      %swap3A_916 = tpu.vector_load %arg8[%swap3A_914, %swap3A_915] {strides = array<i32>} : memref<64x768xf32, #tpu.memory_space<vmem>>, vector<1x16xf32>,
      %swap3A_917 = vector.shape_cast %swap3A_916 : vector<1x16xf32> to vector<16xf32>
      %swap3A_918 = vector.shape_cast %add3A_913 : vector<16xf32> to vector<1x16xf32>
      tpu.vector_store %arg8[%swap3A_914, %swap3A_915], %swap3A_918 {strides = array<i32>} : memref<64x768xf32, #tpu.memory_space<vmem>>, vector<1x16xf32>,
    }
    %scan3A_77 = arith.constant 32 : i32
    %add3A_78 = arith.constant 0 : i32
    %add3A_79 = arith.addi %mul3A_2, %add3A_78 : i32
    %dma_start3A_80 = arith.constant 0 : i32
    %dma_start3A_81 = arith.constant 0 : i32
    %dma_start3A_82 = tpu.memref_slice %arg8[%dma_start3A_80, %dma_start3A_81] : memref<64x768xf32, #tpu.memory_space<vmem>> -> memref<32x768xf32, #tpu.memory_space<vmem>>
    %dma_start3A_83 = arith.constant 0 : i32
    %dma_start3A_84 = tpu.memref_slice %arg7[%add3A_79, %dma_start3A_83] : memref<2048x768xf32, #tpu.memory_space<hbm>> -> memref<32x768xf32, #tpu.memory_space<hbm>>
    %dma_start3A_85 = arith.constant 0 : i32
    %dma_start3A_86 = tpu.memref_slice %arg7[%add3A_79, %dma_start3A_85] : memref<2048x768xf32, #tpu.memory_space<hbm>> -> memref<32x768xf32, #tpu.memory_space<hbm>>
    %dma_start3A_87 = arith.constant 0 : i32
    %dma_start3A_88 = arith.constant 0 : i32
    %dma_start3A_89 = tpu.memref_slice %arg8[%dma_start3A_87, %dma_start3A_88] : memref<64x768xf32, #tpu.memory_space<vmem>> -> memref<32x768xf32, #tpu.memory_space<vmem>>
    tpu.enqueue_dma source(%dma_start3A_89 : memref<32x768xf32, #tpu.memory_space<vmem>>) target(%dma_start3A_86 : memref<32x768xf32, #tpu.memory_space<hbm>>) target_semaphore(%arg17 : memref<!tpu.dma_semaphore, #tpu.memory_space<semaphore_mem>>)
    %dma_wait3A_90 = arith.constant 32 : i32
    %dma_wait3A_91 = arith.constant 0 : i32
    %dma_wait3A_92 = tpu.memref_slice %arg8[%dma_wait3A_90, %dma_wait3A_91] : memref<64x768xf32, #tpu.memory_space<vmem>> -> memref<32x768xf32, #tpu.memory_space<vmem>>
    %dma_wait3A_93 = arith.constant 32 : i32
    %dma_wait3A_94 = tpu.memref_slice %arg12[%dma_wait3A_93] : memref<64xi32, #tpu.memory_space<vmem>> -> memref<32xi32, #tpu.memory_space<vmem>>
    %dma_wait3A_95 = arith.constant 0 : i32
    %dma_wait3A_96 = arith.constant 0 : i32
    %dma_wait3A_97 = tpu.memref_slice %arg2[%dma_wait3A_95, %dma_wait3A_96] : memref<12288x768xf32, #tpu.memory_space<hbm>> -> memref<12288x768xf32, #tpu.memory_space<hbm>>
    tpu.wait_indirect_dma semaphore(%arg15 : memref<!tpu.dma_semaphore, #tpu.memory_space<semaphore_mem>>) src(%dma_wait3A_97 : memref<12288x768xf32, #tpu.memory_space<hbm>>) dst(%dma_wait3A_92 : memref<32x768xf32, #tpu.memory_space<vmem>>)
    %dma_wait3A_98 = arith.constant 32 : i32
    %dma_wait3A_99 = arith.constant 0 : i32
    %dma_wait3A_100 = tpu.memref_slice %arg9[%dma_wait3A_98, %dma_wait3A_99] : memref<64x768xf32, #tpu.memory_space<vmem>> -> memref<32x768xf32, #tpu.memory_space<vmem>>
    %dma_wait3A_101 = arith.constant 32 : i32
    %dma_wait3A_102 = tpu.memref_slice %arg13[%dma_wait3A_101] : memref<64xi32, #tpu.memory_space<vmem>> -> memref<32xi32, #tpu.memory_space<vmem>>
    %dma_wait3A_103 = arith.constant 0 : i32
    %dma_wait3A_104 = arith.constant 0 : i32
    %dma_wait3A_105 = tpu.memref_slice %arg2[%dma_wait3A_103, %dma_wait3A_104] : memref<12288x768xf32, #tpu.memory_space<hbm>> -> memref<12288x768xf32, #tpu.memory_space<hbm>>
    tpu.wait_indirect_dma semaphore(%arg15 : memref<!tpu.dma_semaphore, #tpu.memory_space<semaphore_mem>>) src(%dma_wait3A_105 : memref<12288x768xf32, #tpu.memory_space<hbm>>) dst(%dma_wait3A_100 : memref<32x768xf32, #tpu.memory_space<vmem>>)
    %scan3A_106 = arith.constant 0 : i32
    %scan3A_107 = arith.constant 32 : i32
    %scan3A_108 = arith.constant 32 : i32
    %scan3A_109 = arith.addi %scan3A_107, %scan3A_108 : i32
    %scan3A_110 = arith.constant 1 : i32
    scf.for %scan3A_144 = %scan3A_107 to %scan3A_109 step %scan3A_110  : i32 {
      %get3A = arith.index_cast %scan3A_144 : i32 to index
      %get3A_145 = arith.constant 0 : index
      %get3A_146 = tpu.vector_load %arg10[%get3A, %get3A_145] {strides = array<i32>} : memref<64x128xf32, #tpu.memory_space<vmem>>, vector<1x16xf32>,
      %get3A_147 = vector.shape_cast %get3A_146 : vector<1x16xf32> to vector<16xf32>
      %get3A_148 = arith.index_cast %scan3A_144 : i32 to index
      %get3A_149 = arith.constant 0 : index
      %get3A_150 = tpu.vector_load %arg11[%get3A_148, %get3A_149] {strides = array<i32>} : memref<64x128xf32, #tpu.memory_space<vmem>>, vector<1x16xf32>,
      %get3A_151 = vector.shape_cast %get3A_150 : vector<1x16xf32> to vector<16xf32>
      %get3A_152 = arith.index_cast %scan3A_144 : i32 to index
      %get3A_153 = arith.constant 0 : index
      %get3A_154 = tpu.vector_load %arg8[%get3A_152, %get3A_153] {strides = array<i32>} : memref<64x768xf32, #tpu.memory_space<vmem>>, vector<1x16xf32>,
      %get3A_155 = vector.shape_cast %get3A_154 : vector<1x16xf32> to vector<16xf32>
      %mul3A_156 = arith.mulf %get3A_147, %get3A_155 : vector<16xf32>
      %get3A_157 = arith.index_cast %scan3A_144 : i32 to index
      %get3A_158 = arith.constant 0 : index
      %get3A_159 = tpu.vector_load %arg9[%get3A_157, %get3A_158] {strides = array<i32>} : memref<64x768xf32, #tpu.memory_space<vmem>>, vector<1x16xf32>,
      %get3A_160 = vector.shape_cast %get3A_159 : vector<1x16xf32> to vector<16xf32>
      %mul3A_161 = arith.mulf %get3A_151, %get3A_160 : vector<16xf32>
      %add3A_162 = arith.addf %mul3A_156, %mul3A_161 : vector<16xf32>
      %swap3A = arith.index_cast %scan3A_144 : i32 to index
      %swap3A_163 = arith.constant 0 : index
      %swap3A_164 = tpu.vector_load %arg8[%swap3A, %swap3A_163] {strides = array<i32>} : memref<64x768xf32, #tpu.memory_space<vmem>>, vector<1x16xf32>,
      %swap3A_165 = vector.shape_cast %swap3A_164 : vector<1x16xf32> to vector<16xf32>
      %swap3A_166 = vector.shape_cast %add3A_162 : vector<16xf32> to vector<1x16xf32>
      tpu.vector_store %arg8[%swap3A, %swap3A_163], %swap3A_166 {strides = array<i32>} : memref<64x768xf32, #tpu.memory_space<vmem>>, vector<1x16xf32>,
      %get3A_167 = arith.index_cast %scan3A_144 : i32 to index
      %get3A_168 = arith.constant 16 : index
      %get3A_169 = tpu.vector_load %arg8[%get3A_167, %get3A_168] {strides = array<i32>} : memref<64x768xf32, #tpu.memory_space<vmem>>, vector<1x16xf32>,
      %get3A_170 = vector.shape_cast %get3A_169 : vector<1x16xf32> to vector<16xf32>
      %mul3A_171 = arith.mulf %get3A_147, %get3A_170 : vector<16xf32>
      %get3A_172 = arith.index_cast %scan3A_144 : i32 to index
      %get3A_173 = arith.constant 16 : index
      %get3A_174 = tpu.vector_load %arg9[%get3A_172, %get3A_173] {strides = array<i32>} : memref<64x768xf32, #tpu.memory_space<vmem>>, vector<1x16xf32>,
      %get3A_175 = vector.shape_cast %get3A_174 : vector<1x16xf32> to vector<16xf32>
      %mul3A_176 = arith.mulf %get3A_151, %get3A_175 : vector<16xf32>
      %add3A_177 = arith.addf %mul3A_171, %mul3A_176 : vector<16xf32>
      %swap3A_178 = arith.index_cast %scan3A_144 : i32 to index
      %swap3A_179 = arith.constant 16 : index
      %swap3A_180 = tpu.vector_load %arg8[%swap3A_178, %swap3A_179] {strides = array<i32>} : memref<64x768xf32, #tpu.memory_space<vmem>>, vector<1x16xf32>,
      %swap3A_181 = vector.shape_cast %swap3A_180 : vector<1x16xf32> to vector<16xf32>
      %swap3A_182 = vector.shape_cast %add3A_177 : vector<16xf32> to vector<1x16xf32>
      tpu.vector_store %arg8[%swap3A_178, %swap3A_179], %swap3A_182 {strides = array<i32>} : memref<64x768xf32, #tpu.memory_space<vmem>>, vector<1x16xf32>,
      %get3A_183 = arith.index_cast %scan3A_144 : i32 to index
      %get3A_184 = arith.constant 32 : index
      %get3A_185 = tpu.vector_load %arg8[%get3A_183, %get3A_184] {strides = array<i32>} : memref<64x768xf32, #tpu.memory_space<vmem>>, vector<1x16xf32>,
      %get3A_186 = vector.shape_cast %get3A_185 : vector<1x16xf32> to vector<16xf32>
      %mul3A_187 = arith.mulf %get3A_147, %get3A_186 : vector<16xf32>
      %get3A_188 = arith.index_cast %scan3A_144 : i32 to index
      %get3A_189 = arith.constant 32 : index
      %get3A_190 = tpu.vector_load %arg9[%get3A_188, %get3A_189] {strides = array<i32>} : memref<64x768xf32, #tpu.memory_space<vmem>>, vector<1x16xf32>,
      %get3A_191 = vector.shape_cast %get3A_190 : vector<1x16xf32> to vector<16xf32>
      %mul3A_192 = arith.mulf %get3A_151, %get3A_191 : vector<16xf32>
      %add3A_193 = arith.addf %mul3A_187, %mul3A_192 : vector<16xf32>
      %swap3A_194 = arith.index_cast %scan3A_144 : i32 to index
      %swap3A_195 = arith.constant 32 : index
      %swap3A_196 = tpu.vector_load %arg8[%swap3A_194, %swap3A_195] {strides = array<i32>} : memref<64x768xf32, #tpu.memory_space<vmem>>, vector<1x16xf32>,
      %swap3A_197 = vector.shape_cast %swap3A_196 : vector<1x16xf32> to vector<16xf32>
      %swap3A_198 = vector.shape_cast %add3A_193 : vector<16xf32> to vector<1x16xf32>
      tpu.vector_store %arg8[%swap3A_194, %swap3A_195], %swap3A_198 {strides = array<i32>} : memref<64x768xf32, #tpu.memory_space<vmem>>, vector<1x16xf32>,
      %get3A_199 = arith.index_cast %scan3A_144 : i32 to index
      %get3A_200 = arith.constant 48 : index
      %get3A_201 = tpu.vector_load %arg8[%get3A_199, %get3A_200] {strides = array<i32>} : memref<64x768xf32, #tpu.memory_space<vmem>>, vector<1x16xf32>,
      %get3A_202 = vector.shape_cast %get3A_201 : vector<1x16xf32> to vector<16xf32>
      %mul3A_203 = arith.mulf %get3A_147, %get3A_202 : vector<16xf32>
      %get3A_204 = arith.index_cast %scan3A_144 : i32 to index
      %get3A_205 = arith.constant 48 : index
      %get3A_206 = tpu.vector_load %arg9[%get3A_204, %get3A_205] {strides = array<i32>} : memref<64x768xf32, #tpu.memory_space<vmem>>, vector<1x16xf32>,
      %get3A_207 = vector.shape_cast %get3A_206 : vector<1x16xf32> to vector<16xf32>
      %mul3A_208 = arith.mulf %get3A_151, %get3A_207 : vector<16xf32>
      %add3A_209 = arith.addf %mul3A_203, %mul3A_208 : vector<16xf32>
      %swap3A_210 = arith.index_cast %scan3A_144 : i32 to index
      %swap3A_211 = arith.constant 48 : index
      %swap3A_212 = tpu.vector_load %arg8[%swap3A_210, %swap3A_211] {strides = array<i32>} : memref<64x768xf32, #tpu.memory_space<vmem>>, vector<1x16xf32>,
      %swap3A_213 = vector.shape_cast %swap3A_212 : vector<1x16xf32> to vector<16xf32>
      %swap3A_214 = vector.shape_cast %add3A_209 : vector<16xf32> to vector<1x16xf32>
      tpu.vector_store %arg8[%swap3A_210, %swap3A_211], %swap3A_214 {strides = array<i32>} : memref<64x768xf32, #tpu.memory_space<vmem>>, vector<1x16xf32>,
      %get3A_215 = arith.index_cast %scan3A_144 : i32 to index
      %get3A_216 = arith.constant 64 : index
      %get3A_217 = tpu.vector_load %arg8[%get3A_215, %get3A_216] {strides = array<i32>} : memref<64x768xf32, #tpu.memory_space<vmem>>, vector<1x16xf32>,
      %get3A_218 = vector.shape_cast %get3A_217 : vector<1x16xf32> to vector<16xf32>
      %mul3A_219 = arith.mulf %get3A_147, %get3A_218 : vector<16xf32>
      %get3A_220 = arith.index_cast %scan3A_144 : i32 to index
      %get3A_221 = arith.constant 64 : index
      %get3A_222 = tpu.vector_load %arg9[%get3A_220, %get3A_221] {strides = array<i32>} : memref<64x768xf32, #tpu.memory_space<vmem>>, vector<1x16xf32>,
      %get3A_223 = vector.shape_cast %get3A_222 : vector<1x16xf32> to vector<16xf32>
      %mul3A_224 = arith.mulf %get3A_151, %get3A_223 : vector<16xf32>
      %add3A_225 = arith.addf %mul3A_219, %mul3A_224 : vector<16xf32>
      %swap3A_226 = arith.index_cast %scan3A_144 : i32 to index
      %swap3A_227 = arith.constant 64 : index
      %swap3A_228 = tpu.vector_load %arg8[%swap3A_226, %swap3A_227] {strides = array<i32>} : memref<64x768xf32, #tpu.memory_space<vmem>>, vector<1x16xf32>,
      %swap3A_229 = vector.shape_cast %swap3A_228 : vector<1x16xf32> to vector<16xf32>
      %swap3A_230 = vector.shape_cast %add3A_225 : vector<16xf32> to vector<1x16xf32>
      tpu.vector_store %arg8[%swap3A_226, %swap3A_227], %swap3A_230 {strides = array<i32>} : memref<64x768xf32, #tpu.memory_space<vmem>>, vector<1x16xf32>,
      %get3A_231 = arith.index_cast %scan3A_144 : i32 to index
      %get3A_232 = arith.constant 80 : index
      %get3A_233 = tpu.vector_load %arg8[%get3A_231, %get3A_232] {strides = array<i32>} : memref<64x768xf32, #tpu.memory_space<vmem>>, vector<1x16xf32>,
      %get3A_234 = vector.shape_cast %get3A_233 : vector<1x16xf32> to vector<16xf32>
      %mul3A_235 = arith.mulf %get3A_147, %get3A_234 : vector<16xf32>
      %get3A_236 = arith.index_cast %scan3A_144 : i32 to index
      %get3A_237 = arith.constant 80 : index
      %get3A_238 = tpu.vector_load %arg9[%get3A_236, %get3A_237] {strides = array<i32>} : memref<64x768xf32, #tpu.memory_space<vmem>>, vector<1x16xf32>,
      %get3A_239 = vector.shape_cast %get3A_238 : vector<1x16xf32> to vector<16xf32>
      %mul3A_240 = arith.mulf %get3A_151, %get3A_239 : vector<16xf32>
      %add3A_241 = arith.addf %mul3A_235, %mul3A_240 : vector<16xf32>
      %swap3A_242 = arith.index_cast %scan3A_144 : i32 to index
      %swap3A_243 = arith.constant 80 : index
      %swap3A_244 = tpu.vector_load %arg8[%swap3A_242, %swap3A_243] {strides = array<i32>} : memref<64x768xf32, #tpu.memory_space<vmem>>, vector<1x16xf32>,
      %swap3A_245 = vector.shape_cast %swap3A_244 : vector<1x16xf32> to vector<16xf32>
      %swap3A_246 = vector.shape_cast %add3A_241 : vector<16xf32> to vector<1x16xf32>
      tpu.vector_store %arg8[%swap3A_242, %swap3A_243], %swap3A_246 {strides = array<i32>} : memref<64x768xf32, #tpu.memory_space<vmem>>, vector<1x16xf32>,
      %get3A_247 = arith.index_cast %scan3A_144 : i32 to index
      %get3A_248 = arith.constant 96 : index
      %get3A_249 = tpu.vector_load %arg8[%get3A_247, %get3A_248] {strides = array<i32>} : memref<64x768xf32, #tpu.memory_space<vmem>>, vector<1x16xf32>,
      %get3A_250 = vector.shape_cast %get3A_249 : vector<1x16xf32> to vector<16xf32>
      %mul3A_251 = arith.mulf %get3A_147, %get3A_250 : vector<16xf32>
      %get3A_252 = arith.index_cast %scan3A_144 : i32 to index
      %get3A_253 = arith.constant 96 : index
      %get3A_254 = tpu.vector_load %arg9[%get3A_252, %get3A_253] {strides = array<i32>} : memref<64x768xf32, #tpu.memory_space<vmem>>, vector<1x16xf32>,
      %get3A_255 = vector.shape_cast %get3A_254 : vector<1x16xf32> to vector<16xf32>
      %mul3A_256 = arith.mulf %get3A_151, %get3A_255 : vector<16xf32>
      %add3A_257 = arith.addf %mul3A_251, %mul3A_256 : vector<16xf32>
      %swap3A_258 = arith.index_cast %scan3A_144 : i32 to index
      %swap3A_259 = arith.constant 96 : index
      %swap3A_260 = tpu.vector_load %arg8[%swap3A_258, %swap3A_259] {strides = array<i32>} : memref<64x768xf32, #tpu.memory_space<vmem>>, vector<1x16xf32>,
      %swap3A_261 = vector.shape_cast %swap3A_260 : vector<1x16xf32> to vector<16xf32>
      %swap3A_262 = vector.shape_cast %add3A_257 : vector<16xf32> to vector<1x16xf32>
      tpu.vector_store %arg8[%swap3A_258, %swap3A_259], %swap3A_262 {strides = array<i32>} : memref<64x768xf32, #tpu.memory_space<vmem>>, vector<1x16xf32>,
      %get3A_263 = arith.index_cast %scan3A_144 : i32 to index
      %get3A_264 = arith.constant 112 : index
      %get3A_265 = tpu.vector_load %arg8[%get3A_263, %get3A_264] {strides = array<i32>} : memref<64x768xf32, #tpu.memory_space<vmem>>, vector<1x16xf32>,
      %get3A_266 = vector.shape_cast %get3A_265 : vector<1x16xf32> to vector<16xf32>
      %mul3A_267 = arith.mulf %get3A_147, %get3A_266 : vector<16xf32>
      %get3A_268 = arith.index_cast %scan3A_144 : i32 to index
      %get3A_269 = arith.constant 112 : index
      %get3A_270 = tpu.vector_load %arg9[%get3A_268, %get3A_269] {strides = array<i32>} : memref<64x768xf32, #tpu.memory_space<vmem>>, vector<1x16xf32>,
      %get3A_271 = vector.shape_cast %get3A_270 : vector<1x16xf32> to vector<16xf32>
      %mul3A_272 = arith.mulf %get3A_151, %get3A_271 : vector<16xf32>
      %add3A_273 = arith.addf %mul3A_267, %mul3A_272 : vector<16xf32>
      %swap3A_274 = arith.index_cast %scan3A_144 : i32 to index
      %swap3A_275 = arith.constant 112 : index
      %swap3A_276 = tpu.vector_load %arg8[%swap3A_274, %swap3A_275] {strides = array<i32>} : memref<64x768xf32, #tpu.memory_space<vmem>>, vector<1x16xf32>,
      %swap3A_277 = vector.shape_cast %swap3A_276 : vector<1x16xf32> to vector<16xf32>
      %swap3A_278 = vector.shape_cast %add3A_273 : vector<16xf32> to vector<1x16xf32>
      tpu.vector_store %arg8[%swap3A_274, %swap3A_275], %swap3A_278 {strides = array<i32>} : memref<64x768xf32, #tpu.memory_space<vmem>>, vector<1x16xf32>,
      %get3A_279 = arith.index_cast %scan3A_144 : i32 to index
      %get3A_280 = arith.constant 128 : index
      %get3A_281 = tpu.vector_load %arg8[%get3A_279, %get3A_280] {strides = array<i32>} : memref<64x768xf32, #tpu.memory_space<vmem>>, vector<1x16xf32>,
      %get3A_282 = vector.shape_cast %get3A_281 : vector<1x16xf32> to vector<16xf32>
      %mul3A_283 = arith.mulf %get3A_147, %get3A_282 : vector<16xf32>
      %get3A_284 = arith.index_cast %scan3A_144 : i32 to index
      %get3A_285 = arith.constant 128 : index
      %get3A_286 = tpu.vector_load %arg9[%get3A_284, %get3A_285] {strides = array<i32>} : memref<64x768xf32, #tpu.memory_space<vmem>>, vector<1x16xf32>,
      %get3A_287 = vector.shape_cast %get3A_286 : vector<1x16xf32> to vector<16xf32>
      %mul3A_288 = arith.mulf %get3A_151, %get3A_287 : vector<16xf32>
      %add3A_289 = arith.addf %mul3A_283, %mul3A_288 : vector<16xf32>
      %swap3A_290 = arith.index_cast %scan3A_144 : i32 to index
      %swap3A_291 = arith.constant 128 : index
      %swap3A_292 = tpu.vector_load %arg8[%swap3A_290, %swap3A_291] {strides = array<i32>} : memref<64x768xf32, #tpu.memory_space<vmem>>, vector<1x16xf32>,
      %swap3A_293 = vector.shape_cast %swap3A_292 : vector<1x16xf32> to vector<16xf32>
      %swap3A_294 = vector.shape_cast %add3A_289 : vector<16xf32> to vector<1x16xf32>
      tpu.vector_store %arg8[%swap3A_290, %swap3A_291], %swap3A_294 {strides = array<i32>} : memref<64x768xf32, #tpu.memory_space<vmem>>, vector<1x16xf32>,
      %get3A_295 = arith.index_cast %scan3A_144 : i32 to index
      %get3A_296 = arith.constant 144 : index
      %get3A_297 = tpu.vector_load %arg8[%get3A_295, %get3A_296] {strides = array<i32>} : memref<64x768xf32, #tpu.memory_space<vmem>>, vector<1x16xf32>,
      %get3A_298 = vector.shape_cast %get3A_297 : vector<1x16xf32> to vector<16xf32>
      %mul3A_299 = arith.mulf %get3A_147, %get3A_298 : vector<16xf32>
      %get3A_300 = arith.index_cast %scan3A_144 : i32 to index
      %get3A_301 = arith.constant 144 : index
      %get3A_302 = tpu.vector_load %arg9[%get3A_300, %get3A_301] {strides = array<i32>} : memref<64x768xf32, #tpu.memory_space<vmem>>, vector<1x16xf32>,
      %get3A_303 = vector.shape_cast %get3A_302 : vector<1x16xf32> to vector<16xf32>
      %mul3A_304 = arith.mulf %get3A_151, %get3A_303 : vector<16xf32>
      %add3A_305 = arith.addf %mul3A_299, %mul3A_304 : vector<16xf32>
      %swap3A_306 = arith.index_cast %scan3A_144 : i32 to index
      %swap3A_307 = arith.constant 144 : index
      %swap3A_308 = tpu.vector_load %arg8[%swap3A_306, %swap3A_307] {strides = array<i32>} : memref<64x768xf32, #tpu.memory_space<vmem>>, vector<1x16xf32>,
      %swap3A_309 = vector.shape_cast %swap3A_308 : vector<1x16xf32> to vector<16xf32>
      %swap3A_310 = vector.shape_cast %add3A_305 : vector<16xf32> to vector<1x16xf32>
      tpu.vector_store %arg8[%swap3A_306, %swap3A_307], %swap3A_310 {strides = array<i32>} : memref<64x768xf32, #tpu.memory_space<vmem>>, vector<1x16xf32>,
      %get3A_311 = arith.index_cast %scan3A_144 : i32 to index
      %get3A_312 = arith.constant 160 : index
      %get3A_313 = tpu.vector_load %arg8[%get3A_311, %get3A_312] {strides = array<i32>} : memref<64x768xf32, #tpu.memory_space<vmem>>, vector<1x16xf32>,
      %get3A_314 = vector.shape_cast %get3A_313 : vector<1x16xf32> to vector<16xf32>
      %mul3A_315 = arith.mulf %get3A_147, %get3A_314 : vector<16xf32>
      %get3A_316 = arith.index_cast %scan3A_144 : i32 to index
      %get3A_317 = arith.constant 160 : index
      %get3A_318 = tpu.vector_load %arg9[%get3A_316, %get3A_317] {strides = array<i32>} : memref<64x768xf32, #tpu.memory_space<vmem>>, vector<1x16xf32>,
      %get3A_319 = vector.shape_cast %get3A_318 : vector<1x16xf32> to vector<16xf32>
      %mul3A_320 = arith.mulf %get3A_151, %get3A_319 : vector<16xf32>
      %add3A_321 = arith.addf %mul3A_315, %mul3A_320 : vector<16xf32>
      %swap3A_322 = arith.index_cast %scan3A_144 : i32 to index
      %swap3A_323 = arith.constant 160 : index
      %swap3A_324 = tpu.vector_load %arg8[%swap3A_322, %swap3A_323] {strides = array<i32>} : memref<64x768xf32, #tpu.memory_space<vmem>>, vector<1x16xf32>,
      %swap3A_325 = vector.shape_cast %swap3A_324 : vector<1x16xf32> to vector<16xf32>
      %swap3A_326 = vector.shape_cast %add3A_321 : vector<16xf32> to vector<1x16xf32>
      tpu.vector_store %arg8[%swap3A_322, %swap3A_323], %swap3A_326 {strides = array<i32>} : memref<64x768xf32, #tpu.memory_space<vmem>>, vector<1x16xf32>,
      %get3A_327 = arith.index_cast %scan3A_144 : i32 to index
      %get3A_328 = arith.constant 176 : index
      %get3A_329 = tpu.vector_load %arg8[%get3A_327, %get3A_328] {strides = array<i32>} : memref<64x768xf32, #tpu.memory_space<vmem>>, vector<1x16xf32>,
      %get3A_330 = vector.shape_cast %get3A_329 : vector<1x16xf32> to vector<16xf32>
      %mul3A_331 = arith.mulf %get3A_147, %get3A_330 : vector<16xf32>
      %get3A_332 = arith.index_cast %scan3A_144 : i32 to index
      %get3A_333 = arith.constant 176 : index
      %get3A_334 = tpu.vector_load %arg9[%get3A_332, %get3A_333] {strides = array<i32>} : memref<64x768xf32, #tpu.memory_space<vmem>>, vector<1x16xf32>,
      %get3A_335 = vector.shape_cast %get3A_334 : vector<1x16xf32> to vector<16xf32>
      %mul3A_336 = arith.mulf %get3A_151, %get3A_335 : vector<16xf32>
      %add3A_337 = arith.addf %mul3A_331, %mul3A_336 : vector<16xf32>
      %swap3A_338 = arith.index_cast %scan3A_144 : i32 to index
      %swap3A_339 = arith.constant 176 : index
      %swap3A_340 = tpu.vector_load %arg8[%swap3A_338, %swap3A_339] {strides = array<i32>} : memref<64x768xf32, #tpu.memory_space<vmem>>, vector<1x16xf32>,
      %swap3A_341 = vector.shape_cast %swap3A_340 : vector<1x16xf32> to vector<16xf32>
      %swap3A_342 = vector.shape_cast %add3A_337 : vector<16xf32> to vector<1x16xf32>
      tpu.vector_store %arg8[%swap3A_338, %swap3A_339], %swap3A_342 {strides = array<i32>} : memref<64x768xf32, #tpu.memory_space<vmem>>, vector<1x16xf32>,
      %get3A_343 = arith.index_cast %scan3A_144 : i32 to index
      %get3A_344 = arith.constant 192 : index
      %get3A_345 = tpu.vector_load %arg8[%get3A_343, %get3A_344] {strides = array<i32>} : memref<64x768xf32, #tpu.memory_space<vmem>>, vector<1x16xf32>,
      %get3A_346 = vector.shape_cast %get3A_345 : vector<1x16xf32> to vector<16xf32>
      %mul3A_347 = arith.mulf %get3A_147, %get3A_346 : vector<16xf32>
      %get3A_348 = arith.index_cast %scan3A_144 : i32 to index
      %get3A_349 = arith.constant 192 : index
      %get3A_350 = tpu.vector_load %arg9[%get3A_348, %get3A_349] {strides = array<i32>} : memref<64x768xf32, #tpu.memory_space<vmem>>, vector<1x16xf32>,
      %get3A_351 = vector.shape_cast %get3A_350 : vector<1x16xf32> to vector<16xf32>
      %mul3A_352 = arith.mulf %get3A_151, %get3A_351 : vector<16xf32>
      %add3A_353 = arith.addf %mul3A_347, %mul3A_352 : vector<16xf32>
      %swap3A_354 = arith.index_cast %scan3A_144 : i32 to index
      %swap3A_355 = arith.constant 192 : index
      %swap3A_356 = tpu.vector_load %arg8[%swap3A_354, %swap3A_355] {strides = array<i32>} : memref<64x768xf32, #tpu.memory_space<vmem>>, vector<1x16xf32>,
      %swap3A_357 = vector.shape_cast %swap3A_356 : vector<1x16xf32> to vector<16xf32>
      %swap3A_358 = vector.shape_cast %add3A_353 : vector<16xf32> to vector<1x16xf32>
      tpu.vector_store %arg8[%swap3A_354, %swap3A_355], %swap3A_358 {strides = array<i32>} : memref<64x768xf32, #tpu.memory_space<vmem>>, vector<1x16xf32>,
      %get3A_359 = arith.index_cast %scan3A_144 : i32 to index
      %get3A_360 = arith.constant 208 : index
      %get3A_361 = tpu.vector_load %arg8[%get3A_359, %get3A_360] {strides = array<i32>} : memref<64x768xf32, #tpu.memory_space<vmem>>, vector<1x16xf32>,
      %get3A_362 = vector.shape_cast %get3A_361 : vector<1x16xf32> to vector<16xf32>
      %mul3A_363 = arith.mulf %get3A_147, %get3A_362 : vector<16xf32>
      %get3A_364 = arith.index_cast %scan3A_144 : i32 to index
      %get3A_365 = arith.constant 208 : index
      %get3A_366 = tpu.vector_load %arg9[%get3A_364, %get3A_365] {strides = array<i32>} : memref<64x768xf32, #tpu.memory_space<vmem>>, vector<1x16xf32>,
      %get3A_367 = vector.shape_cast %get3A_366 : vector<1x16xf32> to vector<16xf32>
      %mul3A_368 = arith.mulf %get3A_151, %get3A_367 : vector<16xf32>
      %add3A_369 = arith.addf %mul3A_363, %mul3A_368 : vector<16xf32>
      %swap3A_370 = arith.index_cast %scan3A_144 : i32 to index
      %swap3A_371 = arith.constant 208 : index
      %swap3A_372 = tpu.vector_load %arg8[%swap3A_370, %swap3A_371] {strides = array<i32>} : memref<64x768xf32, #tpu.memory_space<vmem>>, vector<1x16xf32>,
      %swap3A_373 = vector.shape_cast %swap3A_372 : vector<1x16xf32> to vector<16xf32>
      %swap3A_374 = vector.shape_cast %add3A_369 : vector<16xf32> to vector<1x16xf32>
      tpu.vector_store %arg8[%swap3A_370, %swap3A_371], %swap3A_374 {strides = array<i32>} : memref<64x768xf32, #tpu.memory_space<vmem>>, vector<1x16xf32>,
      %get3A_375 = arith.index_cast %scan3A_144 : i32 to index
      %get3A_376 = arith.constant 224 : index
      %get3A_377 = tpu.vector_load %arg8[%get3A_375, %get3A_376] {strides = array<i32>} : memref<64x768xf32, #tpu.memory_space<vmem>>, vector<1x16xf32>,
      %get3A_378 = vector.shape_cast %get3A_377 : vector<1x16xf32> to vector<16xf32>
      %mul3A_379 = arith.mulf %get3A_147, %get3A_378 : vector<16xf32>
      %get3A_380 = arith.index_cast %scan3A_144 : i32 to index
      %get3A_381 = arith.constant 224 : index
      %get3A_382 = tpu.vector_load %arg9[%get3A_380, %get3A_381] {strides = array<i32>} : memref<64x768xf32, #tpu.memory_space<vmem>>, vector<1x16xf32>,
      %get3A_383 = vector.shape_cast %get3A_382 : vector<1x16xf32> to vector<16xf32>
      %mul3A_384 = arith.mulf %get3A_151, %get3A_383 : vector<16xf32>
      %add3A_385 = arith.addf %mul3A_379, %mul3A_384 : vector<16xf32>
      %swap3A_386 = arith.index_cast %scan3A_144 : i32 to index
      %swap3A_387 = arith.constant 224 : index
      %swap3A_388 = tpu.vector_load %arg8[%swap3A_386, %swap3A_387] {strides = array<i32>} : memref<64x768xf32, #tpu.memory_space<vmem>>, vector<1x16xf32>,
      %swap3A_389 = vector.shape_cast %swap3A_388 : vector<1x16xf32> to vector<16xf32>
      %swap3A_390 = vector.shape_cast %add3A_385 : vector<16xf32> to vector<1x16xf32>
      tpu.vector_store %arg8[%swap3A_386, %swap3A_387], %swap3A_390 {strides = array<i32>} : memref<64x768xf32, #tpu.memory_space<vmem>>, vector<1x16xf32>,
      %get3A_391 = arith.index_cast %scan3A_144 : i32 to index
      %get3A_392 = arith.constant 240 : index
      %get3A_393 = tpu.vector_load %arg8[%get3A_391, %get3A_392] {strides = array<i32>} : memref<64x768xf32, #tpu.memory_space<vmem>>, vector<1x16xf32>,
      %get3A_394 = vector.shape_cast %get3A_393 : vector<1x16xf32> to vector<16xf32>
      %mul3A_395 = arith.mulf %get3A_147, %get3A_394 : vector<16xf32>
      %get3A_396 = arith.index_cast %scan3A_144 : i32 to index
      %get3A_397 = arith.constant 240 : index
      %get3A_398 = tpu.vector_load %arg9[%get3A_396, %get3A_397] {strides = array<i32>} : memref<64x768xf32, #tpu.memory_space<vmem>>, vector<1x16xf32>,
      %get3A_399 = vector.shape_cast %get3A_398 : vector<1x16xf32> to vector<16xf32>
      %mul3A_400 = arith.mulf %get3A_151, %get3A_399 : vector<16xf32>
      %add3A_401 = arith.addf %mul3A_395, %mul3A_400 : vector<16xf32>
      %swap3A_402 = arith.index_cast %scan3A_144 : i32 to index
      %swap3A_403 = arith.constant 240 : index
      %swap3A_404 = tpu.vector_load %arg8[%swap3A_402, %swap3A_403] {strides = array<i32>} : memref<64x768xf32, #tpu.memory_space<vmem>>, vector<1x16xf32>,
      %swap3A_405 = vector.shape_cast %swap3A_404 : vector<1x16xf32> to vector<16xf32>
      %swap3A_406 = vector.shape_cast %add3A_401 : vector<16xf32> to vector<1x16xf32>
      tpu.vector_store %arg8[%swap3A_402, %swap3A_403], %swap3A_406 {strides = array<i32>} : memref<64x768xf32, #tpu.memory_space<vmem>>, vector<1x16xf32>,
      %get3A_407 = arith.index_cast %scan3A_144 : i32 to index
      %get3A_408 = arith.constant 256 : index
      %get3A_409 = tpu.vector_load %arg8[%get3A_407, %get3A_408] {strides = array<i32>} : memref<64x768xf32, #tpu.memory_space<vmem>>, vector<1x16xf32>,
      %get3A_410 = vector.shape_cast %get3A_409 : vector<1x16xf32> to vector<16xf32>
      %mul3A_411 = arith.mulf %get3A_147, %get3A_410 : vector<16xf32>
      %get3A_412 = arith.index_cast %scan3A_144 : i32 to index
      %get3A_413 = arith.constant 256 : index
      %get3A_414 = tpu.vector_load %arg9[%get3A_412, %get3A_413] {strides = array<i32>} : memref<64x768xf32, #tpu.memory_space<vmem>>, vector<1x16xf32>,
      %get3A_415 = vector.shape_cast %get3A_414 : vector<1x16xf32> to vector<16xf32>
      %mul3A_416 = arith.mulf %get3A_151, %get3A_415 : vector<16xf32>
      %add3A_417 = arith.addf %mul3A_411, %mul3A_416 : vector<16xf32>
      %swap3A_418 = arith.index_cast %scan3A_144 : i32 to index
      %swap3A_419 = arith.constant 256 : index
      %swap3A_420 = tpu.vector_load %arg8[%swap3A_418, %swap3A_419] {strides = array<i32>} : memref<64x768xf32, #tpu.memory_space<vmem>>, vector<1x16xf32>,
      %swap3A_421 = vector.shape_cast %swap3A_420 : vector<1x16xf32> to vector<16xf32>
      %swap3A_422 = vector.shape_cast %add3A_417 : vector<16xf32> to vector<1x16xf32>
      tpu.vector_store %arg8[%swap3A_418, %swap3A_419], %swap3A_422 {strides = array<i32>} : memref<64x768xf32, #tpu.memory_space<vmem>>, vector<1x16xf32>,
      %get3A_423 = arith.index_cast %scan3A_144 : i32 to index
      %get3A_424 = arith.constant 272 : index
      %get3A_425 = tpu.vector_load %arg8[%get3A_423, %get3A_424] {strides = array<i32>} : memref<64x768xf32, #tpu.memory_space<vmem>>, vector<1x16xf32>,
      %get3A_426 = vector.shape_cast %get3A_425 : vector<1x16xf32> to vector<16xf32>
      %mul3A_427 = arith.mulf %get3A_147, %get3A_426 : vector<16xf32>
      %get3A_428 = arith.index_cast %scan3A_144 : i32 to index
      %get3A_429 = arith.constant 272 : index
      %get3A_430 = tpu.vector_load %arg9[%get3A_428, %get3A_429] {strides = array<i32>} : memref<64x768xf32, #tpu.memory_space<vmem>>, vector<1x16xf32>,
      %get3A_431 = vector.shape_cast %get3A_430 : vector<1x16xf32> to vector<16xf32>
      %mul3A_432 = arith.mulf %get3A_151, %get3A_431 : vector<16xf32>
      %add3A_433 = arith.addf %mul3A_427, %mul3A_432 : vector<16xf32>
      %swap3A_434 = arith.index_cast %scan3A_144 : i32 to index
      %swap3A_435 = arith.constant 272 : index
      %swap3A_436 = tpu.vector_load %arg8[%swap3A_434, %swap3A_435] {strides = array<i32>} : memref<64x768xf32, #tpu.memory_space<vmem>>, vector<1x16xf32>,
      %swap3A_437 = vector.shape_cast %swap3A_436 : vector<1x16xf32> to vector<16xf32>
      %swap3A_438 = vector.shape_cast %add3A_433 : vector<16xf32> to vector<1x16xf32>
      tpu.vector_store %arg8[%swap3A_434, %swap3A_435], %swap3A_438 {strides = array<i32>} : memref<64x768xf32, #tpu.memory_space<vmem>>, vector<1x16xf32>,
      %get3A_439 = arith.index_cast %scan3A_144 : i32 to index
      %get3A_440 = arith.constant 288 : index
      %get3A_441 = tpu.vector_load %arg8[%get3A_439, %get3A_440] {strides = array<i32>} : memref<64x768xf32, #tpu.memory_space<vmem>>, vector<1x16xf32>,
      %get3A_442 = vector.shape_cast %get3A_441 : vector<1x16xf32> to vector<16xf32>
      %mul3A_443 = arith.mulf %get3A_147, %get3A_442 : vector<16xf32>
      %get3A_444 = arith.index_cast %scan3A_144 : i32 to index
      %get3A_445 = arith.constant 288 : index
      %get3A_446 = tpu.vector_load %arg9[%get3A_444, %get3A_445] {strides = array<i32>} : memref<64x768xf32, #tpu.memory_space<vmem>>, vector<1x16xf32>,
      %get3A_447 = vector.shape_cast %get3A_446 : vector<1x16xf32> to vector<16xf32>
      %mul3A_448 = arith.mulf %get3A_151, %get3A_447 : vector<16xf32>
      %add3A_449 = arith.addf %mul3A_443, %mul3A_448 : vector<16xf32>
      %swap3A_450 = arith.index_cast %scan3A_144 : i32 to index
      %swap3A_451 = arith.constant 288 : index
      %swap3A_452 = tpu.vector_load %arg8[%swap3A_450, %swap3A_451] {strides = array<i32>} : memref<64x768xf32, #tpu.memory_space<vmem>>, vector<1x16xf32>,
      %swap3A_453 = vector.shape_cast %swap3A_452 : vector<1x16xf32> to vector<16xf32>
      %swap3A_454 = vector.shape_cast %add3A_449 : vector<16xf32> to vector<1x16xf32>
      tpu.vector_store %arg8[%swap3A_450, %swap3A_451], %swap3A_454 {strides = array<i32>} : memref<64x768xf32, #tpu.memory_space<vmem>>, vector<1x16xf32>,
      %get3A_455 = arith.index_cast %scan3A_144 : i32 to index
      %get3A_456 = arith.constant 304 : index
      %get3A_457 = tpu.vector_load %arg8[%get3A_455, %get3A_456] {strides = array<i32>} : memref<64x768xf32, #tpu.memory_space<vmem>>, vector<1x16xf32>,
      %get3A_458 = vector.shape_cast %get3A_457 : vector<1x16xf32> to vector<16xf32>
      %mul3A_459 = arith.mulf %get3A_147, %get3A_458 : vector<16xf32>
      %get3A_460 = arith.index_cast %scan3A_144 : i32 to index
      %get3A_461 = arith.constant 304 : index
      %get3A_462 = tpu.vector_load %arg9[%get3A_460, %get3A_461] {strides = array<i32>} : memref<64x768xf32, #tpu.memory_space<vmem>>, vector<1x16xf32>,
      %get3A_463 = vector.shape_cast %get3A_462 : vector<1x16xf32> to vector<16xf32>
      %mul3A_464 = arith.mulf %get3A_151, %get3A_463 : vector<16xf32>
      %add3A_465 = arith.addf %mul3A_459, %mul3A_464 : vector<16xf32>
      %swap3A_466 = arith.index_cast %scan3A_144 : i32 to index
      %swap3A_467 = arith.constant 304 : index
      %swap3A_468 = tpu.vector_load %arg8[%swap3A_466, %swap3A_467] {strides = array<i32>} : memref<64x768xf32, #tpu.memory_space<vmem>>, vector<1x16xf32>,
      %swap3A_469 = vector.shape_cast %swap3A_468 : vector<1x16xf32> to vector<16xf32>
      %swap3A_470 = vector.shape_cast %add3A_465 : vector<16xf32> to vector<1x16xf32>
      tpu.vector_store %arg8[%swap3A_466, %swap3A_467], %swap3A_470 {strides = array<i32>} : memref<64x768xf32, #tpu.memory_space<vmem>>, vector<1x16xf32>,
      %get3A_471 = arith.index_cast %scan3A_144 : i32 to index
      %get3A_472 = arith.constant 320 : index
      %get3A_473 = tpu.vector_load %arg8[%get3A_471, %get3A_472] {strides = array<i32>} : memref<64x768xf32, #tpu.memory_space<vmem>>, vector<1x16xf32>,
      %get3A_474 = vector.shape_cast %get3A_473 : vector<1x16xf32> to vector<16xf32>
      %mul3A_475 = arith.mulf %get3A_147, %get3A_474 : vector<16xf32>
      %get3A_476 = arith.index_cast %scan3A_144 : i32 to index
      %get3A_477 = arith.constant 320 : index
      %get3A_478 = tpu.vector_load %arg9[%get3A_476, %get3A_477] {strides = array<i32>} : memref<64x768xf32, #tpu.memory_space<vmem>>, vector<1x16xf32>,
      %get3A_479 = vector.shape_cast %get3A_478 : vector<1x16xf32> to vector<16xf32>
      %mul3A_480 = arith.mulf %get3A_151, %get3A_479 : vector<16xf32>
      %add3A_481 = arith.addf %mul3A_475, %mul3A_480 : vector<16xf32>
      %swap3A_482 = arith.index_cast %scan3A_144 : i32 to index
      %swap3A_483 = arith.constant 320 : index
      %swap3A_484 = tpu.vector_load %arg8[%swap3A_482, %swap3A_483] {strides = array<i32>} : memref<64x768xf32, #tpu.memory_space<vmem>>, vector<1x16xf32>,
      %swap3A_485 = vector.shape_cast %swap3A_484 : vector<1x16xf32> to vector<16xf32>
      %swap3A_486 = vector.shape_cast %add3A_481 : vector<16xf32> to vector<1x16xf32>
      tpu.vector_store %arg8[%swap3A_482, %swap3A_483], %swap3A_486 {strides = array<i32>} : memref<64x768xf32, #tpu.memory_space<vmem>>, vector<1x16xf32>,
      %get3A_487 = arith.index_cast %scan3A_144 : i32 to index
      %get3A_488 = arith.constant 336 : index
      %get3A_489 = tpu.vector_load %arg8[%get3A_487, %get3A_488] {strides = array<i32>} : memref<64x768xf32, #tpu.memory_space<vmem>>, vector<1x16xf32>,
      %get3A_490 = vector.shape_cast %get3A_489 : vector<1x16xf32> to vector<16xf32>
      %mul3A_491 = arith.mulf %get3A_147, %get3A_490 : vector<16xf32>
      %get3A_492 = arith.index_cast %scan3A_144 : i32 to index
      %get3A_493 = arith.constant 336 : index
      %get3A_494 = tpu.vector_load %arg9[%get3A_492, %get3A_493] {strides = array<i32>} : memref<64x768xf32, #tpu.memory_space<vmem>>, vector<1x16xf32>,
      %get3A_495 = vector.shape_cast %get3A_494 : vector<1x16xf32> to vector<16xf32>
      %mul3A_496 = arith.mulf %get3A_151, %get3A_495 : vector<16xf32>
      %add3A_497 = arith.addf %mul3A_491, %mul3A_496 : vector<16xf32>
      %swap3A_498 = arith.index_cast %scan3A_144 : i32 to index
      %swap3A_499 = arith.constant 336 : index
      %swap3A_500 = tpu.vector_load %arg8[%swap3A_498, %swap3A_499] {strides = array<i32>} : memref<64x768xf32, #tpu.memory_space<vmem>>, vector<1x16xf32>,
      %swap3A_501 = vector.shape_cast %swap3A_500 : vector<1x16xf32> to vector<16xf32>
      %swap3A_502 = vector.shape_cast %add3A_497 : vector<16xf32> to vector<1x16xf32>
      tpu.vector_store %arg8[%swap3A_498, %swap3A_499], %swap3A_502 {strides = array<i32>} : memref<64x768xf32, #tpu.memory_space<vmem>>, vector<1x16xf32>,
      %get3A_503 = arith.index_cast %scan3A_144 : i32 to index
      %get3A_504 = arith.constant 352 : index
      %get3A_505 = tpu.vector_load %arg8[%get3A_503, %get3A_504] {strides = array<i32>} : memref<64x768xf32, #tpu.memory_space<vmem>>, vector<1x16xf32>,
      %get3A_506 = vector.shape_cast %get3A_505 : vector<1x16xf32> to vector<16xf32>
      %mul3A_507 = arith.mulf %get3A_147, %get3A_506 : vector<16xf32>
      %get3A_508 = arith.index_cast %scan3A_144 : i32 to index
      %get3A_509 = arith.constant 352 : index
      %get3A_510 = tpu.vector_load %arg9[%get3A_508, %get3A_509] {strides = array<i32>} : memref<64x768xf32, #tpu.memory_space<vmem>>, vector<1x16xf32>,
      %get3A_511 = vector.shape_cast %get3A_510 : vector<1x16xf32> to vector<16xf32>
      %mul3A_512 = arith.mulf %get3A_151, %get3A_511 : vector<16xf32>
      %add3A_513 = arith.addf %mul3A_507, %mul3A_512 : vector<16xf32>
      %swap3A_514 = arith.index_cast %scan3A_144 : i32 to index
      %swap3A_515 = arith.constant 352 : index
      %swap3A_516 = tpu.vector_load %arg8[%swap3A_514, %swap3A_515] {strides = array<i32>} : memref<64x768xf32, #tpu.memory_space<vmem>>, vector<1x16xf32>,
      %swap3A_517 = vector.shape_cast %swap3A_516 : vector<1x16xf32> to vector<16xf32>
      %swap3A_518 = vector.shape_cast %add3A_513 : vector<16xf32> to vector<1x16xf32>
      tpu.vector_store %arg8[%swap3A_514, %swap3A_515], %swap3A_518 {strides = array<i32>} : memref<64x768xf32, #tpu.memory_space<vmem>>, vector<1x16xf32>,
      %get3A_519 = arith.index_cast %scan3A_144 : i32 to index
      %get3A_520 = arith.constant 368 : index
      %get3A_521 = tpu.vector_load %arg8[%get3A_519, %get3A_520] {strides = array<i32>} : memref<64x768xf32, #tpu.memory_space<vmem>>, vector<1x16xf32>,
      %get3A_522 = vector.shape_cast %get3A_521 : vector<1x16xf32> to vector<16xf32>
      %mul3A_523 = arith.mulf %get3A_147, %get3A_522 : vector<16xf32>
      %get3A_524 = arith.index_cast %scan3A_144 : i32 to index
      %get3A_525 = arith.constant 368 : index
      %get3A_526 = tpu.vector_load %arg9[%get3A_524, %get3A_525] {strides = array<i32>} : memref<64x768xf32, #tpu.memory_space<vmem>>, vector<1x16xf32>,
      %get3A_527 = vector.shape_cast %get3A_526 : vector<1x16xf32> to vector<16xf32>
      %mul3A_528 = arith.mulf %get3A_151, %get3A_527 : vector<16xf32>
      %add3A_529 = arith.addf %mul3A_523, %mul3A_528 : vector<16xf32>
      %swap3A_530 = arith.index_cast %scan3A_144 : i32 to index
      %swap3A_531 = arith.constant 368 : index
      %swap3A_532 = tpu.vector_load %arg8[%swap3A_530, %swap3A_531] {strides = array<i32>} : memref<64x768xf32, #tpu.memory_space<vmem>>, vector<1x16xf32>,
      %swap3A_533 = vector.shape_cast %swap3A_532 : vector<1x16xf32> to vector<16xf32>
      %swap3A_534 = vector.shape_cast %add3A_529 : vector<16xf32> to vector<1x16xf32>
      tpu.vector_store %arg8[%swap3A_530, %swap3A_531], %swap3A_534 {strides = array<i32>} : memref<64x768xf32, #tpu.memory_space<vmem>>, vector<1x16xf32>,
      %get3A_535 = arith.index_cast %scan3A_144 : i32 to index
      %get3A_536 = arith.constant 384 : index
      %get3A_537 = tpu.vector_load %arg8[%get3A_535, %get3A_536] {strides = array<i32>} : memref<64x768xf32, #tpu.memory_space<vmem>>, vector<1x16xf32>,
      %get3A_538 = vector.shape_cast %get3A_537 : vector<1x16xf32> to vector<16xf32>
      %mul3A_539 = arith.mulf %get3A_147, %get3A_538 : vector<16xf32>
      %get3A_540 = arith.index_cast %scan3A_144 : i32 to index
      %get3A_541 = arith.constant 384 : index
      %get3A_542 = tpu.vector_load %arg9[%get3A_540, %get3A_541] {strides = array<i32>} : memref<64x768xf32, #tpu.memory_space<vmem>>, vector<1x16xf32>,
      %get3A_543 = vector.shape_cast %get3A_542 : vector<1x16xf32> to vector<16xf32>
      %mul3A_544 = arith.mulf %get3A_151, %get3A_543 : vector<16xf32>
      %add3A_545 = arith.addf %mul3A_539, %mul3A_544 : vector<16xf32>
      %swap3A_546 = arith.index_cast %scan3A_144 : i32 to index
      %swap3A_547 = arith.constant 384 : index
      %swap3A_548 = tpu.vector_load %arg8[%swap3A_546, %swap3A_547] {strides = array<i32>} : memref<64x768xf32, #tpu.memory_space<vmem>>, vector<1x16xf32>,
      %swap3A_549 = vector.shape_cast %swap3A_548 : vector<1x16xf32> to vector<16xf32>
      %swap3A_550 = vector.shape_cast %add3A_545 : vector<16xf32> to vector<1x16xf32>
      tpu.vector_store %arg8[%swap3A_546, %swap3A_547], %swap3A_550 {strides = array<i32>} : memref<64x768xf32, #tpu.memory_space<vmem>>, vector<1x16xf32>,
      %get3A_551 = arith.index_cast %scan3A_144 : i32 to index
      %get3A_552 = arith.constant 400 : index
      %get3A_553 = tpu.vector_load %arg8[%get3A_551, %get3A_552] {strides = array<i32>} : memref<64x768xf32, #tpu.memory_space<vmem>>, vector<1x16xf32>,
      %get3A_554 = vector.shape_cast %get3A_553 : vector<1x16xf32> to vector<16xf32>
      %mul3A_555 = arith.mulf %get3A_147, %get3A_554 : vector<16xf32>
      %get3A_556 = arith.index_cast %scan3A_144 : i32 to index
      %get3A_557 = arith.constant 400 : index
      %get3A_558 = tpu.vector_load %arg9[%get3A_556, %get3A_557] {strides = array<i32>} : memref<64x768xf32, #tpu.memory_space<vmem>>, vector<1x16xf32>,
      %get3A_559 = vector.shape_cast %get3A_558 : vector<1x16xf32> to vector<16xf32>
      %mul3A_560 = arith.mulf %get3A_151, %get3A_559 : vector<16xf32>
      %add3A_561 = arith.addf %mul3A_555, %mul3A_560 : vector<16xf32>
      %swap3A_562 = arith.index_cast %scan3A_144 : i32 to index
      %swap3A_563 = arith.constant 400 : index
      %swap3A_564 = tpu.vector_load %arg8[%swap3A_562, %swap3A_563] {strides = array<i32>} : memref<64x768xf32, #tpu.memory_space<vmem>>, vector<1x16xf32>,
      %swap3A_565 = vector.shape_cast %swap3A_564 : vector<1x16xf32> to vector<16xf32>
      %swap3A_566 = vector.shape_cast %add3A_561 : vector<16xf32> to vector<1x16xf32>
      tpu.vector_store %arg8[%swap3A_562, %swap3A_563], %swap3A_566 {strides = array<i32>} : memref<64x768xf32, #tpu.memory_space<vmem>>, vector<1x16xf32>,
      %get3A_567 = arith.index_cast %scan3A_144 : i32 to index
      %get3A_568 = arith.constant 416 : index
      %get3A_569 = tpu.vector_load %arg8[%get3A_567, %get3A_568] {strides = array<i32>} : memref<64x768xf32, #tpu.memory_space<vmem>>, vector<1x16xf32>,
      %get3A_570 = vector.shape_cast %get3A_569 : vector<1x16xf32> to vector<16xf32>
      %mul3A_571 = arith.mulf %get3A_147, %get3A_570 : vector<16xf32>
      %get3A_572 = arith.index_cast %scan3A_144 : i32 to index
      %get3A_573 = arith.constant 416 : index
      %get3A_574 = tpu.vector_load %arg9[%get3A_572, %get3A_573] {strides = array<i32>} : memref<64x768xf32, #tpu.memory_space<vmem>>, vector<1x16xf32>,
      %get3A_575 = vector.shape_cast %get3A_574 : vector<1x16xf32> to vector<16xf32>
      %mul3A_576 = arith.mulf %get3A_151, %get3A_575 : vector<16xf32>
      %add3A_577 = arith.addf %mul3A_571, %mul3A_576 : vector<16xf32>
      %swap3A_578 = arith.index_cast %scan3A_144 : i32 to index
      %swap3A_579 = arith.constant 416 : index
      %swap3A_580 = tpu.vector_load %arg8[%swap3A_578, %swap3A_579] {strides = array<i32>} : memref<64x768xf32, #tpu.memory_space<vmem>>, vector<1x16xf32>,
      %swap3A_581 = vector.shape_cast %swap3A_580 : vector<1x16xf32> to vector<16xf32>
      %swap3A_582 = vector.shape_cast %add3A_577 : vector<16xf32> to vector<1x16xf32>
      tpu.vector_store %arg8[%swap3A_578, %swap3A_579], %swap3A_582 {strides = array<i32>} : memref<64x768xf32, #tpu.memory_space<vmem>>, vector<1x16xf32>,
      %get3A_583 = arith.index_cast %scan3A_144 : i32 to index
      %get3A_584 = arith.constant 432 : index
      %get3A_585 = tpu.vector_load %arg8[%get3A_583, %get3A_584] {strides = array<i32>} : memref<64x768xf32, #tpu.memory_space<vmem>>, vector<1x16xf32>,
      %get3A_586 = vector.shape_cast %get3A_585 : vector<1x16xf32> to vector<16xf32>
      %mul3A_587 = arith.mulf %get3A_147, %get3A_586 : vector<16xf32>
      %get3A_588 = arith.index_cast %scan3A_144 : i32 to index
      %get3A_589 = arith.constant 432 : index
      %get3A_590 = tpu.vector_load %arg9[%get3A_588, %get3A_589] {strides = array<i32>} : memref<64x768xf32, #tpu.memory_space<vmem>>, vector<1x16xf32>,
      %get3A_591 = vector.shape_cast %get3A_590 : vector<1x16xf32> to vector<16xf32>
      %mul3A_592 = arith.mulf %get3A_151, %get3A_591 : vector<16xf32>
      %add3A_593 = arith.addf %mul3A_587, %mul3A_592 : vector<16xf32>
      %swap3A_594 = arith.index_cast %scan3A_144 : i32 to index
      %swap3A_595 = arith.constant 432 : index
      %swap3A_596 = tpu.vector_load %arg8[%swap3A_594, %swap3A_595] {strides = array<i32>} : memref<64x768xf32, #tpu.memory_space<vmem>>, vector<1x16xf32>,
      %swap3A_597 = vector.shape_cast %swap3A_596 : vector<1x16xf32> to vector<16xf32>
      %swap3A_598 = vector.shape_cast %add3A_593 : vector<16xf32> to vector<1x16xf32>
      tpu.vector_store %arg8[%swap3A_594, %swap3A_595], %swap3A_598 {strides = array<i32>} : memref<64x768xf32, #tpu.memory_space<vmem>>, vector<1x16xf32>,
      %get3A_599 = arith.index_cast %scan3A_144 : i32 to index
      %get3A_600 = arith.constant 448 : index
      %get3A_601 = tpu.vector_load %arg8[%get3A_599, %get3A_600] {strides = array<i32>} : memref<64x768xf32, #tpu.memory_space<vmem>>, vector<1x16xf32>,
      %get3A_602 = vector.shape_cast %get3A_601 : vector<1x16xf32> to vector<16xf32>
      %mul3A_603 = arith.mulf %get3A_147, %get3A_602 : vector<16xf32>
      %get3A_604 = arith.index_cast %scan3A_144 : i32 to index
      %get3A_605 = arith.constant 448 : index
      %get3A_606 = tpu.vector_load %arg9[%get3A_604, %get3A_605] {strides = array<i32>} : memref<64x768xf32, #tpu.memory_space<vmem>>, vector<1x16xf32>,
      %get3A_607 = vector.shape_cast %get3A_606 : vector<1x16xf32> to vector<16xf32>
      %mul3A_608 = arith.mulf %get3A_151, %get3A_607 : vector<16xf32>
      %add3A_609 = arith.addf %mul3A_603, %mul3A_608 : vector<16xf32>
      %swap3A_610 = arith.index_cast %scan3A_144 : i32 to index
      %swap3A_611 = arith.constant 448 : index
      %swap3A_612 = tpu.vector_load %arg8[%swap3A_610, %swap3A_611] {strides = array<i32>} : memref<64x768xf32, #tpu.memory_space<vmem>>, vector<1x16xf32>,
      %swap3A_613 = vector.shape_cast %swap3A_612 : vector<1x16xf32> to vector<16xf32>
      %swap3A_614 = vector.shape_cast %add3A_609 : vector<16xf32> to vector<1x16xf32>
      tpu.vector_store %arg8[%swap3A_610, %swap3A_611], %swap3A_614 {strides = array<i32>} : memref<64x768xf32, #tpu.memory_space<vmem>>, vector<1x16xf32>,
      %get3A_615 = arith.index_cast %scan3A_144 : i32 to index
      %get3A_616 = arith.constant 464 : index
      %get3A_617 = tpu.vector_load %arg8[%get3A_615, %get3A_616] {strides = array<i32>} : memref<64x768xf32, #tpu.memory_space<vmem>>, vector<1x16xf32>,
      %get3A_618 = vector.shape_cast %get3A_617 : vector<1x16xf32> to vector<16xf32>
      %mul3A_619 = arith.mulf %get3A_147, %get3A_618 : vector<16xf32>
      %get3A_620 = arith.index_cast %scan3A_144 : i32 to index
      %get3A_621 = arith.constant 464 : index
      %get3A_622 = tpu.vector_load %arg9[%get3A_620, %get3A_621] {strides = array<i32>} : memref<64x768xf32, #tpu.memory_space<vmem>>, vector<1x16xf32>,
      %get3A_623 = vector.shape_cast %get3A_622 : vector<1x16xf32> to vector<16xf32>
      %mul3A_624 = arith.mulf %get3A_151, %get3A_623 : vector<16xf32>
      %add3A_625 = arith.addf %mul3A_619, %mul3A_624 : vector<16xf32>
      %swap3A_626 = arith.index_cast %scan3A_144 : i32 to index
      %swap3A_627 = arith.constant 464 : index
      %swap3A_628 = tpu.vector_load %arg8[%swap3A_626, %swap3A_627] {strides = array<i32>} : memref<64x768xf32, #tpu.memory_space<vmem>>, vector<1x16xf32>,
      %swap3A_629 = vector.shape_cast %swap3A_628 : vector<1x16xf32> to vector<16xf32>
      %swap3A_630 = vector.shape_cast %add3A_625 : vector<16xf32> to vector<1x16xf32>
      tpu.vector_store %arg8[%swap3A_626, %swap3A_627], %swap3A_630 {strides = array<i32>} : memref<64x768xf32, #tpu.memory_space<vmem>>, vector<1x16xf32>,
      %get3A_631 = arith.index_cast %scan3A_144 : i32 to index
      %get3A_632 = arith.constant 480 : index
      %get3A_633 = tpu.vector_load %arg8[%get3A_631, %get3A_632] {strides = array<i32>} : memref<64x768xf32, #tpu.memory_space<vmem>>, vector<1x16xf32>,
      %get3A_634 = vector.shape_cast %get3A_633 : vector<1x16xf32> to vector<16xf32>
      %mul3A_635 = arith.mulf %get3A_147, %get3A_634 : vector<16xf32>
      %get3A_636 = arith.index_cast %scan3A_144 : i32 to index
      %get3A_637 = arith.constant 480 : index
      %get3A_638 = tpu.vector_load %arg9[%get3A_636, %get3A_637] {strides = array<i32>} : memref<64x768xf32, #tpu.memory_space<vmem>>, vector<1x16xf32>,
      %get3A_639 = vector.shape_cast %get3A_638 : vector<1x16xf32> to vector<16xf32>
      %mul3A_640 = arith.mulf %get3A_151, %get3A_639 : vector<16xf32>
      %add3A_641 = arith.addf %mul3A_635, %mul3A_640 : vector<16xf32>
      %swap3A_642 = arith.index_cast %scan3A_144 : i32 to index
      %swap3A_643 = arith.constant 480 : index
      %swap3A_644 = tpu.vector_load %arg8[%swap3A_642, %swap3A_643] {strides = array<i32>} : memref<64x768xf32, #tpu.memory_space<vmem>>, vector<1x16xf32>,
      %swap3A_645 = vector.shape_cast %swap3A_644 : vector<1x16xf32> to vector<16xf32>
      %swap3A_646 = vector.shape_cast %add3A_641 : vector<16xf32> to vector<1x16xf32>
      tpu.vector_store %arg8[%swap3A_642, %swap3A_643], %swap3A_646 {strides = array<i32>} : memref<64x768xf32, #tpu.memory_space<vmem>>, vector<1x16xf32>,
      %get3A_647 = arith.index_cast %scan3A_144 : i32 to index
      %get3A_648 = arith.constant 496 : index
      %get3A_649 = tpu.vector_load %arg8[%get3A_647, %get3A_648] {strides = array<i32>} : memref<64x768xf32, #tpu.memory_space<vmem>>, vector<1x16xf32>,
      %get3A_650 = vector.shape_cast %get3A_649 : vector<1x16xf32> to vector<16xf32>
      %mul3A_651 = arith.mulf %get3A_147, %get3A_650 : vector<16xf32>
      %get3A_652 = arith.index_cast %scan3A_144 : i32 to index
      %get3A_653 = arith.constant 496 : index
      %get3A_654 = tpu.vector_load %arg9[%get3A_652, %get3A_653] {strides = array<i32>} : memref<64x768xf32, #tpu.memory_space<vmem>>, vector<1x16xf32>,
      %get3A_655 = vector.shape_cast %get3A_654 : vector<1x16xf32> to vector<16xf32>
      %mul3A_656 = arith.mulf %get3A_151, %get3A_655 : vector<16xf32>
      %add3A_657 = arith.addf %mul3A_651, %mul3A_656 : vector<16xf32>
      %swap3A_658 = arith.index_cast %scan3A_144 : i32 to index
      %swap3A_659 = arith.constant 496 : index
      %swap3A_660 = tpu.vector_load %arg8[%swap3A_658, %swap3A_659] {strides = array<i32>} : memref<64x768xf32, #tpu.memory_space<vmem>>, vector<1x16xf32>,
      %swap3A_661 = vector.shape_cast %swap3A_660 : vector<1x16xf32> to vector<16xf32>
      %swap3A_662 = vector.shape_cast %add3A_657 : vector<16xf32> to vector<1x16xf32>
      tpu.vector_store %arg8[%swap3A_658, %swap3A_659], %swap3A_662 {strides = array<i32>} : memref<64x768xf32, #tpu.memory_space<vmem>>, vector<1x16xf32>,
      %get3A_663 = arith.index_cast %scan3A_144 : i32 to index
      %get3A_664 = arith.constant 512 : index
      %get3A_665 = tpu.vector_load %arg8[%get3A_663, %get3A_664] {strides = array<i32>} : memref<64x768xf32, #tpu.memory_space<vmem>>, vector<1x16xf32>,
      %get3A_666 = vector.shape_cast %get3A_665 : vector<1x16xf32> to vector<16xf32>
      %mul3A_667 = arith.mulf %get3A_147, %get3A_666 : vector<16xf32>
      %get3A_668 = arith.index_cast %scan3A_144 : i32 to index
      %get3A_669 = arith.constant 512 : index
      %get3A_670 = tpu.vector_load %arg9[%get3A_668, %get3A_669] {strides = array<i32>} : memref<64x768xf32, #tpu.memory_space<vmem>>, vector<1x16xf32>,
      %get3A_671 = vector.shape_cast %get3A_670 : vector<1x16xf32> to vector<16xf32>
      %mul3A_672 = arith.mulf %get3A_151, %get3A_671 : vector<16xf32>
      %add3A_673 = arith.addf %mul3A_667, %mul3A_672 : vector<16xf32>
      %swap3A_674 = arith.index_cast %scan3A_144 : i32 to index
      %swap3A_675 = arith.constant 512 : index
      %swap3A_676 = tpu.vector_load %arg8[%swap3A_674, %swap3A_675] {strides = array<i32>} : memref<64x768xf32, #tpu.memory_space<vmem>>, vector<1x16xf32>,
      %swap3A_677 = vector.shape_cast %swap3A_676 : vector<1x16xf32> to vector<16xf32>
      %swap3A_678 = vector.shape_cast %add3A_673 : vector<16xf32> to vector<1x16xf32>
      tpu.vector_store %arg8[%swap3A_674, %swap3A_675], %swap3A_678 {strides = array<i32>} : memref<64x768xf32, #tpu.memory_space<vmem>>, vector<1x16xf32>,
      %get3A_679 = arith.index_cast %scan3A_144 : i32 to index
      %get3A_680 = arith.constant 528 : index
      %get3A_681 = tpu.vector_load %arg8[%get3A_679, %get3A_680] {strides = array<i32>} : memref<64x768xf32, #tpu.memory_space<vmem>>, vector<1x16xf32>,
      %get3A_682 = vector.shape_cast %get3A_681 : vector<1x16xf32> to vector<16xf32>
      %mul3A_683 = arith.mulf %get3A_147, %get3A_682 : vector<16xf32>
      %get3A_684 = arith.index_cast %scan3A_144 : i32 to index
      %get3A_685 = arith.constant 528 : index
      %get3A_686 = tpu.vector_load %arg9[%get3A_684, %get3A_685] {strides = array<i32>} : memref<64x768xf32, #tpu.memory_space<vmem>>, vector<1x16xf32>,
      %get3A_687 = vector.shape_cast %get3A_686 : vector<1x16xf32> to vector<16xf32>
      %mul3A_688 = arith.mulf %get3A_151, %get3A_687 : vector<16xf32>
      %add3A_689 = arith.addf %mul3A_683, %mul3A_688 : vector<16xf32>
      %swap3A_690 = arith.index_cast %scan3A_144 : i32 to index
      %swap3A_691 = arith.constant 528 : index
      %swap3A_692 = tpu.vector_load %arg8[%swap3A_690, %swap3A_691] {strides = array<i32>} : memref<64x768xf32, #tpu.memory_space<vmem>>, vector<1x16xf32>,
      %swap3A_693 = vector.shape_cast %swap3A_692 : vector<1x16xf32> to vector<16xf32>
      %swap3A_694 = vector.shape_cast %add3A_689 : vector<16xf32> to vector<1x16xf32>
      tpu.vector_store %arg8[%swap3A_690, %swap3A_691], %swap3A_694 {strides = array<i32>} : memref<64x768xf32, #tpu.memory_space<vmem>>, vector<1x16xf32>,
      %get3A_695 = arith.index_cast %scan3A_144 : i32 to index
      %get3A_696 = arith.constant 544 : index
      %get3A_697 = tpu.vector_load %arg8[%get3A_695, %get3A_696] {strides = array<i32>} : memref<64x768xf32, #tpu.memory_space<vmem>>, vector<1x16xf32>,
      %get3A_698 = vector.shape_cast %get3A_697 : vector<1x16xf32> to vector<16xf32>
      %mul3A_699 = arith.mulf %get3A_147, %get3A_698 : vector<16xf32>
      %get3A_700 = arith.index_cast %scan3A_144 : i32 to index
      %get3A_701 = arith.constant 544 : index
      %get3A_702 = tpu.vector_load %arg9[%get3A_700, %get3A_701] {strides = array<i32>} : memref<64x768xf32, #tpu.memory_space<vmem>>, vector<1x16xf32>,
      %get3A_703 = vector.shape_cast %get3A_702 : vector<1x16xf32> to vector<16xf32>
      %mul3A_704 = arith.mulf %get3A_151, %get3A_703 : vector<16xf32>
      %add3A_705 = arith.addf %mul3A_699, %mul3A_704 : vector<16xf32>
      %swap3A_706 = arith.index_cast %scan3A_144 : i32 to index
      %swap3A_707 = arith.constant 544 : index
      %swap3A_708 = tpu.vector_load %arg8[%swap3A_706, %swap3A_707] {strides = array<i32>} : memref<64x768xf32, #tpu.memory_space<vmem>>, vector<1x16xf32>,
      %swap3A_709 = vector.shape_cast %swap3A_708 : vector<1x16xf32> to vector<16xf32>
      %swap3A_710 = vector.shape_cast %add3A_705 : vector<16xf32> to vector<1x16xf32>
      tpu.vector_store %arg8[%swap3A_706, %swap3A_707], %swap3A_710 {strides = array<i32>} : memref<64x768xf32, #tpu.memory_space<vmem>>, vector<1x16xf32>,
      %get3A_711 = arith.index_cast %scan3A_144 : i32 to index
      %get3A_712 = arith.constant 560 : index
      %get3A_713 = tpu.vector_load %arg8[%get3A_711, %get3A_712] {strides = array<i32>} : memref<64x768xf32, #tpu.memory_space<vmem>>, vector<1x16xf32>,
      %get3A_714 = vector.shape_cast %get3A_713 : vector<1x16xf32> to vector<16xf32>
      %mul3A_715 = arith.mulf %get3A_147, %get3A_714 : vector<16xf32>
      %get3A_716 = arith.index_cast %scan3A_144 : i32 to index
      %get3A_717 = arith.constant 560 : index
      %get3A_718 = tpu.vector_load %arg9[%get3A_716, %get3A_717] {strides = array<i32>} : memref<64x768xf32, #tpu.memory_space<vmem>>, vector<1x16xf32>,
      %get3A_719 = vector.shape_cast %get3A_718 : vector<1x16xf32> to vector<16xf32>
      %mul3A_720 = arith.mulf %get3A_151, %get3A_719 : vector<16xf32>
      %add3A_721 = arith.addf %mul3A_715, %mul3A_720 : vector<16xf32>
      %swap3A_722 = arith.index_cast %scan3A_144 : i32 to index
      %swap3A_723 = arith.constant 560 : index
      %swap3A_724 = tpu.vector_load %arg8[%swap3A_722, %swap3A_723] {strides = array<i32>} : memref<64x768xf32, #tpu.memory_space<vmem>>, vector<1x16xf32>,
      %swap3A_725 = vector.shape_cast %swap3A_724 : vector<1x16xf32> to vector<16xf32>
      %swap3A_726 = vector.shape_cast %add3A_721 : vector<16xf32> to vector<1x16xf32>
      tpu.vector_store %arg8[%swap3A_722, %swap3A_723], %swap3A_726 {strides = array<i32>} : memref<64x768xf32, #tpu.memory_space<vmem>>, vector<1x16xf32>,
      %get3A_727 = arith.index_cast %scan3A_144 : i32 to index
      %get3A_728 = arith.constant 576 : index
      %get3A_729 = tpu.vector_load %arg8[%get3A_727, %get3A_728] {strides = array<i32>} : memref<64x768xf32, #tpu.memory_space<vmem>>, vector<1x16xf32>,
      %get3A_730 = vector.shape_cast %get3A_729 : vector<1x16xf32> to vector<16xf32>
      %mul3A_731 = arith.mulf %get3A_147, %get3A_730 : vector<16xf32>
      %get3A_732 = arith.index_cast %scan3A_144 : i32 to index
      %get3A_733 = arith.constant 576 : index
      %get3A_734 = tpu.vector_load %arg9[%get3A_732, %get3A_733] {strides = array<i32>} : memref<64x768xf32, #tpu.memory_space<vmem>>, vector<1x16xf32>,
      %get3A_735 = vector.shape_cast %get3A_734 : vector<1x16xf32> to vector<16xf32>
      %mul3A_736 = arith.mulf %get3A_151, %get3A_735 : vector<16xf32>
      %add3A_737 = arith.addf %mul3A_731, %mul3A_736 : vector<16xf32>
      %swap3A_738 = arith.index_cast %scan3A_144 : i32 to index
      %swap3A_739 = arith.constant 576 : index
      %swap3A_740 = tpu.vector_load %arg8[%swap3A_738, %swap3A_739] {strides = array<i32>} : memref<64x768xf32, #tpu.memory_space<vmem>>, vector<1x16xf32>,
      %swap3A_741 = vector.shape_cast %swap3A_740 : vector<1x16xf32> to vector<16xf32>
      %swap3A_742 = vector.shape_cast %add3A_737 : vector<16xf32> to vector<1x16xf32>
      tpu.vector_store %arg8[%swap3A_738, %swap3A_739], %swap3A_742 {strides = array<i32>} : memref<64x768xf32, #tpu.memory_space<vmem>>, vector<1x16xf32>,
      %get3A_743 = arith.index_cast %scan3A_144 : i32 to index
      %get3A_744 = arith.constant 592 : index
      %get3A_745 = tpu.vector_load %arg8[%get3A_743, %get3A_744] {strides = array<i32>} : memref<64x768xf32, #tpu.memory_space<vmem>>, vector<1x16xf32>,
      %get3A_746 = vector.shape_cast %get3A_745 : vector<1x16xf32> to vector<16xf32>
      %mul3A_747 = arith.mulf %get3A_147, %get3A_746 : vector<16xf32>
      %get3A_748 = arith.index_cast %scan3A_144 : i32 to index
      %get3A_749 = arith.constant 592 : index
      %get3A_750 = tpu.vector_load %arg9[%get3A_748, %get3A_749] {strides = array<i32>} : memref<64x768xf32, #tpu.memory_space<vmem>>, vector<1x16xf32>,
      %get3A_751 = vector.shape_cast %get3A_750 : vector<1x16xf32> to vector<16xf32>
      %mul3A_752 = arith.mulf %get3A_151, %get3A_751 : vector<16xf32>
      %add3A_753 = arith.addf %mul3A_747, %mul3A_752 : vector<16xf32>
      %swap3A_754 = arith.index_cast %scan3A_144 : i32 to index
      %swap3A_755 = arith.constant 592 : index
      %swap3A_756 = tpu.vector_load %arg8[%swap3A_754, %swap3A_755] {strides = array<i32>} : memref<64x768xf32, #tpu.memory_space<vmem>>, vector<1x16xf32>,
      %swap3A_757 = vector.shape_cast %swap3A_756 : vector<1x16xf32> to vector<16xf32>
      %swap3A_758 = vector.shape_cast %add3A_753 : vector<16xf32> to vector<1x16xf32>
      tpu.vector_store %arg8[%swap3A_754, %swap3A_755], %swap3A_758 {strides = array<i32>} : memref<64x768xf32, #tpu.memory_space<vmem>>, vector<1x16xf32>,
      %get3A_759 = arith.index_cast %scan3A_144 : i32 to index
      %get3A_760 = arith.constant 608 : index
      %get3A_761 = tpu.vector_load %arg8[%get3A_759, %get3A_760] {strides = array<i32>} : memref<64x768xf32, #tpu.memory_space<vmem>>, vector<1x16xf32>,
      %get3A_762 = vector.shape_cast %get3A_761 : vector<1x16xf32> to vector<16xf32>
      %mul3A_763 = arith.mulf %get3A_147, %get3A_762 : vector<16xf32>
      %get3A_764 = arith.index_cast %scan3A_144 : i32 to index
      %get3A_765 = arith.constant 608 : index
      %get3A_766 = tpu.vector_load %arg9[%get3A_764, %get3A_765] {strides = array<i32>} : memref<64x768xf32, #tpu.memory_space<vmem>>, vector<1x16xf32>,
      %get3A_767 = vector.shape_cast %get3A_766 : vector<1x16xf32> to vector<16xf32>
      %mul3A_768 = arith.mulf %get3A_151, %get3A_767 : vector<16xf32>
      %add3A_769 = arith.addf %mul3A_763, %mul3A_768 : vector<16xf32>
      %swap3A_770 = arith.index_cast %scan3A_144 : i32 to index
      %swap3A_771 = arith.constant 608 : index
      %swap3A_772 = tpu.vector_load %arg8[%swap3A_770, %swap3A_771] {strides = array<i32>} : memref<64x768xf32, #tpu.memory_space<vmem>>, vector<1x16xf32>,
      %swap3A_773 = vector.shape_cast %swap3A_772 : vector<1x16xf32> to vector<16xf32>
      %swap3A_774 = vector.shape_cast %add3A_769 : vector<16xf32> to vector<1x16xf32>
      tpu.vector_store %arg8[%swap3A_770, %swap3A_771], %swap3A_774 {strides = array<i32>} : memref<64x768xf32, #tpu.memory_space<vmem>>, vector<1x16xf32>,
      %get3A_775 = arith.index_cast %scan3A_144 : i32 to index
      %get3A_776 = arith.constant 624 : index
      %get3A_777 = tpu.vector_load %arg8[%get3A_775, %get3A_776] {strides = array<i32>} : memref<64x768xf32, #tpu.memory_space<vmem>>, vector<1x16xf32>,
      %get3A_778 = vector.shape_cast %get3A_777 : vector<1x16xf32> to vector<16xf32>
      %mul3A_779 = arith.mulf %get3A_147, %get3A_778 : vector<16xf32>
      %get3A_780 = arith.index_cast %scan3A_144 : i32 to index
      %get3A_781 = arith.constant 624 : index
      %get3A_782 = tpu.vector_load %arg9[%get3A_780, %get3A_781] {strides = array<i32>} : memref<64x768xf32, #tpu.memory_space<vmem>>, vector<1x16xf32>,
      %get3A_783 = vector.shape_cast %get3A_782 : vector<1x16xf32> to vector<16xf32>
      %mul3A_784 = arith.mulf %get3A_151, %get3A_783 : vector<16xf32>
      %add3A_785 = arith.addf %mul3A_779, %mul3A_784 : vector<16xf32>
      %swap3A_786 = arith.index_cast %scan3A_144 : i32 to index
      %swap3A_787 = arith.constant 624 : index
      %swap3A_788 = tpu.vector_load %arg8[%swap3A_786, %swap3A_787] {strides = array<i32>} : memref<64x768xf32, #tpu.memory_space<vmem>>, vector<1x16xf32>,
      %swap3A_789 = vector.shape_cast %swap3A_788 : vector<1x16xf32> to vector<16xf32>
      %swap3A_790 = vector.shape_cast %add3A_785 : vector<16xf32> to vector<1x16xf32>
      tpu.vector_store %arg8[%swap3A_786, %swap3A_787], %swap3A_790 {strides = array<i32>} : memref<64x768xf32, #tpu.memory_space<vmem>>, vector<1x16xf32>,
      %get3A_791 = arith.index_cast %scan3A_144 : i32 to index
      %get3A_792 = arith.constant 640 : index
      %get3A_793 = tpu.vector_load %arg8[%get3A_791, %get3A_792] {strides = array<i32>} : memref<64x768xf32, #tpu.memory_space<vmem>>, vector<1x16xf32>,
      %get3A_794 = vector.shape_cast %get3A_793 : vector<1x16xf32> to vector<16xf32>
      %mul3A_795 = arith.mulf %get3A_147, %get3A_794 : vector<16xf32>
      %get3A_796 = arith.index_cast %scan3A_144 : i32 to index
      %get3A_797 = arith.constant 640 : index
      %get3A_798 = tpu.vector_load %arg9[%get3A_796, %get3A_797] {strides = array<i32>} : memref<64x768xf32, #tpu.memory_space<vmem>>, vector<1x16xf32>,
      %get3A_799 = vector.shape_cast %get3A_798 : vector<1x16xf32> to vector<16xf32>
      %mul3A_800 = arith.mulf %get3A_151, %get3A_799 : vector<16xf32>
      %add3A_801 = arith.addf %mul3A_795, %mul3A_800 : vector<16xf32>
      %swap3A_802 = arith.index_cast %scan3A_144 : i32 to index
      %swap3A_803 = arith.constant 640 : index
      %swap3A_804 = tpu.vector_load %arg8[%swap3A_802, %swap3A_803] {strides = array<i32>} : memref<64x768xf32, #tpu.memory_space<vmem>>, vector<1x16xf32>,
      %swap3A_805 = vector.shape_cast %swap3A_804 : vector<1x16xf32> to vector<16xf32>
      %swap3A_806 = vector.shape_cast %add3A_801 : vector<16xf32> to vector<1x16xf32>
      tpu.vector_store %arg8[%swap3A_802, %swap3A_803], %swap3A_806 {strides = array<i32>} : memref<64x768xf32, #tpu.memory_space<vmem>>, vector<1x16xf32>,
      %get3A_807 = arith.index_cast %scan3A_144 : i32 to index
      %get3A_808 = arith.constant 656 : index
      %get3A_809 = tpu.vector_load %arg8[%get3A_807, %get3A_808] {strides = array<i32>} : memref<64x768xf32, #tpu.memory_space<vmem>>, vector<1x16xf32>,
      %get3A_810 = vector.shape_cast %get3A_809 : vector<1x16xf32> to vector<16xf32>
      %mul3A_811 = arith.mulf %get3A_147, %get3A_810 : vector<16xf32>
      %get3A_812 = arith.index_cast %scan3A_144 : i32 to index
      %get3A_813 = arith.constant 656 : index
      %get3A_814 = tpu.vector_load %arg9[%get3A_812, %get3A_813] {strides = array<i32>} : memref<64x768xf32, #tpu.memory_space<vmem>>, vector<1x16xf32>,
      %get3A_815 = vector.shape_cast %get3A_814 : vector<1x16xf32> to vector<16xf32>
      %mul3A_816 = arith.mulf %get3A_151, %get3A_815 : vector<16xf32>
      %add3A_817 = arith.addf %mul3A_811, %mul3A_816 : vector<16xf32>
      %swap3A_818 = arith.index_cast %scan3A_144 : i32 to index
      %swap3A_819 = arith.constant 656 : index
      %swap3A_820 = tpu.vector_load %arg8[%swap3A_818, %swap3A_819] {strides = array<i32>} : memref<64x768xf32, #tpu.memory_space<vmem>>, vector<1x16xf32>,
      %swap3A_821 = vector.shape_cast %swap3A_820 : vector<1x16xf32> to vector<16xf32>
      %swap3A_822 = vector.shape_cast %add3A_817 : vector<16xf32> to vector<1x16xf32>
      tpu.vector_store %arg8[%swap3A_818, %swap3A_819], %swap3A_822 {strides = array<i32>} : memref<64x768xf32, #tpu.memory_space<vmem>>, vector<1x16xf32>,
      %get3A_823 = arith.index_cast %scan3A_144 : i32 to index
      %get3A_824 = arith.constant 672 : index
      %get3A_825 = tpu.vector_load %arg8[%get3A_823, %get3A_824] {strides = array<i32>} : memref<64x768xf32, #tpu.memory_space<vmem>>, vector<1x16xf32>,
      %get3A_826 = vector.shape_cast %get3A_825 : vector<1x16xf32> to vector<16xf32>
      %mul3A_827 = arith.mulf %get3A_147, %get3A_826 : vector<16xf32>
      %get3A_828 = arith.index_cast %scan3A_144 : i32 to index
      %get3A_829 = arith.constant 672 : index
      %get3A_830 = tpu.vector_load %arg9[%get3A_828, %get3A_829] {strides = array<i32>} : memref<64x768xf32, #tpu.memory_space<vmem>>, vector<1x16xf32>,
      %get3A_831 = vector.shape_cast %get3A_830 : vector<1x16xf32> to vector<16xf32>
      %mul3A_832 = arith.mulf %get3A_151, %get3A_831 : vector<16xf32>
      %add3A_833 = arith.addf %mul3A_827, %mul3A_832 : vector<16xf32>
      %swap3A_834 = arith.index_cast %scan3A_144 : i32 to index
      %swap3A_835 = arith.constant 672 : index
      %swap3A_836 = tpu.vector_load %arg8[%swap3A_834, %swap3A_835] {strides = array<i32>} : memref<64x768xf32, #tpu.memory_space<vmem>>, vector<1x16xf32>,
      %swap3A_837 = vector.shape_cast %swap3A_836 : vector<1x16xf32> to vector<16xf32>
      %swap3A_838 = vector.shape_cast %add3A_833 : vector<16xf32> to vector<1x16xf32>
      tpu.vector_store %arg8[%swap3A_834, %swap3A_835], %swap3A_838 {strides = array<i32>} : memref<64x768xf32, #tpu.memory_space<vmem>>, vector<1x16xf32>,
      %get3A_839 = arith.index_cast %scan3A_144 : i32 to index
      %get3A_840 = arith.constant 688 : index
      %get3A_841 = tpu.vector_load %arg8[%get3A_839, %get3A_840] {strides = array<i32>} : memref<64x768xf32, #tpu.memory_space<vmem>>, vector<1x16xf32>,
      %get3A_842 = vector.shape_cast %get3A_841 : vector<1x16xf32> to vector<16xf32>
      %mul3A_843 = arith.mulf %get3A_147, %get3A_842 : vector<16xf32>
      %get3A_844 = arith.index_cast %scan3A_144 : i32 to index
      %get3A_845 = arith.constant 688 : index
      %get3A_846 = tpu.vector_load %arg9[%get3A_844, %get3A_845] {strides = array<i32>} : memref<64x768xf32, #tpu.memory_space<vmem>>, vector<1x16xf32>,
      %get3A_847 = vector.shape_cast %get3A_846 : vector<1x16xf32> to vector<16xf32>
      %mul3A_848 = arith.mulf %get3A_151, %get3A_847 : vector<16xf32>
      %add3A_849 = arith.addf %mul3A_843, %mul3A_848 : vector<16xf32>
      %swap3A_850 = arith.index_cast %scan3A_144 : i32 to index
      %swap3A_851 = arith.constant 688 : index
      %swap3A_852 = tpu.vector_load %arg8[%swap3A_850, %swap3A_851] {strides = array<i32>} : memref<64x768xf32, #tpu.memory_space<vmem>>, vector<1x16xf32>,
      %swap3A_853 = vector.shape_cast %swap3A_852 : vector<1x16xf32> to vector<16xf32>
      %swap3A_854 = vector.shape_cast %add3A_849 : vector<16xf32> to vector<1x16xf32>
      tpu.vector_store %arg8[%swap3A_850, %swap3A_851], %swap3A_854 {strides = array<i32>} : memref<64x768xf32, #tpu.memory_space<vmem>>, vector<1x16xf32>,
      %get3A_855 = arith.index_cast %scan3A_144 : i32 to index
      %get3A_856 = arith.constant 704 : index
      %get3A_857 = tpu.vector_load %arg8[%get3A_855, %get3A_856] {strides = array<i32>} : memref<64x768xf32, #tpu.memory_space<vmem>>, vector<1x16xf32>,
      %get3A_858 = vector.shape_cast %get3A_857 : vector<1x16xf32> to vector<16xf32>
      %mul3A_859 = arith.mulf %get3A_147, %get3A_858 : vector<16xf32>
      %get3A_860 = arith.index_cast %scan3A_144 : i32 to index
      %get3A_861 = arith.constant 704 : index
      %get3A_862 = tpu.vector_load %arg9[%get3A_860, %get3A_861] {strides = array<i32>} : memref<64x768xf32, #tpu.memory_space<vmem>>, vector<1x16xf32>,
      %get3A_863 = vector.shape_cast %get3A_862 : vector<1x16xf32> to vector<16xf32>
      %mul3A_864 = arith.mulf %get3A_151, %get3A_863 : vector<16xf32>
      %add3A_865 = arith.addf %mul3A_859, %mul3A_864 : vector<16xf32>
      %swap3A_866 = arith.index_cast %scan3A_144 : i32 to index
      %swap3A_867 = arith.constant 704 : index
      %swap3A_868 = tpu.vector_load %arg8[%swap3A_866, %swap3A_867] {strides = array<i32>} : memref<64x768xf32, #tpu.memory_space<vmem>>, vector<1x16xf32>,
      %swap3A_869 = vector.shape_cast %swap3A_868 : vector<1x16xf32> to vector<16xf32>
      %swap3A_870 = vector.shape_cast %add3A_865 : vector<16xf32> to vector<1x16xf32>
      tpu.vector_store %arg8[%swap3A_866, %swap3A_867], %swap3A_870 {strides = array<i32>} : memref<64x768xf32, #tpu.memory_space<vmem>>, vector<1x16xf32>,
      %get3A_871 = arith.index_cast %scan3A_144 : i32 to index
      %get3A_872 = arith.constant 720 : index
      %get3A_873 = tpu.vector_load %arg8[%get3A_871, %get3A_872] {strides = array<i32>} : memref<64x768xf32, #tpu.memory_space<vmem>>, vector<1x16xf32>,
      %get3A_874 = vector.shape_cast %get3A_873 : vector<1x16xf32> to vector<16xf32>
      %mul3A_875 = arith.mulf %get3A_147, %get3A_874 : vector<16xf32>
      %get3A_876 = arith.index_cast %scan3A_144 : i32 to index
      %get3A_877 = arith.constant 720 : index
      %get3A_878 = tpu.vector_load %arg9[%get3A_876, %get3A_877] {strides = array<i32>} : memref<64x768xf32, #tpu.memory_space<vmem>>, vector<1x16xf32>,
      %get3A_879 = vector.shape_cast %get3A_878 : vector<1x16xf32> to vector<16xf32>
      %mul3A_880 = arith.mulf %get3A_151, %get3A_879 : vector<16xf32>
      %add3A_881 = arith.addf %mul3A_875, %mul3A_880 : vector<16xf32>
      %swap3A_882 = arith.index_cast %scan3A_144 : i32 to index
      %swap3A_883 = arith.constant 720 : index
      %swap3A_884 = tpu.vector_load %arg8[%swap3A_882, %swap3A_883] {strides = array<i32>} : memref<64x768xf32, #tpu.memory_space<vmem>>, vector<1x16xf32>,
      %swap3A_885 = vector.shape_cast %swap3A_884 : vector<1x16xf32> to vector<16xf32>
      %swap3A_886 = vector.shape_cast %add3A_881 : vector<16xf32> to vector<1x16xf32>
      tpu.vector_store %arg8[%swap3A_882, %swap3A_883], %swap3A_886 {strides = array<i32>} : memref<64x768xf32, #tpu.memory_space<vmem>>, vector<1x16xf32>,
      %get3A_887 = arith.index_cast %scan3A_144 : i32 to index
      %get3A_888 = arith.constant 736 : index
      %get3A_889 = tpu.vector_load %arg8[%get3A_887, %get3A_888] {strides = array<i32>} : memref<64x768xf32, #tpu.memory_space<vmem>>, vector<1x16xf32>,
      %get3A_890 = vector.shape_cast %get3A_889 : vector<1x16xf32> to vector<16xf32>
      %mul3A_891 = arith.mulf %get3A_147, %get3A_890 : vector<16xf32>
      %get3A_892 = arith.index_cast %scan3A_144 : i32 to index
      %get3A_893 = arith.constant 736 : index
      %get3A_894 = tpu.vector_load %arg9[%get3A_892, %get3A_893] {strides = array<i32>} : memref<64x768xf32, #tpu.memory_space<vmem>>, vector<1x16xf32>,
      %get3A_895 = vector.shape_cast %get3A_894 : vector<1x16xf32> to vector<16xf32>
      %mul3A_896 = arith.mulf %get3A_151, %get3A_895 : vector<16xf32>
      %add3A_897 = arith.addf %mul3A_891, %mul3A_896 : vector<16xf32>
      %swap3A_898 = arith.index_cast %scan3A_144 : i32 to index
      %swap3A_899 = arith.constant 736 : index
      %swap3A_900 = tpu.vector_load %arg8[%swap3A_898, %swap3A_899] {strides = array<i32>} : memref<64x768xf32, #tpu.memory_space<vmem>>, vector<1x16xf32>,
      %swap3A_901 = vector.shape_cast %swap3A_900 : vector<1x16xf32> to vector<16xf32>
      %swap3A_902 = vector.shape_cast %add3A_897 : vector<16xf32> to vector<1x16xf32>
      tpu.vector_store %arg8[%swap3A_898, %swap3A_899], %swap3A_902 {strides = array<i32>} : memref<64x768xf32, #tpu.memory_space<vmem>>, vector<1x16xf32>,
      %get3A_903 = arith.index_cast %scan3A_144 : i32 to index
      %get3A_904 = arith.constant 752 : index
      %get3A_905 = tpu.vector_load %arg8[%get3A_903, %get3A_904] {strides = array<i32>} : memref<64x768xf32, #tpu.memory_space<vmem>>, vector<1x16xf32>,
      %get3A_906 = vector.shape_cast %get3A_905 : vector<1x16xf32> to vector<16xf32>
      %mul3A_907 = arith.mulf %get3A_147, %get3A_906 : vector<16xf32>
      %get3A_908 = arith.index_cast %scan3A_144 : i32 to index
      %get3A_909 = arith.constant 752 : index
      %get3A_910 = tpu.vector_load %arg9[%get3A_908, %get3A_909] {strides = array<i32>} : memref<64x768xf32, #tpu.memory_space<vmem>>, vector<1x16xf32>,
      %get3A_911 = vector.shape_cast %get3A_910 : vector<1x16xf32> to vector<16xf32>
      %mul3A_912 = arith.mulf %get3A_151, %get3A_911 : vector<16xf32>
      %add3A_913 = arith.addf %mul3A_907, %mul3A_912 : vector<16xf32>
      %swap3A_914 = arith.index_cast %scan3A_144 : i32 to index
      %swap3A_915 = arith.constant 752 : index
      %swap3A_916 = tpu.vector_load %arg8[%swap3A_914, %swap3A_915] {strides = array<i32>} : memref<64x768xf32, #tpu.memory_space<vmem>>, vector<1x16xf32>,
      %swap3A_917 = vector.shape_cast %swap3A_916 : vector<1x16xf32> to vector<16xf32>
      %swap3A_918 = vector.shape_cast %add3A_913 : vector<16xf32> to vector<1x16xf32>
      tpu.vector_store %arg8[%swap3A_914, %swap3A_915], %swap3A_918 {strides = array<i32>} : memref<64x768xf32, #tpu.memory_space<vmem>>, vector<1x16xf32>,
    }
    %scan3A_111 = arith.constant 32 : i32
    %add3A_112 = arith.constant 32 : i32
    %add3A_113 = arith.addi %mul3A_2, %add3A_112 : i32
    %dma_start3A_114 = arith.constant 32 : i32
    %dma_start3A_115 = arith.constant 0 : i32
    %dma_start3A_116 = tpu.memref_slice %arg8[%dma_start3A_114, %dma_start3A_115] : memref<64x768xf32, #tpu.memory_space<vmem>> -> memref<32x768xf32, #tpu.memory_space<vmem>>
    %dma_start3A_117 = arith.constant 0 : i32
    %dma_start3A_118 = tpu.memref_slice %arg7[%add3A_113, %dma_start3A_117] : memref<2048x768xf32, #tpu.memory_space<hbm>> -> memref<32x768xf32, #tpu.memory_space<hbm>>
    %dma_start3A_119 = arith.constant 0 : i32
    %dma_start3A_120 = tpu.memref_slice %arg7[%add3A_113, %dma_start3A_119] : memref<2048x768xf32, #tpu.memory_space<hbm>> -> memref<32x768xf32, #tpu.memory_space<hbm>>
    %dma_start3A_121 = arith.constant 32 : i32
    %dma_start3A_122 = arith.constant 0 : i32
    %dma_start3A_123 = tpu.memref_slice %arg8[%dma_start3A_121, %dma_start3A_122] : memref<64x768xf32, #tpu.memory_space<vmem>> -> memref<32x768xf32, #tpu.memory_space<vmem>>
    tpu.enqueue_dma source(%dma_start3A_123 : memref<32x768xf32, #tpu.memory_space<vmem>>) target(%dma_start3A_120 : memref<32x768xf32, #tpu.memory_space<hbm>>) target_semaphore(%arg17 : memref<!tpu.dma_semaphore, #tpu.memory_space<semaphore_mem>>)
    %dma_wait3A_124 = arith.constant 0 : i32
    %dma_wait3A_125 = arith.constant 0 : i32
    %dma_wait3A_126 = tpu.memref_slice %arg8[%dma_wait3A_124, %dma_wait3A_125] : memref<64x768xf32, #tpu.memory_space<vmem>> -> memref<32x768xf32, #tpu.memory_space<vmem>>
    %dma_wait3A_127 = arith.constant 0 : i32
    %dma_wait3A_128 = tpu.memref_slice %arg7[%add3A_79, %dma_wait3A_127] : memref<2048x768xf32, #tpu.memory_space<hbm>> -> memref<32x768xf32, #tpu.memory_space<hbm>>
    %dma_wait3A_129 = arith.constant 0 : i32
    %dma_wait3A_130 = tpu.memref_slice %arg7[%add3A_79, %dma_wait3A_129] : memref<2048x768xf32, #tpu.memory_space<hbm>> -> memref<32x768xf32, #tpu.memory_space<hbm>>
    %dma_wait3A_131 = arith.constant 0 : i32
    %dma_wait3A_132 = arith.constant 0 : i32
    %dma_wait3A_133 = tpu.memref_slice %arg8[%dma_wait3A_131, %dma_wait3A_132] : memref<64x768xf32, #tpu.memory_space<vmem>> -> memref<32x768xf32, #tpu.memory_space<vmem>>
    tpu.wait_dma2 semaphore(%arg17 : memref<!tpu.dma_semaphore, #tpu.memory_space<semaphore_mem>>) src(%dma_wait3A_133 : memref<32x768xf32, #tpu.memory_space<vmem>>) dst(%dma_wait3A_130 : memref<32x768xf32, #tpu.memory_space<hbm>>)
    %dma_wait3A_134 = arith.constant 32 : i32
    %dma_wait3A_135 = arith.constant 0 : i32
    %dma_wait3A_136 = tpu.memref_slice %arg8[%dma_wait3A_134, %dma_wait3A_135] : memref<64x768xf32, #tpu.memory_space<vmem>> -> memref<32x768xf32, #tpu.memory_space<vmem>>
    %dma_wait3A_137 = arith.constant 0 : i32
    %dma_wait3A_138 = tpu.memref_slice %arg7[%add3A_113, %dma_wait3A_137] : memref<2048x768xf32, #tpu.memory_space<hbm>> -> memref<32x768xf32, #tpu.memory_space<hbm>>
    %dma_wait3A_139 = arith.constant 0 : i32
    %dma_wait3A_140 = tpu.memref_slice %arg7[%add3A_113, %dma_wait3A_139] : memref<2048x768xf32, #tpu.memory_space<hbm>> -> memref<32x768xf32, #tpu.memory_space<hbm>>
    %dma_wait3A_141 = arith.constant 32 : i32
    %dma_wait3A_142 = arith.constant 0 : i32
    %dma_wait3A_143 = tpu.memref_slice %arg8[%dma_wait3A_141, %dma_wait3A_142] : memref<64x768xf32, #tpu.memory_space<vmem>> -> memref<32x768xf32, #tpu.memory_space<vmem>>
    tpu.wait_dma2 semaphore(%arg17 : memref<!tpu.dma_semaphore, #tpu.memory_space<semaphore_mem>>) src(%dma_wait3A_143 : memref<32x768xf32, #tpu.memory_space<vmem>>) dst(%dma_wait3A_140 : memref<32x768xf32, #tpu.memory_space<hbm>>)
    return
  }
}

#map = affine_map<(d0, d1) -> (0, 0)>
#map1 = affine_map<(d0, d1) -> (0)>
module attributes {stable_mosaic.version = 14 : i64} {
  func.func @_build_src_body(%arg0: i32, %arg1: i32, %arg2: memref<2048x128xi32, #tpu.memory_space<hbm>>, %arg3: memref<2048xi32, #tpu.memory_space<hbm>>, %arg4: memref<2048xi32, #tpu.memory_space<hbm>>, %arg5: memref<12288x128xi32, #tpu.memory_space<hbm>>, %arg6: memref<64x128xi32, #tpu.memory_space<vmem>>, %arg7: memref<64xi32, #tpu.memory_space<vmem>>, %arg8: memref<64xi32, #tpu.memory_space<vmem>>, %arg9: memref<!tpu.dma_semaphore, #tpu.memory_space<semaphore_mem>>) attributes {dimension_semantics = [#tpu.dimension_semantics<core_parallel>, #tpu.dimension_semantics<subcore_parallel>], iteration_bounds = array<i64: 2, 16>, scalar_prefetch = 0 : i64, scratch_operands = 4 : i64, tpu.core_type = #tpu.core_type<sc_vector_subcore>, window_params = [{transform_indices = #map}, {transform_indices = #map1}, {transform_indices = #map1}, {transform_indices = #map}]} {
    %mul3A = arith.constant 16 : i32
    %mul3A_0 = arith.muli %arg0, %mul3A : i32
    %add3A = arith.addi %mul3A_0, %arg1 : i32
    %mul3A_1 = arith.constant 64 : i32
    %mul3A_2 = arith.muli %add3A, %mul3A_1 : i32
    %dma_start3A = tpu.memref_slice %arg3[%mul3A_2] : memref<2048xi32, #tpu.memory_space<hbm>> -> memref<64xi32, #tpu.memory_space<hbm>>
    %dma_start3A_3 = tpu.memref_slice %arg3[%mul3A_2] : memref<2048xi32, #tpu.memory_space<hbm>> -> memref<64xi32, #tpu.memory_space<hbm>>
    tpu.enqueue_dma source(%dma_start3A_3 : memref<64xi32, #tpu.memory_space<hbm>>) target(%arg7 : memref<64xi32, #tpu.memory_space<vmem>>) target_semaphore(%arg9 : memref<!tpu.dma_semaphore, #tpu.memory_space<semaphore_mem>>)
    %dma_start3A_4 = tpu.memref_slice %arg4[%mul3A_2] : memref<2048xi32, #tpu.memory_space<hbm>> -> memref<64xi32, #tpu.memory_space<hbm>>
    %dma_start3A_5 = tpu.memref_slice %arg4[%mul3A_2] : memref<2048xi32, #tpu.memory_space<hbm>> -> memref<64xi32, #tpu.memory_space<hbm>>
    tpu.enqueue_dma source(%dma_start3A_5 : memref<64xi32, #tpu.memory_space<hbm>>) target(%arg8 : memref<64xi32, #tpu.memory_space<vmem>>) target_semaphore(%arg9 : memref<!tpu.dma_semaphore, #tpu.memory_space<semaphore_mem>>)
    %dma_start3A_6 = arith.constant 0 : i32
    %dma_start3A_7 = tpu.memref_slice %arg2[%mul3A_2, %dma_start3A_6] : memref<2048x128xi32, #tpu.memory_space<hbm>> -> memref<64x128xi32, #tpu.memory_space<hbm>>
    %dma_start3A_8 = arith.constant 0 : i32
    %dma_start3A_9 = tpu.memref_slice %arg2[%mul3A_2, %dma_start3A_8] : memref<2048x128xi32, #tpu.memory_space<hbm>> -> memref<64x128xi32, #tpu.memory_space<hbm>>
    tpu.enqueue_dma source(%dma_start3A_9 : memref<64x128xi32, #tpu.memory_space<hbm>>) target(%arg6 : memref<64x128xi32, #tpu.memory_space<vmem>>) target_semaphore(%arg9 : memref<!tpu.dma_semaphore, #tpu.memory_space<semaphore_mem>>)
    %dma_wait3A = tpu.memref_slice %arg3[%mul3A_2] : memref<2048xi32, #tpu.memory_space<hbm>> -> memref<64xi32, #tpu.memory_space<hbm>>
    %dma_wait3A_10 = tpu.memref_slice %arg3[%mul3A_2] : memref<2048xi32, #tpu.memory_space<hbm>> -> memref<64xi32, #tpu.memory_space<hbm>>
    tpu.wait_dma2 semaphore(%arg9 : memref<!tpu.dma_semaphore, #tpu.memory_space<semaphore_mem>>) src(%dma_wait3A_10 : memref<64xi32, #tpu.memory_space<hbm>>) dst(%arg7 : memref<64xi32, #tpu.memory_space<vmem>>)
    %dma_wait3A_11 = tpu.memref_slice %arg4[%mul3A_2] : memref<2048xi32, #tpu.memory_space<hbm>> -> memref<64xi32, #tpu.memory_space<hbm>>
    %dma_wait3A_12 = tpu.memref_slice %arg4[%mul3A_2] : memref<2048xi32, #tpu.memory_space<hbm>> -> memref<64xi32, #tpu.memory_space<hbm>>
    tpu.wait_dma2 semaphore(%arg9 : memref<!tpu.dma_semaphore, #tpu.memory_space<semaphore_mem>>) src(%dma_wait3A_12 : memref<64xi32, #tpu.memory_space<hbm>>) dst(%arg8 : memref<64xi32, #tpu.memory_space<vmem>>)
    %dma_wait3A_13 = arith.constant 0 : i32
    %dma_wait3A_14 = tpu.memref_slice %arg2[%mul3A_2, %dma_wait3A_13] : memref<2048x128xi32, #tpu.memory_space<hbm>> -> memref<64x128xi32, #tpu.memory_space<hbm>>
    %dma_wait3A_15 = arith.constant 0 : i32
    %dma_wait3A_16 = tpu.memref_slice %arg2[%mul3A_2, %dma_wait3A_15] : memref<2048x128xi32, #tpu.memory_space<hbm>> -> memref<64x128xi32, #tpu.memory_space<hbm>>
    tpu.wait_dma2 semaphore(%arg9 : memref<!tpu.dma_semaphore, #tpu.memory_space<semaphore_mem>>) src(%dma_wait3A_16 : memref<64x128xi32, #tpu.memory_space<hbm>>) dst(%arg6 : memref<64x128xi32, #tpu.memory_space<vmem>>)
    %dma_start3A_17 = arith.constant 0 : i32
    %dma_start3A_18 = arith.constant 0 : i32
    %dma_start3A_19 = tpu.memref_slice %arg5[%dma_start3A_17, %dma_start3A_18] : memref<12288x128xi32, #tpu.memory_space<hbm>> -> memref<12288x128xi32, #tpu.memory_space<hbm>>
    tpu.enqueue_indirect_dma source(%arg6 : memref<64x128xi32, #tpu.memory_space<vmem>>) target(%dma_start3A_19 : memref<12288x128xi32, #tpu.memory_space<hbm>>) offsets(%arg7 : memref<64xi32, #tpu.memory_space<vmem>>) semaphore(%arg9 : memref<!tpu.dma_semaphore, #tpu.memory_space<semaphore_mem>>)
    %dma_start3A_20 = arith.constant 0 : i32
    %dma_start3A_21 = arith.constant 0 : i32
    %dma_start3A_22 = tpu.memref_slice %arg5[%dma_start3A_20, %dma_start3A_21] : memref<12288x128xi32, #tpu.memory_space<hbm>> -> memref<12288x128xi32, #tpu.memory_space<hbm>>
    tpu.enqueue_indirect_dma source(%arg6 : memref<64x128xi32, #tpu.memory_space<vmem>>) target(%dma_start3A_22 : memref<12288x128xi32, #tpu.memory_space<hbm>>) offsets(%arg8 : memref<64xi32, #tpu.memory_space<vmem>>) semaphore(%arg9 : memref<!tpu.dma_semaphore, #tpu.memory_space<semaphore_mem>>)
    %dma_wait3A_23 = arith.constant 0 : i32
    %dma_wait3A_24 = arith.constant 0 : i32
    %dma_wait3A_25 = tpu.memref_slice %arg5[%dma_wait3A_23, %dma_wait3A_24] : memref<12288x128xi32, #tpu.memory_space<hbm>> -> memref<12288x128xi32, #tpu.memory_space<hbm>>
    tpu.wait_indirect_dma semaphore(%arg9 : memref<!tpu.dma_semaphore, #tpu.memory_space<semaphore_mem>>) src(%arg6 : memref<64x128xi32, #tpu.memory_space<vmem>>) dst(%dma_wait3A_25 : memref<12288x128xi32, #tpu.memory_space<hbm>>)
    %dma_wait3A_26 = arith.constant 0 : i32
    %dma_wait3A_27 = arith.constant 0 : i32
    %dma_wait3A_28 = tpu.memref_slice %arg5[%dma_wait3A_26, %dma_wait3A_27] : memref<12288x128xi32, #tpu.memory_space<hbm>> -> memref<12288x128xi32, #tpu.memory_space<hbm>>
    tpu.wait_indirect_dma semaphore(%arg9 : memref<!tpu.dma_semaphore, #tpu.memory_space<semaphore_mem>>) src(%arg6 : memref<64x128xi32, #tpu.memory_space<vmem>>) dst(%dma_wait3A_28 : memref<12288x128xi32, #tpu.memory_space<hbm>>)
    return
  }
}

module attributes {stable_mosaic.version = 14 : i64} {
  func.func @_router_meta_body(%arg0: memref<2048x768xf32, #tpu.memory_space<vmem>>, %arg1: memref<768x64xf32, #tpu.memory_space<vmem>>, %arg2: memref<2048x64xf32, #tpu.memory_space<vmem>>, %arg3: memref<2048x1xi32, #tpu.memory_space<vmem>>, %arg4: memref<2048x1xi32, #tpu.memory_space<vmem>>, %arg5: memref<2048x128xf32, #tpu.memory_space<vmem>>, %arg6: memref<2048x128xf32, #tpu.memory_space<vmem>>, %arg7: memref<2048x128xi32, #tpu.memory_space<vmem>>, %arg8: memref<128x1xi32, #tpu.memory_space<vmem>>, %arg9: memref<1x1xi32, #tpu.memory_space<vmem>>) attributes {dimension_semantics = [], scalar_prefetch = 0 : i64, scratch_operands = 0 : i64, tpu.core_type = #tpu.core_type<tc>} {
    %get3A = arith.constant 0 : index
    %get3A_0 = arith.constant 0 : index
    %get3A_1 = vector.load %arg0[%get3A, %get3A_0] : memref<2048x768xf32, #tpu.memory_space<vmem>>, vector<2048x768xf32>
    %get3A_2 = arith.constant 0 : index
    %get3A_3 = arith.constant 0 : index
    %get3A_4 = vector.load %arg1[%get3A_2, %get3A_3] : memref<768x64xf32, #tpu.memory_space<vmem>>, vector<768x64xf32>
    %dot_general3A = arith.constant dense<0.000000e+00> : vector<2048x64xf32>
    %dot_general3A_5 = tpu.matmul %get3A_1, %get3A_4, %dot_general3A {dimension_numbers = #tpu.dot_dimension_numbers<[1], [0], [0], [1], [0, 0, 1, 1], [], []>, transpose_lhs_hint = false} : vector<2048x768xf32>, vector<768x64xf32>, vector<2048x64xf32> -> vector<2048x64xf32>
    %swap3A = arith.constant 0 : index
    %swap3A_6 = arith.constant 0 : index
    %swap3A_7 = vector.load %arg2[%swap3A, %swap3A_6] : memref<2048x64xf32, #tpu.memory_space<vmem>>, vector<2048x64xf32>
    tpu.vector_store %arg2[%swap3A, %swap3A_6], %dot_general3A_5 {strides = array<i32>} : memref<2048x64xf32, #tpu.memory_space<vmem>>, vector<2048x64xf32>,
    %iota3A = tpu.iota {dimensions = array<i32: 1>} : vector<2048x64xi32>
    %reduce_max3A = arith.constant dense<0xFF800000> : vector<2048xf32>
    %reduce_max3A_8 = vector.multi_reduction <maximumf>, %dot_general3A_5, %reduce_max3A [1] : vector<2048x64xf32> to vector<2048xf32>
    %broadcast_in_dim3A = vector.shape_cast %reduce_max3A_8 : vector<2048xf32> to vector<2048x1xf32>
    %eq3A = vector.broadcast %broadcast_in_dim3A : vector<2048x1xf32> to vector<2048x64xf32>
    %eq3A_9 = arith.cmpf oeq, %dot_general3A_5, %eq3A : vector<2048x64xf32>
    %jit3A = arith.constant 64 : i32
    %broadcast_in_dim3A_10 = vector.broadcast %jit3A : i32 to vector<2048x64xi32>
    %select_n3A = arith.select %eq3A_9, %iota3A, %broadcast_in_dim3A_10 : vector<2048x64xi1>, vector<2048x64xi32>
    %reduce_min3A = arith.constant dense<2147483647> : vector<2048xi32>
    %reduce_min3A_11 = vector.multi_reduction <minsi>, %select_n3A, %reduce_min3A [1] : vector<2048x64xi32> to vector<2048xi32>
    %broadcast_in_dim3A_12 = vector.shape_cast %reduce_min3A_11 : vector<2048xi32> to vector<2048x1xi32>
    %eq3A_13 = vector.broadcast %broadcast_in_dim3A_12 : vector<2048x1xi32> to vector<2048x64xi32>
    %eq3A_14 = arith.cmpi eq, %iota3A, %eq3A_13 : vector<2048x64xi32>
    %jit3A_15 = arith.constant 0xFF800000 : f32
    %broadcast_in_dim3A_16 = vector.broadcast %jit3A_15 : f32 to vector<2048x64xf32>
    %select_n3A_17 = arith.select %eq3A_14, %broadcast_in_dim3A_16, %dot_general3A_5 : vector<2048x64xi1>, vector<2048x64xf32>
    %reduce_max3A_18 = arith.constant dense<0xFF800000> : vector<2048xf32>
    %reduce_max3A_19 = vector.multi_reduction <maximumf>, %select_n3A_17, %reduce_max3A_18 [1] : vector<2048x64xf32> to vector<2048xf32>
    %broadcast_in_dim3A_20 = vector.shape_cast %reduce_max3A_19 : vector<2048xf32> to vector<2048x1xf32>
    %eq3A_21 = vector.broadcast %broadcast_in_dim3A_20 : vector<2048x1xf32> to vector<2048x64xf32>
    %eq3A_22 = arith.cmpf oeq, %select_n3A_17, %eq3A_21 : vector<2048x64xf32>
    %jit3A_23 = arith.constant 64 : i32
    %broadcast_in_dim3A_24 = vector.broadcast %jit3A_23 : i32 to vector<2048x64xi32>
    %select_n3A_25 = arith.select %eq3A_22, %iota3A, %broadcast_in_dim3A_24 : vector<2048x64xi1>, vector<2048x64xi32>
    %reduce_min3A_26 = arith.constant dense<2147483647> : vector<2048xi32>
    %reduce_min3A_27 = vector.multi_reduction <minsi>, %select_n3A_25, %reduce_min3A_26 [1] : vector<2048x64xi32> to vector<2048xi32>
    %broadcast_in_dim3A_28 = vector.shape_cast %reduce_min3A_27 : vector<2048xi32> to vector<2048x1xi32>
    %sub3A = arith.subf %broadcast_in_dim3A_20, %broadcast_in_dim3A : vector<2048x1xf32>
    %exp3A = math.exp %sub3A : vector<2048x1xf32>
    %add3A = arith.constant 1.000000e+00 : f32
    %add3A_29 = vector.broadcast %add3A : f32 to vector<2048x1xf32>
    %add3A_30 = arith.addf %add3A_29, %exp3A : vector<2048x1xf32>
    %div3A = arith.constant 1.000000e+00 : f32
    %div3A_31 = vector.broadcast %div3A : f32 to vector<2048x1xf32>
    %div3A_32 = arith.divf %div3A_31, %add3A_30 : vector<2048x1xf32>
    %sub3A_33 = arith.constant 1.000000e+00 : f32
    %sub3A_34 = vector.broadcast %sub3A_33 : f32 to vector<2048x1xf32>
    %sub3A_35 = arith.subf %sub3A_34, %div3A_32 : vector<2048x1xf32>
    %broadcast_in_dim3A_36 = vector.shape_cast %div3A_32 : vector<2048x1xf32> to vector<2048x1xf32>
    %broadcast_in_dim3A_37 = vector.broadcast %broadcast_in_dim3A_36 : vector<2048x1xf32> to vector<2048x128xf32>
    %swap3A_38 = arith.constant 0 : index
    %swap3A_39 = arith.constant 0 : index
    %swap3A_40 = vector.load %arg5[%swap3A_38, %swap3A_39] : memref<2048x128xf32, #tpu.memory_space<vmem>>, vector<2048x128xf32>
    tpu.vector_store %arg5[%swap3A_38, %swap3A_39], %broadcast_in_dim3A_37 {strides = array<i32>} : memref<2048x128xf32, #tpu.memory_space<vmem>>, vector<2048x128xf32>,
    %broadcast_in_dim3A_41 = vector.shape_cast %sub3A_35 : vector<2048x1xf32> to vector<2048x1xf32>
    %broadcast_in_dim3A_42 = vector.broadcast %broadcast_in_dim3A_41 : vector<2048x1xf32> to vector<2048x128xf32>
    %swap3A_43 = arith.constant 0 : index
    %swap3A_44 = arith.constant 0 : index
    %swap3A_45 = vector.load %arg6[%swap3A_43, %swap3A_44] : memref<2048x128xf32, #tpu.memory_space<vmem>>, vector<2048x128xf32>
    tpu.vector_store %arg6[%swap3A_43, %swap3A_44], %broadcast_in_dim3A_42 {strides = array<i32>} : memref<2048x128xf32, #tpu.memory_space<vmem>>, vector<2048x128xf32>,
    %iota3A_46 = tpu.iota {dimensions = array<i32: 0>} : vector<2048x1xi32>
    %broadcast_in_dim3A_47 = vector.shape_cast %iota3A_46 : vector<2048x1xi32> to vector<2048x1xi32>
    %broadcast_in_dim3A_48 = vector.broadcast %broadcast_in_dim3A_47 : vector<2048x1xi32> to vector<2048x128xi32>
    %swap3A_49 = arith.constant 0 : index
    %swap3A_50 = arith.constant 0 : index
    %swap3A_51 = vector.load %arg7[%swap3A_49, %swap3A_50] : memref<2048x128xi32, #tpu.memory_space<vmem>>, vector<2048x128xi32>
    tpu.vector_store %arg7[%swap3A_49, %swap3A_50], %broadcast_in_dim3A_48 {strides = array<i32>} : memref<2048x128xi32, #tpu.memory_space<vmem>>, vector<2048x128xi32>,
    %convert_element_type3A = arith.extui %eq3A_14 : vector<2048x64xi1> to vector<2048x64xi32>
    %eq3A_52 = vector.broadcast %broadcast_in_dim3A_28 : vector<2048x1xi32> to vector<2048x64xi32>
    %eq3A_53 = arith.cmpi eq, %iota3A, %eq3A_52 : vector<2048x64xi32>
    %convert_element_type3A_54 = arith.extui %eq3A_53 : vector<2048x64xi1> to vector<2048x64xi32>
    %broadcast_in_dim3A_55 = arith.constant 0 : i32
    %broadcast_in_dim3A_56 = vector.broadcast %broadcast_in_dim3A_55 : i32 to vector<1x64xi32>
    %slice3A = vector.extract_strided_slice %convert_element_type3A {offsets = [0, 0], sizes = [2047, 64], strides = [1, 1]} : vector<2048x64xi32> to vector<2047x64xi32>
    %concatenate3A = tpu.concatenate %broadcast_in_dim3A_56, %slice3A in 0 : vector<1x64xi32>, vector<2047x64xi32> -> vector<2048x64xi32>
    %add3A_57 = arith.addi %convert_element_type3A, %concatenate3A : vector<2048x64xi32>
    %broadcast_in_dim3A_58 = arith.constant 0 : i32
    %broadcast_in_dim3A_59 = vector.broadcast %broadcast_in_dim3A_58 : i32 to vector<2x64xi32>
    %slice3A_60 = vector.extract_strided_slice %add3A_57 {offsets = [0, 0], sizes = [2046, 64], strides = [1, 1]} : vector<2048x64xi32> to vector<2046x64xi32>
    %concatenate3A_61 = tpu.concatenate %broadcast_in_dim3A_59, %slice3A_60 in 0 : vector<2x64xi32>, vector<2046x64xi32> -> vector<2048x64xi32>
    %add3A_62 = arith.addi %add3A_57, %concatenate3A_61 : vector<2048x64xi32>
    %broadcast_in_dim3A_63 = arith.constant 0 : i32
    %broadcast_in_dim3A_64 = vector.broadcast %broadcast_in_dim3A_63 : i32 to vector<4x64xi32>
    %slice3A_65 = vector.extract_strided_slice %add3A_62 {offsets = [0, 0], sizes = [2044, 64], strides = [1, 1]} : vector<2048x64xi32> to vector<2044x64xi32>
    %concatenate3A_66 = tpu.concatenate %broadcast_in_dim3A_64, %slice3A_65 in 0 : vector<4x64xi32>, vector<2044x64xi32> -> vector<2048x64xi32>
    %add3A_67 = arith.addi %add3A_62, %concatenate3A_66 : vector<2048x64xi32>
    %broadcast_in_dim3A_68 = arith.constant 0 : i32
    %broadcast_in_dim3A_69 = vector.broadcast %broadcast_in_dim3A_68 : i32 to vector<8x64xi32>
    %slice3A_70 = vector.extract_strided_slice %add3A_67 {offsets = [0, 0], sizes = [2040, 64], strides = [1, 1]} : vector<2048x64xi32> to vector<2040x64xi32>
    %concatenate3A_71 = tpu.concatenate %broadcast_in_dim3A_69, %slice3A_70 in 0 : vector<8x64xi32>, vector<2040x64xi32> -> vector<2048x64xi32>
    %add3A_72 = arith.addi %add3A_67, %concatenate3A_71 : vector<2048x64xi32>
    %broadcast_in_dim3A_73 = arith.constant 0 : i32
    %broadcast_in_dim3A_74 = vector.broadcast %broadcast_in_dim3A_73 : i32 to vector<16x64xi32>
    %slice3A_75 = vector.extract_strided_slice %add3A_72 {offsets = [0, 0], sizes = [2032, 64], strides = [1, 1]} : vector<2048x64xi32> to vector<2032x64xi32>
    %concatenate3A_76 = tpu.concatenate %broadcast_in_dim3A_74, %slice3A_75 in 0 : vector<16x64xi32>, vector<2032x64xi32> -> vector<2048x64xi32>
    %add3A_77 = arith.addi %add3A_72, %concatenate3A_76 : vector<2048x64xi32>
    %broadcast_in_dim3A_78 = arith.constant 0 : i32
    %broadcast_in_dim3A_79 = vector.broadcast %broadcast_in_dim3A_78 : i32 to vector<32x64xi32>
    %slice3A_80 = vector.extract_strided_slice %add3A_77 {offsets = [0, 0], sizes = [2016, 64], strides = [1, 1]} : vector<2048x64xi32> to vector<2016x64xi32>
    %concatenate3A_81 = tpu.concatenate %broadcast_in_dim3A_79, %slice3A_80 in 0 : vector<32x64xi32>, vector<2016x64xi32> -> vector<2048x64xi32>
    %add3A_82 = arith.addi %add3A_77, %concatenate3A_81 : vector<2048x64xi32>
    %broadcast_in_dim3A_83 = arith.constant 0 : i32
    %broadcast_in_dim3A_84 = vector.broadcast %broadcast_in_dim3A_83 : i32 to vector<64x64xi32>
    %slice3A_85 = vector.extract_strided_slice %add3A_82 {offsets = [0, 0], sizes = [1984, 64], strides = [1, 1]} : vector<2048x64xi32> to vector<1984x64xi32>
    %concatenate3A_86 = tpu.concatenate %broadcast_in_dim3A_84, %slice3A_85 in 0 : vector<64x64xi32>, vector<1984x64xi32> -> vector<2048x64xi32>
    %add3A_87 = arith.addi %add3A_82, %concatenate3A_86 : vector<2048x64xi32>
    %broadcast_in_dim3A_88 = arith.constant 0 : i32
    %broadcast_in_dim3A_89 = vector.broadcast %broadcast_in_dim3A_88 : i32 to vector<128x64xi32>
    %slice3A_90 = vector.extract_strided_slice %add3A_87 {offsets = [0, 0], sizes = [1920, 64], strides = [1, 1]} : vector<2048x64xi32> to vector<1920x64xi32>
    %concatenate3A_91 = tpu.concatenate %broadcast_in_dim3A_89, %slice3A_90 in 0 : vector<128x64xi32>, vector<1920x64xi32> -> vector<2048x64xi32>
    %add3A_92 = arith.addi %add3A_87, %concatenate3A_91 : vector<2048x64xi32>
    %broadcast_in_dim3A_93 = arith.constant 0 : i32
    %broadcast_in_dim3A_94 = vector.broadcast %broadcast_in_dim3A_93 : i32 to vector<256x64xi32>
    %slice3A_95 = vector.extract_strided_slice %add3A_92 {offsets = [0, 0], sizes = [1792, 64], strides = [1, 1]} : vector<2048x64xi32> to vector<1792x64xi32>
    %concatenate3A_96 = tpu.concatenate %broadcast_in_dim3A_94, %slice3A_95 in 0 : vector<256x64xi32>, vector<1792x64xi32> -> vector<2048x64xi32>
    %add3A_97 = arith.addi %add3A_92, %concatenate3A_96 : vector<2048x64xi32>
    %broadcast_in_dim3A_98 = arith.constant 0 : i32
    %broadcast_in_dim3A_99 = vector.broadcast %broadcast_in_dim3A_98 : i32 to vector<512x64xi32>
    %slice3A_100 = vector.extract_strided_slice %add3A_97 {offsets = [0, 0], sizes = [1536, 64], strides = [1, 1]} : vector<2048x64xi32> to vector<1536x64xi32>
    %concatenate3A_101 = tpu.concatenate %broadcast_in_dim3A_99, %slice3A_100 in 0 : vector<512x64xi32>, vector<1536x64xi32> -> vector<2048x64xi32>
    %add3A_102 = arith.addi %add3A_97, %concatenate3A_101 : vector<2048x64xi32>
    %broadcast_in_dim3A_103 = arith.constant 0 : i32
    %broadcast_in_dim3A_104 = vector.broadcast %broadcast_in_dim3A_103 : i32 to vector<1024x64xi32>
    %slice3A_105 = vector.extract_strided_slice %add3A_102 {offsets = [0, 0], sizes = [1024, 64], strides = [1, 1]} : vector<2048x64xi32> to vector<1024x64xi32>
    %concatenate3A_106 = tpu.concatenate %broadcast_in_dim3A_104, %slice3A_105 in 0 : vector<1024x64xi32>, vector<1024x64xi32> -> vector<2048x64xi32>
    %add3A_107 = arith.addi %add3A_102, %concatenate3A_106 : vector<2048x64xi32>
    %broadcast_in_dim3A_108 = arith.constant 0 : i32
    %broadcast_in_dim3A_109 = vector.broadcast %broadcast_in_dim3A_108 : i32 to vector<1x64xi32>
    %slice3A_110 = vector.extract_strided_slice %convert_element_type3A_54 {offsets = [0, 0], sizes = [2047, 64], strides = [1, 1]} : vector<2048x64xi32> to vector<2047x64xi32>
    %concatenate3A_111 = tpu.concatenate %broadcast_in_dim3A_109, %slice3A_110 in 0 : vector<1x64xi32>, vector<2047x64xi32> -> vector<2048x64xi32>
    %add3A_112 = arith.addi %convert_element_type3A_54, %concatenate3A_111 : vector<2048x64xi32>
    %broadcast_in_dim3A_113 = arith.constant 0 : i32
    %broadcast_in_dim3A_114 = vector.broadcast %broadcast_in_dim3A_113 : i32 to vector<2x64xi32>
    %slice3A_115 = vector.extract_strided_slice %add3A_112 {offsets = [0, 0], sizes = [2046, 64], strides = [1, 1]} : vector<2048x64xi32> to vector<2046x64xi32>
    %concatenate3A_116 = tpu.concatenate %broadcast_in_dim3A_114, %slice3A_115 in 0 : vector<2x64xi32>, vector<2046x64xi32> -> vector<2048x64xi32>
    %add3A_117 = arith.addi %add3A_112, %concatenate3A_116 : vector<2048x64xi32>
    %broadcast_in_dim3A_118 = arith.constant 0 : i32
    %broadcast_in_dim3A_119 = vector.broadcast %broadcast_in_dim3A_118 : i32 to vector<4x64xi32>
    %slice3A_120 = vector.extract_strided_slice %add3A_117 {offsets = [0, 0], sizes = [2044, 64], strides = [1, 1]} : vector<2048x64xi32> to vector<2044x64xi32>
    %concatenate3A_121 = tpu.concatenate %broadcast_in_dim3A_119, %slice3A_120 in 0 : vector<4x64xi32>, vector<2044x64xi32> -> vector<2048x64xi32>
    %add3A_122 = arith.addi %add3A_117, %concatenate3A_121 : vector<2048x64xi32>
    %broadcast_in_dim3A_123 = arith.constant 0 : i32
    %broadcast_in_dim3A_124 = vector.broadcast %broadcast_in_dim3A_123 : i32 to vector<8x64xi32>
    %slice3A_125 = vector.extract_strided_slice %add3A_122 {offsets = [0, 0], sizes = [2040, 64], strides = [1, 1]} : vector<2048x64xi32> to vector<2040x64xi32>
    %concatenate3A_126 = tpu.concatenate %broadcast_in_dim3A_124, %slice3A_125 in 0 : vector<8x64xi32>, vector<2040x64xi32> -> vector<2048x64xi32>
    %add3A_127 = arith.addi %add3A_122, %concatenate3A_126 : vector<2048x64xi32>
    %broadcast_in_dim3A_128 = arith.constant 0 : i32
    %broadcast_in_dim3A_129 = vector.broadcast %broadcast_in_dim3A_128 : i32 to vector<16x64xi32>
    %slice3A_130 = vector.extract_strided_slice %add3A_127 {offsets = [0, 0], sizes = [2032, 64], strides = [1, 1]} : vector<2048x64xi32> to vector<2032x64xi32>
    %concatenate3A_131 = tpu.concatenate %broadcast_in_dim3A_129, %slice3A_130 in 0 : vector<16x64xi32>, vector<2032x64xi32> -> vector<2048x64xi32>
    %add3A_132 = arith.addi %add3A_127, %concatenate3A_131 : vector<2048x64xi32>
    %broadcast_in_dim3A_133 = arith.constant 0 : i32
    %broadcast_in_dim3A_134 = vector.broadcast %broadcast_in_dim3A_133 : i32 to vector<32x64xi32>
    %slice3A_135 = vector.extract_strided_slice %add3A_132 {offsets = [0, 0], sizes = [2016, 64], strides = [1, 1]} : vector<2048x64xi32> to vector<2016x64xi32>
    %concatenate3A_136 = tpu.concatenate %broadcast_in_dim3A_134, %slice3A_135 in 0 : vector<32x64xi32>, vector<2016x64xi32> -> vector<2048x64xi32>
    %add3A_137 = arith.addi %add3A_132, %concatenate3A_136 : vector<2048x64xi32>
    %broadcast_in_dim3A_138 = arith.constant 0 : i32
    %broadcast_in_dim3A_139 = vector.broadcast %broadcast_in_dim3A_138 : i32 to vector<64x64xi32>
    %slice3A_140 = vector.extract_strided_slice %add3A_137 {offsets = [0, 0], sizes = [1984, 64], strides = [1, 1]} : vector<2048x64xi32> to vector<1984x64xi32>
    %concatenate3A_141 = tpu.concatenate %broadcast_in_dim3A_139, %slice3A_140 in 0 : vector<64x64xi32>, vector<1984x64xi32> -> vector<2048x64xi32>
    %add3A_142 = arith.addi %add3A_137, %concatenate3A_141 : vector<2048x64xi32>
    %broadcast_in_dim3A_143 = arith.constant 0 : i32
    %broadcast_in_dim3A_144 = vector.broadcast %broadcast_in_dim3A_143 : i32 to vector<128x64xi32>
    %slice3A_145 = vector.extract_strided_slice %add3A_142 {offsets = [0, 0], sizes = [1920, 64], strides = [1, 1]} : vector<2048x64xi32> to vector<1920x64xi32>
    %concatenate3A_146 = tpu.concatenate %broadcast_in_dim3A_144, %slice3A_145 in 0 : vector<128x64xi32>, vector<1920x64xi32> -> vector<2048x64xi32>
    %add3A_147 = arith.addi %add3A_142, %concatenate3A_146 : vector<2048x64xi32>
    %broadcast_in_dim3A_148 = arith.constant 0 : i32
    %broadcast_in_dim3A_149 = vector.broadcast %broadcast_in_dim3A_148 : i32 to vector<256x64xi32>
    %slice3A_150 = vector.extract_strided_slice %add3A_147 {offsets = [0, 0], sizes = [1792, 64], strides = [1, 1]} : vector<2048x64xi32> to vector<1792x64xi32>
    %concatenate3A_151 = tpu.concatenate %broadcast_in_dim3A_149, %slice3A_150 in 0 : vector<256x64xi32>, vector<1792x64xi32> -> vector<2048x64xi32>
    %add3A_152 = arith.addi %add3A_147, %concatenate3A_151 : vector<2048x64xi32>
    %broadcast_in_dim3A_153 = arith.constant 0 : i32
    %broadcast_in_dim3A_154 = vector.broadcast %broadcast_in_dim3A_153 : i32 to vector<512x64xi32>
    %slice3A_155 = vector.extract_strided_slice %add3A_152 {offsets = [0, 0], sizes = [1536, 64], strides = [1, 1]} : vector<2048x64xi32> to vector<1536x64xi32>
    %concatenate3A_156 = tpu.concatenate %broadcast_in_dim3A_154, %slice3A_155 in 0 : vector<512x64xi32>, vector<1536x64xi32> -> vector<2048x64xi32>
    %add3A_157 = arith.addi %add3A_152, %concatenate3A_156 : vector<2048x64xi32>
    %broadcast_in_dim3A_158 = arith.constant 0 : i32
    %broadcast_in_dim3A_159 = vector.broadcast %broadcast_in_dim3A_158 : i32 to vector<1024x64xi32>
    %slice3A_160 = vector.extract_strided_slice %add3A_157 {offsets = [0, 0], sizes = [1024, 64], strides = [1, 1]} : vector<2048x64xi32> to vector<1024x64xi32>
    %concatenate3A_161 = tpu.concatenate %broadcast_in_dim3A_159, %slice3A_160 in 0 : vector<1024x64xi32>, vector<1024x64xi32> -> vector<2048x64xi32>
    %add3A_162 = arith.addi %add3A_157, %concatenate3A_161 : vector<2048x64xi32>
    %reduce_sum3A = arith.constant dense<0> : vector<64xi32>
    %reduce_sum3A_163 = vector.multi_reduction <add>, %convert_element_type3A, %reduce_sum3A [0] : vector<2048x64xi32> to vector<64xi32>
    %broadcast_in_dim3A_164 = vector.shape_cast %reduce_sum3A_163 : vector<64xi32> to vector<1x64xi32>
    %reduce_sum3A_165 = arith.constant dense<0> : vector<64xi32>
    %reduce_sum3A_166 = vector.multi_reduction <add>, %convert_element_type3A_54, %reduce_sum3A_165 [0] : vector<2048x64xi32> to vector<64xi32>
    %broadcast_in_dim3A_167 = vector.shape_cast %reduce_sum3A_166 : vector<64xi32> to vector<1x64xi32>
    %add3A_168 = arith.addi %broadcast_in_dim3A_164, %broadcast_in_dim3A_167 : vector<1x64xi32>
    %mul3A = arith.muli %convert_element_type3A, %add3A_107 : vector<2048x64xi32>
    %reduce_sum3A_169 = arith.constant dense<0> : vector<2048xi32>
    %reduce_sum3A_170 = vector.multi_reduction <add>, %mul3A, %reduce_sum3A_169 [1] : vector<2048x64xi32> to vector<2048xi32>
    %broadcast_in_dim3A_171 = vector.shape_cast %reduce_sum3A_170 : vector<2048xi32> to vector<2048x1xi32>
    %sub3A_172 = arith.constant 1 : i32
    %sub3A_173 = vector.broadcast %sub3A_172 : i32 to vector<2048x1xi32>
    %sub3A_174 = arith.subi %broadcast_in_dim3A_171, %sub3A_173 : vector<2048x1xi32>
    %add3A_175 = vector.broadcast %broadcast_in_dim3A_164 : vector<1x64xi32> to vector<2048x64xi32>
    %add3A_176 = arith.addi %add3A_162, %add3A_175 : vector<2048x64xi32>
    %mul3A_177 = arith.muli %convert_element_type3A_54, %add3A_176 : vector<2048x64xi32>
    %reduce_sum3A_178 = arith.constant dense<0> : vector<2048xi32>
    %reduce_sum3A_179 = vector.multi_reduction <add>, %mul3A_177, %reduce_sum3A_178 [1] : vector<2048x64xi32> to vector<2048xi32>
    %broadcast_in_dim3A_180 = vector.shape_cast %reduce_sum3A_179 : vector<2048xi32> to vector<2048x1xi32>
    %sub3A_181 = arith.constant 1 : i32
    %sub3A_182 = vector.broadcast %sub3A_181 : i32 to vector<2048x1xi32>
    %sub3A_183 = arith.subi %broadcast_in_dim3A_180, %sub3A_182 : vector<2048x1xi32>
    %add3A_184 = arith.constant 127 : i32
    %add3A_185 = vector.broadcast %add3A_184 : i32 to vector<1x64xi32>
    %add3A_186 = arith.addi %add3A_168, %add3A_185 : vector<1x64xi32>
    %jit3A_187 = arith.constant 128 : i32
    %div3A_188 = vector.broadcast %jit3A_187 : i32 to vector<1x64xi32>
    %div3A_189 = arith.divsi %add3A_186, %div3A_188 : vector<1x64xi32>
    %sign3A = arith.constant 0 : i32
    %sign3A_190 = vector.broadcast %sign3A : i32 to vector<1x64xi32>
    %sign3A_191 = arith.cmpi sgt, %add3A_186, %sign3A_190 : vector<1x64xi32>
    %sign3A_192 = arith.extui %sign3A_191 : vector<1x64xi1> to vector<1x64xi32>
    %sign3A_193 = arith.constant 0 : i32
    %sign3A_194 = vector.broadcast %sign3A_193 : i32 to vector<1x64xi32>
    %sign3A_195 = arith.cmpi slt, %add3A_186, %sign3A_194 : vector<1x64xi32>
    %sign3A_196 = arith.extui %sign3A_195 : vector<1x64xi1> to vector<1x64xi32>
    %sign3A_197 = arith.subi %sign3A_192, %sign3A_196 : vector<1x64xi32>
    %sign3A_198 = arith.constant 0 : i32
    %sign3A_199 = arith.cmpi sgt, %jit3A_187, %sign3A_198 : i32
    %sign3A_200 = arith.extui %sign3A_199 : i1 to i32
    %sign3A_201 = arith.constant 0 : i32
    %sign3A_202 = arith.cmpi slt, %jit3A_187, %sign3A_201 : i32
    %sign3A_203 = arith.extui %sign3A_202 : i1 to i32
    %sign3A_204 = arith.subi %sign3A_200, %sign3A_203 : i32
    %ne3A = vector.broadcast %sign3A_204 : i32 to vector<1x64xi32>
    %ne3A_205 = arith.cmpi ne, %sign3A_197, %ne3A : vector<1x64xi32>
    %rem3A = vector.broadcast %jit3A_187 : i32 to vector<1x64xi32>
    %rem3A_206 = arith.remsi %add3A_186, %rem3A : vector<1x64xi32>
    %ne3A_207 = arith.constant 0 : i32
    %ne3A_208 = vector.broadcast %ne3A_207 : i32 to vector<1x64xi32>
    %ne3A_209 = arith.cmpi ne, %rem3A_206, %ne3A_208 : vector<1x64xi32>
    %and3A = arith.andi %ne3A_205, %ne3A_209 : vector<1x64xi1>
    %sub3A_210 = arith.constant 1 : i32
    %sub3A_211 = vector.broadcast %sub3A_210 : i32 to vector<1x64xi32>
    %sub3A_212 = arith.subi %div3A_189, %sub3A_211 : vector<1x64xi32>
    %select_n3A_213 = arith.select %and3A, %sub3A_212, %div3A_189 : vector<1x64xi1>, vector<1x64xi32>
    %iota3A_214 = tpu.iota {dimensions = array<i32: 0>} : vector<64x64xi32>
    %iota3A_215 = tpu.iota {dimensions = array<i32: 1>} : vector<64x64xi32>
    %lt3A = arith.cmpi slt, %iota3A_214, %iota3A_215 : vector<64x64xi32>
    %convert_element_type3A_216 = arith.extui %lt3A : vector<64x64xi1> to vector<64x64xi32>
    %convert_element_type3A_217 = arith.sitofp %convert_element_type3A_216 : vector<64x64xi32> to vector<64x64xf32>
    %convert_element_type3A_218 = arith.sitofp %select_n3A_213 : vector<1x64xi32> to vector<1x64xf32>
    %dot_general3A_219 = arith.constant dense<0.000000e+00> : vector<1x64xf32>
    %dot_general3A_220 = tpu.matmul %convert_element_type3A_218, %convert_element_type3A_217, %dot_general3A_219 {dimension_numbers = #tpu.dot_dimension_numbers<[1], [0], [0], [1], [0, 0, 1, 1], [], []>, transpose_lhs_hint = false} : vector<1x64xf32>, vector<64x64xf32>, vector<1x64xf32> -> vector<1x64xf32>
    %convert_element_type3A_221 = arith.fptosi %dot_general3A_220 : vector<1x64xf32> to vector<1x64xi32>
    %mul3A_222 = arith.constant 128 : i32
    %mul3A_223 = vector.broadcast %mul3A_222 : i32 to vector<1x64xi32>
    %mul3A_224 = arith.muli %convert_element_type3A_221, %mul3A_223 : vector<1x64xi32>
    %mul3A_225 = vector.broadcast %mul3A_224 : vector<1x64xi32> to vector<2048x64xi32>
    %mul3A_226 = arith.muli %convert_element_type3A, %mul3A_225 : vector<2048x64xi32>
    %reduce_sum3A_227 = arith.constant dense<0> : vector<2048xi32>
    %reduce_sum3A_228 = vector.multi_reduction <add>, %mul3A_226, %reduce_sum3A_227 [1] : vector<2048x64xi32> to vector<2048xi32>
    %broadcast_in_dim3A_229 = vector.shape_cast %reduce_sum3A_228 : vector<2048xi32> to vector<2048x1xi32>
    %add3A_230 = arith.addi %broadcast_in_dim3A_229, %sub3A_174 : vector<2048x1xi32>
    %swap3A_231 = arith.constant 0 : index
    %swap3A_232 = arith.constant 0 : index
    %swap3A_233 = vector.load %arg3[%swap3A_231, %swap3A_232] : memref<2048x1xi32, #tpu.memory_space<vmem>>, vector<2048x1xi32>
    tpu.vector_store %arg3[%swap3A_231, %swap3A_232], %add3A_230 {strides = array<i32>} : memref<2048x1xi32, #tpu.memory_space<vmem>>, vector<2048x1xi32>,
    %mul3A_234 = vector.broadcast %mul3A_224 : vector<1x64xi32> to vector<2048x64xi32>
    %mul3A_235 = arith.muli %convert_element_type3A_54, %mul3A_234 : vector<2048x64xi32>
    %reduce_sum3A_236 = arith.constant dense<0> : vector<2048xi32>
    %reduce_sum3A_237 = vector.multi_reduction <add>, %mul3A_235, %reduce_sum3A_236 [1] : vector<2048x64xi32> to vector<2048xi32>
    %broadcast_in_dim3A_238 = vector.shape_cast %reduce_sum3A_237 : vector<2048xi32> to vector<2048x1xi32>
    %add3A_239 = arith.addi %broadcast_in_dim3A_238, %sub3A_183 : vector<2048x1xi32>
    %swap3A_240 = arith.constant 0 : index
    %swap3A_241 = arith.constant 0 : index
    %swap3A_242 = vector.load %arg4[%swap3A_240, %swap3A_241] : memref<2048x1xi32, #tpu.memory_space<vmem>>, vector<2048x1xi32>
    tpu.vector_store %arg4[%swap3A_240, %swap3A_241], %add3A_239 {strides = array<i32>} : memref<2048x1xi32, #tpu.memory_space<vmem>>, vector<2048x1xi32>,
    %iota3A_243 = tpu.iota {dimensions = array<i32: 0>} : vector<128x64xi32>
    %iota3A_244 = tpu.iota {dimensions = array<i32: 1>} : vector<128x64xi32>
    %ge3A = vector.broadcast %convert_element_type3A_221 : vector<1x64xi32> to vector<128x64xi32>
    %ge3A_245 = arith.cmpi sge, %iota3A_243, %ge3A : vector<128x64xi32>
    %add3A_246 = arith.addi %convert_element_type3A_221, %select_n3A_213 : vector<1x64xi32>
    %lt3A_247 = vector.broadcast %add3A_246 : vector<1x64xi32> to vector<128x64xi32>
    %lt3A_248 = arith.cmpi slt, %iota3A_243, %lt3A_247 : vector<128x64xi32>
    %and3A_249 = arith.andi %ge3A_245, %lt3A_248 : vector<128x64xi1>
    %jit3A_250 = arith.constant 0 : i32
    %broadcast_in_dim3A_251 = vector.broadcast %jit3A_250 : i32 to vector<128x64xi32>
    %select_n3A_252 = arith.select %and3A_249, %iota3A_244, %broadcast_in_dim3A_251 : vector<128x64xi1>, vector<128x64xi32>
    %reduce_sum3A_253 = arith.constant dense<0> : vector<128xi32>
    %reduce_sum3A_254 = vector.multi_reduction <add>, %select_n3A_252, %reduce_sum3A_253 [1] : vector<128x64xi32> to vector<128xi32>
    %broadcast_in_dim3A_255 = vector.shape_cast %reduce_sum3A_254 : vector<128xi32> to vector<128x1xi32>
    %swap3A_256 = arith.constant 0 : index
    %swap3A_257 = arith.constant 0 : index
    %swap3A_258 = vector.load %arg8[%swap3A_256, %swap3A_257] : memref<128x1xi32, #tpu.memory_space<vmem>>, vector<128x1xi32>
    tpu.vector_store %arg8[%swap3A_256, %swap3A_257], %broadcast_in_dim3A_255 {strides = array<i32>} : memref<128x1xi32, #tpu.memory_space<vmem>>, vector<128x1xi32>,
    %reduce_sum3A_259 = arith.constant dense<0> : vector<1xi32>
    %reduce_sum3A_260 = vector.multi_reduction <add>, %select_n3A_213, %reduce_sum3A_259 [1] : vector<1x64xi32> to vector<1xi32>
    %broadcast_in_dim3A_261 = vector.shape_cast %reduce_sum3A_260 : vector<1xi32> to vector<1x1xi32>
    %swap3A_262 = arith.constant 0 : index
    %swap3A_263 = arith.constant 0 : index
    %swap3A_264 = vector.load %arg9[%swap3A_262, %swap3A_263] : memref<1x1xi32, #tpu.memory_space<vmem>>, vector<1x1xi32>
    tpu.vector_store %arg9[%swap3A_262, %swap3A_263], %broadcast_in_dim3A_261 {strides = array<i32>} : memref<1x1xi32, #tpu.memory_space<vmem>>, vector<1x1xi32>,
    return
  }
}

module attributes {stable_mosaic.version = 14 : i64} {
  func.func @_mlp_body(%arg0: i32, %arg1: memref<128xi32, #tpu.memory_space<smem>>, %arg2: memref<1x1x128xi32, #tpu.memory_space<smem>>, %arg3: memref<2048x768xf32, #tpu.memory_space<vmem>>, %arg4: memref<1x768x1024xf32, #tpu.memory_space<vmem>>, %arg5: memref<1x768x1024xf32, #tpu.memory_space<vmem>>, %arg6: memref<1x1024x768xf32, #tpu.memory_space<vmem>>, %arg7: memref<128x768xf32, #tpu.memory_space<vmem>>, %arg8: memref<128x768xf32, #tpu.memory_space<vmem>>) attributes {dimension_semantics = [#tpu.dimension_semantics<arbitrary>], iteration_bounds = array<i64: -9223372036854775808>, scalar_prefetch = 1 : i64, scratch_operands = 1 : i64, tpu.core_type = #tpu.core_type<tc>, window_params = [{transform_indices = @transform_0, window_bounds = array<i64: 1, 1, 128>}, {pipeline_mode = #tpu.pipeline_mode<synchronous>, transform_indices = @transform_1, window_bounds = array<i64: 2048, 768>}, {transform_indices = @transform_2, window_bounds = array<i64: 1, 768, 1024>}, {transform_indices = @transform_3, window_bounds = array<i64: 1, 768, 1024>}, {transform_indices = @transform_4, window_bounds = array<i64: 1, 1024, 768>}, {transform_indices = @transform_5, window_bounds = array<i64: 128, 768>}]} {
    %get3A = arith.constant 0 : index
    %get3A_0 = arith.constant 0 : index
    %get3A_1 = arith.constant 0 : index
    %get3A_2 = memref.load %arg2[%get3A, %get3A_0, %get3A_1] : memref<1x1x128xi32, #tpu.memory_space<smem>>
    %max3A = arith.constant 0 : i32
    %max3A_3 = arith.maxsi %get3A_2, %max3A : i32
    %min3A = arith.constant 2047 : i32
    %min3A_4 = arith.minsi %max3A_3, %min3A : i32
    %get3A_5 = arith.index_cast %min3A_4 : i32 to index
    %get3A_6 = arith.constant 0 : index
    %get3A_7 = vector.load %arg3[%get3A_5, %get3A_6] : memref<2048x768xf32, #tpu.memory_space<vmem>>, vector<1x768xf32>
    %squeeze3A = vector.shape_cast %get3A_7 : vector<1x768xf32> to vector<768xf32>
    %swap3A = arith.constant 0 : index
    %swap3A_8 = arith.constant 0 : index
    %swap3A_9 = vector.load %arg8[%swap3A, %swap3A_8] : memref<128x768xf32, #tpu.memory_space<vmem>>, vector<1x768xf32>
    %swap3A_10 = vector.shape_cast %swap3A_9 : vector<1x768xf32> to vector<768xf32>
    %swap3A_11 = vector.shape_cast %squeeze3A : vector<768xf32> to vector<1x768xf32>
    tpu.vector_store %arg8[%swap3A, %swap3A_8], %swap3A_11 {strides = array<i32>} : memref<128x768xf32, #tpu.memory_space<vmem>>, vector<1x768xf32>,
    %get3A_12 = arith.constant 0 : index
    %get3A_13 = arith.constant 0 : index
    %get3A_14 = arith.constant 1 : index
    %get3A_15 = memref.load %arg2[%get3A_12, %get3A_13, %get3A_14] : memref<1x1x128xi32, #tpu.memory_space<smem>>
    %max3A_16 = arith.constant 0 : i32
    %max3A_17 = arith.maxsi %get3A_15, %max3A_16 : i32
    %min3A_18 = arith.constant 2047 : i32
    %min3A_19 = arith.minsi %max3A_17, %min3A_18 : i32
    %get3A_20 = arith.index_cast %min3A_19 : i32 to index
    %get3A_21 = arith.constant 0 : index
    %get3A_22 = vector.load %arg3[%get3A_20, %get3A_21] : memref<2048x768xf32, #tpu.memory_space<vmem>>, vector<1x768xf32>
    %squeeze3A_23 = vector.shape_cast %get3A_22 : vector<1x768xf32> to vector<768xf32>
    %swap3A_24 = arith.constant 1 : index
    %swap3A_25 = arith.constant 0 : index
    %swap3A_26 = vector.load %arg8[%swap3A_24, %swap3A_25] : memref<128x768xf32, #tpu.memory_space<vmem>>, vector<1x768xf32>
    %swap3A_27 = vector.shape_cast %swap3A_26 : vector<1x768xf32> to vector<768xf32>
    %swap3A_28 = vector.shape_cast %squeeze3A_23 : vector<768xf32> to vector<1x768xf32>
    tpu.vector_store %arg8[%swap3A_24, %swap3A_25], %swap3A_28 {strides = array<i32>} : memref<128x768xf32, #tpu.memory_space<vmem>>, vector<1x768xf32>,
    %get3A_29 = arith.constant 0 : index
    %get3A_30 = arith.constant 0 : index
    %get3A_31 = arith.constant 2 : index
    %get3A_32 = memref.load %arg2[%get3A_29, %get3A_30, %get3A_31] : memref<1x1x128xi32, #tpu.memory_space<smem>>
    %max3A_33 = arith.constant 0 : i32
    %max3A_34 = arith.maxsi %get3A_32, %max3A_33 : i32
    %min3A_35 = arith.constant 2047 : i32
    %min3A_36 = arith.minsi %max3A_34, %min3A_35 : i32
    %get3A_37 = arith.index_cast %min3A_36 : i32 to index
    %get3A_38 = arith.constant 0 : index
    %get3A_39 = vector.load %arg3[%get3A_37, %get3A_38] : memref<2048x768xf32, #tpu.memory_space<vmem>>, vector<1x768xf32>
    %squeeze3A_40 = vector.shape_cast %get3A_39 : vector<1x768xf32> to vector<768xf32>
    %swap3A_41 = arith.constant 2 : index
    %swap3A_42 = arith.constant 0 : index
    %swap3A_43 = vector.load %arg8[%swap3A_41, %swap3A_42] : memref<128x768xf32, #tpu.memory_space<vmem>>, vector<1x768xf32>
    %swap3A_44 = vector.shape_cast %swap3A_43 : vector<1x768xf32> to vector<768xf32>
    %swap3A_45 = vector.shape_cast %squeeze3A_40 : vector<768xf32> to vector<1x768xf32>
    tpu.vector_store %arg8[%swap3A_41, %swap3A_42], %swap3A_45 {strides = array<i32>} : memref<128x768xf32, #tpu.memory_space<vmem>>, vector<1x768xf32>,
    %get3A_46 = arith.constant 0 : index
    %get3A_47 = arith.constant 0 : index
    %get3A_48 = arith.constant 3 : index
    %get3A_49 = memref.load %arg2[%get3A_46, %get3A_47, %get3A_48] : memref<1x1x128xi32, #tpu.memory_space<smem>>
    %max3A_50 = arith.constant 0 : i32
    %max3A_51 = arith.maxsi %get3A_49, %max3A_50 : i32
    %min3A_52 = arith.constant 2047 : i32
    %min3A_53 = arith.minsi %max3A_51, %min3A_52 : i32
    %get3A_54 = arith.index_cast %min3A_53 : i32 to index
    %get3A_55 = arith.constant 0 : index
    %get3A_56 = vector.load %arg3[%get3A_54, %get3A_55] : memref<2048x768xf32, #tpu.memory_space<vmem>>, vector<1x768xf32>
    %squeeze3A_57 = vector.shape_cast %get3A_56 : vector<1x768xf32> to vector<768xf32>
    %swap3A_58 = arith.constant 3 : index
    %swap3A_59 = arith.constant 0 : index
    %swap3A_60 = vector.load %arg8[%swap3A_58, %swap3A_59] : memref<128x768xf32, #tpu.memory_space<vmem>>, vector<1x768xf32>
    %swap3A_61 = vector.shape_cast %swap3A_60 : vector<1x768xf32> to vector<768xf32>
    %swap3A_62 = vector.shape_cast %squeeze3A_57 : vector<768xf32> to vector<1x768xf32>
    tpu.vector_store %arg8[%swap3A_58, %swap3A_59], %swap3A_62 {strides = array<i32>} : memref<128x768xf32, #tpu.memory_space<vmem>>, vector<1x768xf32>,
    %get3A_63 = arith.constant 0 : index
    %get3A_64 = arith.constant 0 : index
    %get3A_65 = arith.constant 4 : index
    %get3A_66 = memref.load %arg2[%get3A_63, %get3A_64, %get3A_65] : memref<1x1x128xi32, #tpu.memory_space<smem>>
    %max3A_67 = arith.constant 0 : i32
    %max3A_68 = arith.maxsi %get3A_66, %max3A_67 : i32
    %min3A_69 = arith.constant 2047 : i32
    %min3A_70 = arith.minsi %max3A_68, %min3A_69 : i32
    %get3A_71 = arith.index_cast %min3A_70 : i32 to index
    %get3A_72 = arith.constant 0 : index
    %get3A_73 = vector.load %arg3[%get3A_71, %get3A_72] : memref<2048x768xf32, #tpu.memory_space<vmem>>, vector<1x768xf32>
    %squeeze3A_74 = vector.shape_cast %get3A_73 : vector<1x768xf32> to vector<768xf32>
    %swap3A_75 = arith.constant 4 : index
    %swap3A_76 = arith.constant 0 : index
    %swap3A_77 = vector.load %arg8[%swap3A_75, %swap3A_76] : memref<128x768xf32, #tpu.memory_space<vmem>>, vector<1x768xf32>
    %swap3A_78 = vector.shape_cast %swap3A_77 : vector<1x768xf32> to vector<768xf32>
    %swap3A_79 = vector.shape_cast %squeeze3A_74 : vector<768xf32> to vector<1x768xf32>
    tpu.vector_store %arg8[%swap3A_75, %swap3A_76], %swap3A_79 {strides = array<i32>} : memref<128x768xf32, #tpu.memory_space<vmem>>, vector<1x768xf32>,
    %get3A_80 = arith.constant 0 : index
    %get3A_81 = arith.constant 0 : index
    %get3A_82 = arith.constant 5 : index
    %get3A_83 = memref.load %arg2[%get3A_80, %get3A_81, %get3A_82] : memref<1x1x128xi32, #tpu.memory_space<smem>>
    %max3A_84 = arith.constant 0 : i32
    %max3A_85 = arith.maxsi %get3A_83, %max3A_84 : i32
    %min3A_86 = arith.constant 2047 : i32
    %min3A_87 = arith.minsi %max3A_85, %min3A_86 : i32
    %get3A_88 = arith.index_cast %min3A_87 : i32 to index
    %get3A_89 = arith.constant 0 : index
    %get3A_90 = vector.load %arg3[%get3A_88, %get3A_89] : memref<2048x768xf32, #tpu.memory_space<vmem>>, vector<1x768xf32>
    %squeeze3A_91 = vector.shape_cast %get3A_90 : vector<1x768xf32> to vector<768xf32>
    %swap3A_92 = arith.constant 5 : index
    %swap3A_93 = arith.constant 0 : index
    %swap3A_94 = vector.load %arg8[%swap3A_92, %swap3A_93] : memref<128x768xf32, #tpu.memory_space<vmem>>, vector<1x768xf32>
    %swap3A_95 = vector.shape_cast %swap3A_94 : vector<1x768xf32> to vector<768xf32>
    %swap3A_96 = vector.shape_cast %squeeze3A_91 : vector<768xf32> to vector<1x768xf32>
    tpu.vector_store %arg8[%swap3A_92, %swap3A_93], %swap3A_96 {strides = array<i32>} : memref<128x768xf32, #tpu.memory_space<vmem>>, vector<1x768xf32>,
    %get3A_97 = arith.constant 0 : index
    %get3A_98 = arith.constant 0 : index
    %get3A_99 = arith.constant 6 : index
    %get3A_100 = memref.load %arg2[%get3A_97, %get3A_98, %get3A_99] : memref<1x1x128xi32, #tpu.memory_space<smem>>
    %max3A_101 = arith.constant 0 : i32
    %max3A_102 = arith.maxsi %get3A_100, %max3A_101 : i32
    %min3A_103 = arith.constant 2047 : i32
    %min3A_104 = arith.minsi %max3A_102, %min3A_103 : i32
    %get3A_105 = arith.index_cast %min3A_104 : i32 to index
    %get3A_106 = arith.constant 0 : index
    %get3A_107 = vector.load %arg3[%get3A_105, %get3A_106] : memref<2048x768xf32, #tpu.memory_space<vmem>>, vector<1x768xf32>
    %squeeze3A_108 = vector.shape_cast %get3A_107 : vector<1x768xf32> to vector<768xf32>
    %swap3A_109 = arith.constant 6 : index
    %swap3A_110 = arith.constant 0 : index
    %swap3A_111 = vector.load %arg8[%swap3A_109, %swap3A_110] : memref<128x768xf32, #tpu.memory_space<vmem>>, vector<1x768xf32>
    %swap3A_112 = vector.shape_cast %swap3A_111 : vector<1x768xf32> to vector<768xf32>
    %swap3A_113 = vector.shape_cast %squeeze3A_108 : vector<768xf32> to vector<1x768xf32>
    tpu.vector_store %arg8[%swap3A_109, %swap3A_110], %swap3A_113 {strides = array<i32>} : memref<128x768xf32, #tpu.memory_space<vmem>>, vector<1x768xf32>,
    %get3A_114 = arith.constant 0 : index
    %get3A_115 = arith.constant 0 : index
    %get3A_116 = arith.constant 7 : index
    %get3A_117 = memref.load %arg2[%get3A_114, %get3A_115, %get3A_116] : memref<1x1x128xi32, #tpu.memory_space<smem>>
    %max3A_118 = arith.constant 0 : i32
    %max3A_119 = arith.maxsi %get3A_117, %max3A_118 : i32
    %min3A_120 = arith.constant 2047 : i32
    %min3A_121 = arith.minsi %max3A_119, %min3A_120 : i32
    %get3A_122 = arith.index_cast %min3A_121 : i32 to index
    %get3A_123 = arith.constant 0 : index
    %get3A_124 = vector.load %arg3[%get3A_122, %get3A_123] : memref<2048x768xf32, #tpu.memory_space<vmem>>, vector<1x768xf32>
    %squeeze3A_125 = vector.shape_cast %get3A_124 : vector<1x768xf32> to vector<768xf32>
    %swap3A_126 = arith.constant 7 : index
    %swap3A_127 = arith.constant 0 : index
    %swap3A_128 = vector.load %arg8[%swap3A_126, %swap3A_127] : memref<128x768xf32, #tpu.memory_space<vmem>>, vector<1x768xf32>
    %swap3A_129 = vector.shape_cast %swap3A_128 : vector<1x768xf32> to vector<768xf32>
    %swap3A_130 = vector.shape_cast %squeeze3A_125 : vector<768xf32> to vector<1x768xf32>
    tpu.vector_store %arg8[%swap3A_126, %swap3A_127], %swap3A_130 {strides = array<i32>} : memref<128x768xf32, #tpu.memory_space<vmem>>, vector<1x768xf32>,
    %get3A_131 = arith.constant 0 : index
    %get3A_132 = arith.constant 0 : index
    %get3A_133 = arith.constant 8 : index
    %get3A_134 = memref.load %arg2[%get3A_131, %get3A_132, %get3A_133] : memref<1x1x128xi32, #tpu.memory_space<smem>>
    %max3A_135 = arith.constant 0 : i32
    %max3A_136 = arith.maxsi %get3A_134, %max3A_135 : i32
    %min3A_137 = arith.constant 2047 : i32
    %min3A_138 = arith.minsi %max3A_136, %min3A_137 : i32
    %get3A_139 = arith.index_cast %min3A_138 : i32 to index
    %get3A_140 = arith.constant 0 : index
    %get3A_141 = vector.load %arg3[%get3A_139, %get3A_140] : memref<2048x768xf32, #tpu.memory_space<vmem>>, vector<1x768xf32>
    %squeeze3A_142 = vector.shape_cast %get3A_141 : vector<1x768xf32> to vector<768xf32>
    %swap3A_143 = arith.constant 8 : index
    %swap3A_144 = arith.constant 0 : index
    %swap3A_145 = vector.load %arg8[%swap3A_143, %swap3A_144] : memref<128x768xf32, #tpu.memory_space<vmem>>, vector<1x768xf32>
    %swap3A_146 = vector.shape_cast %swap3A_145 : vector<1x768xf32> to vector<768xf32>
    %swap3A_147 = vector.shape_cast %squeeze3A_142 : vector<768xf32> to vector<1x768xf32>
    tpu.vector_store %arg8[%swap3A_143, %swap3A_144], %swap3A_147 {strides = array<i32>} : memref<128x768xf32, #tpu.memory_space<vmem>>, vector<1x768xf32>,
    %get3A_148 = arith.constant 0 : index
    %get3A_149 = arith.constant 0 : index
    %get3A_150 = arith.constant 9 : index
    %get3A_151 = memref.load %arg2[%get3A_148, %get3A_149, %get3A_150] : memref<1x1x128xi32, #tpu.memory_space<smem>>
    %max3A_152 = arith.constant 0 : i32
    %max3A_153 = arith.maxsi %get3A_151, %max3A_152 : i32
    %min3A_154 = arith.constant 2047 : i32
    %min3A_155 = arith.minsi %max3A_153, %min3A_154 : i32
    %get3A_156 = arith.index_cast %min3A_155 : i32 to index
    %get3A_157 = arith.constant 0 : index
    %get3A_158 = vector.load %arg3[%get3A_156, %get3A_157] : memref<2048x768xf32, #tpu.memory_space<vmem>>, vector<1x768xf32>
    %squeeze3A_159 = vector.shape_cast %get3A_158 : vector<1x768xf32> to vector<768xf32>
    %swap3A_160 = arith.constant 9 : index
    %swap3A_161 = arith.constant 0 : index
    %swap3A_162 = vector.load %arg8[%swap3A_160, %swap3A_161] : memref<128x768xf32, #tpu.memory_space<vmem>>, vector<1x768xf32>
    %swap3A_163 = vector.shape_cast %swap3A_162 : vector<1x768xf32> to vector<768xf32>
    %swap3A_164 = vector.shape_cast %squeeze3A_159 : vector<768xf32> to vector<1x768xf32>
    tpu.vector_store %arg8[%swap3A_160, %swap3A_161], %swap3A_164 {strides = array<i32>} : memref<128x768xf32, #tpu.memory_space<vmem>>, vector<1x768xf32>,
    %get3A_165 = arith.constant 0 : index
    %get3A_166 = arith.constant 0 : index
    %get3A_167 = arith.constant 10 : index
    %get3A_168 = memref.load %arg2[%get3A_165, %get3A_166, %get3A_167] : memref<1x1x128xi32, #tpu.memory_space<smem>>
    %max3A_169 = arith.constant 0 : i32
    %max3A_170 = arith.maxsi %get3A_168, %max3A_169 : i32
    %min3A_171 = arith.constant 2047 : i32
    %min3A_172 = arith.minsi %max3A_170, %min3A_171 : i32
    %get3A_173 = arith.index_cast %min3A_172 : i32 to index
    %get3A_174 = arith.constant 0 : index
    %get3A_175 = vector.load %arg3[%get3A_173, %get3A_174] : memref<2048x768xf32, #tpu.memory_space<vmem>>, vector<1x768xf32>
    %squeeze3A_176 = vector.shape_cast %get3A_175 : vector<1x768xf32> to vector<768xf32>
    %swap3A_177 = arith.constant 10 : index
    %swap3A_178 = arith.constant 0 : index
    %swap3A_179 = vector.load %arg8[%swap3A_177, %swap3A_178] : memref<128x768xf32, #tpu.memory_space<vmem>>, vector<1x768xf32>
    %swap3A_180 = vector.shape_cast %swap3A_179 : vector<1x768xf32> to vector<768xf32>
    %swap3A_181 = vector.shape_cast %squeeze3A_176 : vector<768xf32> to vector<1x768xf32>
    tpu.vector_store %arg8[%swap3A_177, %swap3A_178], %swap3A_181 {strides = array<i32>} : memref<128x768xf32, #tpu.memory_space<vmem>>, vector<1x768xf32>,
    %get3A_182 = arith.constant 0 : index
    %get3A_183 = arith.constant 0 : index
    %get3A_184 = arith.constant 11 : index
    %get3A_185 = memref.load %arg2[%get3A_182, %get3A_183, %get3A_184] : memref<1x1x128xi32, #tpu.memory_space<smem>>
    %max3A_186 = arith.constant 0 : i32
    %max3A_187 = arith.maxsi %get3A_185, %max3A_186 : i32
    %min3A_188 = arith.constant 2047 : i32
    %min3A_189 = arith.minsi %max3A_187, %min3A_188 : i32
    %get3A_190 = arith.index_cast %min3A_189 : i32 to index
    %get3A_191 = arith.constant 0 : index
    %get3A_192 = vector.load %arg3[%get3A_190, %get3A_191] : memref<2048x768xf32, #tpu.memory_space<vmem>>, vector<1x768xf32>
    %squeeze3A_193 = vector.shape_cast %get3A_192 : vector<1x768xf32> to vector<768xf32>
    %swap3A_194 = arith.constant 11 : index
    %swap3A_195 = arith.constant 0 : index
    %swap3A_196 = vector.load %arg8[%swap3A_194, %swap3A_195] : memref<128x768xf32, #tpu.memory_space<vmem>>, vector<1x768xf32>
    %swap3A_197 = vector.shape_cast %swap3A_196 : vector<1x768xf32> to vector<768xf32>
    %swap3A_198 = vector.shape_cast %squeeze3A_193 : vector<768xf32> to vector<1x768xf32>
    tpu.vector_store %arg8[%swap3A_194, %swap3A_195], %swap3A_198 {strides = array<i32>} : memref<128x768xf32, #tpu.memory_space<vmem>>, vector<1x768xf32>,
    %get3A_199 = arith.constant 0 : index
    %get3A_200 = arith.constant 0 : index
    %get3A_201 = arith.constant 12 : index
    %get3A_202 = memref.load %arg2[%get3A_199, %get3A_200, %get3A_201] : memref<1x1x128xi32, #tpu.memory_space<smem>>
    %max3A_203 = arith.constant 0 : i32
    %max3A_204 = arith.maxsi %get3A_202, %max3A_203 : i32
    %min3A_205 = arith.constant 2047 : i32
    %min3A_206 = arith.minsi %max3A_204, %min3A_205 : i32
    %get3A_207 = arith.index_cast %min3A_206 : i32 to index
    %get3A_208 = arith.constant 0 : index
    %get3A_209 = vector.load %arg3[%get3A_207, %get3A_208] : memref<2048x768xf32, #tpu.memory_space<vmem>>, vector<1x768xf32>
    %squeeze3A_210 = vector.shape_cast %get3A_209 : vector<1x768xf32> to vector<768xf32>
    %swap3A_211 = arith.constant 12 : index
    %swap3A_212 = arith.constant 0 : index
    %swap3A_213 = vector.load %arg8[%swap3A_211, %swap3A_212] : memref<128x768xf32, #tpu.memory_space<vmem>>, vector<1x768xf32>
    %swap3A_214 = vector.shape_cast %swap3A_213 : vector<1x768xf32> to vector<768xf32>
    %swap3A_215 = vector.shape_cast %squeeze3A_210 : vector<768xf32> to vector<1x768xf32>
    tpu.vector_store %arg8[%swap3A_211, %swap3A_212], %swap3A_215 {strides = array<i32>} : memref<128x768xf32, #tpu.memory_space<vmem>>, vector<1x768xf32>,
    %get3A_216 = arith.constant 0 : index
    %get3A_217 = arith.constant 0 : index
    %get3A_218 = arith.constant 13 : index
    %get3A_219 = memref.load %arg2[%get3A_216, %get3A_217, %get3A_218] : memref<1x1x128xi32, #tpu.memory_space<smem>>
    %max3A_220 = arith.constant 0 : i32
    %max3A_221 = arith.maxsi %get3A_219, %max3A_220 : i32
    %min3A_222 = arith.constant 2047 : i32
    %min3A_223 = arith.minsi %max3A_221, %min3A_222 : i32
    %get3A_224 = arith.index_cast %min3A_223 : i32 to index
    %get3A_225 = arith.constant 0 : index
    %get3A_226 = vector.load %arg3[%get3A_224, %get3A_225] : memref<2048x768xf32, #tpu.memory_space<vmem>>, vector<1x768xf32>
    %squeeze3A_227 = vector.shape_cast %get3A_226 : vector<1x768xf32> to vector<768xf32>
    %swap3A_228 = arith.constant 13 : index
    %swap3A_229 = arith.constant 0 : index
    %swap3A_230 = vector.load %arg8[%swap3A_228, %swap3A_229] : memref<128x768xf32, #tpu.memory_space<vmem>>, vector<1x768xf32>
    %swap3A_231 = vector.shape_cast %swap3A_230 : vector<1x768xf32> to vector<768xf32>
    %swap3A_232 = vector.shape_cast %squeeze3A_227 : vector<768xf32> to vector<1x768xf32>
    tpu.vector_store %arg8[%swap3A_228, %swap3A_229], %swap3A_232 {strides = array<i32>} : memref<128x768xf32, #tpu.memory_space<vmem>>, vector<1x768xf32>,
    %get3A_233 = arith.constant 0 : index
    %get3A_234 = arith.constant 0 : index
    %get3A_235 = arith.constant 14 : index
    %get3A_236 = memref.load %arg2[%get3A_233, %get3A_234, %get3A_235] : memref<1x1x128xi32, #tpu.memory_space<smem>>
    %max3A_237 = arith.constant 0 : i32
    %max3A_238 = arith.maxsi %get3A_236, %max3A_237 : i32
    %min3A_239 = arith.constant 2047 : i32
    %min3A_240 = arith.minsi %max3A_238, %min3A_239 : i32
    %get3A_241 = arith.index_cast %min3A_240 : i32 to index
    %get3A_242 = arith.constant 0 : index
    %get3A_243 = vector.load %arg3[%get3A_241, %get3A_242] : memref<2048x768xf32, #tpu.memory_space<vmem>>, vector<1x768xf32>
    %squeeze3A_244 = vector.shape_cast %get3A_243 : vector<1x768xf32> to vector<768xf32>
    %swap3A_245 = arith.constant 14 : index
    %swap3A_246 = arith.constant 0 : index
    %swap3A_247 = vector.load %arg8[%swap3A_245, %swap3A_246] : memref<128x768xf32, #tpu.memory_space<vmem>>, vector<1x768xf32>
    %swap3A_248 = vector.shape_cast %swap3A_247 : vector<1x768xf32> to vector<768xf32>
    %swap3A_249 = vector.shape_cast %squeeze3A_244 : vector<768xf32> to vector<1x768xf32>
    tpu.vector_store %arg8[%swap3A_245, %swap3A_246], %swap3A_249 {strides = array<i32>} : memref<128x768xf32, #tpu.memory_space<vmem>>, vector<1x768xf32>,
    %get3A_250 = arith.constant 0 : index
    %get3A_251 = arith.constant 0 : index
    %get3A_252 = arith.constant 15 : index
    %get3A_253 = memref.load %arg2[%get3A_250, %get3A_251, %get3A_252] : memref<1x1x128xi32, #tpu.memory_space<smem>>
    %max3A_254 = arith.constant 0 : i32
    %max3A_255 = arith.maxsi %get3A_253, %max3A_254 : i32
    %min3A_256 = arith.constant 2047 : i32
    %min3A_257 = arith.minsi %max3A_255, %min3A_256 : i32
    %get3A_258 = arith.index_cast %min3A_257 : i32 to index
    %get3A_259 = arith.constant 0 : index
    %get3A_260 = vector.load %arg3[%get3A_258, %get3A_259] : memref<2048x768xf32, #tpu.memory_space<vmem>>, vector<1x768xf32>
    %squeeze3A_261 = vector.shape_cast %get3A_260 : vector<1x768xf32> to vector<768xf32>
    %swap3A_262 = arith.constant 15 : index
    %swap3A_263 = arith.constant 0 : index
    %swap3A_264 = vector.load %arg8[%swap3A_262, %swap3A_263] : memref<128x768xf32, #tpu.memory_space<vmem>>, vector<1x768xf32>
    %swap3A_265 = vector.shape_cast %swap3A_264 : vector<1x768xf32> to vector<768xf32>
    %swap3A_266 = vector.shape_cast %squeeze3A_261 : vector<768xf32> to vector<1x768xf32>
    tpu.vector_store %arg8[%swap3A_262, %swap3A_263], %swap3A_266 {strides = array<i32>} : memref<128x768xf32, #tpu.memory_space<vmem>>, vector<1x768xf32>,
    %get3A_267 = arith.constant 0 : index
    %get3A_268 = arith.constant 0 : index
    %get3A_269 = arith.constant 16 : index
    %get3A_270 = memref.load %arg2[%get3A_267, %get3A_268, %get3A_269] : memref<1x1x128xi32, #tpu.memory_space<smem>>
    %max3A_271 = arith.constant 0 : i32
    %max3A_272 = arith.maxsi %get3A_270, %max3A_271 : i32
    %min3A_273 = arith.constant 2047 : i32
    %min3A_274 = arith.minsi %max3A_272, %min3A_273 : i32
    %get3A_275 = arith.index_cast %min3A_274 : i32 to index
    %get3A_276 = arith.constant 0 : index
    %get3A_277 = vector.load %arg3[%get3A_275, %get3A_276] : memref<2048x768xf32, #tpu.memory_space<vmem>>, vector<1x768xf32>
    %squeeze3A_278 = vector.shape_cast %get3A_277 : vector<1x768xf32> to vector<768xf32>
    %swap3A_279 = arith.constant 16 : index
    %swap3A_280 = arith.constant 0 : index
    %swap3A_281 = vector.load %arg8[%swap3A_279, %swap3A_280] : memref<128x768xf32, #tpu.memory_space<vmem>>, vector<1x768xf32>
    %swap3A_282 = vector.shape_cast %swap3A_281 : vector<1x768xf32> to vector<768xf32>
    %swap3A_283 = vector.shape_cast %squeeze3A_278 : vector<768xf32> to vector<1x768xf32>
    tpu.vector_store %arg8[%swap3A_279, %swap3A_280], %swap3A_283 {strides = array<i32>} : memref<128x768xf32, #tpu.memory_space<vmem>>, vector<1x768xf32>,
    %get3A_284 = arith.constant 0 : index
    %get3A_285 = arith.constant 0 : index
    %get3A_286 = arith.constant 17 : index
    %get3A_287 = memref.load %arg2[%get3A_284, %get3A_285, %get3A_286] : memref<1x1x128xi32, #tpu.memory_space<smem>>
    %max3A_288 = arith.constant 0 : i32
    %max3A_289 = arith.maxsi %get3A_287, %max3A_288 : i32
    %min3A_290 = arith.constant 2047 : i32
    %min3A_291 = arith.minsi %max3A_289, %min3A_290 : i32
    %get3A_292 = arith.index_cast %min3A_291 : i32 to index
    %get3A_293 = arith.constant 0 : index
    %get3A_294 = vector.load %arg3[%get3A_292, %get3A_293] : memref<2048x768xf32, #tpu.memory_space<vmem>>, vector<1x768xf32>
    %squeeze3A_295 = vector.shape_cast %get3A_294 : vector<1x768xf32> to vector<768xf32>
    %swap3A_296 = arith.constant 17 : index
    %swap3A_297 = arith.constant 0 : index
    %swap3A_298 = vector.load %arg8[%swap3A_296, %swap3A_297] : memref<128x768xf32, #tpu.memory_space<vmem>>, vector<1x768xf32>
    %swap3A_299 = vector.shape_cast %swap3A_298 : vector<1x768xf32> to vector<768xf32>
    %swap3A_300 = vector.shape_cast %squeeze3A_295 : vector<768xf32> to vector<1x768xf32>
    tpu.vector_store %arg8[%swap3A_296, %swap3A_297], %swap3A_300 {strides = array<i32>} : memref<128x768xf32, #tpu.memory_space<vmem>>, vector<1x768xf32>,
    %get3A_301 = arith.constant 0 : index
    %get3A_302 = arith.constant 0 : index
    %get3A_303 = arith.constant 18 : index
    %get3A_304 = memref.load %arg2[%get3A_301, %get3A_302, %get3A_303] : memref<1x1x128xi32, #tpu.memory_space<smem>>
    %max3A_305 = arith.constant 0 : i32
    %max3A_306 = arith.maxsi %get3A_304, %max3A_305 : i32
    %min3A_307 = arith.constant 2047 : i32
    %min3A_308 = arith.minsi %max3A_306, %min3A_307 : i32
    %get3A_309 = arith.index_cast %min3A_308 : i32 to index
    %get3A_310 = arith.constant 0 : index
    %get3A_311 = vector.load %arg3[%get3A_309, %get3A_310] : memref<2048x768xf32, #tpu.memory_space<vmem>>, vector<1x768xf32>
    %squeeze3A_312 = vector.shape_cast %get3A_311 : vector<1x768xf32> to vector<768xf32>
    %swap3A_313 = arith.constant 18 : index
    %swap3A_314 = arith.constant 0 : index
    %swap3A_315 = vector.load %arg8[%swap3A_313, %swap3A_314] : memref<128x768xf32, #tpu.memory_space<vmem>>, vector<1x768xf32>
    %swap3A_316 = vector.shape_cast %swap3A_315 : vector<1x768xf32> to vector<768xf32>
    %swap3A_317 = vector.shape_cast %squeeze3A_312 : vector<768xf32> to vector<1x768xf32>
    tpu.vector_store %arg8[%swap3A_313, %swap3A_314], %swap3A_317 {strides = array<i32>} : memref<128x768xf32, #tpu.memory_space<vmem>>, vector<1x768xf32>,
    %get3A_318 = arith.constant 0 : index
    %get3A_319 = arith.constant 0 : index
    %get3A_320 = arith.constant 19 : index
    %get3A_321 = memref.load %arg2[%get3A_318, %get3A_319, %get3A_320] : memref<1x1x128xi32, #tpu.memory_space<smem>>
    %max3A_322 = arith.constant 0 : i32
    %max3A_323 = arith.maxsi %get3A_321, %max3A_322 : i32
    %min3A_324 = arith.constant 2047 : i32
    %min3A_325 = arith.minsi %max3A_323, %min3A_324 : i32
    %get3A_326 = arith.index_cast %min3A_325 : i32 to index
    %get3A_327 = arith.constant 0 : index
    %get3A_328 = vector.load %arg3[%get3A_326, %get3A_327] : memref<2048x768xf32, #tpu.memory_space<vmem>>, vector<1x768xf32>
    %squeeze3A_329 = vector.shape_cast %get3A_328 : vector<1x768xf32> to vector<768xf32>
    %swap3A_330 = arith.constant 19 : index
    %swap3A_331 = arith.constant 0 : index
    %swap3A_332 = vector.load %arg8[%swap3A_330, %swap3A_331] : memref<128x768xf32, #tpu.memory_space<vmem>>, vector<1x768xf32>
    %swap3A_333 = vector.shape_cast %swap3A_332 : vector<1x768xf32> to vector<768xf32>
    %swap3A_334 = vector.shape_cast %squeeze3A_329 : vector<768xf32> to vector<1x768xf32>
    tpu.vector_store %arg8[%swap3A_330, %swap3A_331], %swap3A_334 {strides = array<i32>} : memref<128x768xf32, #tpu.memory_space<vmem>>, vector<1x768xf32>,
    %get3A_335 = arith.constant 0 : index
    %get3A_336 = arith.constant 0 : index
    %get3A_337 = arith.constant 20 : index
    %get3A_338 = memref.load %arg2[%get3A_335, %get3A_336, %get3A_337] : memref<1x1x128xi32, #tpu.memory_space<smem>>
    %max3A_339 = arith.constant 0 : i32
    %max3A_340 = arith.maxsi %get3A_338, %max3A_339 : i32
    %min3A_341 = arith.constant 2047 : i32
    %min3A_342 = arith.minsi %max3A_340, %min3A_341 : i32
    %get3A_343 = arith.index_cast %min3A_342 : i32 to index
    %get3A_344 = arith.constant 0 : index
    %get3A_345 = vector.load %arg3[%get3A_343, %get3A_344] : memref<2048x768xf32, #tpu.memory_space<vmem>>, vector<1x768xf32>
    %squeeze3A_346 = vector.shape_cast %get3A_345 : vector<1x768xf32> to vector<768xf32>
    %swap3A_347 = arith.constant 20 : index
    %swap3A_348 = arith.constant 0 : index
    %swap3A_349 = vector.load %arg8[%swap3A_347, %swap3A_348] : memref<128x768xf32, #tpu.memory_space<vmem>>, vector<1x768xf32>
    %swap3A_350 = vector.shape_cast %swap3A_349 : vector<1x768xf32> to vector<768xf32>
    %swap3A_351 = vector.shape_cast %squeeze3A_346 : vector<768xf32> to vector<1x768xf32>
    tpu.vector_store %arg8[%swap3A_347, %swap3A_348], %swap3A_351 {strides = array<i32>} : memref<128x768xf32, #tpu.memory_space<vmem>>, vector<1x768xf32>,
    %get3A_352 = arith.constant 0 : index
    %get3A_353 = arith.constant 0 : index
    %get3A_354 = arith.constant 21 : index
    %get3A_355 = memref.load %arg2[%get3A_352, %get3A_353, %get3A_354] : memref<1x1x128xi32, #tpu.memory_space<smem>>
    %max3A_356 = arith.constant 0 : i32
    %max3A_357 = arith.maxsi %get3A_355, %max3A_356 : i32
    %min3A_358 = arith.constant 2047 : i32
    %min3A_359 = arith.minsi %max3A_357, %min3A_358 : i32
    %get3A_360 = arith.index_cast %min3A_359 : i32 to index
    %get3A_361 = arith.constant 0 : index
    %get3A_362 = vector.load %arg3[%get3A_360, %get3A_361] : memref<2048x768xf32, #tpu.memory_space<vmem>>, vector<1x768xf32>
    %squeeze3A_363 = vector.shape_cast %get3A_362 : vector<1x768xf32> to vector<768xf32>
    %swap3A_364 = arith.constant 21 : index
    %swap3A_365 = arith.constant 0 : index
    %swap3A_366 = vector.load %arg8[%swap3A_364, %swap3A_365] : memref<128x768xf32, #tpu.memory_space<vmem>>, vector<1x768xf32>
    %swap3A_367 = vector.shape_cast %swap3A_366 : vector<1x768xf32> to vector<768xf32>
    %swap3A_368 = vector.shape_cast %squeeze3A_363 : vector<768xf32> to vector<1x768xf32>
    tpu.vector_store %arg8[%swap3A_364, %swap3A_365], %swap3A_368 {strides = array<i32>} : memref<128x768xf32, #tpu.memory_space<vmem>>, vector<1x768xf32>,
    %get3A_369 = arith.constant 0 : index
    %get3A_370 = arith.constant 0 : index
    %get3A_371 = arith.constant 22 : index
    %get3A_372 = memref.load %arg2[%get3A_369, %get3A_370, %get3A_371] : memref<1x1x128xi32, #tpu.memory_space<smem>>
    %max3A_373 = arith.constant 0 : i32
    %max3A_374 = arith.maxsi %get3A_372, %max3A_373 : i32
    %min3A_375 = arith.constant 2047 : i32
    %min3A_376 = arith.minsi %max3A_374, %min3A_375 : i32
    %get3A_377 = arith.index_cast %min3A_376 : i32 to index
    %get3A_378 = arith.constant 0 : index
    %get3A_379 = vector.load %arg3[%get3A_377, %get3A_378] : memref<2048x768xf32, #tpu.memory_space<vmem>>, vector<1x768xf32>
    %squeeze3A_380 = vector.shape_cast %get3A_379 : vector<1x768xf32> to vector<768xf32>
    %swap3A_381 = arith.constant 22 : index
    %swap3A_382 = arith.constant 0 : index
    %swap3A_383 = vector.load %arg8[%swap3A_381, %swap3A_382] : memref<128x768xf32, #tpu.memory_space<vmem>>, vector<1x768xf32>
    %swap3A_384 = vector.shape_cast %swap3A_383 : vector<1x768xf32> to vector<768xf32>
    %swap3A_385 = vector.shape_cast %squeeze3A_380 : vector<768xf32> to vector<1x768xf32>
    tpu.vector_store %arg8[%swap3A_381, %swap3A_382], %swap3A_385 {strides = array<i32>} : memref<128x768xf32, #tpu.memory_space<vmem>>, vector<1x768xf32>,
    %get3A_386 = arith.constant 0 : index
    %get3A_387 = arith.constant 0 : index
    %get3A_388 = arith.constant 23 : index
    %get3A_389 = memref.load %arg2[%get3A_386, %get3A_387, %get3A_388] : memref<1x1x128xi32, #tpu.memory_space<smem>>
    %max3A_390 = arith.constant 0 : i32
    %max3A_391 = arith.maxsi %get3A_389, %max3A_390 : i32
    %min3A_392 = arith.constant 2047 : i32
    %min3A_393 = arith.minsi %max3A_391, %min3A_392 : i32
    %get3A_394 = arith.index_cast %min3A_393 : i32 to index
    %get3A_395 = arith.constant 0 : index
    %get3A_396 = vector.load %arg3[%get3A_394, %get3A_395] : memref<2048x768xf32, #tpu.memory_space<vmem>>, vector<1x768xf32>
    %squeeze3A_397 = vector.shape_cast %get3A_396 : vector<1x768xf32> to vector<768xf32>
    %swap3A_398 = arith.constant 23 : index
    %swap3A_399 = arith.constant 0 : index
    %swap3A_400 = vector.load %arg8[%swap3A_398, %swap3A_399] : memref<128x768xf32, #tpu.memory_space<vmem>>, vector<1x768xf32>
    %swap3A_401 = vector.shape_cast %swap3A_400 : vector<1x768xf32> to vector<768xf32>
    %swap3A_402 = vector.shape_cast %squeeze3A_397 : vector<768xf32> to vector<1x768xf32>
    tpu.vector_store %arg8[%swap3A_398, %swap3A_399], %swap3A_402 {strides = array<i32>} : memref<128x768xf32, #tpu.memory_space<vmem>>, vector<1x768xf32>,
    %get3A_403 = arith.constant 0 : index
    %get3A_404 = arith.constant 0 : index
    %get3A_405 = arith.constant 24 : index
    %get3A_406 = memref.load %arg2[%get3A_403, %get3A_404, %get3A_405] : memref<1x1x128xi32, #tpu.memory_space<smem>>
    %max3A_407 = arith.constant 0 : i32
    %max3A_408 = arith.maxsi %get3A_406, %max3A_407 : i32
    %min3A_409 = arith.constant 2047 : i32
    %min3A_410 = arith.minsi %max3A_408, %min3A_409 : i32
    %get3A_411 = arith.index_cast %min3A_410 : i32 to index
    %get3A_412 = arith.constant 0 : index
    %get3A_413 = vector.load %arg3[%get3A_411, %get3A_412] : memref<2048x768xf32, #tpu.memory_space<vmem>>, vector<1x768xf32>
    %squeeze3A_414 = vector.shape_cast %get3A_413 : vector<1x768xf32> to vector<768xf32>
    %swap3A_415 = arith.constant 24 : index
    %swap3A_416 = arith.constant 0 : index
    %swap3A_417 = vector.load %arg8[%swap3A_415, %swap3A_416] : memref<128x768xf32, #tpu.memory_space<vmem>>, vector<1x768xf32>
    %swap3A_418 = vector.shape_cast %swap3A_417 : vector<1x768xf32> to vector<768xf32>
    %swap3A_419 = vector.shape_cast %squeeze3A_414 : vector<768xf32> to vector<1x768xf32>
    tpu.vector_store %arg8[%swap3A_415, %swap3A_416], %swap3A_419 {strides = array<i32>} : memref<128x768xf32, #tpu.memory_space<vmem>>, vector<1x768xf32>,
    %get3A_420 = arith.constant 0 : index
    %get3A_421 = arith.constant 0 : index
    %get3A_422 = arith.constant 25 : index
    %get3A_423 = memref.load %arg2[%get3A_420, %get3A_421, %get3A_422] : memref<1x1x128xi32, #tpu.memory_space<smem>>
    %max3A_424 = arith.constant 0 : i32
    %max3A_425 = arith.maxsi %get3A_423, %max3A_424 : i32
    %min3A_426 = arith.constant 2047 : i32
    %min3A_427 = arith.minsi %max3A_425, %min3A_426 : i32
    %get3A_428 = arith.index_cast %min3A_427 : i32 to index
    %get3A_429 = arith.constant 0 : index
    %get3A_430 = vector.load %arg3[%get3A_428, %get3A_429] : memref<2048x768xf32, #tpu.memory_space<vmem>>, vector<1x768xf32>
    %squeeze3A_431 = vector.shape_cast %get3A_430 : vector<1x768xf32> to vector<768xf32>
    %swap3A_432 = arith.constant 25 : index
    %swap3A_433 = arith.constant 0 : index
    %swap3A_434 = vector.load %arg8[%swap3A_432, %swap3A_433] : memref<128x768xf32, #tpu.memory_space<vmem>>, vector<1x768xf32>
    %swap3A_435 = vector.shape_cast %swap3A_434 : vector<1x768xf32> to vector<768xf32>
    %swap3A_436 = vector.shape_cast %squeeze3A_431 : vector<768xf32> to vector<1x768xf32>
    tpu.vector_store %arg8[%swap3A_432, %swap3A_433], %swap3A_436 {strides = array<i32>} : memref<128x768xf32, #tpu.memory_space<vmem>>, vector<1x768xf32>,
    %get3A_437 = arith.constant 0 : index
    %get3A_438 = arith.constant 0 : index
    %get3A_439 = arith.constant 26 : index
    %get3A_440 = memref.load %arg2[%get3A_437, %get3A_438, %get3A_439] : memref<1x1x128xi32, #tpu.memory_space<smem>>
    %max3A_441 = arith.constant 0 : i32
    %max3A_442 = arith.maxsi %get3A_440, %max3A_441 : i32
    %min3A_443 = arith.constant 2047 : i32
    %min3A_444 = arith.minsi %max3A_442, %min3A_443 : i32
    %get3A_445 = arith.index_cast %min3A_444 : i32 to index
    %get3A_446 = arith.constant 0 : index
    %get3A_447 = vector.load %arg3[%get3A_445, %get3A_446] : memref<2048x768xf32, #tpu.memory_space<vmem>>, vector<1x768xf32>
    %squeeze3A_448 = vector.shape_cast %get3A_447 : vector<1x768xf32> to vector<768xf32>
    %swap3A_449 = arith.constant 26 : index
    %swap3A_450 = arith.constant 0 : index
    %swap3A_451 = vector.load %arg8[%swap3A_449, %swap3A_450] : memref<128x768xf32, #tpu.memory_space<vmem>>, vector<1x768xf32>
    %swap3A_452 = vector.shape_cast %swap3A_451 : vector<1x768xf32> to vector<768xf32>
    %swap3A_453 = vector.shape_cast %squeeze3A_448 : vector<768xf32> to vector<1x768xf32>
    tpu.vector_store %arg8[%swap3A_449, %swap3A_450], %swap3A_453 {strides = array<i32>} : memref<128x768xf32, #tpu.memory_space<vmem>>, vector<1x768xf32>,
    %get3A_454 = arith.constant 0 : index
    %get3A_455 = arith.constant 0 : index
    %get3A_456 = arith.constant 27 : index
    %get3A_457 = memref.load %arg2[%get3A_454, %get3A_455, %get3A_456] : memref<1x1x128xi32, #tpu.memory_space<smem>>
    %max3A_458 = arith.constant 0 : i32
    %max3A_459 = arith.maxsi %get3A_457, %max3A_458 : i32
    %min3A_460 = arith.constant 2047 : i32
    %min3A_461 = arith.minsi %max3A_459, %min3A_460 : i32
    %get3A_462 = arith.index_cast %min3A_461 : i32 to index
    %get3A_463 = arith.constant 0 : index
    %get3A_464 = vector.load %arg3[%get3A_462, %get3A_463] : memref<2048x768xf32, #tpu.memory_space<vmem>>, vector<1x768xf32>
    %squeeze3A_465 = vector.shape_cast %get3A_464 : vector<1x768xf32> to vector<768xf32>
    %swap3A_466 = arith.constant 27 : index
    %swap3A_467 = arith.constant 0 : index
    %swap3A_468 = vector.load %arg8[%swap3A_466, %swap3A_467] : memref<128x768xf32, #tpu.memory_space<vmem>>, vector<1x768xf32>
    %swap3A_469 = vector.shape_cast %swap3A_468 : vector<1x768xf32> to vector<768xf32>
    %swap3A_470 = vector.shape_cast %squeeze3A_465 : vector<768xf32> to vector<1x768xf32>
    tpu.vector_store %arg8[%swap3A_466, %swap3A_467], %swap3A_470 {strides = array<i32>} : memref<128x768xf32, #tpu.memory_space<vmem>>, vector<1x768xf32>,
    %get3A_471 = arith.constant 0 : index
    %get3A_472 = arith.constant 0 : index
    %get3A_473 = arith.constant 28 : index
    %get3A_474 = memref.load %arg2[%get3A_471, %get3A_472, %get3A_473] : memref<1x1x128xi32, #tpu.memory_space<smem>>
    %max3A_475 = arith.constant 0 : i32
    %max3A_476 = arith.maxsi %get3A_474, %max3A_475 : i32
    %min3A_477 = arith.constant 2047 : i32
    %min3A_478 = arith.minsi %max3A_476, %min3A_477 : i32
    %get3A_479 = arith.index_cast %min3A_478 : i32 to index
    %get3A_480 = arith.constant 0 : index
    %get3A_481 = vector.load %arg3[%get3A_479, %get3A_480] : memref<2048x768xf32, #tpu.memory_space<vmem>>, vector<1x768xf32>
    %squeeze3A_482 = vector.shape_cast %get3A_481 : vector<1x768xf32> to vector<768xf32>
    %swap3A_483 = arith.constant 28 : index
    %swap3A_484 = arith.constant 0 : index
    %swap3A_485 = vector.load %arg8[%swap3A_483, %swap3A_484] : memref<128x768xf32, #tpu.memory_space<vmem>>, vector<1x768xf32>
    %swap3A_486 = vector.shape_cast %swap3A_485 : vector<1x768xf32> to vector<768xf32>
    %swap3A_487 = vector.shape_cast %squeeze3A_482 : vector<768xf32> to vector<1x768xf32>
    tpu.vector_store %arg8[%swap3A_483, %swap3A_484], %swap3A_487 {strides = array<i32>} : memref<128x768xf32, #tpu.memory_space<vmem>>, vector<1x768xf32>,
    %get3A_488 = arith.constant 0 : index
    %get3A_489 = arith.constant 0 : index
    %get3A_490 = arith.constant 29 : index
    %get3A_491 = memref.load %arg2[%get3A_488, %get3A_489, %get3A_490] : memref<1x1x128xi32, #tpu.memory_space<smem>>
    %max3A_492 = arith.constant 0 : i32
    %max3A_493 = arith.maxsi %get3A_491, %max3A_492 : i32
    %min3A_494 = arith.constant 2047 : i32
    %min3A_495 = arith.minsi %max3A_493, %min3A_494 : i32
    %get3A_496 = arith.index_cast %min3A_495 : i32 to index
    %get3A_497 = arith.constant 0 : index
    %get3A_498 = vector.load %arg3[%get3A_496, %get3A_497] : memref<2048x768xf32, #tpu.memory_space<vmem>>, vector<1x768xf32>
    %squeeze3A_499 = vector.shape_cast %get3A_498 : vector<1x768xf32> to vector<768xf32>
    %swap3A_500 = arith.constant 29 : index
    %swap3A_501 = arith.constant 0 : index
    %swap3A_502 = vector.load %arg8[%swap3A_500, %swap3A_501] : memref<128x768xf32, #tpu.memory_space<vmem>>, vector<1x768xf32>
    %swap3A_503 = vector.shape_cast %swap3A_502 : vector<1x768xf32> to vector<768xf32>
    %swap3A_504 = vector.shape_cast %squeeze3A_499 : vector<768xf32> to vector<1x768xf32>
    tpu.vector_store %arg8[%swap3A_500, %swap3A_501], %swap3A_504 {strides = array<i32>} : memref<128x768xf32, #tpu.memory_space<vmem>>, vector<1x768xf32>,
    %get3A_505 = arith.constant 0 : index
    %get3A_506 = arith.constant 0 : index
    %get3A_507 = arith.constant 30 : index
    %get3A_508 = memref.load %arg2[%get3A_505, %get3A_506, %get3A_507] : memref<1x1x128xi32, #tpu.memory_space<smem>>
    %max3A_509 = arith.constant 0 : i32
    %max3A_510 = arith.maxsi %get3A_508, %max3A_509 : i32
    %min3A_511 = arith.constant 2047 : i32
    %min3A_512 = arith.minsi %max3A_510, %min3A_511 : i32
    %get3A_513 = arith.index_cast %min3A_512 : i32 to index
    %get3A_514 = arith.constant 0 : index
    %get3A_515 = vector.load %arg3[%get3A_513, %get3A_514] : memref<2048x768xf32, #tpu.memory_space<vmem>>, vector<1x768xf32>
    %squeeze3A_516 = vector.shape_cast %get3A_515 : vector<1x768xf32> to vector<768xf32>
    %swap3A_517 = arith.constant 30 : index
    %swap3A_518 = arith.constant 0 : index
    %swap3A_519 = vector.load %arg8[%swap3A_517, %swap3A_518] : memref<128x768xf32, #tpu.memory_space<vmem>>, vector<1x768xf32>
    %swap3A_520 = vector.shape_cast %swap3A_519 : vector<1x768xf32> to vector<768xf32>
    %swap3A_521 = vector.shape_cast %squeeze3A_516 : vector<768xf32> to vector<1x768xf32>
    tpu.vector_store %arg8[%swap3A_517, %swap3A_518], %swap3A_521 {strides = array<i32>} : memref<128x768xf32, #tpu.memory_space<vmem>>, vector<1x768xf32>,
    %get3A_522 = arith.constant 0 : index
    %get3A_523 = arith.constant 0 : index
    %get3A_524 = arith.constant 31 : index
    %get3A_525 = memref.load %arg2[%get3A_522, %get3A_523, %get3A_524] : memref<1x1x128xi32, #tpu.memory_space<smem>>
    %max3A_526 = arith.constant 0 : i32
    %max3A_527 = arith.maxsi %get3A_525, %max3A_526 : i32
    %min3A_528 = arith.constant 2047 : i32
    %min3A_529 = arith.minsi %max3A_527, %min3A_528 : i32
    %get3A_530 = arith.index_cast %min3A_529 : i32 to index
    %get3A_531 = arith.constant 0 : index
    %get3A_532 = vector.load %arg3[%get3A_530, %get3A_531] : memref<2048x768xf32, #tpu.memory_space<vmem>>, vector<1x768xf32>
    %squeeze3A_533 = vector.shape_cast %get3A_532 : vector<1x768xf32> to vector<768xf32>
    %swap3A_534 = arith.constant 31 : index
    %swap3A_535 = arith.constant 0 : index
    %swap3A_536 = vector.load %arg8[%swap3A_534, %swap3A_535] : memref<128x768xf32, #tpu.memory_space<vmem>>, vector<1x768xf32>
    %swap3A_537 = vector.shape_cast %swap3A_536 : vector<1x768xf32> to vector<768xf32>
    %swap3A_538 = vector.shape_cast %squeeze3A_533 : vector<768xf32> to vector<1x768xf32>
    tpu.vector_store %arg8[%swap3A_534, %swap3A_535], %swap3A_538 {strides = array<i32>} : memref<128x768xf32, #tpu.memory_space<vmem>>, vector<1x768xf32>,
    %get3A_539 = arith.constant 0 : index
    %get3A_540 = arith.constant 0 : index
    %get3A_541 = arith.constant 32 : index
    %get3A_542 = memref.load %arg2[%get3A_539, %get3A_540, %get3A_541] : memref<1x1x128xi32, #tpu.memory_space<smem>>
    %max3A_543 = arith.constant 0 : i32
    %max3A_544 = arith.maxsi %get3A_542, %max3A_543 : i32
    %min3A_545 = arith.constant 2047 : i32
    %min3A_546 = arith.minsi %max3A_544, %min3A_545 : i32
    %get3A_547 = arith.index_cast %min3A_546 : i32 to index
    %get3A_548 = arith.constant 0 : index
    %get3A_549 = vector.load %arg3[%get3A_547, %get3A_548] : memref<2048x768xf32, #tpu.memory_space<vmem>>, vector<1x768xf32>
    %squeeze3A_550 = vector.shape_cast %get3A_549 : vector<1x768xf32> to vector<768xf32>
    %swap3A_551 = arith.constant 32 : index
    %swap3A_552 = arith.constant 0 : index
    %swap3A_553 = vector.load %arg8[%swap3A_551, %swap3A_552] : memref<128x768xf32, #tpu.memory_space<vmem>>, vector<1x768xf32>
    %swap3A_554 = vector.shape_cast %swap3A_553 : vector<1x768xf32> to vector<768xf32>
    %swap3A_555 = vector.shape_cast %squeeze3A_550 : vector<768xf32> to vector<1x768xf32>
    tpu.vector_store %arg8[%swap3A_551, %swap3A_552], %swap3A_555 {strides = array<i32>} : memref<128x768xf32, #tpu.memory_space<vmem>>, vector<1x768xf32>,
    %get3A_556 = arith.constant 0 : index
    %get3A_557 = arith.constant 0 : index
    %get3A_558 = arith.constant 33 : index
    %get3A_559 = memref.load %arg2[%get3A_556, %get3A_557, %get3A_558] : memref<1x1x128xi32, #tpu.memory_space<smem>>
    %max3A_560 = arith.constant 0 : i32
    %max3A_561 = arith.maxsi %get3A_559, %max3A_560 : i32
    %min3A_562 = arith.constant 2047 : i32
    %min3A_563 = arith.minsi %max3A_561, %min3A_562 : i32
    %get3A_564 = arith.index_cast %min3A_563 : i32 to index
    %get3A_565 = arith.constant 0 : index
    %get3A_566 = vector.load %arg3[%get3A_564, %get3A_565] : memref<2048x768xf32, #tpu.memory_space<vmem>>, vector<1x768xf32>
    %squeeze3A_567 = vector.shape_cast %get3A_566 : vector<1x768xf32> to vector<768xf32>
    %swap3A_568 = arith.constant 33 : index
    %swap3A_569 = arith.constant 0 : index
    %swap3A_570 = vector.load %arg8[%swap3A_568, %swap3A_569] : memref<128x768xf32, #tpu.memory_space<vmem>>, vector<1x768xf32>
    %swap3A_571 = vector.shape_cast %swap3A_570 : vector<1x768xf32> to vector<768xf32>
    %swap3A_572 = vector.shape_cast %squeeze3A_567 : vector<768xf32> to vector<1x768xf32>
    tpu.vector_store %arg8[%swap3A_568, %swap3A_569], %swap3A_572 {strides = array<i32>} : memref<128x768xf32, #tpu.memory_space<vmem>>, vector<1x768xf32>,
    %get3A_573 = arith.constant 0 : index
    %get3A_574 = arith.constant 0 : index
    %get3A_575 = arith.constant 34 : index
    %get3A_576 = memref.load %arg2[%get3A_573, %get3A_574, %get3A_575] : memref<1x1x128xi32, #tpu.memory_space<smem>>
    %max3A_577 = arith.constant 0 : i32
    %max3A_578 = arith.maxsi %get3A_576, %max3A_577 : i32
    %min3A_579 = arith.constant 2047 : i32
    %min3A_580 = arith.minsi %max3A_578, %min3A_579 : i32
    %get3A_581 = arith.index_cast %min3A_580 : i32 to index
    %get3A_582 = arith.constant 0 : index
    %get3A_583 = vector.load %arg3[%get3A_581, %get3A_582] : memref<2048x768xf32, #tpu.memory_space<vmem>>, vector<1x768xf32>
    %squeeze3A_584 = vector.shape_cast %get3A_583 : vector<1x768xf32> to vector<768xf32>
    %swap3A_585 = arith.constant 34 : index
    %swap3A_586 = arith.constant 0 : index
    %swap3A_587 = vector.load %arg8[%swap3A_585, %swap3A_586] : memref<128x768xf32, #tpu.memory_space<vmem>>, vector<1x768xf32>
    %swap3A_588 = vector.shape_cast %swap3A_587 : vector<1x768xf32> to vector<768xf32>
    %swap3A_589 = vector.shape_cast %squeeze3A_584 : vector<768xf32> to vector<1x768xf32>
    tpu.vector_store %arg8[%swap3A_585, %swap3A_586], %swap3A_589 {strides = array<i32>} : memref<128x768xf32, #tpu.memory_space<vmem>>, vector<1x768xf32>,
    %get3A_590 = arith.constant 0 : index
    %get3A_591 = arith.constant 0 : index
    %get3A_592 = arith.constant 35 : index
    %get3A_593 = memref.load %arg2[%get3A_590, %get3A_591, %get3A_592] : memref<1x1x128xi32, #tpu.memory_space<smem>>
    %max3A_594 = arith.constant 0 : i32
    %max3A_595 = arith.maxsi %get3A_593, %max3A_594 : i32
    %min3A_596 = arith.constant 2047 : i32
    %min3A_597 = arith.minsi %max3A_595, %min3A_596 : i32
    %get3A_598 = arith.index_cast %min3A_597 : i32 to index
    %get3A_599 = arith.constant 0 : index
    %get3A_600 = vector.load %arg3[%get3A_598, %get3A_599] : memref<2048x768xf32, #tpu.memory_space<vmem>>, vector<1x768xf32>
    %squeeze3A_601 = vector.shape_cast %get3A_600 : vector<1x768xf32> to vector<768xf32>
    %swap3A_602 = arith.constant 35 : index
    %swap3A_603 = arith.constant 0 : index
    %swap3A_604 = vector.load %arg8[%swap3A_602, %swap3A_603] : memref<128x768xf32, #tpu.memory_space<vmem>>, vector<1x768xf32>
    %swap3A_605 = vector.shape_cast %swap3A_604 : vector<1x768xf32> to vector<768xf32>
    %swap3A_606 = vector.shape_cast %squeeze3A_601 : vector<768xf32> to vector<1x768xf32>
    tpu.vector_store %arg8[%swap3A_602, %swap3A_603], %swap3A_606 {strides = array<i32>} : memref<128x768xf32, #tpu.memory_space<vmem>>, vector<1x768xf32>,
    %get3A_607 = arith.constant 0 : index
    %get3A_608 = arith.constant 0 : index
    %get3A_609 = arith.constant 36 : index
    %get3A_610 = memref.load %arg2[%get3A_607, %get3A_608, %get3A_609] : memref<1x1x128xi32, #tpu.memory_space<smem>>
    %max3A_611 = arith.constant 0 : i32
    %max3A_612 = arith.maxsi %get3A_610, %max3A_611 : i32
    %min3A_613 = arith.constant 2047 : i32
    %min3A_614 = arith.minsi %max3A_612, %min3A_613 : i32
    %get3A_615 = arith.index_cast %min3A_614 : i32 to index
    %get3A_616 = arith.constant 0 : index
    %get3A_617 = vector.load %arg3[%get3A_615, %get3A_616] : memref<2048x768xf32, #tpu.memory_space<vmem>>, vector<1x768xf32>
    %squeeze3A_618 = vector.shape_cast %get3A_617 : vector<1x768xf32> to vector<768xf32>
    %swap3A_619 = arith.constant 36 : index
    %swap3A_620 = arith.constant 0 : index
    %swap3A_621 = vector.load %arg8[%swap3A_619, %swap3A_620] : memref<128x768xf32, #tpu.memory_space<vmem>>, vector<1x768xf32>
    %swap3A_622 = vector.shape_cast %swap3A_621 : vector<1x768xf32> to vector<768xf32>
    %swap3A_623 = vector.shape_cast %squeeze3A_618 : vector<768xf32> to vector<1x768xf32>
    tpu.vector_store %arg8[%swap3A_619, %swap3A_620], %swap3A_623 {strides = array<i32>} : memref<128x768xf32, #tpu.memory_space<vmem>>, vector<1x768xf32>,
    %get3A_624 = arith.constant 0 : index
    %get3A_625 = arith.constant 0 : index
    %get3A_626 = arith.constant 37 : index
    %get3A_627 = memref.load %arg2[%get3A_624, %get3A_625, %get3A_626] : memref<1x1x128xi32, #tpu.memory_space<smem>>
    %max3A_628 = arith.constant 0 : i32
    %max3A_629 = arith.maxsi %get3A_627, %max3A_628 : i32
    %min3A_630 = arith.constant 2047 : i32
    %min3A_631 = arith.minsi %max3A_629, %min3A_630 : i32
    %get3A_632 = arith.index_cast %min3A_631 : i32 to index
    %get3A_633 = arith.constant 0 : index
    %get3A_634 = vector.load %arg3[%get3A_632, %get3A_633] : memref<2048x768xf32, #tpu.memory_space<vmem>>, vector<1x768xf32>
    %squeeze3A_635 = vector.shape_cast %get3A_634 : vector<1x768xf32> to vector<768xf32>
    %swap3A_636 = arith.constant 37 : index
    %swap3A_637 = arith.constant 0 : index
    %swap3A_638 = vector.load %arg8[%swap3A_636, %swap3A_637] : memref<128x768xf32, #tpu.memory_space<vmem>>, vector<1x768xf32>
    %swap3A_639 = vector.shape_cast %swap3A_638 : vector<1x768xf32> to vector<768xf32>
    %swap3A_640 = vector.shape_cast %squeeze3A_635 : vector<768xf32> to vector<1x768xf32>
    tpu.vector_store %arg8[%swap3A_636, %swap3A_637], %swap3A_640 {strides = array<i32>} : memref<128x768xf32, #tpu.memory_space<vmem>>, vector<1x768xf32>,
    %get3A_641 = arith.constant 0 : index
    %get3A_642 = arith.constant 0 : index
    %get3A_643 = arith.constant 38 : index
    %get3A_644 = memref.load %arg2[%get3A_641, %get3A_642, %get3A_643] : memref<1x1x128xi32, #tpu.memory_space<smem>>
    %max3A_645 = arith.constant 0 : i32
    %max3A_646 = arith.maxsi %get3A_644, %max3A_645 : i32
    %min3A_647 = arith.constant 2047 : i32
    %min3A_648 = arith.minsi %max3A_646, %min3A_647 : i32
    %get3A_649 = arith.index_cast %min3A_648 : i32 to index
    %get3A_650 = arith.constant 0 : index
    %get3A_651 = vector.load %arg3[%get3A_649, %get3A_650] : memref<2048x768xf32, #tpu.memory_space<vmem>>, vector<1x768xf32>
    %squeeze3A_652 = vector.shape_cast %get3A_651 : vector<1x768xf32> to vector<768xf32>
    %swap3A_653 = arith.constant 38 : index
    %swap3A_654 = arith.constant 0 : index
    %swap3A_655 = vector.load %arg8[%swap3A_653, %swap3A_654] : memref<128x768xf32, #tpu.memory_space<vmem>>, vector<1x768xf32>
    %swap3A_656 = vector.shape_cast %swap3A_655 : vector<1x768xf32> to vector<768xf32>
    %swap3A_657 = vector.shape_cast %squeeze3A_652 : vector<768xf32> to vector<1x768xf32>
    tpu.vector_store %arg8[%swap3A_653, %swap3A_654], %swap3A_657 {strides = array<i32>} : memref<128x768xf32, #tpu.memory_space<vmem>>, vector<1x768xf32>,
    %get3A_658 = arith.constant 0 : index
    %get3A_659 = arith.constant 0 : index
    %get3A_660 = arith.constant 39 : index
    %get3A_661 = memref.load %arg2[%get3A_658, %get3A_659, %get3A_660] : memref<1x1x128xi32, #tpu.memory_space<smem>>
    %max3A_662 = arith.constant 0 : i32
    %max3A_663 = arith.maxsi %get3A_661, %max3A_662 : i32
    %min3A_664 = arith.constant 2047 : i32
    %min3A_665 = arith.minsi %max3A_663, %min3A_664 : i32
    %get3A_666 = arith.index_cast %min3A_665 : i32 to index
    %get3A_667 = arith.constant 0 : index
    %get3A_668 = vector.load %arg3[%get3A_666, %get3A_667] : memref<2048x768xf32, #tpu.memory_space<vmem>>, vector<1x768xf32>
    %squeeze3A_669 = vector.shape_cast %get3A_668 : vector<1x768xf32> to vector<768xf32>
    %swap3A_670 = arith.constant 39 : index
    %swap3A_671 = arith.constant 0 : index
    %swap3A_672 = vector.load %arg8[%swap3A_670, %swap3A_671] : memref<128x768xf32, #tpu.memory_space<vmem>>, vector<1x768xf32>
    %swap3A_673 = vector.shape_cast %swap3A_672 : vector<1x768xf32> to vector<768xf32>
    %swap3A_674 = vector.shape_cast %squeeze3A_669 : vector<768xf32> to vector<1x768xf32>
    tpu.vector_store %arg8[%swap3A_670, %swap3A_671], %swap3A_674 {strides = array<i32>} : memref<128x768xf32, #tpu.memory_space<vmem>>, vector<1x768xf32>,
    %get3A_675 = arith.constant 0 : index
    %get3A_676 = arith.constant 0 : index
    %get3A_677 = arith.constant 40 : index
    %get3A_678 = memref.load %arg2[%get3A_675, %get3A_676, %get3A_677] : memref<1x1x128xi32, #tpu.memory_space<smem>>
    %max3A_679 = arith.constant 0 : i32
    %max3A_680 = arith.maxsi %get3A_678, %max3A_679 : i32
    %min3A_681 = arith.constant 2047 : i32
    %min3A_682 = arith.minsi %max3A_680, %min3A_681 : i32
    %get3A_683 = arith.index_cast %min3A_682 : i32 to index
    %get3A_684 = arith.constant 0 : index
    %get3A_685 = vector.load %arg3[%get3A_683, %get3A_684] : memref<2048x768xf32, #tpu.memory_space<vmem>>, vector<1x768xf32>
    %squeeze3A_686 = vector.shape_cast %get3A_685 : vector<1x768xf32> to vector<768xf32>
    %swap3A_687 = arith.constant 40 : index
    %swap3A_688 = arith.constant 0 : index
    %swap3A_689 = vector.load %arg8[%swap3A_687, %swap3A_688] : memref<128x768xf32, #tpu.memory_space<vmem>>, vector<1x768xf32>
    %swap3A_690 = vector.shape_cast %swap3A_689 : vector<1x768xf32> to vector<768xf32>
    %swap3A_691 = vector.shape_cast %squeeze3A_686 : vector<768xf32> to vector<1x768xf32>
    tpu.vector_store %arg8[%swap3A_687, %swap3A_688], %swap3A_691 {strides = array<i32>} : memref<128x768xf32, #tpu.memory_space<vmem>>, vector<1x768xf32>,
    %get3A_692 = arith.constant 0 : index
    %get3A_693 = arith.constant 0 : index
    %get3A_694 = arith.constant 41 : index
    %get3A_695 = memref.load %arg2[%get3A_692, %get3A_693, %get3A_694] : memref<1x1x128xi32, #tpu.memory_space<smem>>
    %max3A_696 = arith.constant 0 : i32
    %max3A_697 = arith.maxsi %get3A_695, %max3A_696 : i32
    %min3A_698 = arith.constant 2047 : i32
    %min3A_699 = arith.minsi %max3A_697, %min3A_698 : i32
    %get3A_700 = arith.index_cast %min3A_699 : i32 to index
    %get3A_701 = arith.constant 0 : index
    %get3A_702 = vector.load %arg3[%get3A_700, %get3A_701] : memref<2048x768xf32, #tpu.memory_space<vmem>>, vector<1x768xf32>
    %squeeze3A_703 = vector.shape_cast %get3A_702 : vector<1x768xf32> to vector<768xf32>
    %swap3A_704 = arith.constant 41 : index
    %swap3A_705 = arith.constant 0 : index
    %swap3A_706 = vector.load %arg8[%swap3A_704, %swap3A_705] : memref<128x768xf32, #tpu.memory_space<vmem>>, vector<1x768xf32>
    %swap3A_707 = vector.shape_cast %swap3A_706 : vector<1x768xf32> to vector<768xf32>
    %swap3A_708 = vector.shape_cast %squeeze3A_703 : vector<768xf32> to vector<1x768xf32>
    tpu.vector_store %arg8[%swap3A_704, %swap3A_705], %swap3A_708 {strides = array<i32>} : memref<128x768xf32, #tpu.memory_space<vmem>>, vector<1x768xf32>,
    %get3A_709 = arith.constant 0 : index
    %get3A_710 = arith.constant 0 : index
    %get3A_711 = arith.constant 42 : index
    %get3A_712 = memref.load %arg2[%get3A_709, %get3A_710, %get3A_711] : memref<1x1x128xi32, #tpu.memory_space<smem>>
    %max3A_713 = arith.constant 0 : i32
    %max3A_714 = arith.maxsi %get3A_712, %max3A_713 : i32
    %min3A_715 = arith.constant 2047 : i32
    %min3A_716 = arith.minsi %max3A_714, %min3A_715 : i32
    %get3A_717 = arith.index_cast %min3A_716 : i32 to index
    %get3A_718 = arith.constant 0 : index
    %get3A_719 = vector.load %arg3[%get3A_717, %get3A_718] : memref<2048x768xf32, #tpu.memory_space<vmem>>, vector<1x768xf32>
    %squeeze3A_720 = vector.shape_cast %get3A_719 : vector<1x768xf32> to vector<768xf32>
    %swap3A_721 = arith.constant 42 : index
    %swap3A_722 = arith.constant 0 : index
    %swap3A_723 = vector.load %arg8[%swap3A_721, %swap3A_722] : memref<128x768xf32, #tpu.memory_space<vmem>>, vector<1x768xf32>
    %swap3A_724 = vector.shape_cast %swap3A_723 : vector<1x768xf32> to vector<768xf32>
    %swap3A_725 = vector.shape_cast %squeeze3A_720 : vector<768xf32> to vector<1x768xf32>
    tpu.vector_store %arg8[%swap3A_721, %swap3A_722], %swap3A_725 {strides = array<i32>} : memref<128x768xf32, #tpu.memory_space<vmem>>, vector<1x768xf32>,
    %get3A_726 = arith.constant 0 : index
    %get3A_727 = arith.constant 0 : index
    %get3A_728 = arith.constant 43 : index
    %get3A_729 = memref.load %arg2[%get3A_726, %get3A_727, %get3A_728] : memref<1x1x128xi32, #tpu.memory_space<smem>>
    %max3A_730 = arith.constant 0 : i32
    %max3A_731 = arith.maxsi %get3A_729, %max3A_730 : i32
    %min3A_732 = arith.constant 2047 : i32
    %min3A_733 = arith.minsi %max3A_731, %min3A_732 : i32
    %get3A_734 = arith.index_cast %min3A_733 : i32 to index
    %get3A_735 = arith.constant 0 : index
    %get3A_736 = vector.load %arg3[%get3A_734, %get3A_735] : memref<2048x768xf32, #tpu.memory_space<vmem>>, vector<1x768xf32>
    %squeeze3A_737 = vector.shape_cast %get3A_736 : vector<1x768xf32> to vector<768xf32>
    %swap3A_738 = arith.constant 43 : index
    %swap3A_739 = arith.constant 0 : index
    %swap3A_740 = vector.load %arg8[%swap3A_738, %swap3A_739] : memref<128x768xf32, #tpu.memory_space<vmem>>, vector<1x768xf32>
    %swap3A_741 = vector.shape_cast %swap3A_740 : vector<1x768xf32> to vector<768xf32>
    %swap3A_742 = vector.shape_cast %squeeze3A_737 : vector<768xf32> to vector<1x768xf32>
    tpu.vector_store %arg8[%swap3A_738, %swap3A_739], %swap3A_742 {strides = array<i32>} : memref<128x768xf32, #tpu.memory_space<vmem>>, vector<1x768xf32>,
    %get3A_743 = arith.constant 0 : index
    %get3A_744 = arith.constant 0 : index
    %get3A_745 = arith.constant 44 : index
    %get3A_746 = memref.load %arg2[%get3A_743, %get3A_744, %get3A_745] : memref<1x1x128xi32, #tpu.memory_space<smem>>
    %max3A_747 = arith.constant 0 : i32
    %max3A_748 = arith.maxsi %get3A_746, %max3A_747 : i32
    %min3A_749 = arith.constant 2047 : i32
    %min3A_750 = arith.minsi %max3A_748, %min3A_749 : i32
    %get3A_751 = arith.index_cast %min3A_750 : i32 to index
    %get3A_752 = arith.constant 0 : index
    %get3A_753 = vector.load %arg3[%get3A_751, %get3A_752] : memref<2048x768xf32, #tpu.memory_space<vmem>>, vector<1x768xf32>
    %squeeze3A_754 = vector.shape_cast %get3A_753 : vector<1x768xf32> to vector<768xf32>
    %swap3A_755 = arith.constant 44 : index
    %swap3A_756 = arith.constant 0 : index
    %swap3A_757 = vector.load %arg8[%swap3A_755, %swap3A_756] : memref<128x768xf32, #tpu.memory_space<vmem>>, vector<1x768xf32>
    %swap3A_758 = vector.shape_cast %swap3A_757 : vector<1x768xf32> to vector<768xf32>
    %swap3A_759 = vector.shape_cast %squeeze3A_754 : vector<768xf32> to vector<1x768xf32>
    tpu.vector_store %arg8[%swap3A_755, %swap3A_756], %swap3A_759 {strides = array<i32>} : memref<128x768xf32, #tpu.memory_space<vmem>>, vector<1x768xf32>,
    %get3A_760 = arith.constant 0 : index
    %get3A_761 = arith.constant 0 : index
    %get3A_762 = arith.constant 45 : index
    %get3A_763 = memref.load %arg2[%get3A_760, %get3A_761, %get3A_762] : memref<1x1x128xi32, #tpu.memory_space<smem>>
    %max3A_764 = arith.constant 0 : i32
    %max3A_765 = arith.maxsi %get3A_763, %max3A_764 : i32
    %min3A_766 = arith.constant 2047 : i32
    %min3A_767 = arith.minsi %max3A_765, %min3A_766 : i32
    %get3A_768 = arith.index_cast %min3A_767 : i32 to index
    %get3A_769 = arith.constant 0 : index
    %get3A_770 = vector.load %arg3[%get3A_768, %get3A_769] : memref<2048x768xf32, #tpu.memory_space<vmem>>, vector<1x768xf32>
    %squeeze3A_771 = vector.shape_cast %get3A_770 : vector<1x768xf32> to vector<768xf32>
    %swap3A_772 = arith.constant 45 : index
    %swap3A_773 = arith.constant 0 : index
    %swap3A_774 = vector.load %arg8[%swap3A_772, %swap3A_773] : memref<128x768xf32, #tpu.memory_space<vmem>>, vector<1x768xf32>
    %swap3A_775 = vector.shape_cast %swap3A_774 : vector<1x768xf32> to vector<768xf32>
    %swap3A_776 = vector.shape_cast %squeeze3A_771 : vector<768xf32> to vector<1x768xf32>
    tpu.vector_store %arg8[%swap3A_772, %swap3A_773], %swap3A_776 {strides = array<i32>} : memref<128x768xf32, #tpu.memory_space<vmem>>, vector<1x768xf32>,
    %get3A_777 = arith.constant 0 : index
    %get3A_778 = arith.constant 0 : index
    %get3A_779 = arith.constant 46 : index
    %get3A_780 = memref.load %arg2[%get3A_777, %get3A_778, %get3A_779] : memref<1x1x128xi32, #tpu.memory_space<smem>>
    %max3A_781 = arith.constant 0 : i32
    %max3A_782 = arith.maxsi %get3A_780, %max3A_781 : i32
    %min3A_783 = arith.constant 2047 : i32
    %min3A_784 = arith.minsi %max3A_782, %min3A_783 : i32
    %get3A_785 = arith.index_cast %min3A_784 : i32 to index
    %get3A_786 = arith.constant 0 : index
    %get3A_787 = vector.load %arg3[%get3A_785, %get3A_786] : memref<2048x768xf32, #tpu.memory_space<vmem>>, vector<1x768xf32>
    %squeeze3A_788 = vector.shape_cast %get3A_787 : vector<1x768xf32> to vector<768xf32>
    %swap3A_789 = arith.constant 46 : index
    %swap3A_790 = arith.constant 0 : index
    %swap3A_791 = vector.load %arg8[%swap3A_789, %swap3A_790] : memref<128x768xf32, #tpu.memory_space<vmem>>, vector<1x768xf32>
    %swap3A_792 = vector.shape_cast %swap3A_791 : vector<1x768xf32> to vector<768xf32>
    %swap3A_793 = vector.shape_cast %squeeze3A_788 : vector<768xf32> to vector<1x768xf32>
    tpu.vector_store %arg8[%swap3A_789, %swap3A_790], %swap3A_793 {strides = array<i32>} : memref<128x768xf32, #tpu.memory_space<vmem>>, vector<1x768xf32>,
    %get3A_794 = arith.constant 0 : index
    %get3A_795 = arith.constant 0 : index
    %get3A_796 = arith.constant 47 : index
    %get3A_797 = memref.load %arg2[%get3A_794, %get3A_795, %get3A_796] : memref<1x1x128xi32, #tpu.memory_space<smem>>
    %max3A_798 = arith.constant 0 : i32
    %max3A_799 = arith.maxsi %get3A_797, %max3A_798 : i32
    %min3A_800 = arith.constant 2047 : i32
    %min3A_801 = arith.minsi %max3A_799, %min3A_800 : i32
    %get3A_802 = arith.index_cast %min3A_801 : i32 to index
    %get3A_803 = arith.constant 0 : index
    %get3A_804 = vector.load %arg3[%get3A_802, %get3A_803] : memref<2048x768xf32, #tpu.memory_space<vmem>>, vector<1x768xf32>
    %squeeze3A_805 = vector.shape_cast %get3A_804 : vector<1x768xf32> to vector<768xf32>
    %swap3A_806 = arith.constant 47 : index
    %swap3A_807 = arith.constant 0 : index
    %swap3A_808 = vector.load %arg8[%swap3A_806, %swap3A_807] : memref<128x768xf32, #tpu.memory_space<vmem>>, vector<1x768xf32>
    %swap3A_809 = vector.shape_cast %swap3A_808 : vector<1x768xf32> to vector<768xf32>
    %swap3A_810 = vector.shape_cast %squeeze3A_805 : vector<768xf32> to vector<1x768xf32>
    tpu.vector_store %arg8[%swap3A_806, %swap3A_807], %swap3A_810 {strides = array<i32>} : memref<128x768xf32, #tpu.memory_space<vmem>>, vector<1x768xf32>,
    %get3A_811 = arith.constant 0 : index
    %get3A_812 = arith.constant 0 : index
    %get3A_813 = arith.constant 48 : index
    %get3A_814 = memref.load %arg2[%get3A_811, %get3A_812, %get3A_813] : memref<1x1x128xi32, #tpu.memory_space<smem>>
    %max3A_815 = arith.constant 0 : i32
    %max3A_816 = arith.maxsi %get3A_814, %max3A_815 : i32
    %min3A_817 = arith.constant 2047 : i32
    %min3A_818 = arith.minsi %max3A_816, %min3A_817 : i32
    %get3A_819 = arith.index_cast %min3A_818 : i32 to index
    %get3A_820 = arith.constant 0 : index
    %get3A_821 = vector.load %arg3[%get3A_819, %get3A_820] : memref<2048x768xf32, #tpu.memory_space<vmem>>, vector<1x768xf32>
    %squeeze3A_822 = vector.shape_cast %get3A_821 : vector<1x768xf32> to vector<768xf32>
    %swap3A_823 = arith.constant 48 : index
    %swap3A_824 = arith.constant 0 : index
    %swap3A_825 = vector.load %arg8[%swap3A_823, %swap3A_824] : memref<128x768xf32, #tpu.memory_space<vmem>>, vector<1x768xf32>
    %swap3A_826 = vector.shape_cast %swap3A_825 : vector<1x768xf32> to vector<768xf32>
    %swap3A_827 = vector.shape_cast %squeeze3A_822 : vector<768xf32> to vector<1x768xf32>
    tpu.vector_store %arg8[%swap3A_823, %swap3A_824], %swap3A_827 {strides = array<i32>} : memref<128x768xf32, #tpu.memory_space<vmem>>, vector<1x768xf32>,
    %get3A_828 = arith.constant 0 : index
    %get3A_829 = arith.constant 0 : index
    %get3A_830 = arith.constant 49 : index
    %get3A_831 = memref.load %arg2[%get3A_828, %get3A_829, %get3A_830] : memref<1x1x128xi32, #tpu.memory_space<smem>>
    %max3A_832 = arith.constant 0 : i32
    %max3A_833 = arith.maxsi %get3A_831, %max3A_832 : i32
    %min3A_834 = arith.constant 2047 : i32
    %min3A_835 = arith.minsi %max3A_833, %min3A_834 : i32
    %get3A_836 = arith.index_cast %min3A_835 : i32 to index
    %get3A_837 = arith.constant 0 : index
    %get3A_838 = vector.load %arg3[%get3A_836, %get3A_837] : memref<2048x768xf32, #tpu.memory_space<vmem>>, vector<1x768xf32>
    %squeeze3A_839 = vector.shape_cast %get3A_838 : vector<1x768xf32> to vector<768xf32>
    %swap3A_840 = arith.constant 49 : index
    %swap3A_841 = arith.constant 0 : index
    %swap3A_842 = vector.load %arg8[%swap3A_840, %swap3A_841] : memref<128x768xf32, #tpu.memory_space<vmem>>, vector<1x768xf32>
    %swap3A_843 = vector.shape_cast %swap3A_842 : vector<1x768xf32> to vector<768xf32>
    %swap3A_844 = vector.shape_cast %squeeze3A_839 : vector<768xf32> to vector<1x768xf32>
    tpu.vector_store %arg8[%swap3A_840, %swap3A_841], %swap3A_844 {strides = array<i32>} : memref<128x768xf32, #tpu.memory_space<vmem>>, vector<1x768xf32>,
    %get3A_845 = arith.constant 0 : index
    %get3A_846 = arith.constant 0 : index
    %get3A_847 = arith.constant 50 : index
    %get3A_848 = memref.load %arg2[%get3A_845, %get3A_846, %get3A_847] : memref<1x1x128xi32, #tpu.memory_space<smem>>
    %max3A_849 = arith.constant 0 : i32
    %max3A_850 = arith.maxsi %get3A_848, %max3A_849 : i32
    %min3A_851 = arith.constant 2047 : i32
    %min3A_852 = arith.minsi %max3A_850, %min3A_851 : i32
    %get3A_853 = arith.index_cast %min3A_852 : i32 to index
    %get3A_854 = arith.constant 0 : index
    %get3A_855 = vector.load %arg3[%get3A_853, %get3A_854] : memref<2048x768xf32, #tpu.memory_space<vmem>>, vector<1x768xf32>
    %squeeze3A_856 = vector.shape_cast %get3A_855 : vector<1x768xf32> to vector<768xf32>
    %swap3A_857 = arith.constant 50 : index
    %swap3A_858 = arith.constant 0 : index
    %swap3A_859 = vector.load %arg8[%swap3A_857, %swap3A_858] : memref<128x768xf32, #tpu.memory_space<vmem>>, vector<1x768xf32>
    %swap3A_860 = vector.shape_cast %swap3A_859 : vector<1x768xf32> to vector<768xf32>
    %swap3A_861 = vector.shape_cast %squeeze3A_856 : vector<768xf32> to vector<1x768xf32>
    tpu.vector_store %arg8[%swap3A_857, %swap3A_858], %swap3A_861 {strides = array<i32>} : memref<128x768xf32, #tpu.memory_space<vmem>>, vector<1x768xf32>,
    %get3A_862 = arith.constant 0 : index
    %get3A_863 = arith.constant 0 : index
    %get3A_864 = arith.constant 51 : index
    %get3A_865 = memref.load %arg2[%get3A_862, %get3A_863, %get3A_864] : memref<1x1x128xi32, #tpu.memory_space<smem>>
    %max3A_866 = arith.constant 0 : i32
    %max3A_867 = arith.maxsi %get3A_865, %max3A_866 : i32
    %min3A_868 = arith.constant 2047 : i32
    %min3A_869 = arith.minsi %max3A_867, %min3A_868 : i32
    %get3A_870 = arith.index_cast %min3A_869 : i32 to index
    %get3A_871 = arith.constant 0 : index
    %get3A_872 = vector.load %arg3[%get3A_870, %get3A_871] : memref<2048x768xf32, #tpu.memory_space<vmem>>, vector<1x768xf32>
    %squeeze3A_873 = vector.shape_cast %get3A_872 : vector<1x768xf32> to vector<768xf32>
    %swap3A_874 = arith.constant 51 : index
    %swap3A_875 = arith.constant 0 : index
    %swap3A_876 = vector.load %arg8[%swap3A_874, %swap3A_875] : memref<128x768xf32, #tpu.memory_space<vmem>>, vector<1x768xf32>
    %swap3A_877 = vector.shape_cast %swap3A_876 : vector<1x768xf32> to vector<768xf32>
    %swap3A_878 = vector.shape_cast %squeeze3A_873 : vector<768xf32> to vector<1x768xf32>
    tpu.vector_store %arg8[%swap3A_874, %swap3A_875], %swap3A_878 {strides = array<i32>} : memref<128x768xf32, #tpu.memory_space<vmem>>, vector<1x768xf32>,
    %get3A_879 = arith.constant 0 : index
    %get3A_880 = arith.constant 0 : index
    %get3A_881 = arith.constant 52 : index
    %get3A_882 = memref.load %arg2[%get3A_879, %get3A_880, %get3A_881] : memref<1x1x128xi32, #tpu.memory_space<smem>>
    %max3A_883 = arith.constant 0 : i32
    %max3A_884 = arith.maxsi %get3A_882, %max3A_883 : i32
    %min3A_885 = arith.constant 2047 : i32
    %min3A_886 = arith.minsi %max3A_884, %min3A_885 : i32
    %get3A_887 = arith.index_cast %min3A_886 : i32 to index
    %get3A_888 = arith.constant 0 : index
    %get3A_889 = vector.load %arg3[%get3A_887, %get3A_888] : memref<2048x768xf32, #tpu.memory_space<vmem>>, vector<1x768xf32>
    %squeeze3A_890 = vector.shape_cast %get3A_889 : vector<1x768xf32> to vector<768xf32>
    %swap3A_891 = arith.constant 52 : index
    %swap3A_892 = arith.constant 0 : index
    %swap3A_893 = vector.load %arg8[%swap3A_891, %swap3A_892] : memref<128x768xf32, #tpu.memory_space<vmem>>, vector<1x768xf32>
    %swap3A_894 = vector.shape_cast %swap3A_893 : vector<1x768xf32> to vector<768xf32>
    %swap3A_895 = vector.shape_cast %squeeze3A_890 : vector<768xf32> to vector<1x768xf32>
    tpu.vector_store %arg8[%swap3A_891, %swap3A_892], %swap3A_895 {strides = array<i32>} : memref<128x768xf32, #tpu.memory_space<vmem>>, vector<1x768xf32>,
    %get3A_896 = arith.constant 0 : index
    %get3A_897 = arith.constant 0 : index
    %get3A_898 = arith.constant 53 : index
    %get3A_899 = memref.load %arg2[%get3A_896, %get3A_897, %get3A_898] : memref<1x1x128xi32, #tpu.memory_space<smem>>
    %max3A_900 = arith.constant 0 : i32
    %max3A_901 = arith.maxsi %get3A_899, %max3A_900 : i32
    %min3A_902 = arith.constant 2047 : i32
    %min3A_903 = arith.minsi %max3A_901, %min3A_902 : i32
    %get3A_904 = arith.index_cast %min3A_903 : i32 to index
    %get3A_905 = arith.constant 0 : index
    %get3A_906 = vector.load %arg3[%get3A_904, %get3A_905] : memref<2048x768xf32, #tpu.memory_space<vmem>>, vector<1x768xf32>
    %squeeze3A_907 = vector.shape_cast %get3A_906 : vector<1x768xf32> to vector<768xf32>
    %swap3A_908 = arith.constant 53 : index
    %swap3A_909 = arith.constant 0 : index
    %swap3A_910 = vector.load %arg8[%swap3A_908, %swap3A_909] : memref<128x768xf32, #tpu.memory_space<vmem>>, vector<1x768xf32>
    %swap3A_911 = vector.shape_cast %swap3A_910 : vector<1x768xf32> to vector<768xf32>
    %swap3A_912 = vector.shape_cast %squeeze3A_907 : vector<768xf32> to vector<1x768xf32>
    tpu.vector_store %arg8[%swap3A_908, %swap3A_909], %swap3A_912 {strides = array<i32>} : memref<128x768xf32, #tpu.memory_space<vmem>>, vector<1x768xf32>,
    %get3A_913 = arith.constant 0 : index
    %get3A_914 = arith.constant 0 : index
    %get3A_915 = arith.constant 54 : index
    %get3A_916 = memref.load %arg2[%get3A_913, %get3A_914, %get3A_915] : memref<1x1x128xi32, #tpu.memory_space<smem>>
    %max3A_917 = arith.constant 0 : i32
    %max3A_918 = arith.maxsi %get3A_916, %max3A_917 : i32
    %min3A_919 = arith.constant 2047 : i32
    %min3A_920 = arith.minsi %max3A_918, %min3A_919 : i32
    %get3A_921 = arith.index_cast %min3A_920 : i32 to index
    %get3A_922 = arith.constant 0 : index
    %get3A_923 = vector.load %arg3[%get3A_921, %get3A_922] : memref<2048x768xf32, #tpu.memory_space<vmem>>, vector<1x768xf32>
    %squeeze3A_924 = vector.shape_cast %get3A_923 : vector<1x768xf32> to vector<768xf32>
    %swap3A_925 = arith.constant 54 : index
    %swap3A_926 = arith.constant 0 : index
    %swap3A_927 = vector.load %arg8[%swap3A_925, %swap3A_926] : memref<128x768xf32, #tpu.memory_space<vmem>>, vector<1x768xf32>
    %swap3A_928 = vector.shape_cast %swap3A_927 : vector<1x768xf32> to vector<768xf32>
    %swap3A_929 = vector.shape_cast %squeeze3A_924 : vector<768xf32> to vector<1x768xf32>
    tpu.vector_store %arg8[%swap3A_925, %swap3A_926], %swap3A_929 {strides = array<i32>} : memref<128x768xf32, #tpu.memory_space<vmem>>, vector<1x768xf32>,
    %get3A_930 = arith.constant 0 : index
    %get3A_931 = arith.constant 0 : index
    %get3A_932 = arith.constant 55 : index
    %get3A_933 = memref.load %arg2[%get3A_930, %get3A_931, %get3A_932] : memref<1x1x128xi32, #tpu.memory_space<smem>>
    %max3A_934 = arith.constant 0 : i32
    %max3A_935 = arith.maxsi %get3A_933, %max3A_934 : i32
    %min3A_936 = arith.constant 2047 : i32
    %min3A_937 = arith.minsi %max3A_935, %min3A_936 : i32
    %get3A_938 = arith.index_cast %min3A_937 : i32 to index
    %get3A_939 = arith.constant 0 : index
    %get3A_940 = vector.load %arg3[%get3A_938, %get3A_939] : memref<2048x768xf32, #tpu.memory_space<vmem>>, vector<1x768xf32>
    %squeeze3A_941 = vector.shape_cast %get3A_940 : vector<1x768xf32> to vector<768xf32>
    %swap3A_942 = arith.constant 55 : index
    %swap3A_943 = arith.constant 0 : index
    %swap3A_944 = vector.load %arg8[%swap3A_942, %swap3A_943] : memref<128x768xf32, #tpu.memory_space<vmem>>, vector<1x768xf32>
    %swap3A_945 = vector.shape_cast %swap3A_944 : vector<1x768xf32> to vector<768xf32>
    %swap3A_946 = vector.shape_cast %squeeze3A_941 : vector<768xf32> to vector<1x768xf32>
    tpu.vector_store %arg8[%swap3A_942, %swap3A_943], %swap3A_946 {strides = array<i32>} : memref<128x768xf32, #tpu.memory_space<vmem>>, vector<1x768xf32>,
    %get3A_947 = arith.constant 0 : index
    %get3A_948 = arith.constant 0 : index
    %get3A_949 = arith.constant 56 : index
    %get3A_950 = memref.load %arg2[%get3A_947, %get3A_948, %get3A_949] : memref<1x1x128xi32, #tpu.memory_space<smem>>
    %max3A_951 = arith.constant 0 : i32
    %max3A_952 = arith.maxsi %get3A_950, %max3A_951 : i32
    %min3A_953 = arith.constant 2047 : i32
    %min3A_954 = arith.minsi %max3A_952, %min3A_953 : i32
    %get3A_955 = arith.index_cast %min3A_954 : i32 to index
    %get3A_956 = arith.constant 0 : index
    %get3A_957 = vector.load %arg3[%get3A_955, %get3A_956] : memref<2048x768xf32, #tpu.memory_space<vmem>>, vector<1x768xf32>
    %squeeze3A_958 = vector.shape_cast %get3A_957 : vector<1x768xf32> to vector<768xf32>
    %swap3A_959 = arith.constant 56 : index
    %swap3A_960 = arith.constant 0 : index
    %swap3A_961 = vector.load %arg8[%swap3A_959, %swap3A_960] : memref<128x768xf32, #tpu.memory_space<vmem>>, vector<1x768xf32>
    %swap3A_962 = vector.shape_cast %swap3A_961 : vector<1x768xf32> to vector<768xf32>
    %swap3A_963 = vector.shape_cast %squeeze3A_958 : vector<768xf32> to vector<1x768xf32>
    tpu.vector_store %arg8[%swap3A_959, %swap3A_960], %swap3A_963 {strides = array<i32>} : memref<128x768xf32, #tpu.memory_space<vmem>>, vector<1x768xf32>,
    %get3A_964 = arith.constant 0 : index
    %get3A_965 = arith.constant 0 : index
    %get3A_966 = arith.constant 57 : index
    %get3A_967 = memref.load %arg2[%get3A_964, %get3A_965, %get3A_966] : memref<1x1x128xi32, #tpu.memory_space<smem>>
    %max3A_968 = arith.constant 0 : i32
    %max3A_969 = arith.maxsi %get3A_967, %max3A_968 : i32
    %min3A_970 = arith.constant 2047 : i32
    %min3A_971 = arith.minsi %max3A_969, %min3A_970 : i32
    %get3A_972 = arith.index_cast %min3A_971 : i32 to index
    %get3A_973 = arith.constant 0 : index
    %get3A_974 = vector.load %arg3[%get3A_972, %get3A_973] : memref<2048x768xf32, #tpu.memory_space<vmem>>, vector<1x768xf32>
    %squeeze3A_975 = vector.shape_cast %get3A_974 : vector<1x768xf32> to vector<768xf32>
    %swap3A_976 = arith.constant 57 : index
    %swap3A_977 = arith.constant 0 : index
    %swap3A_978 = vector.load %arg8[%swap3A_976, %swap3A_977] : memref<128x768xf32, #tpu.memory_space<vmem>>, vector<1x768xf32>
    %swap3A_979 = vector.shape_cast %swap3A_978 : vector<1x768xf32> to vector<768xf32>
    %swap3A_980 = vector.shape_cast %squeeze3A_975 : vector<768xf32> to vector<1x768xf32>
    tpu.vector_store %arg8[%swap3A_976, %swap3A_977], %swap3A_980 {strides = array<i32>} : memref<128x768xf32, #tpu.memory_space<vmem>>, vector<1x768xf32>,
    %get3A_981 = arith.constant 0 : index
    %get3A_982 = arith.constant 0 : index
    %get3A_983 = arith.constant 58 : index
    %get3A_984 = memref.load %arg2[%get3A_981, %get3A_982, %get3A_983] : memref<1x1x128xi32, #tpu.memory_space<smem>>
    %max3A_985 = arith.constant 0 : i32
    %max3A_986 = arith.maxsi %get3A_984, %max3A_985 : i32
    %min3A_987 = arith.constant 2047 : i32
    %min3A_988 = arith.minsi %max3A_986, %min3A_987 : i32
    %get3A_989 = arith.index_cast %min3A_988 : i32 to index
    %get3A_990 = arith.constant 0 : index
    %get3A_991 = vector.load %arg3[%get3A_989, %get3A_990] : memref<2048x768xf32, #tpu.memory_space<vmem>>, vector<1x768xf32>
    %squeeze3A_992 = vector.shape_cast %get3A_991 : vector<1x768xf32> to vector<768xf32>
    %swap3A_993 = arith.constant 58 : index
    %swap3A_994 = arith.constant 0 : index
    %swap3A_995 = vector.load %arg8[%swap3A_993, %swap3A_994] : memref<128x768xf32, #tpu.memory_space<vmem>>, vector<1x768xf32>
    %swap3A_996 = vector.shape_cast %swap3A_995 : vector<1x768xf32> to vector<768xf32>
    %swap3A_997 = vector.shape_cast %squeeze3A_992 : vector<768xf32> to vector<1x768xf32>
    tpu.vector_store %arg8[%swap3A_993, %swap3A_994], %swap3A_997 {strides = array<i32>} : memref<128x768xf32, #tpu.memory_space<vmem>>, vector<1x768xf32>,
    %get3A_998 = arith.constant 0 : index
    %get3A_999 = arith.constant 0 : index
    %get3A_1000 = arith.constant 59 : index
    %get3A_1001 = memref.load %arg2[%get3A_998, %get3A_999, %get3A_1000] : memref<1x1x128xi32, #tpu.memory_space<smem>>
    %max3A_1002 = arith.constant 0 : i32
    %max3A_1003 = arith.maxsi %get3A_1001, %max3A_1002 : i32
    %min3A_1004 = arith.constant 2047 : i32
    %min3A_1005 = arith.minsi %max3A_1003, %min3A_1004 : i32
    %get3A_1006 = arith.index_cast %min3A_1005 : i32 to index
    %get3A_1007 = arith.constant 0 : index
    %get3A_1008 = vector.load %arg3[%get3A_1006, %get3A_1007] : memref<2048x768xf32, #tpu.memory_space<vmem>>, vector<1x768xf32>
    %squeeze3A_1009 = vector.shape_cast %get3A_1008 : vector<1x768xf32> to vector<768xf32>
    %swap3A_1010 = arith.constant 59 : index
    %swap3A_1011 = arith.constant 0 : index
    %swap3A_1012 = vector.load %arg8[%swap3A_1010, %swap3A_1011] : memref<128x768xf32, #tpu.memory_space<vmem>>, vector<1x768xf32>
    %swap3A_1013 = vector.shape_cast %swap3A_1012 : vector<1x768xf32> to vector<768xf32>
    %swap3A_1014 = vector.shape_cast %squeeze3A_1009 : vector<768xf32> to vector<1x768xf32>
    tpu.vector_store %arg8[%swap3A_1010, %swap3A_1011], %swap3A_1014 {strides = array<i32>} : memref<128x768xf32, #tpu.memory_space<vmem>>, vector<1x768xf32>,
    %get3A_1015 = arith.constant 0 : index
    %get3A_1016 = arith.constant 0 : index
    %get3A_1017 = arith.constant 60 : index
    %get3A_1018 = memref.load %arg2[%get3A_1015, %get3A_1016, %get3A_1017] : memref<1x1x128xi32, #tpu.memory_space<smem>>
    %max3A_1019 = arith.constant 0 : i32
    %max3A_1020 = arith.maxsi %get3A_1018, %max3A_1019 : i32
    %min3A_1021 = arith.constant 2047 : i32
    %min3A_1022 = arith.minsi %max3A_1020, %min3A_1021 : i32
    %get3A_1023 = arith.index_cast %min3A_1022 : i32 to index
    %get3A_1024 = arith.constant 0 : index
    %get3A_1025 = vector.load %arg3[%get3A_1023, %get3A_1024] : memref<2048x768xf32, #tpu.memory_space<vmem>>, vector<1x768xf32>
    %squeeze3A_1026 = vector.shape_cast %get3A_1025 : vector<1x768xf32> to vector<768xf32>
    %swap3A_1027 = arith.constant 60 : index
    %swap3A_1028 = arith.constant 0 : index
    %swap3A_1029 = vector.load %arg8[%swap3A_1027, %swap3A_1028] : memref<128x768xf32, #tpu.memory_space<vmem>>, vector<1x768xf32>
    %swap3A_1030 = vector.shape_cast %swap3A_1029 : vector<1x768xf32> to vector<768xf32>
    %swap3A_1031 = vector.shape_cast %squeeze3A_1026 : vector<768xf32> to vector<1x768xf32>
    tpu.vector_store %arg8[%swap3A_1027, %swap3A_1028], %swap3A_1031 {strides = array<i32>} : memref<128x768xf32, #tpu.memory_space<vmem>>, vector<1x768xf32>,
    %get3A_1032 = arith.constant 0 : index
    %get3A_1033 = arith.constant 0 : index
    %get3A_1034 = arith.constant 61 : index
    %get3A_1035 = memref.load %arg2[%get3A_1032, %get3A_1033, %get3A_1034] : memref<1x1x128xi32, #tpu.memory_space<smem>>
    %max3A_1036 = arith.constant 0 : i32
    %max3A_1037 = arith.maxsi %get3A_1035, %max3A_1036 : i32
    %min3A_1038 = arith.constant 2047 : i32
    %min3A_1039 = arith.minsi %max3A_1037, %min3A_1038 : i32
    %get3A_1040 = arith.index_cast %min3A_1039 : i32 to index
    %get3A_1041 = arith.constant 0 : index
    %get3A_1042 = vector.load %arg3[%get3A_1040, %get3A_1041] : memref<2048x768xf32, #tpu.memory_space<vmem>>, vector<1x768xf32>
    %squeeze3A_1043 = vector.shape_cast %get3A_1042 : vector<1x768xf32> to vector<768xf32>
    %swap3A_1044 = arith.constant 61 : index
    %swap3A_1045 = arith.constant 0 : index
    %swap3A_1046 = vector.load %arg8[%swap3A_1044, %swap3A_1045] : memref<128x768xf32, #tpu.memory_space<vmem>>, vector<1x768xf32>
    %swap3A_1047 = vector.shape_cast %swap3A_1046 : vector<1x768xf32> to vector<768xf32>
    %swap3A_1048 = vector.shape_cast %squeeze3A_1043 : vector<768xf32> to vector<1x768xf32>
    tpu.vector_store %arg8[%swap3A_1044, %swap3A_1045], %swap3A_1048 {strides = array<i32>} : memref<128x768xf32, #tpu.memory_space<vmem>>, vector<1x768xf32>,
    %get3A_1049 = arith.constant 0 : index
    %get3A_1050 = arith.constant 0 : index
    %get3A_1051 = arith.constant 62 : index
    %get3A_1052 = memref.load %arg2[%get3A_1049, %get3A_1050, %get3A_1051] : memref<1x1x128xi32, #tpu.memory_space<smem>>
    %max3A_1053 = arith.constant 0 : i32
    %max3A_1054 = arith.maxsi %get3A_1052, %max3A_1053 : i32
    %min3A_1055 = arith.constant 2047 : i32
    %min3A_1056 = arith.minsi %max3A_1054, %min3A_1055 : i32
    %get3A_1057 = arith.index_cast %min3A_1056 : i32 to index
    %get3A_1058 = arith.constant 0 : index
    %get3A_1059 = vector.load %arg3[%get3A_1057, %get3A_1058] : memref<2048x768xf32, #tpu.memory_space<vmem>>, vector<1x768xf32>
    %squeeze3A_1060 = vector.shape_cast %get3A_1059 : vector<1x768xf32> to vector<768xf32>
    %swap3A_1061 = arith.constant 62 : index
    %swap3A_1062 = arith.constant 0 : index
    %swap3A_1063 = vector.load %arg8[%swap3A_1061, %swap3A_1062] : memref<128x768xf32, #tpu.memory_space<vmem>>, vector<1x768xf32>
    %swap3A_1064 = vector.shape_cast %swap3A_1063 : vector<1x768xf32> to vector<768xf32>
    %swap3A_1065 = vector.shape_cast %squeeze3A_1060 : vector<768xf32> to vector<1x768xf32>
    tpu.vector_store %arg8[%swap3A_1061, %swap3A_1062], %swap3A_1065 {strides = array<i32>} : memref<128x768xf32, #tpu.memory_space<vmem>>, vector<1x768xf32>,
    %get3A_1066 = arith.constant 0 : index
    %get3A_1067 = arith.constant 0 : index
    %get3A_1068 = arith.constant 63 : index
    %get3A_1069 = memref.load %arg2[%get3A_1066, %get3A_1067, %get3A_1068] : memref<1x1x128xi32, #tpu.memory_space<smem>>
    %max3A_1070 = arith.constant 0 : i32
    %max3A_1071 = arith.maxsi %get3A_1069, %max3A_1070 : i32
    %min3A_1072 = arith.constant 2047 : i32
    %min3A_1073 = arith.minsi %max3A_1071, %min3A_1072 : i32
    %get3A_1074 = arith.index_cast %min3A_1073 : i32 to index
    %get3A_1075 = arith.constant 0 : index
    %get3A_1076 = vector.load %arg3[%get3A_1074, %get3A_1075] : memref<2048x768xf32, #tpu.memory_space<vmem>>, vector<1x768xf32>
    %squeeze3A_1077 = vector.shape_cast %get3A_1076 : vector<1x768xf32> to vector<768xf32>
    %swap3A_1078 = arith.constant 63 : index
    %swap3A_1079 = arith.constant 0 : index
    %swap3A_1080 = vector.load %arg8[%swap3A_1078, %swap3A_1079] : memref<128x768xf32, #tpu.memory_space<vmem>>, vector<1x768xf32>
    %swap3A_1081 = vector.shape_cast %swap3A_1080 : vector<1x768xf32> to vector<768xf32>
    %swap3A_1082 = vector.shape_cast %squeeze3A_1077 : vector<768xf32> to vector<1x768xf32>
    tpu.vector_store %arg8[%swap3A_1078, %swap3A_1079], %swap3A_1082 {strides = array<i32>} : memref<128x768xf32, #tpu.memory_space<vmem>>, vector<1x768xf32>,
    %get3A_1083 = arith.constant 0 : index
    %get3A_1084 = arith.constant 0 : index
    %get3A_1085 = arith.constant 64 : index
    %get3A_1086 = memref.load %arg2[%get3A_1083, %get3A_1084, %get3A_1085] : memref<1x1x128xi32, #tpu.memory_space<smem>>
    %max3A_1087 = arith.constant 0 : i32
    %max3A_1088 = arith.maxsi %get3A_1086, %max3A_1087 : i32
    %min3A_1089 = arith.constant 2047 : i32
    %min3A_1090 = arith.minsi %max3A_1088, %min3A_1089 : i32
    %get3A_1091 = arith.index_cast %min3A_1090 : i32 to index
    %get3A_1092 = arith.constant 0 : index
    %get3A_1093 = vector.load %arg3[%get3A_1091, %get3A_1092] : memref<2048x768xf32, #tpu.memory_space<vmem>>, vector<1x768xf32>
    %squeeze3A_1094 = vector.shape_cast %get3A_1093 : vector<1x768xf32> to vector<768xf32>
    %swap3A_1095 = arith.constant 64 : index
    %swap3A_1096 = arith.constant 0 : index
    %swap3A_1097 = vector.load %arg8[%swap3A_1095, %swap3A_1096] : memref<128x768xf32, #tpu.memory_space<vmem>>, vector<1x768xf32>
    %swap3A_1098 = vector.shape_cast %swap3A_1097 : vector<1x768xf32> to vector<768xf32>
    %swap3A_1099 = vector.shape_cast %squeeze3A_1094 : vector<768xf32> to vector<1x768xf32>
    tpu.vector_store %arg8[%swap3A_1095, %swap3A_1096], %swap3A_1099 {strides = array<i32>} : memref<128x768xf32, #tpu.memory_space<vmem>>, vector<1x768xf32>,
    %get3A_1100 = arith.constant 0 : index
    %get3A_1101 = arith.constant 0 : index
    %get3A_1102 = arith.constant 65 : index
    %get3A_1103 = memref.load %arg2[%get3A_1100, %get3A_1101, %get3A_1102] : memref<1x1x128xi32, #tpu.memory_space<smem>>
    %max3A_1104 = arith.constant 0 : i32
    %max3A_1105 = arith.maxsi %get3A_1103, %max3A_1104 : i32
    %min3A_1106 = arith.constant 2047 : i32
    %min3A_1107 = arith.minsi %max3A_1105, %min3A_1106 : i32
    %get3A_1108 = arith.index_cast %min3A_1107 : i32 to index
    %get3A_1109 = arith.constant 0 : index
    %get3A_1110 = vector.load %arg3[%get3A_1108, %get3A_1109] : memref<2048x768xf32, #tpu.memory_space<vmem>>, vector<1x768xf32>
    %squeeze3A_1111 = vector.shape_cast %get3A_1110 : vector<1x768xf32> to vector<768xf32>
    %swap3A_1112 = arith.constant 65 : index
    %swap3A_1113 = arith.constant 0 : index
    %swap3A_1114 = vector.load %arg8[%swap3A_1112, %swap3A_1113] : memref<128x768xf32, #tpu.memory_space<vmem>>, vector<1x768xf32>
    %swap3A_1115 = vector.shape_cast %swap3A_1114 : vector<1x768xf32> to vector<768xf32>
    %swap3A_1116 = vector.shape_cast %squeeze3A_1111 : vector<768xf32> to vector<1x768xf32>
    tpu.vector_store %arg8[%swap3A_1112, %swap3A_1113], %swap3A_1116 {strides = array<i32>} : memref<128x768xf32, #tpu.memory_space<vmem>>, vector<1x768xf32>,
    %get3A_1117 = arith.constant 0 : index
    %get3A_1118 = arith.constant 0 : index
    %get3A_1119 = arith.constant 66 : index
    %get3A_1120 = memref.load %arg2[%get3A_1117, %get3A_1118, %get3A_1119] : memref<1x1x128xi32, #tpu.memory_space<smem>>
    %max3A_1121 = arith.constant 0 : i32
    %max3A_1122 = arith.maxsi %get3A_1120, %max3A_1121 : i32
    %min3A_1123 = arith.constant 2047 : i32
    %min3A_1124 = arith.minsi %max3A_1122, %min3A_1123 : i32
    %get3A_1125 = arith.index_cast %min3A_1124 : i32 to index
    %get3A_1126 = arith.constant 0 : index
    %get3A_1127 = vector.load %arg3[%get3A_1125, %get3A_1126] : memref<2048x768xf32, #tpu.memory_space<vmem>>, vector<1x768xf32>
    %squeeze3A_1128 = vector.shape_cast %get3A_1127 : vector<1x768xf32> to vector<768xf32>
    %swap3A_1129 = arith.constant 66 : index
    %swap3A_1130 = arith.constant 0 : index
    %swap3A_1131 = vector.load %arg8[%swap3A_1129, %swap3A_1130] : memref<128x768xf32, #tpu.memory_space<vmem>>, vector<1x768xf32>
    %swap3A_1132 = vector.shape_cast %swap3A_1131 : vector<1x768xf32> to vector<768xf32>
    %swap3A_1133 = vector.shape_cast %squeeze3A_1128 : vector<768xf32> to vector<1x768xf32>
    tpu.vector_store %arg8[%swap3A_1129, %swap3A_1130], %swap3A_1133 {strides = array<i32>} : memref<128x768xf32, #tpu.memory_space<vmem>>, vector<1x768xf32>,
    %get3A_1134 = arith.constant 0 : index
    %get3A_1135 = arith.constant 0 : index
    %get3A_1136 = arith.constant 67 : index
    %get3A_1137 = memref.load %arg2[%get3A_1134, %get3A_1135, %get3A_1136] : memref<1x1x128xi32, #tpu.memory_space<smem>>
    %max3A_1138 = arith.constant 0 : i32
    %max3A_1139 = arith.maxsi %get3A_1137, %max3A_1138 : i32
    %min3A_1140 = arith.constant 2047 : i32
    %min3A_1141 = arith.minsi %max3A_1139, %min3A_1140 : i32
    %get3A_1142 = arith.index_cast %min3A_1141 : i32 to index
    %get3A_1143 = arith.constant 0 : index
    %get3A_1144 = vector.load %arg3[%get3A_1142, %get3A_1143] : memref<2048x768xf32, #tpu.memory_space<vmem>>, vector<1x768xf32>
    %squeeze3A_1145 = vector.shape_cast %get3A_1144 : vector<1x768xf32> to vector<768xf32>
    %swap3A_1146 = arith.constant 67 : index
    %swap3A_1147 = arith.constant 0 : index
    %swap3A_1148 = vector.load %arg8[%swap3A_1146, %swap3A_1147] : memref<128x768xf32, #tpu.memory_space<vmem>>, vector<1x768xf32>
    %swap3A_1149 = vector.shape_cast %swap3A_1148 : vector<1x768xf32> to vector<768xf32>
    %swap3A_1150 = vector.shape_cast %squeeze3A_1145 : vector<768xf32> to vector<1x768xf32>
    tpu.vector_store %arg8[%swap3A_1146, %swap3A_1147], %swap3A_1150 {strides = array<i32>} : memref<128x768xf32, #tpu.memory_space<vmem>>, vector<1x768xf32>,
    %get3A_1151 = arith.constant 0 : index
    %get3A_1152 = arith.constant 0 : index
    %get3A_1153 = arith.constant 68 : index
    %get3A_1154 = memref.load %arg2[%get3A_1151, %get3A_1152, %get3A_1153] : memref<1x1x128xi32, #tpu.memory_space<smem>>
    %max3A_1155 = arith.constant 0 : i32
    %max3A_1156 = arith.maxsi %get3A_1154, %max3A_1155 : i32
    %min3A_1157 = arith.constant 2047 : i32
    %min3A_1158 = arith.minsi %max3A_1156, %min3A_1157 : i32
    %get3A_1159 = arith.index_cast %min3A_1158 : i32 to index
    %get3A_1160 = arith.constant 0 : index
    %get3A_1161 = vector.load %arg3[%get3A_1159, %get3A_1160] : memref<2048x768xf32, #tpu.memory_space<vmem>>, vector<1x768xf32>
    %squeeze3A_1162 = vector.shape_cast %get3A_1161 : vector<1x768xf32> to vector<768xf32>
    %swap3A_1163 = arith.constant 68 : index
    %swap3A_1164 = arith.constant 0 : index
    %swap3A_1165 = vector.load %arg8[%swap3A_1163, %swap3A_1164] : memref<128x768xf32, #tpu.memory_space<vmem>>, vector<1x768xf32>
    %swap3A_1166 = vector.shape_cast %swap3A_1165 : vector<1x768xf32> to vector<768xf32>
    %swap3A_1167 = vector.shape_cast %squeeze3A_1162 : vector<768xf32> to vector<1x768xf32>
    tpu.vector_store %arg8[%swap3A_1163, %swap3A_1164], %swap3A_1167 {strides = array<i32>} : memref<128x768xf32, #tpu.memory_space<vmem>>, vector<1x768xf32>,
    %get3A_1168 = arith.constant 0 : index
    %get3A_1169 = arith.constant 0 : index
    %get3A_1170 = arith.constant 69 : index
    %get3A_1171 = memref.load %arg2[%get3A_1168, %get3A_1169, %get3A_1170] : memref<1x1x128xi32, #tpu.memory_space<smem>>
    %max3A_1172 = arith.constant 0 : i32
    %max3A_1173 = arith.maxsi %get3A_1171, %max3A_1172 : i32
    %min3A_1174 = arith.constant 2047 : i32
    %min3A_1175 = arith.minsi %max3A_1173, %min3A_1174 : i32
    %get3A_1176 = arith.index_cast %min3A_1175 : i32 to index
    %get3A_1177 = arith.constant 0 : index
    %get3A_1178 = vector.load %arg3[%get3A_1176, %get3A_1177] : memref<2048x768xf32, #tpu.memory_space<vmem>>, vector<1x768xf32>
    %squeeze3A_1179 = vector.shape_cast %get3A_1178 : vector<1x768xf32> to vector<768xf32>
    %swap3A_1180 = arith.constant 69 : index
    %swap3A_1181 = arith.constant 0 : index
    %swap3A_1182 = vector.load %arg8[%swap3A_1180, %swap3A_1181] : memref<128x768xf32, #tpu.memory_space<vmem>>, vector<1x768xf32>
    %swap3A_1183 = vector.shape_cast %swap3A_1182 : vector<1x768xf32> to vector<768xf32>
    %swap3A_1184 = vector.shape_cast %squeeze3A_1179 : vector<768xf32> to vector<1x768xf32>
    tpu.vector_store %arg8[%swap3A_1180, %swap3A_1181], %swap3A_1184 {strides = array<i32>} : memref<128x768xf32, #tpu.memory_space<vmem>>, vector<1x768xf32>,
    %get3A_1185 = arith.constant 0 : index
    %get3A_1186 = arith.constant 0 : index
    %get3A_1187 = arith.constant 70 : index
    %get3A_1188 = memref.load %arg2[%get3A_1185, %get3A_1186, %get3A_1187] : memref<1x1x128xi32, #tpu.memory_space<smem>>
    %max3A_1189 = arith.constant 0 : i32
    %max3A_1190 = arith.maxsi %get3A_1188, %max3A_1189 : i32
    %min3A_1191 = arith.constant 2047 : i32
    %min3A_1192 = arith.minsi %max3A_1190, %min3A_1191 : i32
    %get3A_1193 = arith.index_cast %min3A_1192 : i32 to index
    %get3A_1194 = arith.constant 0 : index
    %get3A_1195 = vector.load %arg3[%get3A_1193, %get3A_1194] : memref<2048x768xf32, #tpu.memory_space<vmem>>, vector<1x768xf32>
    %squeeze3A_1196 = vector.shape_cast %get3A_1195 : vector<1x768xf32> to vector<768xf32>
    %swap3A_1197 = arith.constant 70 : index
    %swap3A_1198 = arith.constant 0 : index
    %swap3A_1199 = vector.load %arg8[%swap3A_1197, %swap3A_1198] : memref<128x768xf32, #tpu.memory_space<vmem>>, vector<1x768xf32>
    %swap3A_1200 = vector.shape_cast %swap3A_1199 : vector<1x768xf32> to vector<768xf32>
    %swap3A_1201 = vector.shape_cast %squeeze3A_1196 : vector<768xf32> to vector<1x768xf32>
    tpu.vector_store %arg8[%swap3A_1197, %swap3A_1198], %swap3A_1201 {strides = array<i32>} : memref<128x768xf32, #tpu.memory_space<vmem>>, vector<1x768xf32>,
    %get3A_1202 = arith.constant 0 : index
    %get3A_1203 = arith.constant 0 : index
    %get3A_1204 = arith.constant 71 : index
    %get3A_1205 = memref.load %arg2[%get3A_1202, %get3A_1203, %get3A_1204] : memref<1x1x128xi32, #tpu.memory_space<smem>>
    %max3A_1206 = arith.constant 0 : i32
    %max3A_1207 = arith.maxsi %get3A_1205, %max3A_1206 : i32
    %min3A_1208 = arith.constant 2047 : i32
    %min3A_1209 = arith.minsi %max3A_1207, %min3A_1208 : i32
    %get3A_1210 = arith.index_cast %min3A_1209 : i32 to index
    %get3A_1211 = arith.constant 0 : index
    %get3A_1212 = vector.load %arg3[%get3A_1210, %get3A_1211] : memref<2048x768xf32, #tpu.memory_space<vmem>>, vector<1x768xf32>
    %squeeze3A_1213 = vector.shape_cast %get3A_1212 : vector<1x768xf32> to vector<768xf32>
    %swap3A_1214 = arith.constant 71 : index
    %swap3A_1215 = arith.constant 0 : index
    %swap3A_1216 = vector.load %arg8[%swap3A_1214, %swap3A_1215] : memref<128x768xf32, #tpu.memory_space<vmem>>, vector<1x768xf32>
    %swap3A_1217 = vector.shape_cast %swap3A_1216 : vector<1x768xf32> to vector<768xf32>
    %swap3A_1218 = vector.shape_cast %squeeze3A_1213 : vector<768xf32> to vector<1x768xf32>
    tpu.vector_store %arg8[%swap3A_1214, %swap3A_1215], %swap3A_1218 {strides = array<i32>} : memref<128x768xf32, #tpu.memory_space<vmem>>, vector<1x768xf32>,
    %get3A_1219 = arith.constant 0 : index
    %get3A_1220 = arith.constant 0 : index
    %get3A_1221 = arith.constant 72 : index
    %get3A_1222 = memref.load %arg2[%get3A_1219, %get3A_1220, %get3A_1221] : memref<1x1x128xi32, #tpu.memory_space<smem>>
    %max3A_1223 = arith.constant 0 : i32
    %max3A_1224 = arith.maxsi %get3A_1222, %max3A_1223 : i32
    %min3A_1225 = arith.constant 2047 : i32
    %min3A_1226 = arith.minsi %max3A_1224, %min3A_1225 : i32
    %get3A_1227 = arith.index_cast %min3A_1226 : i32 to index
    %get3A_1228 = arith.constant 0 : index
    %get3A_1229 = vector.load %arg3[%get3A_1227, %get3A_1228] : memref<2048x768xf32, #tpu.memory_space<vmem>>, vector<1x768xf32>
    %squeeze3A_1230 = vector.shape_cast %get3A_1229 : vector<1x768xf32> to vector<768xf32>
    %swap3A_1231 = arith.constant 72 : index
    %swap3A_1232 = arith.constant 0 : index
    %swap3A_1233 = vector.load %arg8[%swap3A_1231, %swap3A_1232] : memref<128x768xf32, #tpu.memory_space<vmem>>, vector<1x768xf32>
    %swap3A_1234 = vector.shape_cast %swap3A_1233 : vector<1x768xf32> to vector<768xf32>
    %swap3A_1235 = vector.shape_cast %squeeze3A_1230 : vector<768xf32> to vector<1x768xf32>
    tpu.vector_store %arg8[%swap3A_1231, %swap3A_1232], %swap3A_1235 {strides = array<i32>} : memref<128x768xf32, #tpu.memory_space<vmem>>, vector<1x768xf32>,
    %get3A_1236 = arith.constant 0 : index
    %get3A_1237 = arith.constant 0 : index
    %get3A_1238 = arith.constant 73 : index
    %get3A_1239 = memref.load %arg2[%get3A_1236, %get3A_1237, %get3A_1238] : memref<1x1x128xi32, #tpu.memory_space<smem>>
    %max3A_1240 = arith.constant 0 : i32
    %max3A_1241 = arith.maxsi %get3A_1239, %max3A_1240 : i32
    %min3A_1242 = arith.constant 2047 : i32
    %min3A_1243 = arith.minsi %max3A_1241, %min3A_1242 : i32
    %get3A_1244 = arith.index_cast %min3A_1243 : i32 to index
    %get3A_1245 = arith.constant 0 : index
    %get3A_1246 = vector.load %arg3[%get3A_1244, %get3A_1245] : memref<2048x768xf32, #tpu.memory_space<vmem>>, vector<1x768xf32>
    %squeeze3A_1247 = vector.shape_cast %get3A_1246 : vector<1x768xf32> to vector<768xf32>
    %swap3A_1248 = arith.constant 73 : index
    %swap3A_1249 = arith.constant 0 : index
    %swap3A_1250 = vector.load %arg8[%swap3A_1248, %swap3A_1249] : memref<128x768xf32, #tpu.memory_space<vmem>>, vector<1x768xf32>
    %swap3A_1251 = vector.shape_cast %swap3A_1250 : vector<1x768xf32> to vector<768xf32>
    %swap3A_1252 = vector.shape_cast %squeeze3A_1247 : vector<768xf32> to vector<1x768xf32>
    tpu.vector_store %arg8[%swap3A_1248, %swap3A_1249], %swap3A_1252 {strides = array<i32>} : memref<128x768xf32, #tpu.memory_space<vmem>>, vector<1x768xf32>,
    %get3A_1253 = arith.constant 0 : index
    %get3A_1254 = arith.constant 0 : index
    %get3A_1255 = arith.constant 74 : index
    %get3A_1256 = memref.load %arg2[%get3A_1253, %get3A_1254, %get3A_1255] : memref<1x1x128xi32, #tpu.memory_space<smem>>
    %max3A_1257 = arith.constant 0 : i32
    %max3A_1258 = arith.maxsi %get3A_1256, %max3A_1257 : i32
    %min3A_1259 = arith.constant 2047 : i32
    %min3A_1260 = arith.minsi %max3A_1258, %min3A_1259 : i32
    %get3A_1261 = arith.index_cast %min3A_1260 : i32 to index
    %get3A_1262 = arith.constant 0 : index
    %get3A_1263 = vector.load %arg3[%get3A_1261, %get3A_1262] : memref<2048x768xf32, #tpu.memory_space<vmem>>, vector<1x768xf32>
    %squeeze3A_1264 = vector.shape_cast %get3A_1263 : vector<1x768xf32> to vector<768xf32>
    %swap3A_1265 = arith.constant 74 : index
    %swap3A_1266 = arith.constant 0 : index
    %swap3A_1267 = vector.load %arg8[%swap3A_1265, %swap3A_1266] : memref<128x768xf32, #tpu.memory_space<vmem>>, vector<1x768xf32>
    %swap3A_1268 = vector.shape_cast %swap3A_1267 : vector<1x768xf32> to vector<768xf32>
    %swap3A_1269 = vector.shape_cast %squeeze3A_1264 : vector<768xf32> to vector<1x768xf32>
    tpu.vector_store %arg8[%swap3A_1265, %swap3A_1266], %swap3A_1269 {strides = array<i32>} : memref<128x768xf32, #tpu.memory_space<vmem>>, vector<1x768xf32>,
    %get3A_1270 = arith.constant 0 : index
    %get3A_1271 = arith.constant 0 : index
    %get3A_1272 = arith.constant 75 : index
    %get3A_1273 = memref.load %arg2[%get3A_1270, %get3A_1271, %get3A_1272] : memref<1x1x128xi32, #tpu.memory_space<smem>>
    %max3A_1274 = arith.constant 0 : i32
    %max3A_1275 = arith.maxsi %get3A_1273, %max3A_1274 : i32
    %min3A_1276 = arith.constant 2047 : i32
    %min3A_1277 = arith.minsi %max3A_1275, %min3A_1276 : i32
    %get3A_1278 = arith.index_cast %min3A_1277 : i32 to index
    %get3A_1279 = arith.constant 0 : index
    %get3A_1280 = vector.load %arg3[%get3A_1278, %get3A_1279] : memref<2048x768xf32, #tpu.memory_space<vmem>>, vector<1x768xf32>
    %squeeze3A_1281 = vector.shape_cast %get3A_1280 : vector<1x768xf32> to vector<768xf32>
    %swap3A_1282 = arith.constant 75 : index
    %swap3A_1283 = arith.constant 0 : index
    %swap3A_1284 = vector.load %arg8[%swap3A_1282, %swap3A_1283] : memref<128x768xf32, #tpu.memory_space<vmem>>, vector<1x768xf32>
    %swap3A_1285 = vector.shape_cast %swap3A_1284 : vector<1x768xf32> to vector<768xf32>
    %swap3A_1286 = vector.shape_cast %squeeze3A_1281 : vector<768xf32> to vector<1x768xf32>
    tpu.vector_store %arg8[%swap3A_1282, %swap3A_1283], %swap3A_1286 {strides = array<i32>} : memref<128x768xf32, #tpu.memory_space<vmem>>, vector<1x768xf32>,
    %get3A_1287 = arith.constant 0 : index
    %get3A_1288 = arith.constant 0 : index
    %get3A_1289 = arith.constant 76 : index
    %get3A_1290 = memref.load %arg2[%get3A_1287, %get3A_1288, %get3A_1289] : memref<1x1x128xi32, #tpu.memory_space<smem>>
    %max3A_1291 = arith.constant 0 : i32
    %max3A_1292 = arith.maxsi %get3A_1290, %max3A_1291 : i32
    %min3A_1293 = arith.constant 2047 : i32
    %min3A_1294 = arith.minsi %max3A_1292, %min3A_1293 : i32
    %get3A_1295 = arith.index_cast %min3A_1294 : i32 to index
    %get3A_1296 = arith.constant 0 : index
    %get3A_1297 = vector.load %arg3[%get3A_1295, %get3A_1296] : memref<2048x768xf32, #tpu.memory_space<vmem>>, vector<1x768xf32>
    %squeeze3A_1298 = vector.shape_cast %get3A_1297 : vector<1x768xf32> to vector<768xf32>
    %swap3A_1299 = arith.constant 76 : index
    %swap3A_1300 = arith.constant 0 : index
    %swap3A_1301 = vector.load %arg8[%swap3A_1299, %swap3A_1300] : memref<128x768xf32, #tpu.memory_space<vmem>>, vector<1x768xf32>
    %swap3A_1302 = vector.shape_cast %swap3A_1301 : vector<1x768xf32> to vector<768xf32>
    %swap3A_1303 = vector.shape_cast %squeeze3A_1298 : vector<768xf32> to vector<1x768xf32>
    tpu.vector_store %arg8[%swap3A_1299, %swap3A_1300], %swap3A_1303 {strides = array<i32>} : memref<128x768xf32, #tpu.memory_space<vmem>>, vector<1x768xf32>,
    %get3A_1304 = arith.constant 0 : index
    %get3A_1305 = arith.constant 0 : index
    %get3A_1306 = arith.constant 77 : index
    %get3A_1307 = memref.load %arg2[%get3A_1304, %get3A_1305, %get3A_1306] : memref<1x1x128xi32, #tpu.memory_space<smem>>
    %max3A_1308 = arith.constant 0 : i32
    %max3A_1309 = arith.maxsi %get3A_1307, %max3A_1308 : i32
    %min3A_1310 = arith.constant 2047 : i32
    %min3A_1311 = arith.minsi %max3A_1309, %min3A_1310 : i32
    %get3A_1312 = arith.index_cast %min3A_1311 : i32 to index
    %get3A_1313 = arith.constant 0 : index
    %get3A_1314 = vector.load %arg3[%get3A_1312, %get3A_1313] : memref<2048x768xf32, #tpu.memory_space<vmem>>, vector<1x768xf32>
    %squeeze3A_1315 = vector.shape_cast %get3A_1314 : vector<1x768xf32> to vector<768xf32>
    %swap3A_1316 = arith.constant 77 : index
    %swap3A_1317 = arith.constant 0 : index
    %swap3A_1318 = vector.load %arg8[%swap3A_1316, %swap3A_1317] : memref<128x768xf32, #tpu.memory_space<vmem>>, vector<1x768xf32>
    %swap3A_1319 = vector.shape_cast %swap3A_1318 : vector<1x768xf32> to vector<768xf32>
    %swap3A_1320 = vector.shape_cast %squeeze3A_1315 : vector<768xf32> to vector<1x768xf32>
    tpu.vector_store %arg8[%swap3A_1316, %swap3A_1317], %swap3A_1320 {strides = array<i32>} : memref<128x768xf32, #tpu.memory_space<vmem>>, vector<1x768xf32>,
    %get3A_1321 = arith.constant 0 : index
    %get3A_1322 = arith.constant 0 : index
    %get3A_1323 = arith.constant 78 : index
    %get3A_1324 = memref.load %arg2[%get3A_1321, %get3A_1322, %get3A_1323] : memref<1x1x128xi32, #tpu.memory_space<smem>>
    %max3A_1325 = arith.constant 0 : i32
    %max3A_1326 = arith.maxsi %get3A_1324, %max3A_1325 : i32
    %min3A_1327 = arith.constant 2047 : i32
    %min3A_1328 = arith.minsi %max3A_1326, %min3A_1327 : i32
    %get3A_1329 = arith.index_cast %min3A_1328 : i32 to index
    %get3A_1330 = arith.constant 0 : index
    %get3A_1331 = vector.load %arg3[%get3A_1329, %get3A_1330] : memref<2048x768xf32, #tpu.memory_space<vmem>>, vector<1x768xf32>
    %squeeze3A_1332 = vector.shape_cast %get3A_1331 : vector<1x768xf32> to vector<768xf32>
    %swap3A_1333 = arith.constant 78 : index
    %swap3A_1334 = arith.constant 0 : index
    %swap3A_1335 = vector.load %arg8[%swap3A_1333, %swap3A_1334] : memref<128x768xf32, #tpu.memory_space<vmem>>, vector<1x768xf32>
    %swap3A_1336 = vector.shape_cast %swap3A_1335 : vector<1x768xf32> to vector<768xf32>
    %swap3A_1337 = vector.shape_cast %squeeze3A_1332 : vector<768xf32> to vector<1x768xf32>
    tpu.vector_store %arg8[%swap3A_1333, %swap3A_1334], %swap3A_1337 {strides = array<i32>} : memref<128x768xf32, #tpu.memory_space<vmem>>, vector<1x768xf32>,
    %get3A_1338 = arith.constant 0 : index
    %get3A_1339 = arith.constant 0 : index
    %get3A_1340 = arith.constant 79 : index
    %get3A_1341 = memref.load %arg2[%get3A_1338, %get3A_1339, %get3A_1340] : memref<1x1x128xi32, #tpu.memory_space<smem>>
    %max3A_1342 = arith.constant 0 : i32
    %max3A_1343 = arith.maxsi %get3A_1341, %max3A_1342 : i32
    %min3A_1344 = arith.constant 2047 : i32
    %min3A_1345 = arith.minsi %max3A_1343, %min3A_1344 : i32
    %get3A_1346 = arith.index_cast %min3A_1345 : i32 to index
    %get3A_1347 = arith.constant 0 : index
    %get3A_1348 = vector.load %arg3[%get3A_1346, %get3A_1347] : memref<2048x768xf32, #tpu.memory_space<vmem>>, vector<1x768xf32>
    %squeeze3A_1349 = vector.shape_cast %get3A_1348 : vector<1x768xf32> to vector<768xf32>
    %swap3A_1350 = arith.constant 79 : index
    %swap3A_1351 = arith.constant 0 : index
    %swap3A_1352 = vector.load %arg8[%swap3A_1350, %swap3A_1351] : memref<128x768xf32, #tpu.memory_space<vmem>>, vector<1x768xf32>
    %swap3A_1353 = vector.shape_cast %swap3A_1352 : vector<1x768xf32> to vector<768xf32>
    %swap3A_1354 = vector.shape_cast %squeeze3A_1349 : vector<768xf32> to vector<1x768xf32>
    tpu.vector_store %arg8[%swap3A_1350, %swap3A_1351], %swap3A_1354 {strides = array<i32>} : memref<128x768xf32, #tpu.memory_space<vmem>>, vector<1x768xf32>,
    %get3A_1355 = arith.constant 0 : index
    %get3A_1356 = arith.constant 0 : index
    %get3A_1357 = arith.constant 80 : index
    %get3A_1358 = memref.load %arg2[%get3A_1355, %get3A_1356, %get3A_1357] : memref<1x1x128xi32, #tpu.memory_space<smem>>
    %max3A_1359 = arith.constant 0 : i32
    %max3A_1360 = arith.maxsi %get3A_1358, %max3A_1359 : i32
    %min3A_1361 = arith.constant 2047 : i32
    %min3A_1362 = arith.minsi %max3A_1360, %min3A_1361 : i32
    %get3A_1363 = arith.index_cast %min3A_1362 : i32 to index
    %get3A_1364 = arith.constant 0 : index
    %get3A_1365 = vector.load %arg3[%get3A_1363, %get3A_1364] : memref<2048x768xf32, #tpu.memory_space<vmem>>, vector<1x768xf32>
    %squeeze3A_1366 = vector.shape_cast %get3A_1365 : vector<1x768xf32> to vector<768xf32>
    %swap3A_1367 = arith.constant 80 : index
    %swap3A_1368 = arith.constant 0 : index
    %swap3A_1369 = vector.load %arg8[%swap3A_1367, %swap3A_1368] : memref<128x768xf32, #tpu.memory_space<vmem>>, vector<1x768xf32>
    %swap3A_1370 = vector.shape_cast %swap3A_1369 : vector<1x768xf32> to vector<768xf32>
    %swap3A_1371 = vector.shape_cast %squeeze3A_1366 : vector<768xf32> to vector<1x768xf32>
    tpu.vector_store %arg8[%swap3A_1367, %swap3A_1368], %swap3A_1371 {strides = array<i32>} : memref<128x768xf32, #tpu.memory_space<vmem>>, vector<1x768xf32>,
    %get3A_1372 = arith.constant 0 : index
    %get3A_1373 = arith.constant 0 : index
    %get3A_1374 = arith.constant 81 : index
    %get3A_1375 = memref.load %arg2[%get3A_1372, %get3A_1373, %get3A_1374] : memref<1x1x128xi32, #tpu.memory_space<smem>>
    %max3A_1376 = arith.constant 0 : i32
    %max3A_1377 = arith.maxsi %get3A_1375, %max3A_1376 : i32
    %min3A_1378 = arith.constant 2047 : i32
    %min3A_1379 = arith.minsi %max3A_1377, %min3A_1378 : i32
    %get3A_1380 = arith.index_cast %min3A_1379 : i32 to index
    %get3A_1381 = arith.constant 0 : index
    %get3A_1382 = vector.load %arg3[%get3A_1380, %get3A_1381] : memref<2048x768xf32, #tpu.memory_space<vmem>>, vector<1x768xf32>
    %squeeze3A_1383 = vector.shape_cast %get3A_1382 : vector<1x768xf32> to vector<768xf32>
    %swap3A_1384 = arith.constant 81 : index
    %swap3A_1385 = arith.constant 0 : index
    %swap3A_1386 = vector.load %arg8[%swap3A_1384, %swap3A_1385] : memref<128x768xf32, #tpu.memory_space<vmem>>, vector<1x768xf32>
    %swap3A_1387 = vector.shape_cast %swap3A_1386 : vector<1x768xf32> to vector<768xf32>
    %swap3A_1388 = vector.shape_cast %squeeze3A_1383 : vector<768xf32> to vector<1x768xf32>
    tpu.vector_store %arg8[%swap3A_1384, %swap3A_1385], %swap3A_1388 {strides = array<i32>} : memref<128x768xf32, #tpu.memory_space<vmem>>, vector<1x768xf32>,
    %get3A_1389 = arith.constant 0 : index
    %get3A_1390 = arith.constant 0 : index
    %get3A_1391 = arith.constant 82 : index
    %get3A_1392 = memref.load %arg2[%get3A_1389, %get3A_1390, %get3A_1391] : memref<1x1x128xi32, #tpu.memory_space<smem>>
    %max3A_1393 = arith.constant 0 : i32
    %max3A_1394 = arith.maxsi %get3A_1392, %max3A_1393 : i32
    %min3A_1395 = arith.constant 2047 : i32
    %min3A_1396 = arith.minsi %max3A_1394, %min3A_1395 : i32
    %get3A_1397 = arith.index_cast %min3A_1396 : i32 to index
    %get3A_1398 = arith.constant 0 : index
    %get3A_1399 = vector.load %arg3[%get3A_1397, %get3A_1398] : memref<2048x768xf32, #tpu.memory_space<vmem>>, vector<1x768xf32>
    %squeeze3A_1400 = vector.shape_cast %get3A_1399 : vector<1x768xf32> to vector<768xf32>
    %swap3A_1401 = arith.constant 82 : index
    %swap3A_1402 = arith.constant 0 : index
    %swap3A_1403 = vector.load %arg8[%swap3A_1401, %swap3A_1402] : memref<128x768xf32, #tpu.memory_space<vmem>>, vector<1x768xf32>
    %swap3A_1404 = vector.shape_cast %swap3A_1403 : vector<1x768xf32> to vector<768xf32>
    %swap3A_1405 = vector.shape_cast %squeeze3A_1400 : vector<768xf32> to vector<1x768xf32>
    tpu.vector_store %arg8[%swap3A_1401, %swap3A_1402], %swap3A_1405 {strides = array<i32>} : memref<128x768xf32, #tpu.memory_space<vmem>>, vector<1x768xf32>,
    %get3A_1406 = arith.constant 0 : index
    %get3A_1407 = arith.constant 0 : index
    %get3A_1408 = arith.constant 83 : index
    %get3A_1409 = memref.load %arg2[%get3A_1406, %get3A_1407, %get3A_1408] : memref<1x1x128xi32, #tpu.memory_space<smem>>
    %max3A_1410 = arith.constant 0 : i32
    %max3A_1411 = arith.maxsi %get3A_1409, %max3A_1410 : i32
    %min3A_1412 = arith.constant 2047 : i32
    %min3A_1413 = arith.minsi %max3A_1411, %min3A_1412 : i32
    %get3A_1414 = arith.index_cast %min3A_1413 : i32 to index
    %get3A_1415 = arith.constant 0 : index
    %get3A_1416 = vector.load %arg3[%get3A_1414, %get3A_1415] : memref<2048x768xf32, #tpu.memory_space<vmem>>, vector<1x768xf32>
    %squeeze3A_1417 = vector.shape_cast %get3A_1416 : vector<1x768xf32> to vector<768xf32>
    %swap3A_1418 = arith.constant 83 : index
    %swap3A_1419 = arith.constant 0 : index
    %swap3A_1420 = vector.load %arg8[%swap3A_1418, %swap3A_1419] : memref<128x768xf32, #tpu.memory_space<vmem>>, vector<1x768xf32>
    %swap3A_1421 = vector.shape_cast %swap3A_1420 : vector<1x768xf32> to vector<768xf32>
    %swap3A_1422 = vector.shape_cast %squeeze3A_1417 : vector<768xf32> to vector<1x768xf32>
    tpu.vector_store %arg8[%swap3A_1418, %swap3A_1419], %swap3A_1422 {strides = array<i32>} : memref<128x768xf32, #tpu.memory_space<vmem>>, vector<1x768xf32>,
    %get3A_1423 = arith.constant 0 : index
    %get3A_1424 = arith.constant 0 : index
    %get3A_1425 = arith.constant 84 : index
    %get3A_1426 = memref.load %arg2[%get3A_1423, %get3A_1424, %get3A_1425] : memref<1x1x128xi32, #tpu.memory_space<smem>>
    %max3A_1427 = arith.constant 0 : i32
    %max3A_1428 = arith.maxsi %get3A_1426, %max3A_1427 : i32
    %min3A_1429 = arith.constant 2047 : i32
    %min3A_1430 = arith.minsi %max3A_1428, %min3A_1429 : i32
    %get3A_1431 = arith.index_cast %min3A_1430 : i32 to index
    %get3A_1432 = arith.constant 0 : index
    %get3A_1433 = vector.load %arg3[%get3A_1431, %get3A_1432] : memref<2048x768xf32, #tpu.memory_space<vmem>>, vector<1x768xf32>
    %squeeze3A_1434 = vector.shape_cast %get3A_1433 : vector<1x768xf32> to vector<768xf32>
    %swap3A_1435 = arith.constant 84 : index
    %swap3A_1436 = arith.constant 0 : index
    %swap3A_1437 = vector.load %arg8[%swap3A_1435, %swap3A_1436] : memref<128x768xf32, #tpu.memory_space<vmem>>, vector<1x768xf32>
    %swap3A_1438 = vector.shape_cast %swap3A_1437 : vector<1x768xf32> to vector<768xf32>
    %swap3A_1439 = vector.shape_cast %squeeze3A_1434 : vector<768xf32> to vector<1x768xf32>
    tpu.vector_store %arg8[%swap3A_1435, %swap3A_1436], %swap3A_1439 {strides = array<i32>} : memref<128x768xf32, #tpu.memory_space<vmem>>, vector<1x768xf32>,
    %get3A_1440 = arith.constant 0 : index
    %get3A_1441 = arith.constant 0 : index
    %get3A_1442 = arith.constant 85 : index
    %get3A_1443 = memref.load %arg2[%get3A_1440, %get3A_1441, %get3A_1442] : memref<1x1x128xi32, #tpu.memory_space<smem>>
    %max3A_1444 = arith.constant 0 : i32
    %max3A_1445 = arith.maxsi %get3A_1443, %max3A_1444 : i32
    %min3A_1446 = arith.constant 2047 : i32
    %min3A_1447 = arith.minsi %max3A_1445, %min3A_1446 : i32
    %get3A_1448 = arith.index_cast %min3A_1447 : i32 to index
    %get3A_1449 = arith.constant 0 : index
    %get3A_1450 = vector.load %arg3[%get3A_1448, %get3A_1449] : memref<2048x768xf32, #tpu.memory_space<vmem>>, vector<1x768xf32>
    %squeeze3A_1451 = vector.shape_cast %get3A_1450 : vector<1x768xf32> to vector<768xf32>
    %swap3A_1452 = arith.constant 85 : index
    %swap3A_1453 = arith.constant 0 : index
    %swap3A_1454 = vector.load %arg8[%swap3A_1452, %swap3A_1453] : memref<128x768xf32, #tpu.memory_space<vmem>>, vector<1x768xf32>
    %swap3A_1455 = vector.shape_cast %swap3A_1454 : vector<1x768xf32> to vector<768xf32>
    %swap3A_1456 = vector.shape_cast %squeeze3A_1451 : vector<768xf32> to vector<1x768xf32>
    tpu.vector_store %arg8[%swap3A_1452, %swap3A_1453], %swap3A_1456 {strides = array<i32>} : memref<128x768xf32, #tpu.memory_space<vmem>>, vector<1x768xf32>,
    %get3A_1457 = arith.constant 0 : index
    %get3A_1458 = arith.constant 0 : index
    %get3A_1459 = arith.constant 86 : index
    %get3A_1460 = memref.load %arg2[%get3A_1457, %get3A_1458, %get3A_1459] : memref<1x1x128xi32, #tpu.memory_space<smem>>
    %max3A_1461 = arith.constant 0 : i32
    %max3A_1462 = arith.maxsi %get3A_1460, %max3A_1461 : i32
    %min3A_1463 = arith.constant 2047 : i32
    %min3A_1464 = arith.minsi %max3A_1462, %min3A_1463 : i32
    %get3A_1465 = arith.index_cast %min3A_1464 : i32 to index
    %get3A_1466 = arith.constant 0 : index
    %get3A_1467 = vector.load %arg3[%get3A_1465, %get3A_1466] : memref<2048x768xf32, #tpu.memory_space<vmem>>, vector<1x768xf32>
    %squeeze3A_1468 = vector.shape_cast %get3A_1467 : vector<1x768xf32> to vector<768xf32>
    %swap3A_1469 = arith.constant 86 : index
    %swap3A_1470 = arith.constant 0 : index
    %swap3A_1471 = vector.load %arg8[%swap3A_1469, %swap3A_1470] : memref<128x768xf32, #tpu.memory_space<vmem>>, vector<1x768xf32>
    %swap3A_1472 = vector.shape_cast %swap3A_1471 : vector<1x768xf32> to vector<768xf32>
    %swap3A_1473 = vector.shape_cast %squeeze3A_1468 : vector<768xf32> to vector<1x768xf32>
    tpu.vector_store %arg8[%swap3A_1469, %swap3A_1470], %swap3A_1473 {strides = array<i32>} : memref<128x768xf32, #tpu.memory_space<vmem>>, vector<1x768xf32>,
    %get3A_1474 = arith.constant 0 : index
    %get3A_1475 = arith.constant 0 : index
    %get3A_1476 = arith.constant 87 : index
    %get3A_1477 = memref.load %arg2[%get3A_1474, %get3A_1475, %get3A_1476] : memref<1x1x128xi32, #tpu.memory_space<smem>>
    %max3A_1478 = arith.constant 0 : i32
    %max3A_1479 = arith.maxsi %get3A_1477, %max3A_1478 : i32
    %min3A_1480 = arith.constant 2047 : i32
    %min3A_1481 = arith.minsi %max3A_1479, %min3A_1480 : i32
    %get3A_1482 = arith.index_cast %min3A_1481 : i32 to index
    %get3A_1483 = arith.constant 0 : index
    %get3A_1484 = vector.load %arg3[%get3A_1482, %get3A_1483] : memref<2048x768xf32, #tpu.memory_space<vmem>>, vector<1x768xf32>
    %squeeze3A_1485 = vector.shape_cast %get3A_1484 : vector<1x768xf32> to vector<768xf32>
    %swap3A_1486 = arith.constant 87 : index
    %swap3A_1487 = arith.constant 0 : index
    %swap3A_1488 = vector.load %arg8[%swap3A_1486, %swap3A_1487] : memref<128x768xf32, #tpu.memory_space<vmem>>, vector<1x768xf32>
    %swap3A_1489 = vector.shape_cast %swap3A_1488 : vector<1x768xf32> to vector<768xf32>
    %swap3A_1490 = vector.shape_cast %squeeze3A_1485 : vector<768xf32> to vector<1x768xf32>
    tpu.vector_store %arg8[%swap3A_1486, %swap3A_1487], %swap3A_1490 {strides = array<i32>} : memref<128x768xf32, #tpu.memory_space<vmem>>, vector<1x768xf32>,
    %get3A_1491 = arith.constant 0 : index
    %get3A_1492 = arith.constant 0 : index
    %get3A_1493 = arith.constant 88 : index
    %get3A_1494 = memref.load %arg2[%get3A_1491, %get3A_1492, %get3A_1493] : memref<1x1x128xi32, #tpu.memory_space<smem>>
    %max3A_1495 = arith.constant 0 : i32
    %max3A_1496 = arith.maxsi %get3A_1494, %max3A_1495 : i32
    %min3A_1497 = arith.constant 2047 : i32
    %min3A_1498 = arith.minsi %max3A_1496, %min3A_1497 : i32
    %get3A_1499 = arith.index_cast %min3A_1498 : i32 to index
    %get3A_1500 = arith.constant 0 : index
    %get3A_1501 = vector.load %arg3[%get3A_1499, %get3A_1500] : memref<2048x768xf32, #tpu.memory_space<vmem>>, vector<1x768xf32>
    %squeeze3A_1502 = vector.shape_cast %get3A_1501 : vector<1x768xf32> to vector<768xf32>
    %swap3A_1503 = arith.constant 88 : index
    %swap3A_1504 = arith.constant 0 : index
    %swap3A_1505 = vector.load %arg8[%swap3A_1503, %swap3A_1504] : memref<128x768xf32, #tpu.memory_space<vmem>>, vector<1x768xf32>
    %swap3A_1506 = vector.shape_cast %swap3A_1505 : vector<1x768xf32> to vector<768xf32>
    %swap3A_1507 = vector.shape_cast %squeeze3A_1502 : vector<768xf32> to vector<1x768xf32>
    tpu.vector_store %arg8[%swap3A_1503, %swap3A_1504], %swap3A_1507 {strides = array<i32>} : memref<128x768xf32, #tpu.memory_space<vmem>>, vector<1x768xf32>,
    %get3A_1508 = arith.constant 0 : index
    %get3A_1509 = arith.constant 0 : index
    %get3A_1510 = arith.constant 89 : index
    %get3A_1511 = memref.load %arg2[%get3A_1508, %get3A_1509, %get3A_1510] : memref<1x1x128xi32, #tpu.memory_space<smem>>
    %max3A_1512 = arith.constant 0 : i32
    %max3A_1513 = arith.maxsi %get3A_1511, %max3A_1512 : i32
    %min3A_1514 = arith.constant 2047 : i32
    %min3A_1515 = arith.minsi %max3A_1513, %min3A_1514 : i32
    %get3A_1516 = arith.index_cast %min3A_1515 : i32 to index
    %get3A_1517 = arith.constant 0 : index
    %get3A_1518 = vector.load %arg3[%get3A_1516, %get3A_1517] : memref<2048x768xf32, #tpu.memory_space<vmem>>, vector<1x768xf32>
    %squeeze3A_1519 = vector.shape_cast %get3A_1518 : vector<1x768xf32> to vector<768xf32>
    %swap3A_1520 = arith.constant 89 : index
    %swap3A_1521 = arith.constant 0 : index
    %swap3A_1522 = vector.load %arg8[%swap3A_1520, %swap3A_1521] : memref<128x768xf32, #tpu.memory_space<vmem>>, vector<1x768xf32>
    %swap3A_1523 = vector.shape_cast %swap3A_1522 : vector<1x768xf32> to vector<768xf32>
    %swap3A_1524 = vector.shape_cast %squeeze3A_1519 : vector<768xf32> to vector<1x768xf32>
    tpu.vector_store %arg8[%swap3A_1520, %swap3A_1521], %swap3A_1524 {strides = array<i32>} : memref<128x768xf32, #tpu.memory_space<vmem>>, vector<1x768xf32>,
    %get3A_1525 = arith.constant 0 : index
    %get3A_1526 = arith.constant 0 : index
    %get3A_1527 = arith.constant 90 : index
    %get3A_1528 = memref.load %arg2[%get3A_1525, %get3A_1526, %get3A_1527] : memref<1x1x128xi32, #tpu.memory_space<smem>>
    %max3A_1529 = arith.constant 0 : i32
    %max3A_1530 = arith.maxsi %get3A_1528, %max3A_1529 : i32
    %min3A_1531 = arith.constant 2047 : i32
    %min3A_1532 = arith.minsi %max3A_1530, %min3A_1531 : i32
    %get3A_1533 = arith.index_cast %min3A_1532 : i32 to index
    %get3A_1534 = arith.constant 0 : index
    %get3A_1535 = vector.load %arg3[%get3A_1533, %get3A_1534] : memref<2048x768xf32, #tpu.memory_space<vmem>>, vector<1x768xf32>
    %squeeze3A_1536 = vector.shape_cast %get3A_1535 : vector<1x768xf32> to vector<768xf32>
    %swap3A_1537 = arith.constant 90 : index
    %swap3A_1538 = arith.constant 0 : index
    %swap3A_1539 = vector.load %arg8[%swap3A_1537, %swap3A_1538] : memref<128x768xf32, #tpu.memory_space<vmem>>, vector<1x768xf32>
    %swap3A_1540 = vector.shape_cast %swap3A_1539 : vector<1x768xf32> to vector<768xf32>
    %swap3A_1541 = vector.shape_cast %squeeze3A_1536 : vector<768xf32> to vector<1x768xf32>
    tpu.vector_store %arg8[%swap3A_1537, %swap3A_1538], %swap3A_1541 {strides = array<i32>} : memref<128x768xf32, #tpu.memory_space<vmem>>, vector<1x768xf32>,
    %get3A_1542 = arith.constant 0 : index
    %get3A_1543 = arith.constant 0 : index
    %get3A_1544 = arith.constant 91 : index
    %get3A_1545 = memref.load %arg2[%get3A_1542, %get3A_1543, %get3A_1544] : memref<1x1x128xi32, #tpu.memory_space<smem>>
    %max3A_1546 = arith.constant 0 : i32
    %max3A_1547 = arith.maxsi %get3A_1545, %max3A_1546 : i32
    %min3A_1548 = arith.constant 2047 : i32
    %min3A_1549 = arith.minsi %max3A_1547, %min3A_1548 : i32
    %get3A_1550 = arith.index_cast %min3A_1549 : i32 to index
    %get3A_1551 = arith.constant 0 : index
    %get3A_1552 = vector.load %arg3[%get3A_1550, %get3A_1551] : memref<2048x768xf32, #tpu.memory_space<vmem>>, vector<1x768xf32>
    %squeeze3A_1553 = vector.shape_cast %get3A_1552 : vector<1x768xf32> to vector<768xf32>
    %swap3A_1554 = arith.constant 91 : index
    %swap3A_1555 = arith.constant 0 : index
    %swap3A_1556 = vector.load %arg8[%swap3A_1554, %swap3A_1555] : memref<128x768xf32, #tpu.memory_space<vmem>>, vector<1x768xf32>
    %swap3A_1557 = vector.shape_cast %swap3A_1556 : vector<1x768xf32> to vector<768xf32>
    %swap3A_1558 = vector.shape_cast %squeeze3A_1553 : vector<768xf32> to vector<1x768xf32>
    tpu.vector_store %arg8[%swap3A_1554, %swap3A_1555], %swap3A_1558 {strides = array<i32>} : memref<128x768xf32, #tpu.memory_space<vmem>>, vector<1x768xf32>,
    %get3A_1559 = arith.constant 0 : index
    %get3A_1560 = arith.constant 0 : index
    %get3A_1561 = arith.constant 92 : index
    %get3A_1562 = memref.load %arg2[%get3A_1559, %get3A_1560, %get3A_1561] : memref<1x1x128xi32, #tpu.memory_space<smem>>
    %max3A_1563 = arith.constant 0 : i32
    %max3A_1564 = arith.maxsi %get3A_1562, %max3A_1563 : i32
    %min3A_1565 = arith.constant 2047 : i32
    %min3A_1566 = arith.minsi %max3A_1564, %min3A_1565 : i32
    %get3A_1567 = arith.index_cast %min3A_1566 : i32 to index
    %get3A_1568 = arith.constant 0 : index
    %get3A_1569 = vector.load %arg3[%get3A_1567, %get3A_1568] : memref<2048x768xf32, #tpu.memory_space<vmem>>, vector<1x768xf32>
    %squeeze3A_1570 = vector.shape_cast %get3A_1569 : vector<1x768xf32> to vector<768xf32>
    %swap3A_1571 = arith.constant 92 : index
    %swap3A_1572 = arith.constant 0 : index
    %swap3A_1573 = vector.load %arg8[%swap3A_1571, %swap3A_1572] : memref<128x768xf32, #tpu.memory_space<vmem>>, vector<1x768xf32>
    %swap3A_1574 = vector.shape_cast %swap3A_1573 : vector<1x768xf32> to vector<768xf32>
    %swap3A_1575 = vector.shape_cast %squeeze3A_1570 : vector<768xf32> to vector<1x768xf32>
    tpu.vector_store %arg8[%swap3A_1571, %swap3A_1572], %swap3A_1575 {strides = array<i32>} : memref<128x768xf32, #tpu.memory_space<vmem>>, vector<1x768xf32>,
    %get3A_1576 = arith.constant 0 : index
    %get3A_1577 = arith.constant 0 : index
    %get3A_1578 = arith.constant 93 : index
    %get3A_1579 = memref.load %arg2[%get3A_1576, %get3A_1577, %get3A_1578] : memref<1x1x128xi32, #tpu.memory_space<smem>>
    %max3A_1580 = arith.constant 0 : i32
    %max3A_1581 = arith.maxsi %get3A_1579, %max3A_1580 : i32
    %min3A_1582 = arith.constant 2047 : i32
    %min3A_1583 = arith.minsi %max3A_1581, %min3A_1582 : i32
    %get3A_1584 = arith.index_cast %min3A_1583 : i32 to index
    %get3A_1585 = arith.constant 0 : index
    %get3A_1586 = vector.load %arg3[%get3A_1584, %get3A_1585] : memref<2048x768xf32, #tpu.memory_space<vmem>>, vector<1x768xf32>
    %squeeze3A_1587 = vector.shape_cast %get3A_1586 : vector<1x768xf32> to vector<768xf32>
    %swap3A_1588 = arith.constant 93 : index
    %swap3A_1589 = arith.constant 0 : index
    %swap3A_1590 = vector.load %arg8[%swap3A_1588, %swap3A_1589] : memref<128x768xf32, #tpu.memory_space<vmem>>, vector<1x768xf32>
    %swap3A_1591 = vector.shape_cast %swap3A_1590 : vector<1x768xf32> to vector<768xf32>
    %swap3A_1592 = vector.shape_cast %squeeze3A_1587 : vector<768xf32> to vector<1x768xf32>
    tpu.vector_store %arg8[%swap3A_1588, %swap3A_1589], %swap3A_1592 {strides = array<i32>} : memref<128x768xf32, #tpu.memory_space<vmem>>, vector<1x768xf32>,
    %get3A_1593 = arith.constant 0 : index
    %get3A_1594 = arith.constant 0 : index
    %get3A_1595 = arith.constant 94 : index
    %get3A_1596 = memref.load %arg2[%get3A_1593, %get3A_1594, %get3A_1595] : memref<1x1x128xi32, #tpu.memory_space<smem>>
    %max3A_1597 = arith.constant 0 : i32
    %max3A_1598 = arith.maxsi %get3A_1596, %max3A_1597 : i32
    %min3A_1599 = arith.constant 2047 : i32
    %min3A_1600 = arith.minsi %max3A_1598, %min3A_1599 : i32
    %get3A_1601 = arith.index_cast %min3A_1600 : i32 to index
    %get3A_1602 = arith.constant 0 : index
    %get3A_1603 = vector.load %arg3[%get3A_1601, %get3A_1602] : memref<2048x768xf32, #tpu.memory_space<vmem>>, vector<1x768xf32>
    %squeeze3A_1604 = vector.shape_cast %get3A_1603 : vector<1x768xf32> to vector<768xf32>
    %swap3A_1605 = arith.constant 94 : index
    %swap3A_1606 = arith.constant 0 : index
    %swap3A_1607 = vector.load %arg8[%swap3A_1605, %swap3A_1606] : memref<128x768xf32, #tpu.memory_space<vmem>>, vector<1x768xf32>
    %swap3A_1608 = vector.shape_cast %swap3A_1607 : vector<1x768xf32> to vector<768xf32>
    %swap3A_1609 = vector.shape_cast %squeeze3A_1604 : vector<768xf32> to vector<1x768xf32>
    tpu.vector_store %arg8[%swap3A_1605, %swap3A_1606], %swap3A_1609 {strides = array<i32>} : memref<128x768xf32, #tpu.memory_space<vmem>>, vector<1x768xf32>,
    %get3A_1610 = arith.constant 0 : index
    %get3A_1611 = arith.constant 0 : index
    %get3A_1612 = arith.constant 95 : index
    %get3A_1613 = memref.load %arg2[%get3A_1610, %get3A_1611, %get3A_1612] : memref<1x1x128xi32, #tpu.memory_space<smem>>
    %max3A_1614 = arith.constant 0 : i32
    %max3A_1615 = arith.maxsi %get3A_1613, %max3A_1614 : i32
    %min3A_1616 = arith.constant 2047 : i32
    %min3A_1617 = arith.minsi %max3A_1615, %min3A_1616 : i32
    %get3A_1618 = arith.index_cast %min3A_1617 : i32 to index
    %get3A_1619 = arith.constant 0 : index
    %get3A_1620 = vector.load %arg3[%get3A_1618, %get3A_1619] : memref<2048x768xf32, #tpu.memory_space<vmem>>, vector<1x768xf32>
    %squeeze3A_1621 = vector.shape_cast %get3A_1620 : vector<1x768xf32> to vector<768xf32>
    %swap3A_1622 = arith.constant 95 : index
    %swap3A_1623 = arith.constant 0 : index
    %swap3A_1624 = vector.load %arg8[%swap3A_1622, %swap3A_1623] : memref<128x768xf32, #tpu.memory_space<vmem>>, vector<1x768xf32>
    %swap3A_1625 = vector.shape_cast %swap3A_1624 : vector<1x768xf32> to vector<768xf32>
    %swap3A_1626 = vector.shape_cast %squeeze3A_1621 : vector<768xf32> to vector<1x768xf32>
    tpu.vector_store %arg8[%swap3A_1622, %swap3A_1623], %swap3A_1626 {strides = array<i32>} : memref<128x768xf32, #tpu.memory_space<vmem>>, vector<1x768xf32>,
    %get3A_1627 = arith.constant 0 : index
    %get3A_1628 = arith.constant 0 : index
    %get3A_1629 = arith.constant 96 : index
    %get3A_1630 = memref.load %arg2[%get3A_1627, %get3A_1628, %get3A_1629] : memref<1x1x128xi32, #tpu.memory_space<smem>>
    %max3A_1631 = arith.constant 0 : i32
    %max3A_1632 = arith.maxsi %get3A_1630, %max3A_1631 : i32
    %min3A_1633 = arith.constant 2047 : i32
    %min3A_1634 = arith.minsi %max3A_1632, %min3A_1633 : i32
    %get3A_1635 = arith.index_cast %min3A_1634 : i32 to index
    %get3A_1636 = arith.constant 0 : index
    %get3A_1637 = vector.load %arg3[%get3A_1635, %get3A_1636] : memref<2048x768xf32, #tpu.memory_space<vmem>>, vector<1x768xf32>
    %squeeze3A_1638 = vector.shape_cast %get3A_1637 : vector<1x768xf32> to vector<768xf32>
    %swap3A_1639 = arith.constant 96 : index
    %swap3A_1640 = arith.constant 0 : index
    %swap3A_1641 = vector.load %arg8[%swap3A_1639, %swap3A_1640] : memref<128x768xf32, #tpu.memory_space<vmem>>, vector<1x768xf32>
    %swap3A_1642 = vector.shape_cast %swap3A_1641 : vector<1x768xf32> to vector<768xf32>
    %swap3A_1643 = vector.shape_cast %squeeze3A_1638 : vector<768xf32> to vector<1x768xf32>
    tpu.vector_store %arg8[%swap3A_1639, %swap3A_1640], %swap3A_1643 {strides = array<i32>} : memref<128x768xf32, #tpu.memory_space<vmem>>, vector<1x768xf32>,
    %get3A_1644 = arith.constant 0 : index
    %get3A_1645 = arith.constant 0 : index
    %get3A_1646 = arith.constant 97 : index
    %get3A_1647 = memref.load %arg2[%get3A_1644, %get3A_1645, %get3A_1646] : memref<1x1x128xi32, #tpu.memory_space<smem>>
    %max3A_1648 = arith.constant 0 : i32
    %max3A_1649 = arith.maxsi %get3A_1647, %max3A_1648 : i32
    %min3A_1650 = arith.constant 2047 : i32
    %min3A_1651 = arith.minsi %max3A_1649, %min3A_1650 : i32
    %get3A_1652 = arith.index_cast %min3A_1651 : i32 to index
    %get3A_1653 = arith.constant 0 : index
    %get3A_1654 = vector.load %arg3[%get3A_1652, %get3A_1653] : memref<2048x768xf32, #tpu.memory_space<vmem>>, vector<1x768xf32>
    %squeeze3A_1655 = vector.shape_cast %get3A_1654 : vector<1x768xf32> to vector<768xf32>
    %swap3A_1656 = arith.constant 97 : index
    %swap3A_1657 = arith.constant 0 : index
    %swap3A_1658 = vector.load %arg8[%swap3A_1656, %swap3A_1657] : memref<128x768xf32, #tpu.memory_space<vmem>>, vector<1x768xf32>
    %swap3A_1659 = vector.shape_cast %swap3A_1658 : vector<1x768xf32> to vector<768xf32>
    %swap3A_1660 = vector.shape_cast %squeeze3A_1655 : vector<768xf32> to vector<1x768xf32>
    tpu.vector_store %arg8[%swap3A_1656, %swap3A_1657], %swap3A_1660 {strides = array<i32>} : memref<128x768xf32, #tpu.memory_space<vmem>>, vector<1x768xf32>,
    %get3A_1661 = arith.constant 0 : index
    %get3A_1662 = arith.constant 0 : index
    %get3A_1663 = arith.constant 98 : index
    %get3A_1664 = memref.load %arg2[%get3A_1661, %get3A_1662, %get3A_1663] : memref<1x1x128xi32, #tpu.memory_space<smem>>
    %max3A_1665 = arith.constant 0 : i32
    %max3A_1666 = arith.maxsi %get3A_1664, %max3A_1665 : i32
    %min3A_1667 = arith.constant 2047 : i32
    %min3A_1668 = arith.minsi %max3A_1666, %min3A_1667 : i32
    %get3A_1669 = arith.index_cast %min3A_1668 : i32 to index
    %get3A_1670 = arith.constant 0 : index
    %get3A_1671 = vector.load %arg3[%get3A_1669, %get3A_1670] : memref<2048x768xf32, #tpu.memory_space<vmem>>, vector<1x768xf32>
    %squeeze3A_1672 = vector.shape_cast %get3A_1671 : vector<1x768xf32> to vector<768xf32>
    %swap3A_1673 = arith.constant 98 : index
    %swap3A_1674 = arith.constant 0 : index
    %swap3A_1675 = vector.load %arg8[%swap3A_1673, %swap3A_1674] : memref<128x768xf32, #tpu.memory_space<vmem>>, vector<1x768xf32>
    %swap3A_1676 = vector.shape_cast %swap3A_1675 : vector<1x768xf32> to vector<768xf32>
    %swap3A_1677 = vector.shape_cast %squeeze3A_1672 : vector<768xf32> to vector<1x768xf32>
    tpu.vector_store %arg8[%swap3A_1673, %swap3A_1674], %swap3A_1677 {strides = array<i32>} : memref<128x768xf32, #tpu.memory_space<vmem>>, vector<1x768xf32>,
    %get3A_1678 = arith.constant 0 : index
    %get3A_1679 = arith.constant 0 : index
    %get3A_1680 = arith.constant 99 : index
    %get3A_1681 = memref.load %arg2[%get3A_1678, %get3A_1679, %get3A_1680] : memref<1x1x128xi32, #tpu.memory_space<smem>>
    %max3A_1682 = arith.constant 0 : i32
    %max3A_1683 = arith.maxsi %get3A_1681, %max3A_1682 : i32
    %min3A_1684 = arith.constant 2047 : i32
    %min3A_1685 = arith.minsi %max3A_1683, %min3A_1684 : i32
    %get3A_1686 = arith.index_cast %min3A_1685 : i32 to index
    %get3A_1687 = arith.constant 0 : index
    %get3A_1688 = vector.load %arg3[%get3A_1686, %get3A_1687] : memref<2048x768xf32, #tpu.memory_space<vmem>>, vector<1x768xf32>
    %squeeze3A_1689 = vector.shape_cast %get3A_1688 : vector<1x768xf32> to vector<768xf32>
    %swap3A_1690 = arith.constant 99 : index
    %swap3A_1691 = arith.constant 0 : index
    %swap3A_1692 = vector.load %arg8[%swap3A_1690, %swap3A_1691] : memref<128x768xf32, #tpu.memory_space<vmem>>, vector<1x768xf32>
    %swap3A_1693 = vector.shape_cast %swap3A_1692 : vector<1x768xf32> to vector<768xf32>
    %swap3A_1694 = vector.shape_cast %squeeze3A_1689 : vector<768xf32> to vector<1x768xf32>
    tpu.vector_store %arg8[%swap3A_1690, %swap3A_1691], %swap3A_1694 {strides = array<i32>} : memref<128x768xf32, #tpu.memory_space<vmem>>, vector<1x768xf32>,
    %get3A_1695 = arith.constant 0 : index
    %get3A_1696 = arith.constant 0 : index
    %get3A_1697 = arith.constant 100 : index
    %get3A_1698 = memref.load %arg2[%get3A_1695, %get3A_1696, %get3A_1697] : memref<1x1x128xi32, #tpu.memory_space<smem>>
    %max3A_1699 = arith.constant 0 : i32
    %max3A_1700 = arith.maxsi %get3A_1698, %max3A_1699 : i32
    %min3A_1701 = arith.constant 2047 : i32
    %min3A_1702 = arith.minsi %max3A_1700, %min3A_1701 : i32
    %get3A_1703 = arith.index_cast %min3A_1702 : i32 to index
    %get3A_1704 = arith.constant 0 : index
    %get3A_1705 = vector.load %arg3[%get3A_1703, %get3A_1704] : memref<2048x768xf32, #tpu.memory_space<vmem>>, vector<1x768xf32>
    %squeeze3A_1706 = vector.shape_cast %get3A_1705 : vector<1x768xf32> to vector<768xf32>
    %swap3A_1707 = arith.constant 100 : index
    %swap3A_1708 = arith.constant 0 : index
    %swap3A_1709 = vector.load %arg8[%swap3A_1707, %swap3A_1708] : memref<128x768xf32, #tpu.memory_space<vmem>>, vector<1x768xf32>
    %swap3A_1710 = vector.shape_cast %swap3A_1709 : vector<1x768xf32> to vector<768xf32>
    %swap3A_1711 = vector.shape_cast %squeeze3A_1706 : vector<768xf32> to vector<1x768xf32>
    tpu.vector_store %arg8[%swap3A_1707, %swap3A_1708], %swap3A_1711 {strides = array<i32>} : memref<128x768xf32, #tpu.memory_space<vmem>>, vector<1x768xf32>,
    %get3A_1712 = arith.constant 0 : index
    %get3A_1713 = arith.constant 0 : index
    %get3A_1714 = arith.constant 101 : index
    %get3A_1715 = memref.load %arg2[%get3A_1712, %get3A_1713, %get3A_1714] : memref<1x1x128xi32, #tpu.memory_space<smem>>
    %max3A_1716 = arith.constant 0 : i32
    %max3A_1717 = arith.maxsi %get3A_1715, %max3A_1716 : i32
    %min3A_1718 = arith.constant 2047 : i32
    %min3A_1719 = arith.minsi %max3A_1717, %min3A_1718 : i32
    %get3A_1720 = arith.index_cast %min3A_1719 : i32 to index
    %get3A_1721 = arith.constant 0 : index
    %get3A_1722 = vector.load %arg3[%get3A_1720, %get3A_1721] : memref<2048x768xf32, #tpu.memory_space<vmem>>, vector<1x768xf32>
    %squeeze3A_1723 = vector.shape_cast %get3A_1722 : vector<1x768xf32> to vector<768xf32>
    %swap3A_1724 = arith.constant 101 : index
    %swap3A_1725 = arith.constant 0 : index
    %swap3A_1726 = vector.load %arg8[%swap3A_1724, %swap3A_1725] : memref<128x768xf32, #tpu.memory_space<vmem>>, vector<1x768xf32>
    %swap3A_1727 = vector.shape_cast %swap3A_1726 : vector<1x768xf32> to vector<768xf32>
    %swap3A_1728 = vector.shape_cast %squeeze3A_1723 : vector<768xf32> to vector<1x768xf32>
    tpu.vector_store %arg8[%swap3A_1724, %swap3A_1725], %swap3A_1728 {strides = array<i32>} : memref<128x768xf32, #tpu.memory_space<vmem>>, vector<1x768xf32>,
    %get3A_1729 = arith.constant 0 : index
    %get3A_1730 = arith.constant 0 : index
    %get3A_1731 = arith.constant 102 : index
    %get3A_1732 = memref.load %arg2[%get3A_1729, %get3A_1730, %get3A_1731] : memref<1x1x128xi32, #tpu.memory_space<smem>>
    %max3A_1733 = arith.constant 0 : i32
    %max3A_1734 = arith.maxsi %get3A_1732, %max3A_1733 : i32
    %min3A_1735 = arith.constant 2047 : i32
    %min3A_1736 = arith.minsi %max3A_1734, %min3A_1735 : i32
    %get3A_1737 = arith.index_cast %min3A_1736 : i32 to index
    %get3A_1738 = arith.constant 0 : index
    %get3A_1739 = vector.load %arg3[%get3A_1737, %get3A_1738] : memref<2048x768xf32, #tpu.memory_space<vmem>>, vector<1x768xf32>
    %squeeze3A_1740 = vector.shape_cast %get3A_1739 : vector<1x768xf32> to vector<768xf32>
    %swap3A_1741 = arith.constant 102 : index
    %swap3A_1742 = arith.constant 0 : index
    %swap3A_1743 = vector.load %arg8[%swap3A_1741, %swap3A_1742] : memref<128x768xf32, #tpu.memory_space<vmem>>, vector<1x768xf32>
    %swap3A_1744 = vector.shape_cast %swap3A_1743 : vector<1x768xf32> to vector<768xf32>
    %swap3A_1745 = vector.shape_cast %squeeze3A_1740 : vector<768xf32> to vector<1x768xf32>
    tpu.vector_store %arg8[%swap3A_1741, %swap3A_1742], %swap3A_1745 {strides = array<i32>} : memref<128x768xf32, #tpu.memory_space<vmem>>, vector<1x768xf32>,
    %get3A_1746 = arith.constant 0 : index
    %get3A_1747 = arith.constant 0 : index
    %get3A_1748 = arith.constant 103 : index
    %get3A_1749 = memref.load %arg2[%get3A_1746, %get3A_1747, %get3A_1748] : memref<1x1x128xi32, #tpu.memory_space<smem>>
    %max3A_1750 = arith.constant 0 : i32
    %max3A_1751 = arith.maxsi %get3A_1749, %max3A_1750 : i32
    %min3A_1752 = arith.constant 2047 : i32
    %min3A_1753 = arith.minsi %max3A_1751, %min3A_1752 : i32
    %get3A_1754 = arith.index_cast %min3A_1753 : i32 to index
    %get3A_1755 = arith.constant 0 : index
    %get3A_1756 = vector.load %arg3[%get3A_1754, %get3A_1755] : memref<2048x768xf32, #tpu.memory_space<vmem>>, vector<1x768xf32>
    %squeeze3A_1757 = vector.shape_cast %get3A_1756 : vector<1x768xf32> to vector<768xf32>
    %swap3A_1758 = arith.constant 103 : index
    %swap3A_1759 = arith.constant 0 : index
    %swap3A_1760 = vector.load %arg8[%swap3A_1758, %swap3A_1759] : memref<128x768xf32, #tpu.memory_space<vmem>>, vector<1x768xf32>
    %swap3A_1761 = vector.shape_cast %swap3A_1760 : vector<1x768xf32> to vector<768xf32>
    %swap3A_1762 = vector.shape_cast %squeeze3A_1757 : vector<768xf32> to vector<1x768xf32>
    tpu.vector_store %arg8[%swap3A_1758, %swap3A_1759], %swap3A_1762 {strides = array<i32>} : memref<128x768xf32, #tpu.memory_space<vmem>>, vector<1x768xf32>,
    %get3A_1763 = arith.constant 0 : index
    %get3A_1764 = arith.constant 0 : index
    %get3A_1765 = arith.constant 104 : index
    %get3A_1766 = memref.load %arg2[%get3A_1763, %get3A_1764, %get3A_1765] : memref<1x1x128xi32, #tpu.memory_space<smem>>
    %max3A_1767 = arith.constant 0 : i32
    %max3A_1768 = arith.maxsi %get3A_1766, %max3A_1767 : i32
    %min3A_1769 = arith.constant 2047 : i32
    %min3A_1770 = arith.minsi %max3A_1768, %min3A_1769 : i32
    %get3A_1771 = arith.index_cast %min3A_1770 : i32 to index
    %get3A_1772 = arith.constant 0 : index
    %get3A_1773 = vector.load %arg3[%get3A_1771, %get3A_1772] : memref<2048x768xf32, #tpu.memory_space<vmem>>, vector<1x768xf32>
    %squeeze3A_1774 = vector.shape_cast %get3A_1773 : vector<1x768xf32> to vector<768xf32>
    %swap3A_1775 = arith.constant 104 : index
    %swap3A_1776 = arith.constant 0 : index
    %swap3A_1777 = vector.load %arg8[%swap3A_1775, %swap3A_1776] : memref<128x768xf32, #tpu.memory_space<vmem>>, vector<1x768xf32>
    %swap3A_1778 = vector.shape_cast %swap3A_1777 : vector<1x768xf32> to vector<768xf32>
    %swap3A_1779 = vector.shape_cast %squeeze3A_1774 : vector<768xf32> to vector<1x768xf32>
    tpu.vector_store %arg8[%swap3A_1775, %swap3A_1776], %swap3A_1779 {strides = array<i32>} : memref<128x768xf32, #tpu.memory_space<vmem>>, vector<1x768xf32>,
    %get3A_1780 = arith.constant 0 : index
    %get3A_1781 = arith.constant 0 : index
    %get3A_1782 = arith.constant 105 : index
    %get3A_1783 = memref.load %arg2[%get3A_1780, %get3A_1781, %get3A_1782] : memref<1x1x128xi32, #tpu.memory_space<smem>>
    %max3A_1784 = arith.constant 0 : i32
    %max3A_1785 = arith.maxsi %get3A_1783, %max3A_1784 : i32
    %min3A_1786 = arith.constant 2047 : i32
    %min3A_1787 = arith.minsi %max3A_1785, %min3A_1786 : i32
    %get3A_1788 = arith.index_cast %min3A_1787 : i32 to index
    %get3A_1789 = arith.constant 0 : index
    %get3A_1790 = vector.load %arg3[%get3A_1788, %get3A_1789] : memref<2048x768xf32, #tpu.memory_space<vmem>>, vector<1x768xf32>
    %squeeze3A_1791 = vector.shape_cast %get3A_1790 : vector<1x768xf32> to vector<768xf32>
    %swap3A_1792 = arith.constant 105 : index
    %swap3A_1793 = arith.constant 0 : index
    %swap3A_1794 = vector.load %arg8[%swap3A_1792, %swap3A_1793] : memref<128x768xf32, #tpu.memory_space<vmem>>, vector<1x768xf32>
    %swap3A_1795 = vector.shape_cast %swap3A_1794 : vector<1x768xf32> to vector<768xf32>
    %swap3A_1796 = vector.shape_cast %squeeze3A_1791 : vector<768xf32> to vector<1x768xf32>
    tpu.vector_store %arg8[%swap3A_1792, %swap3A_1793], %swap3A_1796 {strides = array<i32>} : memref<128x768xf32, #tpu.memory_space<vmem>>, vector<1x768xf32>,
    %get3A_1797 = arith.constant 0 : index
    %get3A_1798 = arith.constant 0 : index
    %get3A_1799 = arith.constant 106 : index
    %get3A_1800 = memref.load %arg2[%get3A_1797, %get3A_1798, %get3A_1799] : memref<1x1x128xi32, #tpu.memory_space<smem>>
    %max3A_1801 = arith.constant 0 : i32
    %max3A_1802 = arith.maxsi %get3A_1800, %max3A_1801 : i32
    %min3A_1803 = arith.constant 2047 : i32
    %min3A_1804 = arith.minsi %max3A_1802, %min3A_1803 : i32
    %get3A_1805 = arith.index_cast %min3A_1804 : i32 to index
    %get3A_1806 = arith.constant 0 : index
    %get3A_1807 = vector.load %arg3[%get3A_1805, %get3A_1806] : memref<2048x768xf32, #tpu.memory_space<vmem>>, vector<1x768xf32>
    %squeeze3A_1808 = vector.shape_cast %get3A_1807 : vector<1x768xf32> to vector<768xf32>
    %swap3A_1809 = arith.constant 106 : index
    %swap3A_1810 = arith.constant 0 : index
    %swap3A_1811 = vector.load %arg8[%swap3A_1809, %swap3A_1810] : memref<128x768xf32, #tpu.memory_space<vmem>>, vector<1x768xf32>
    %swap3A_1812 = vector.shape_cast %swap3A_1811 : vector<1x768xf32> to vector<768xf32>
    %swap3A_1813 = vector.shape_cast %squeeze3A_1808 : vector<768xf32> to vector<1x768xf32>
    tpu.vector_store %arg8[%swap3A_1809, %swap3A_1810], %swap3A_1813 {strides = array<i32>} : memref<128x768xf32, #tpu.memory_space<vmem>>, vector<1x768xf32>,
    %get3A_1814 = arith.constant 0 : index
    %get3A_1815 = arith.constant 0 : index
    %get3A_1816 = arith.constant 107 : index
    %get3A_1817 = memref.load %arg2[%get3A_1814, %get3A_1815, %get3A_1816] : memref<1x1x128xi32, #tpu.memory_space<smem>>
    %max3A_1818 = arith.constant 0 : i32
    %max3A_1819 = arith.maxsi %get3A_1817, %max3A_1818 : i32
    %min3A_1820 = arith.constant 2047 : i32
    %min3A_1821 = arith.minsi %max3A_1819, %min3A_1820 : i32
    %get3A_1822 = arith.index_cast %min3A_1821 : i32 to index
    %get3A_1823 = arith.constant 0 : index
    %get3A_1824 = vector.load %arg3[%get3A_1822, %get3A_1823] : memref<2048x768xf32, #tpu.memory_space<vmem>>, vector<1x768xf32>
    %squeeze3A_1825 = vector.shape_cast %get3A_1824 : vector<1x768xf32> to vector<768xf32>
    %swap3A_1826 = arith.constant 107 : index
    %swap3A_1827 = arith.constant 0 : index
    %swap3A_1828 = vector.load %arg8[%swap3A_1826, %swap3A_1827] : memref<128x768xf32, #tpu.memory_space<vmem>>, vector<1x768xf32>
    %swap3A_1829 = vector.shape_cast %swap3A_1828 : vector<1x768xf32> to vector<768xf32>
    %swap3A_1830 = vector.shape_cast %squeeze3A_1825 : vector<768xf32> to vector<1x768xf32>
    tpu.vector_store %arg8[%swap3A_1826, %swap3A_1827], %swap3A_1830 {strides = array<i32>} : memref<128x768xf32, #tpu.memory_space<vmem>>, vector<1x768xf32>,
    %get3A_1831 = arith.constant 0 : index
    %get3A_1832 = arith.constant 0 : index
    %get3A_1833 = arith.constant 108 : index
    %get3A_1834 = memref.load %arg2[%get3A_1831, %get3A_1832, %get3A_1833] : memref<1x1x128xi32, #tpu.memory_space<smem>>
    %max3A_1835 = arith.constant 0 : i32
    %max3A_1836 = arith.maxsi %get3A_1834, %max3A_1835 : i32
    %min3A_1837 = arith.constant 2047 : i32
    %min3A_1838 = arith.minsi %max3A_1836, %min3A_1837 : i32
    %get3A_1839 = arith.index_cast %min3A_1838 : i32 to index
    %get3A_1840 = arith.constant 0 : index
    %get3A_1841 = vector.load %arg3[%get3A_1839, %get3A_1840] : memref<2048x768xf32, #tpu.memory_space<vmem>>, vector<1x768xf32>
    %squeeze3A_1842 = vector.shape_cast %get3A_1841 : vector<1x768xf32> to vector<768xf32>
    %swap3A_1843 = arith.constant 108 : index
    %swap3A_1844 = arith.constant 0 : index
    %swap3A_1845 = vector.load %arg8[%swap3A_1843, %swap3A_1844] : memref<128x768xf32, #tpu.memory_space<vmem>>, vector<1x768xf32>
    %swap3A_1846 = vector.shape_cast %swap3A_1845 : vector<1x768xf32> to vector<768xf32>
    %swap3A_1847 = vector.shape_cast %squeeze3A_1842 : vector<768xf32> to vector<1x768xf32>
    tpu.vector_store %arg8[%swap3A_1843, %swap3A_1844], %swap3A_1847 {strides = array<i32>} : memref<128x768xf32, #tpu.memory_space<vmem>>, vector<1x768xf32>,
    %get3A_1848 = arith.constant 0 : index
    %get3A_1849 = arith.constant 0 : index
    %get3A_1850 = arith.constant 109 : index
    %get3A_1851 = memref.load %arg2[%get3A_1848, %get3A_1849, %get3A_1850] : memref<1x1x128xi32, #tpu.memory_space<smem>>
    %max3A_1852 = arith.constant 0 : i32
    %max3A_1853 = arith.maxsi %get3A_1851, %max3A_1852 : i32
    %min3A_1854 = arith.constant 2047 : i32
    %min3A_1855 = arith.minsi %max3A_1853, %min3A_1854 : i32
    %get3A_1856 = arith.index_cast %min3A_1855 : i32 to index
    %get3A_1857 = arith.constant 0 : index
    %get3A_1858 = vector.load %arg3[%get3A_1856, %get3A_1857] : memref<2048x768xf32, #tpu.memory_space<vmem>>, vector<1x768xf32>
    %squeeze3A_1859 = vector.shape_cast %get3A_1858 : vector<1x768xf32> to vector<768xf32>
    %swap3A_1860 = arith.constant 109 : index
    %swap3A_1861 = arith.constant 0 : index
    %swap3A_1862 = vector.load %arg8[%swap3A_1860, %swap3A_1861] : memref<128x768xf32, #tpu.memory_space<vmem>>, vector<1x768xf32>
    %swap3A_1863 = vector.shape_cast %swap3A_1862 : vector<1x768xf32> to vector<768xf32>
    %swap3A_1864 = vector.shape_cast %squeeze3A_1859 : vector<768xf32> to vector<1x768xf32>
    tpu.vector_store %arg8[%swap3A_1860, %swap3A_1861], %swap3A_1864 {strides = array<i32>} : memref<128x768xf32, #tpu.memory_space<vmem>>, vector<1x768xf32>,
    %get3A_1865 = arith.constant 0 : index
    %get3A_1866 = arith.constant 0 : index
    %get3A_1867 = arith.constant 110 : index
    %get3A_1868 = memref.load %arg2[%get3A_1865, %get3A_1866, %get3A_1867] : memref<1x1x128xi32, #tpu.memory_space<smem>>
    %max3A_1869 = arith.constant 0 : i32
    %max3A_1870 = arith.maxsi %get3A_1868, %max3A_1869 : i32
    %min3A_1871 = arith.constant 2047 : i32
    %min3A_1872 = arith.minsi %max3A_1870, %min3A_1871 : i32
    %get3A_1873 = arith.index_cast %min3A_1872 : i32 to index
    %get3A_1874 = arith.constant 0 : index
    %get3A_1875 = vector.load %arg3[%get3A_1873, %get3A_1874] : memref<2048x768xf32, #tpu.memory_space<vmem>>, vector<1x768xf32>
    %squeeze3A_1876 = vector.shape_cast %get3A_1875 : vector<1x768xf32> to vector<768xf32>
    %swap3A_1877 = arith.constant 110 : index
    %swap3A_1878 = arith.constant 0 : index
    %swap3A_1879 = vector.load %arg8[%swap3A_1877, %swap3A_1878] : memref<128x768xf32, #tpu.memory_space<vmem>>, vector<1x768xf32>
    %swap3A_1880 = vector.shape_cast %swap3A_1879 : vector<1x768xf32> to vector<768xf32>
    %swap3A_1881 = vector.shape_cast %squeeze3A_1876 : vector<768xf32> to vector<1x768xf32>
    tpu.vector_store %arg8[%swap3A_1877, %swap3A_1878], %swap3A_1881 {strides = array<i32>} : memref<128x768xf32, #tpu.memory_space<vmem>>, vector<1x768xf32>,
    %get3A_1882 = arith.constant 0 : index
    %get3A_1883 = arith.constant 0 : index
    %get3A_1884 = arith.constant 111 : index
    %get3A_1885 = memref.load %arg2[%get3A_1882, %get3A_1883, %get3A_1884] : memref<1x1x128xi32, #tpu.memory_space<smem>>
    %max3A_1886 = arith.constant 0 : i32
    %max3A_1887 = arith.maxsi %get3A_1885, %max3A_1886 : i32
    %min3A_1888 = arith.constant 2047 : i32
    %min3A_1889 = arith.minsi %max3A_1887, %min3A_1888 : i32
    %get3A_1890 = arith.index_cast %min3A_1889 : i32 to index
    %get3A_1891 = arith.constant 0 : index
    %get3A_1892 = vector.load %arg3[%get3A_1890, %get3A_1891] : memref<2048x768xf32, #tpu.memory_space<vmem>>, vector<1x768xf32>
    %squeeze3A_1893 = vector.shape_cast %get3A_1892 : vector<1x768xf32> to vector<768xf32>
    %swap3A_1894 = arith.constant 111 : index
    %swap3A_1895 = arith.constant 0 : index
    %swap3A_1896 = vector.load %arg8[%swap3A_1894, %swap3A_1895] : memref<128x768xf32, #tpu.memory_space<vmem>>, vector<1x768xf32>
    %swap3A_1897 = vector.shape_cast %swap3A_1896 : vector<1x768xf32> to vector<768xf32>
    %swap3A_1898 = vector.shape_cast %squeeze3A_1893 : vector<768xf32> to vector<1x768xf32>
    tpu.vector_store %arg8[%swap3A_1894, %swap3A_1895], %swap3A_1898 {strides = array<i32>} : memref<128x768xf32, #tpu.memory_space<vmem>>, vector<1x768xf32>,
    %get3A_1899 = arith.constant 0 : index
    %get3A_1900 = arith.constant 0 : index
    %get3A_1901 = arith.constant 112 : index
    %get3A_1902 = memref.load %arg2[%get3A_1899, %get3A_1900, %get3A_1901] : memref<1x1x128xi32, #tpu.memory_space<smem>>
    %max3A_1903 = arith.constant 0 : i32
    %max3A_1904 = arith.maxsi %get3A_1902, %max3A_1903 : i32
    %min3A_1905 = arith.constant 2047 : i32
    %min3A_1906 = arith.minsi %max3A_1904, %min3A_1905 : i32
    %get3A_1907 = arith.index_cast %min3A_1906 : i32 to index
    %get3A_1908 = arith.constant 0 : index
    %get3A_1909 = vector.load %arg3[%get3A_1907, %get3A_1908] : memref<2048x768xf32, #tpu.memory_space<vmem>>, vector<1x768xf32>
    %squeeze3A_1910 = vector.shape_cast %get3A_1909 : vector<1x768xf32> to vector<768xf32>
    %swap3A_1911 = arith.constant 112 : index
    %swap3A_1912 = arith.constant 0 : index
    %swap3A_1913 = vector.load %arg8[%swap3A_1911, %swap3A_1912] : memref<128x768xf32, #tpu.memory_space<vmem>>, vector<1x768xf32>
    %swap3A_1914 = vector.shape_cast %swap3A_1913 : vector<1x768xf32> to vector<768xf32>
    %swap3A_1915 = vector.shape_cast %squeeze3A_1910 : vector<768xf32> to vector<1x768xf32>
    tpu.vector_store %arg8[%swap3A_1911, %swap3A_1912], %swap3A_1915 {strides = array<i32>} : memref<128x768xf32, #tpu.memory_space<vmem>>, vector<1x768xf32>,
    %get3A_1916 = arith.constant 0 : index
    %get3A_1917 = arith.constant 0 : index
    %get3A_1918 = arith.constant 113 : index
    %get3A_1919 = memref.load %arg2[%get3A_1916, %get3A_1917, %get3A_1918] : memref<1x1x128xi32, #tpu.memory_space<smem>>
    %max3A_1920 = arith.constant 0 : i32
    %max3A_1921 = arith.maxsi %get3A_1919, %max3A_1920 : i32
    %min3A_1922 = arith.constant 2047 : i32
    %min3A_1923 = arith.minsi %max3A_1921, %min3A_1922 : i32
    %get3A_1924 = arith.index_cast %min3A_1923 : i32 to index
    %get3A_1925 = arith.constant 0 : index
    %get3A_1926 = vector.load %arg3[%get3A_1924, %get3A_1925] : memref<2048x768xf32, #tpu.memory_space<vmem>>, vector<1x768xf32>
    %squeeze3A_1927 = vector.shape_cast %get3A_1926 : vector<1x768xf32> to vector<768xf32>
    %swap3A_1928 = arith.constant 113 : index
    %swap3A_1929 = arith.constant 0 : index
    %swap3A_1930 = vector.load %arg8[%swap3A_1928, %swap3A_1929] : memref<128x768xf32, #tpu.memory_space<vmem>>, vector<1x768xf32>
    %swap3A_1931 = vector.shape_cast %swap3A_1930 : vector<1x768xf32> to vector<768xf32>
    %swap3A_1932 = vector.shape_cast %squeeze3A_1927 : vector<768xf32> to vector<1x768xf32>
    tpu.vector_store %arg8[%swap3A_1928, %swap3A_1929], %swap3A_1932 {strides = array<i32>} : memref<128x768xf32, #tpu.memory_space<vmem>>, vector<1x768xf32>,
    %get3A_1933 = arith.constant 0 : index
    %get3A_1934 = arith.constant 0 : index
    %get3A_1935 = arith.constant 114 : index
    %get3A_1936 = memref.load %arg2[%get3A_1933, %get3A_1934, %get3A_1935] : memref<1x1x128xi32, #tpu.memory_space<smem>>
    %max3A_1937 = arith.constant 0 : i32
    %max3A_1938 = arith.maxsi %get3A_1936, %max3A_1937 : i32
    %min3A_1939 = arith.constant 2047 : i32
    %min3A_1940 = arith.minsi %max3A_1938, %min3A_1939 : i32
    %get3A_1941 = arith.index_cast %min3A_1940 : i32 to index
    %get3A_1942 = arith.constant 0 : index
    %get3A_1943 = vector.load %arg3[%get3A_1941, %get3A_1942] : memref<2048x768xf32, #tpu.memory_space<vmem>>, vector<1x768xf32>
    %squeeze3A_1944 = vector.shape_cast %get3A_1943 : vector<1x768xf32> to vector<768xf32>
    %swap3A_1945 = arith.constant 114 : index
    %swap3A_1946 = arith.constant 0 : index
    %swap3A_1947 = vector.load %arg8[%swap3A_1945, %swap3A_1946] : memref<128x768xf32, #tpu.memory_space<vmem>>, vector<1x768xf32>
    %swap3A_1948 = vector.shape_cast %swap3A_1947 : vector<1x768xf32> to vector<768xf32>
    %swap3A_1949 = vector.shape_cast %squeeze3A_1944 : vector<768xf32> to vector<1x768xf32>
    tpu.vector_store %arg8[%swap3A_1945, %swap3A_1946], %swap3A_1949 {strides = array<i32>} : memref<128x768xf32, #tpu.memory_space<vmem>>, vector<1x768xf32>,
    %get3A_1950 = arith.constant 0 : index
    %get3A_1951 = arith.constant 0 : index
    %get3A_1952 = arith.constant 115 : index
    %get3A_1953 = memref.load %arg2[%get3A_1950, %get3A_1951, %get3A_1952] : memref<1x1x128xi32, #tpu.memory_space<smem>>
    %max3A_1954 = arith.constant 0 : i32
    %max3A_1955 = arith.maxsi %get3A_1953, %max3A_1954 : i32
    %min3A_1956 = arith.constant 2047 : i32
    %min3A_1957 = arith.minsi %max3A_1955, %min3A_1956 : i32
    %get3A_1958 = arith.index_cast %min3A_1957 : i32 to index
    %get3A_1959 = arith.constant 0 : index
    %get3A_1960 = vector.load %arg3[%get3A_1958, %get3A_1959] : memref<2048x768xf32, #tpu.memory_space<vmem>>, vector<1x768xf32>
    %squeeze3A_1961 = vector.shape_cast %get3A_1960 : vector<1x768xf32> to vector<768xf32>
    %swap3A_1962 = arith.constant 115 : index
    %swap3A_1963 = arith.constant 0 : index
    %swap3A_1964 = vector.load %arg8[%swap3A_1962, %swap3A_1963] : memref<128x768xf32, #tpu.memory_space<vmem>>, vector<1x768xf32>
    %swap3A_1965 = vector.shape_cast %swap3A_1964 : vector<1x768xf32> to vector<768xf32>
    %swap3A_1966 = vector.shape_cast %squeeze3A_1961 : vector<768xf32> to vector<1x768xf32>
    tpu.vector_store %arg8[%swap3A_1962, %swap3A_1963], %swap3A_1966 {strides = array<i32>} : memref<128x768xf32, #tpu.memory_space<vmem>>, vector<1x768xf32>,
    %get3A_1967 = arith.constant 0 : index
    %get3A_1968 = arith.constant 0 : index
    %get3A_1969 = arith.constant 116 : index
    %get3A_1970 = memref.load %arg2[%get3A_1967, %get3A_1968, %get3A_1969] : memref<1x1x128xi32, #tpu.memory_space<smem>>
    %max3A_1971 = arith.constant 0 : i32
    %max3A_1972 = arith.maxsi %get3A_1970, %max3A_1971 : i32
    %min3A_1973 = arith.constant 2047 : i32
    %min3A_1974 = arith.minsi %max3A_1972, %min3A_1973 : i32
    %get3A_1975 = arith.index_cast %min3A_1974 : i32 to index
    %get3A_1976 = arith.constant 0 : index
    %get3A_1977 = vector.load %arg3[%get3A_1975, %get3A_1976] : memref<2048x768xf32, #tpu.memory_space<vmem>>, vector<1x768xf32>
    %squeeze3A_1978 = vector.shape_cast %get3A_1977 : vector<1x768xf32> to vector<768xf32>
    %swap3A_1979 = arith.constant 116 : index
    %swap3A_1980 = arith.constant 0 : index
    %swap3A_1981 = vector.load %arg8[%swap3A_1979, %swap3A_1980] : memref<128x768xf32, #tpu.memory_space<vmem>>, vector<1x768xf32>
    %swap3A_1982 = vector.shape_cast %swap3A_1981 : vector<1x768xf32> to vector<768xf32>
    %swap3A_1983 = vector.shape_cast %squeeze3A_1978 : vector<768xf32> to vector<1x768xf32>
    tpu.vector_store %arg8[%swap3A_1979, %swap3A_1980], %swap3A_1983 {strides = array<i32>} : memref<128x768xf32, #tpu.memory_space<vmem>>, vector<1x768xf32>,
    %get3A_1984 = arith.constant 0 : index
    %get3A_1985 = arith.constant 0 : index
    %get3A_1986 = arith.constant 117 : index
    %get3A_1987 = memref.load %arg2[%get3A_1984, %get3A_1985, %get3A_1986] : memref<1x1x128xi32, #tpu.memory_space<smem>>
    %max3A_1988 = arith.constant 0 : i32
    %max3A_1989 = arith.maxsi %get3A_1987, %max3A_1988 : i32
    %min3A_1990 = arith.constant 2047 : i32
    %min3A_1991 = arith.minsi %max3A_1989, %min3A_1990 : i32
    %get3A_1992 = arith.index_cast %min3A_1991 : i32 to index
    %get3A_1993 = arith.constant 0 : index
    %get3A_1994 = vector.load %arg3[%get3A_1992, %get3A_1993] : memref<2048x768xf32, #tpu.memory_space<vmem>>, vector<1x768xf32>
    %squeeze3A_1995 = vector.shape_cast %get3A_1994 : vector<1x768xf32> to vector<768xf32>
    %swap3A_1996 = arith.constant 117 : index
    %swap3A_1997 = arith.constant 0 : index
    %swap3A_1998 = vector.load %arg8[%swap3A_1996, %swap3A_1997] : memref<128x768xf32, #tpu.memory_space<vmem>>, vector<1x768xf32>
    %swap3A_1999 = vector.shape_cast %swap3A_1998 : vector<1x768xf32> to vector<768xf32>
    %swap3A_2000 = vector.shape_cast %squeeze3A_1995 : vector<768xf32> to vector<1x768xf32>
    tpu.vector_store %arg8[%swap3A_1996, %swap3A_1997], %swap3A_2000 {strides = array<i32>} : memref<128x768xf32, #tpu.memory_space<vmem>>, vector<1x768xf32>,
    %get3A_2001 = arith.constant 0 : index
    %get3A_2002 = arith.constant 0 : index
    %get3A_2003 = arith.constant 118 : index
    %get3A_2004 = memref.load %arg2[%get3A_2001, %get3A_2002, %get3A_2003] : memref<1x1x128xi32, #tpu.memory_space<smem>>
    %max3A_2005 = arith.constant 0 : i32
    %max3A_2006 = arith.maxsi %get3A_2004, %max3A_2005 : i32
    %min3A_2007 = arith.constant 2047 : i32
    %min3A_2008 = arith.minsi %max3A_2006, %min3A_2007 : i32
    %get3A_2009 = arith.index_cast %min3A_2008 : i32 to index
    %get3A_2010 = arith.constant 0 : index
    %get3A_2011 = vector.load %arg3[%get3A_2009, %get3A_2010] : memref<2048x768xf32, #tpu.memory_space<vmem>>, vector<1x768xf32>
    %squeeze3A_2012 = vector.shape_cast %get3A_2011 : vector<1x768xf32> to vector<768xf32>
    %swap3A_2013 = arith.constant 118 : index
    %swap3A_2014 = arith.constant 0 : index
    %swap3A_2015 = vector.load %arg8[%swap3A_2013, %swap3A_2014] : memref<128x768xf32, #tpu.memory_space<vmem>>, vector<1x768xf32>
    %swap3A_2016 = vector.shape_cast %swap3A_2015 : vector<1x768xf32> to vector<768xf32>
    %swap3A_2017 = vector.shape_cast %squeeze3A_2012 : vector<768xf32> to vector<1x768xf32>
    tpu.vector_store %arg8[%swap3A_2013, %swap3A_2014], %swap3A_2017 {strides = array<i32>} : memref<128x768xf32, #tpu.memory_space<vmem>>, vector<1x768xf32>,
    %get3A_2018 = arith.constant 0 : index
    %get3A_2019 = arith.constant 0 : index
    %get3A_2020 = arith.constant 119 : index
    %get3A_2021 = memref.load %arg2[%get3A_2018, %get3A_2019, %get3A_2020] : memref<1x1x128xi32, #tpu.memory_space<smem>>
    %max3A_2022 = arith.constant 0 : i32
    %max3A_2023 = arith.maxsi %get3A_2021, %max3A_2022 : i32
    %min3A_2024 = arith.constant 2047 : i32
    %min3A_2025 = arith.minsi %max3A_2023, %min3A_2024 : i32
    %get3A_2026 = arith.index_cast %min3A_2025 : i32 to index
    %get3A_2027 = arith.constant 0 : index
    %get3A_2028 = vector.load %arg3[%get3A_2026, %get3A_2027] : memref<2048x768xf32, #tpu.memory_space<vmem>>, vector<1x768xf32>
    %squeeze3A_2029 = vector.shape_cast %get3A_2028 : vector<1x768xf32> to vector<768xf32>
    %swap3A_2030 = arith.constant 119 : index
    %swap3A_2031 = arith.constant 0 : index
    %swap3A_2032 = vector.load %arg8[%swap3A_2030, %swap3A_2031] : memref<128x768xf32, #tpu.memory_space<vmem>>, vector<1x768xf32>
    %swap3A_2033 = vector.shape_cast %swap3A_2032 : vector<1x768xf32> to vector<768xf32>
    %swap3A_2034 = vector.shape_cast %squeeze3A_2029 : vector<768xf32> to vector<1x768xf32>
    tpu.vector_store %arg8[%swap3A_2030, %swap3A_2031], %swap3A_2034 {strides = array<i32>} : memref<128x768xf32, #tpu.memory_space<vmem>>, vector<1x768xf32>,
    %get3A_2035 = arith.constant 0 : index
    %get3A_2036 = arith.constant 0 : index
    %get3A_2037 = arith.constant 120 : index
    %get3A_2038 = memref.load %arg2[%get3A_2035, %get3A_2036, %get3A_2037] : memref<1x1x128xi32, #tpu.memory_space<smem>>
    %max3A_2039 = arith.constant 0 : i32
    %max3A_2040 = arith.maxsi %get3A_2038, %max3A_2039 : i32
    %min3A_2041 = arith.constant 2047 : i32
    %min3A_2042 = arith.minsi %max3A_2040, %min3A_2041 : i32
    %get3A_2043 = arith.index_cast %min3A_2042 : i32 to index
    %get3A_2044 = arith.constant 0 : index
    %get3A_2045 = vector.load %arg3[%get3A_2043, %get3A_2044] : memref<2048x768xf32, #tpu.memory_space<vmem>>, vector<1x768xf32>
    %squeeze3A_2046 = vector.shape_cast %get3A_2045 : vector<1x768xf32> to vector<768xf32>
    %swap3A_2047 = arith.constant 120 : index
    %swap3A_2048 = arith.constant 0 : index
    %swap3A_2049 = vector.load %arg8[%swap3A_2047, %swap3A_2048] : memref<128x768xf32, #tpu.memory_space<vmem>>, vector<1x768xf32>
    %swap3A_2050 = vector.shape_cast %swap3A_2049 : vector<1x768xf32> to vector<768xf32>
    %swap3A_2051 = vector.shape_cast %squeeze3A_2046 : vector<768xf32> to vector<1x768xf32>
    tpu.vector_store %arg8[%swap3A_2047, %swap3A_2048], %swap3A_2051 {strides = array<i32>} : memref<128x768xf32, #tpu.memory_space<vmem>>, vector<1x768xf32>,
    %get3A_2052 = arith.constant 0 : index
    %get3A_2053 = arith.constant 0 : index
    %get3A_2054 = arith.constant 121 : index
    %get3A_2055 = memref.load %arg2[%get3A_2052, %get3A_2053, %get3A_2054] : memref<1x1x128xi32, #tpu.memory_space<smem>>
    %max3A_2056 = arith.constant 0 : i32
    %max3A_2057 = arith.maxsi %get3A_2055, %max3A_2056 : i32
    %min3A_2058 = arith.constant 2047 : i32
    %min3A_2059 = arith.minsi %max3A_2057, %min3A_2058 : i32
    %get3A_2060 = arith.index_cast %min3A_2059 : i32 to index
    %get3A_2061 = arith.constant 0 : index
    %get3A_2062 = vector.load %arg3[%get3A_2060, %get3A_2061] : memref<2048x768xf32, #tpu.memory_space<vmem>>, vector<1x768xf32>
    %squeeze3A_2063 = vector.shape_cast %get3A_2062 : vector<1x768xf32> to vector<768xf32>
    %swap3A_2064 = arith.constant 121 : index
    %swap3A_2065 = arith.constant 0 : index
    %swap3A_2066 = vector.load %arg8[%swap3A_2064, %swap3A_2065] : memref<128x768xf32, #tpu.memory_space<vmem>>, vector<1x768xf32>
    %swap3A_2067 = vector.shape_cast %swap3A_2066 : vector<1x768xf32> to vector<768xf32>
    %swap3A_2068 = vector.shape_cast %squeeze3A_2063 : vector<768xf32> to vector<1x768xf32>
    tpu.vector_store %arg8[%swap3A_2064, %swap3A_2065], %swap3A_2068 {strides = array<i32>} : memref<128x768xf32, #tpu.memory_space<vmem>>, vector<1x768xf32>,
    %get3A_2069 = arith.constant 0 : index
    %get3A_2070 = arith.constant 0 : index
    %get3A_2071 = arith.constant 122 : index
    %get3A_2072 = memref.load %arg2[%get3A_2069, %get3A_2070, %get3A_2071] : memref<1x1x128xi32, #tpu.memory_space<smem>>
    %max3A_2073 = arith.constant 0 : i32
    %max3A_2074 = arith.maxsi %get3A_2072, %max3A_2073 : i32
    %min3A_2075 = arith.constant 2047 : i32
    %min3A_2076 = arith.minsi %max3A_2074, %min3A_2075 : i32
    %get3A_2077 = arith.index_cast %min3A_2076 : i32 to index
    %get3A_2078 = arith.constant 0 : index
    %get3A_2079 = vector.load %arg3[%get3A_2077, %get3A_2078] : memref<2048x768xf32, #tpu.memory_space<vmem>>, vector<1x768xf32>
    %squeeze3A_2080 = vector.shape_cast %get3A_2079 : vector<1x768xf32> to vector<768xf32>
    %swap3A_2081 = arith.constant 122 : index
    %swap3A_2082 = arith.constant 0 : index
    %swap3A_2083 = vector.load %arg8[%swap3A_2081, %swap3A_2082] : memref<128x768xf32, #tpu.memory_space<vmem>>, vector<1x768xf32>
    %swap3A_2084 = vector.shape_cast %swap3A_2083 : vector<1x768xf32> to vector<768xf32>
    %swap3A_2085 = vector.shape_cast %squeeze3A_2080 : vector<768xf32> to vector<1x768xf32>
    tpu.vector_store %arg8[%swap3A_2081, %swap3A_2082], %swap3A_2085 {strides = array<i32>} : memref<128x768xf32, #tpu.memory_space<vmem>>, vector<1x768xf32>,
    %get3A_2086 = arith.constant 0 : index
    %get3A_2087 = arith.constant 0 : index
    %get3A_2088 = arith.constant 123 : index
    %get3A_2089 = memref.load %arg2[%get3A_2086, %get3A_2087, %get3A_2088] : memref<1x1x128xi32, #tpu.memory_space<smem>>
    %max3A_2090 = arith.constant 0 : i32
    %max3A_2091 = arith.maxsi %get3A_2089, %max3A_2090 : i32
    %min3A_2092 = arith.constant 2047 : i32
    %min3A_2093 = arith.minsi %max3A_2091, %min3A_2092 : i32
    %get3A_2094 = arith.index_cast %min3A_2093 : i32 to index
    %get3A_2095 = arith.constant 0 : index
    %get3A_2096 = vector.load %arg3[%get3A_2094, %get3A_2095] : memref<2048x768xf32, #tpu.memory_space<vmem>>, vector<1x768xf32>
    %squeeze3A_2097 = vector.shape_cast %get3A_2096 : vector<1x768xf32> to vector<768xf32>
    %swap3A_2098 = arith.constant 123 : index
    %swap3A_2099 = arith.constant 0 : index
    %swap3A_2100 = vector.load %arg8[%swap3A_2098, %swap3A_2099] : memref<128x768xf32, #tpu.memory_space<vmem>>, vector<1x768xf32>
    %swap3A_2101 = vector.shape_cast %swap3A_2100 : vector<1x768xf32> to vector<768xf32>
    %swap3A_2102 = vector.shape_cast %squeeze3A_2097 : vector<768xf32> to vector<1x768xf32>
    tpu.vector_store %arg8[%swap3A_2098, %swap3A_2099], %swap3A_2102 {strides = array<i32>} : memref<128x768xf32, #tpu.memory_space<vmem>>, vector<1x768xf32>,
    %get3A_2103 = arith.constant 0 : index
    %get3A_2104 = arith.constant 0 : index
    %get3A_2105 = arith.constant 124 : index
    %get3A_2106 = memref.load %arg2[%get3A_2103, %get3A_2104, %get3A_2105] : memref<1x1x128xi32, #tpu.memory_space<smem>>
    %max3A_2107 = arith.constant 0 : i32
    %max3A_2108 = arith.maxsi %get3A_2106, %max3A_2107 : i32
    %min3A_2109 = arith.constant 2047 : i32
    %min3A_2110 = arith.minsi %max3A_2108, %min3A_2109 : i32
    %get3A_2111 = arith.index_cast %min3A_2110 : i32 to index
    %get3A_2112 = arith.constant 0 : index
    %get3A_2113 = vector.load %arg3[%get3A_2111, %get3A_2112] : memref<2048x768xf32, #tpu.memory_space<vmem>>, vector<1x768xf32>
    %squeeze3A_2114 = vector.shape_cast %get3A_2113 : vector<1x768xf32> to vector<768xf32>
    %swap3A_2115 = arith.constant 124 : index
    %swap3A_2116 = arith.constant 0 : index
    %swap3A_2117 = vector.load %arg8[%swap3A_2115, %swap3A_2116] : memref<128x768xf32, #tpu.memory_space<vmem>>, vector<1x768xf32>
    %swap3A_2118 = vector.shape_cast %swap3A_2117 : vector<1x768xf32> to vector<768xf32>
    %swap3A_2119 = vector.shape_cast %squeeze3A_2114 : vector<768xf32> to vector<1x768xf32>
    tpu.vector_store %arg8[%swap3A_2115, %swap3A_2116], %swap3A_2119 {strides = array<i32>} : memref<128x768xf32, #tpu.memory_space<vmem>>, vector<1x768xf32>,
    %get3A_2120 = arith.constant 0 : index
    %get3A_2121 = arith.constant 0 : index
    %get3A_2122 = arith.constant 125 : index
    %get3A_2123 = memref.load %arg2[%get3A_2120, %get3A_2121, %get3A_2122] : memref<1x1x128xi32, #tpu.memory_space<smem>>
    %max3A_2124 = arith.constant 0 : i32
    %max3A_2125 = arith.maxsi %get3A_2123, %max3A_2124 : i32
    %min3A_2126 = arith.constant 2047 : i32
    %min3A_2127 = arith.minsi %max3A_2125, %min3A_2126 : i32
    %get3A_2128 = arith.index_cast %min3A_2127 : i32 to index
    %get3A_2129 = arith.constant 0 : index
    %get3A_2130 = vector.load %arg3[%get3A_2128, %get3A_2129] : memref<2048x768xf32, #tpu.memory_space<vmem>>, vector<1x768xf32>
    %squeeze3A_2131 = vector.shape_cast %get3A_2130 : vector<1x768xf32> to vector<768xf32>
    %swap3A_2132 = arith.constant 125 : index
    %swap3A_2133 = arith.constant 0 : index
    %swap3A_2134 = vector.load %arg8[%swap3A_2132, %swap3A_2133] : memref<128x768xf32, #tpu.memory_space<vmem>>, vector<1x768xf32>
    %swap3A_2135 = vector.shape_cast %swap3A_2134 : vector<1x768xf32> to vector<768xf32>
    %swap3A_2136 = vector.shape_cast %squeeze3A_2131 : vector<768xf32> to vector<1x768xf32>
    tpu.vector_store %arg8[%swap3A_2132, %swap3A_2133], %swap3A_2136 {strides = array<i32>} : memref<128x768xf32, #tpu.memory_space<vmem>>, vector<1x768xf32>,
    %get3A_2137 = arith.constant 0 : index
    %get3A_2138 = arith.constant 0 : index
    %get3A_2139 = arith.constant 126 : index
    %get3A_2140 = memref.load %arg2[%get3A_2137, %get3A_2138, %get3A_2139] : memref<1x1x128xi32, #tpu.memory_space<smem>>
    %max3A_2141 = arith.constant 0 : i32
    %max3A_2142 = arith.maxsi %get3A_2140, %max3A_2141 : i32
    %min3A_2143 = arith.constant 2047 : i32
    %min3A_2144 = arith.minsi %max3A_2142, %min3A_2143 : i32
    %get3A_2145 = arith.index_cast %min3A_2144 : i32 to index
    %get3A_2146 = arith.constant 0 : index
    %get3A_2147 = vector.load %arg3[%get3A_2145, %get3A_2146] : memref<2048x768xf32, #tpu.memory_space<vmem>>, vector<1x768xf32>
    %squeeze3A_2148 = vector.shape_cast %get3A_2147 : vector<1x768xf32> to vector<768xf32>
    %swap3A_2149 = arith.constant 126 : index
    %swap3A_2150 = arith.constant 0 : index
    %swap3A_2151 = vector.load %arg8[%swap3A_2149, %swap3A_2150] : memref<128x768xf32, #tpu.memory_space<vmem>>, vector<1x768xf32>
    %swap3A_2152 = vector.shape_cast %swap3A_2151 : vector<1x768xf32> to vector<768xf32>
    %swap3A_2153 = vector.shape_cast %squeeze3A_2148 : vector<768xf32> to vector<1x768xf32>
    tpu.vector_store %arg8[%swap3A_2149, %swap3A_2150], %swap3A_2153 {strides = array<i32>} : memref<128x768xf32, #tpu.memory_space<vmem>>, vector<1x768xf32>,
    %get3A_2154 = arith.constant 0 : index
    %get3A_2155 = arith.constant 0 : index
    %get3A_2156 = arith.constant 127 : index
    %get3A_2157 = memref.load %arg2[%get3A_2154, %get3A_2155, %get3A_2156] : memref<1x1x128xi32, #tpu.memory_space<smem>>
    %max3A_2158 = arith.constant 0 : i32
    %max3A_2159 = arith.maxsi %get3A_2157, %max3A_2158 : i32
    %min3A_2160 = arith.constant 2047 : i32
    %min3A_2161 = arith.minsi %max3A_2159, %min3A_2160 : i32
    %get3A_2162 = arith.index_cast %min3A_2161 : i32 to index
    %get3A_2163 = arith.constant 0 : index
    %get3A_2164 = vector.load %arg3[%get3A_2162, %get3A_2163] : memref<2048x768xf32, #tpu.memory_space<vmem>>, vector<1x768xf32>
    %squeeze3A_2165 = vector.shape_cast %get3A_2164 : vector<1x768xf32> to vector<768xf32>
    %swap3A_2166 = arith.constant 127 : index
    %swap3A_2167 = arith.constant 0 : index
    %swap3A_2168 = vector.load %arg8[%swap3A_2166, %swap3A_2167] : memref<128x768xf32, #tpu.memory_space<vmem>>, vector<1x768xf32>
    %swap3A_2169 = vector.shape_cast %swap3A_2168 : vector<1x768xf32> to vector<768xf32>
    %swap3A_2170 = vector.shape_cast %squeeze3A_2165 : vector<768xf32> to vector<1x768xf32>
    tpu.vector_store %arg8[%swap3A_2166, %swap3A_2167], %swap3A_2170 {strides = array<i32>} : memref<128x768xf32, #tpu.memory_space<vmem>>, vector<1x768xf32>,
    %get3A_2171 = arith.constant 0 : index
    %get3A_2172 = arith.constant 0 : index
    %get3A_2173 = vector.load %arg8[%get3A_2171, %get3A_2172] : memref<128x768xf32, #tpu.memory_space<vmem>>, vector<128x768xf32>
    %get3A_2174 = arith.constant 0 : index
    %get3A_2175 = arith.constant 0 : index
    %get3A_2176 = arith.constant 0 : index
    %get3A_2177 = vector.load %arg4[%get3A_2174, %get3A_2175, %get3A_2176] : memref<1x768x1024xf32, #tpu.memory_space<vmem>>, vector<1x768x1024xf32>
    %get3A_2178 = vector.shape_cast %get3A_2177 : vector<1x768x1024xf32> to vector<768x1024xf32>
    %dot_general3A = arith.constant dense<0.000000e+00> : vector<128x1024xf32>
    %dot_general3A_2179 = tpu.matmul %get3A_2173, %get3A_2178, %dot_general3A {dimension_numbers = #tpu.dot_dimension_numbers<[1], [0], [0], [1], [0, 0, 1, 1], [], []>, transpose_lhs_hint = false} : vector<128x768xf32>, vector<768x1024xf32>, vector<128x1024xf32> -> vector<128x1024xf32>
    %get3A_2180 = arith.constant 0 : index
    %get3A_2181 = arith.constant 0 : index
    %get3A_2182 = arith.constant 0 : index
    %get3A_2183 = vector.load %arg5[%get3A_2180, %get3A_2181, %get3A_2182] : memref<1x768x1024xf32, #tpu.memory_space<vmem>>, vector<1x768x1024xf32>
    %get3A_2184 = vector.shape_cast %get3A_2183 : vector<1x768x1024xf32> to vector<768x1024xf32>
    %dot_general3A_2185 = arith.constant dense<0.000000e+00> : vector<128x1024xf32>
    %dot_general3A_2186 = tpu.matmul %get3A_2173, %get3A_2184, %dot_general3A_2185 {dimension_numbers = #tpu.dot_dimension_numbers<[1], [0], [0], [1], [0, 0, 1, 1], [], []>, transpose_lhs_hint = false} : vector<128x768xf32>, vector<768x1024xf32>, vector<128x1024xf32> -> vector<128x1024xf32>
    %neg3A = arith.constant 0.000000e+00 : f32
    %neg3A_2187 = vector.broadcast %neg3A : f32 to vector<128x1024xf32>
    %neg3A_2188 = arith.subf %neg3A_2187, %dot_general3A_2179 : vector<128x1024xf32>
    %exp3A = math.exp %neg3A_2188 : vector<128x1024xf32>
    %add3A = arith.constant 1.000000e+00 : f32
    %add3A_2189 = vector.broadcast %add3A : f32 to vector<128x1024xf32>
    %add3A_2190 = arith.addf %add3A_2189, %exp3A : vector<128x1024xf32>
    %div3A = arith.divf %dot_general3A_2179, %add3A_2190 : vector<128x1024xf32>
    %mul3A = arith.mulf %div3A, %dot_general3A_2186 : vector<128x1024xf32>
    %get3A_2191 = arith.constant 0 : index
    %get3A_2192 = arith.constant 0 : index
    %get3A_2193 = arith.constant 0 : index
    %get3A_2194 = vector.load %arg6[%get3A_2191, %get3A_2192, %get3A_2193] : memref<1x1024x768xf32, #tpu.memory_space<vmem>>, vector<1x1024x768xf32>
    %get3A_2195 = vector.shape_cast %get3A_2194 : vector<1x1024x768xf32> to vector<1024x768xf32>
    %dot_general3A_2196 = arith.constant dense<0.000000e+00> : vector<128x768xf32>
    %dot_general3A_2197 = tpu.matmul %mul3A, %get3A_2195, %dot_general3A_2196 {dimension_numbers = #tpu.dot_dimension_numbers<[1], [0], [0], [1], [0, 0, 1, 1], [], []>, transpose_lhs_hint = false} : vector<128x1024xf32>, vector<1024x768xf32>, vector<128x768xf32> -> vector<128x768xf32>
    %swap3A_2198 = arith.constant 0 : index
    %swap3A_2199 = arith.constant 0 : index
    %swap3A_2200 = vector.load %arg7[%swap3A_2198, %swap3A_2199] : memref<128x768xf32, #tpu.memory_space<vmem>>, vector<128x768xf32>
    tpu.vector_store %arg7[%swap3A_2198, %swap3A_2199], %dot_general3A_2197 {strides = array<i32>} : memref<128x768xf32, #tpu.memory_space<vmem>>, vector<128x768xf32>,
    return
  }
  func.func @transform_0(%arg0: i32, %arg1: memref<128xi32, #tpu.memory_space<smem>>) -> (i32, i32, i32) {
    %c0_i32 = arith.constant 0 : i32
    %c0_i32_0 = arith.constant 0 : i32
    %c0_i32_1 = arith.constant 0 : i32
    return %arg0, %c0_i32, %c0_i32_0 : i32, i32, i32
  }
  func.func @transform_1(%arg0: i32, %arg1: memref<128xi32, #tpu.memory_space<smem>>) -> (i32, i32) {
    %c0_i32 = arith.constant 0 : i32
    %c0_i32_0 = arith.constant 0 : i32
    %c0_i32_1 = arith.constant 0 : i32
    return %c0_i32, %c0_i32_0 : i32, i32
  }
  func.func @transform_2(%arg0: i32, %arg1: memref<128xi32, #tpu.memory_space<smem>>) -> (i32, i32, i32) {
    %get3A = arith.index_cast %arg0 : i32 to index
    %get3A_0 = memref.load %arg1[%get3A] : memref<128xi32, #tpu.memory_space<smem>>
    %c0_i32 = arith.constant 0 : i32
    %c0_i32_1 = arith.constant 0 : i32
    %c0_i32_2 = arith.constant 0 : i32
    return %get3A_0, %c0_i32, %c0_i32_1 : i32, i32, i32
  }
  func.func @transform_3(%arg0: i32, %arg1: memref<128xi32, #tpu.memory_space<smem>>) -> (i32, i32, i32) {
    %get3A = arith.index_cast %arg0 : i32 to index
    %get3A_0 = memref.load %arg1[%get3A] : memref<128xi32, #tpu.memory_space<smem>>
    %c0_i32 = arith.constant 0 : i32
    %c0_i32_1 = arith.constant 0 : i32
    %c0_i32_2 = arith.constant 0 : i32
    return %get3A_0, %c0_i32, %c0_i32_1 : i32, i32, i32
  }
  func.func @transform_4(%arg0: i32, %arg1: memref<128xi32, #tpu.memory_space<smem>>) -> (i32, i32, i32) {
    %get3A = arith.index_cast %arg0 : i32 to index
    %get3A_0 = memref.load %arg1[%get3A] : memref<128xi32, #tpu.memory_space<smem>>
    %c0_i32 = arith.constant 0 : i32
    %c0_i32_1 = arith.constant 0 : i32
    %c0_i32_2 = arith.constant 0 : i32
    return %get3A_0, %c0_i32, %c0_i32_1 : i32, i32, i32
  }
  func.func @transform_5(%arg0: i32, %arg1: memref<128xi32, #tpu.memory_space<smem>>) -> (i32, i32) {
    %c0_i32 = arith.constant 0 : i32
    %c0_i32_0 = arith.constant 0 : i32
    return %arg0, %c0_i32 : i32, i32
  }
}

</mosaic_0001>

<sc_bundles>
// kernel: kernel.6.cloned.1.call-start
scs
__scs_entry_jumppad:
0x0: {  	(pc) =	sbr.rel $0x88, $3  }
0x1: {  	(tag) =	ssettag $0x0;
	lr =	simm.s32 $0x1  }
0x2: {  	[smem:$0x3F9C] =	sst lr;
	_ =	strace $0xD0000000  }
0x3: {  	_ = 	snop  }
0x4: {  	_ = 	snop  }
0x5: {  	_ = 	snop  }
0x6: {  	_ = 	snop  }
0x7: {  	_ = 	snop  }
__scs_overlays_trampoline_lowered:
0x8: {  	[smem:$0x3FAB] =	sst s0  }
0x9: {  	[smem:$0x3FAC] =	sst s1  }
0xa: {  	[smem:$0x3FAD] =	sst s2  }
0xb: {  	[smem:$0x3FAE] =	sst s3  }
0xc: {  	[smem:$0x3FAF] =	sst s4  }
0xd: {  	[smem:$0x3FB0] =	sst s5  }
0xe: {  	[smem:$0x3FB1] =	sst s6  }
0xf: {  	[smem:$0x3FB2] =	sst s7  }
0x10: {  	[smem:$0x3FB3] =	sst s8  }
0x11: {  	[smem:$0x3FB4] =	sst s9;
	s0 =	simm.s32 @!p0 $0x0  }
0x12: {  	s1 =	sld [smem:$0x3F9A];
	s0 =	simm.s32 @p0 $0x1  }
0x13: {  	[smem:$0x3FB5] =	sst s0;
	s0 =	simm.s32 @!p1 $0x0  }
0x14: {  	s2 =	sld [smem:$0x3F99];
	s0 =	simm.s32 @p1 $0x1  }
0x15: {  	[smem:$0x3FB6] =	sst s0;
	s0 =	simm.s32 @!p2 $0x0  }
0x16: {  	s3 =	sld [smem:$0x3FDB];
	s0 =	simm.s32 @p2 $0x1  }
0x17: {  	s4 =	simm.s32 $0x1BF5;
	[smem:$0x3FB8] =	sst s0  }
0x18: {  	s0 =	sld [smem:$0x3F9B];
	_ =	swait.ge [sflag:s4], $0x0  }
0x19: {  	s7 =	sld [smem:$0x3F9C]  }
0x1a: {  	s8 =	sadd.s32 $0xFFFFE003, lr  }
0x1b: {  	s9 =	sadd.s32 $0xFFFFFEF7, lr;
	s5 =	simm.s32 $0xFFFFFFFF;
	p2 =	slt.u32 s8, $0xFFFFF086  }
0x1c: {  	p1 =	slt.u32 s9, $0xF7A;
	s5 =	simm.s32 @!p2 $0x0  }
0x1d: {  	s5 =	simm.s32 @p1 $0x1;
	p0 =	seq.s32 s7, s2  }
0x1e: {  	s7 =	smul.u32 @!p0 $0xF7A, s2;
	p2 =	seq.s32 @!p0 s5, $0x0  }
0x1f: {  	s9 =	smul.u32 $0xF7A, s1;
	s8 =	simm.s32 @!p0 $0x1BF5;
	p2 =	por !p2, p0  }
0x20: {  	[sflag:s8] =	ssyncset.s32 @!p0 $0xFFFFF086;
	s6 =	sadd.s32 @!p0 s3, s7;
	s7 =	simm.s32 @!p0 $0x108  }
0x21: {  	s3 =	sadd.s32 s3, s9;
	s6 =	sadd.s32 @!p0 $0x88, s6;
	s7 =	simm.s32 @p2 $0x1082  }
0x22: {  	[simem:s7], [sflag:s8] =	dma.local @!p0 [hbm:s6], $0xF7A  }
0x23: {  	s9 =	sor.u32 $0xD0000000, s2;
	s6 =	simm.s32 $0x108;
	_ =	swait.ge @!p0 [sflag:s8], $0x0  }
0x24: {  	s3 =	sadd.s32 $0x88, s3;
	s6 =	simm.s32 @!p1 $0x1082;
	[sflag:s4] =	ssyncset.s32 $0xFFFFF086  }
0x25: {  	[simem:s6], [sflag:s4] =	dma.local [hbm:s3], $0xF7A  }
0x26: {  	[smem:$0x3F9C] =	sst s1;
	(tag) =	ssettag s2;
	_ =	strace s9  }
0x27: {  	s1 =	sld [smem:$0x3FAC]  }
0x28: {  	s2 =	sld [smem:$0x3FAD]  }
0x29: {  	s4 =	sld [smem:$0x3FAF]  }
0x2a: {  	p0 =	seq.s32 s5, $0x0;
	s5 =	sld [smem:$0x3FB0]  }
0x2b: {  	s6 =	sld [smem:$0x3FB1]  }
0x2c: {  	s7 =	sld [smem:$0x3FB2]  }
0x2d: {  	s3 =	simm.s32 $0x108;
	s8 =	sld [smem:$0x3FB3]  }
0x2e: {  	s3 =	simm.s32 @!p0 $0x1082;
	s9 =	sld [smem:$0x3FB4]  }
0x2f: {  	lr =	sadd.s32 s0, s3;
	s0 =	sld [smem:$0x3FAB]  }
0x30: {  	s3 =	sld [smem:$0x3FAE]  }
0x31: {  	[smem:$0x3FB7] =	sst s10  }
0x32: {  	s10 =	sld [smem:$0x3FB5];
	_ =	sdelay $0x3  }
0x33: {  	p0 =	seq.s32 s10, $0x1;
	s10 =	sld [smem:$0x3FB7];
	_ =	sdelay $0x3  }
0x34: {  	[smem:$0x3FB7] =	sst s10  }
0x35: {  	s10 =	sld [smem:$0x3FB6];
	_ =	sdelay $0x3  }
0x36: {  	p1 =	seq.s32 s10, $0x1;
	s10 =	sld [smem:$0x3FB7];
	_ =	sdelay $0x3  }
0x37: {  	[smem:$0x3FB7] =	sst s10  }
0x38: {  	s10 =	sld [smem:$0x3FB8]  }
0x39: {  	_ = 	snop;
	(pc) =	sbr.ind lr, $3  }
0x3a: {  	_ = 	snop  }
0x3b: {  	_ = 	snop  }
0x3c: {  	p2 =	seq.s32 s10, $0x1;
	s10 =	sld [smem:$0x3FB7]  }
0x3d: {  	_ =	shalt  }
0x3e: {  	_ =	shalt  }
0x3f: {  	_ =	shalt  }
0x40: {  	_ =	shalt  }
0x41: {  	_ =	shalt  }
0x42: {  	_ =	shalt  }
0x43: {  	_ =	shalt  }
0x44: {  	_ =	shalt  }
0x45: {  	_ =	shalt  }
0x46: {  	_ =	shalt  }
0x47: {  	_ =	shalt  }
0x48: {  	_ =	shalt  }
0x49: {  	_ =	shalt  }
0x4a: {  	_ =	shalt  }
0x4b: {  	_ =	shalt  }
0x4c: {  	_ =	shalt  }
0x4d: {  	_ =	shalt  }
0x4e: {  	_ =	shalt  }
0x4f: {  	_ =	shalt  }
0x50: {  	_ =	shalt  }
0x51: {  	_ =	shalt  }
0x52: {  	_ =	shalt  }
0x53: {  	_ =	shalt  }
0x54: {  	_ =	shalt  }
0x55: {  	_ =	shalt  }
0x56: {  	_ =	shalt  }
0x57: {  	_ =	shalt  }
0x58: {  	_ =	shalt  }
0x59: {  	_ =	shalt  }
0x5a: {  	_ =	shalt  }
0x5b: {  	_ =	shalt  }
0x5c: {  	_ =	shalt  }
0x5d: {  	_ =	shalt  }
0x5e: {  	_ =	shalt  }
0x5f: {  	_ =	shalt  }
0x60: {  	_ =	shalt  }
0x61: {  	_ =	shalt  }
0x62: {  	_ =	shalt  }
0x63: {  	_ =	shalt  }
0x64: {  	_ =	shalt  }
0x65: {  	_ =	shalt  }
0x66: {  	_ =	shalt  }
0x67: {  	_ =	shalt  }
0x68: {  	_ =	shalt  }
0x69: {  	_ =	shalt  }
0x6a: {  	_ =	shalt  }
0x6b: {  	_ =	shalt  }
0x6c: {  	_ =	shalt  }
0x6d: {  	_ =	shalt  }
0x6e: {  	_ =	shalt  }
0x6f: {  	_ =	shalt  }
0x70: {  	_ =	shalt  }
0x71: {  	_ =	shalt  }
0x72: {  	_ =	shalt  }
0x73: {  	_ =	shalt  }
0x74: {  	_ =	shalt  }
0x75: {  	_ =	shalt  }
0x76: {  	_ =	shalt  }
0x77: {  	_ =	shalt  }
0x78: {  	_ =	shalt  }
0x79: {  	_ =	shalt  }
0x7a: {  	_ =	shalt  }
0x7b: {  	_ =	shalt  }
0x7c: {  	_ =	shalt  }
0x7d: {  	_ =	shalt  }
0x7e: {  	_ =	shalt  }
0x7f: {  	_ =	shalt  }
0x80: {  	_ =	shalt  }
0x81: {  	_ =	shalt  }
0x82: {  	_ =	shalt  }
0x83: {  	_ =	shalt  }
0x84: {  	_ =	shalt  }
0x85: {  	_ =	shalt  }
0x86: {  	_ =	shalt  }
0x87: {  	_ =	shalt  }
.Lfunc_end0:
.L_simem_size_0:
called_computation_lowered:
.L_overlay_start_0:
0x88: {  	s2 =	sld [smem:$0x3FD9]  }
0x89: {  	s3 =	sld [smem:$0x3FFE];
	_ =	sdelay $0x1  }
0x8a: {  	s1 =	srdreg.scid  }
0x8b: {  	s0 =	sand.u32 $0x1, s1  }
0x8c: {  	s14 =	sshll.u32 s0, $0xA;
	s2 =	sadd.s32 s3, s2  }
0x8d: {  	s2 =	sadd.s32 s2, s14  }
0x8e: {  	[smem:$0x3FC3] =	sst s2  }
0x8f: {  	_ = 	snop  }
0x90: {  	s2 =	sld [smem:$0x3FD0];
	_ =	sdelay $0x2  }
0x91: {  	s15 =	simm.s32 $0xA;
	s4 =	simm.s32 $0x10  }
0x92: {  	[smem:s4], [sflag:s15] =	dma.local [hbm:s2], $0x1  }
0x93: {  	_ =	swait.eq [sflag:s15], $0x1  }
0x94: {  	[sflag:s15] =	ssyncset.done $0x0  }
0x95: {  	[sflag:s15] =	ssyncadd.s32 $0xFFFFFFFF  }
0x96: {  	s16 =	sld [smem:$0x10];
	(tm) =	ssettm $0x1  }
0x97: {  	s17 =	sld [smem:$0x3FFB];
	_ =	sdelay $0x3  }
0x98: {  	_ =	strace s17  }
0x99: {  	s3 =	sld [smem:$0x3FFC];
	_ =	sdelay $0x3  }
0x9a: {  	_ =	strace s3  }
0x9b: {  	s3 =	sld [smem:$0x3FFD];
	_ =	sdelay $0x3  }
0x9c: {  	_ =	strace s3  }
0x9d: {  	_ =	strace $0x8FFFFFFF  }
0x9e: {  	s18 =	sld [smem:$0x3FDB];
	_ =	sdelay $0x1  }
0x9f: {  	s19 =	simm.s32 $_scs_section_size  }
0xa0: {  	s5 =	simm.s32 $_size__tile_overlayer_lowered;
	s6 =	simm.s32 $_tile_overlayer_lowered  }
0xa1: {  	s22 =	simm.s32 $0x1BFF;
	s21 =	sshll.u32 s6, $0x1;
	s3 =	sadd.s32 s19, s18  }
0xa2: {  	s7 =	simm.s32 $0x0;
	s20 =	sshll.u32 s5, $0x1;
	s5 =	sadd.s32 s21, s3  }
0xa3: {  	[timem:s7], [sflag:s22] =	dma.local [hbm:s5], s20  }
0xa4: {  	_ =	swait.ge [sflag:s22], s20  }
0xa5: {  	s4 =	ssub.s32 $0x0, s20;
	[sflag:s22] =	ssyncset.done $0x0  }
0xa6: {  	[sflag:s22] =	ssyncadd.s32 s4;
	_ =	sdelay $0x1  }
0xa7: {  	s23 =	simm.s32 $0x1B8B  }
0xa8: {  	_ =	swait.ge [sflag:s23], $0x1  }
0xa9: {  	[sflag:s23] =	ssyncset.done $0x0  }
0xaa: {  	s25 =	simm.s32 $0x1B8E;
	s24 =	sld [smem:$0x3FFE];
	[sflag:s23] =	ssyncadd.s32 $0xFFFFFFFF  }
0xab: {  	s26 =	simm.s32 $execute0_lowered;
	[smem:$0x3FD2] =	sst s25  }
0xac: {  	s5 =	sshll.u32 s26, $0x1;
	_ =	strace $0x80000046;
	[dreg:$0x1] =	wrdreg $0xFFFFFFFF  }
0xad: {  	s28 =	simm.s32 $_size_execute0_lowered;
	s3 =	sadd.s32 s3, s5;
	[dreg:$0x0] =	wrdreg $0x0  }
0xae: {  	s5 =	sshll.u32 s28, $0x1;
	[dreg:$0x2] =	wrdreg s3  }
0xaf: {  	[dreg:$0x3] =	wrdreg s5  }
0xb0: {  	[dreg:$0x4] =	wrdreg $0xC0  }
0xb1: {  	_ =	task [dreg:s7], $0x5FFFF  }
0xb2: {  	[dreg:$0x1] =	wrdreg $0xFFFFFFFF  }
0xb3: {  	[dreg:$0x0] =	wrdreg $0x60  }
0xb4: {  	[dreg:$0x2] =	wrdreg s24  }
0xb5: {  	[dreg:$0x3] =	wrdreg s16  }
0xb6: {  	[dreg:$0x4] =	wrdreg $0x9  }
0xb7: {  	_ =	task.clear_ibuf [dreg:s7], $0x5FFFF;
	_ =	strace $0x90000046  }
0xb8: {  	s29 =	simm.s32 $0x9;
	_ =	strace $0x80000048  }
0xb9: {  	_ =	swait.ge [sflag:s29], $0x1  }
0xba: {  	[sflag:s29] =	ssyncadd.s32 $0xFFFFFFFF  }
0xbb: {  	_ =	strace $0x90000048  }
0xbc: {  	_ =	sfence  }
0xbd: {  	s30 =	sld [smem:$0x0];
	_ =	sdelay $0x2  }
0xbe: {  	s31 =	sshll.u32 s1, $0xD;
	s1 =	sshrl.u32 s1, $0x2  }
0xbf: {  	s3 =	sand.u32 $0x4000, s31;
	s1 =	sadd.s32 s1, s30  }
0xc0: {  	s0 =	sor.u32 s3, s0;
	s1 =	sshll.u32 s1, $0x11  }
0xc1: {  	s0 =	sor.u32 s1, s0  }
0xc2: {  	s0 =	sadd.s32 $0x8F2B, s0  }
0xc3: {  	[sflag:s0] =	ssyncadd.remote.s32 $0x1  }
0xc4: {  	_ =	sfence.sel $0xFFFF  }
0xc5: {  	[dreg:$0x0] =	wrdreg $0xFFFFFFFF;
	(pc) =	sbr.abs _section_cstart, $3  }
0xc6: {  	[dreg:$0x1] =	wrdreg $0xFFFFFFFF  }
0xc7: {  	_ =	task.clear_ibuf [dreg:s7], $0x2FFFF;
	_ =	strace $0x9FFFFFFF  }
0xc8: {  	(tm) =	ssettm $0x7FFFFFFF  }
0xc9: {  	_ =	shalt  }
tec
execute0_lowered:
.L_overlay_start_1:
0x0: {  	(tag) =	ssettag $0x1  }
0x1: {  	s1 =	srdreg.scid  }
0x2: {  	s0 =	stileid.u32;
	s11 =	sand.u32 $0x1, s1  }
0x3: {  	s6 =	rddreg [dreg:$0x0];
	s5 =	sshll.u32 s0, $0x6;
	s4 =	sshll.u32 s11, $0xA  }
0x4: {  	s2 =	rddreg [dreg:$0x1];
	s3 =	simm.s32 $0x0;
	s4 =	sor.u32 s5, s4  }
0x5: {  	[smem:$0x7FF] =	sst s3;
	s5 =	sshrl.u32 s4, $0x3  }
0x6: {  	s1 =	rddreg [dreg:$0x2];
	_ =	strace $0x80000047;
	s7 =	sadd.s32 s5, s6  }
0x7: {  	s8 =	sshll.u32 s4, $0x4;
	s5 =	simm.s32 $0x2000;
	s4 =	sadd.s32 $0x20800, s7  }
0x8: {  	[tilespmem:s5], [sflag:$0x1] =	stream.linear.gather [hbm4b:s4+s3], $0x40, $0x38;
	[tilespmem:$0x2100] =	vst v63  }
0x9: {  	s8 =	sadd.s32 s8, s6;
	s6 =	sadd.s32 $0x20A00, s7;
	s7 =	simm.s32 $0x2080  }
0xa: {  	[tilespmem:s7], [sflag:$0x1] =	stream.linear.gather [hbm4b:s6+s3], $0x40, $0x38;
	[tilespmem:$0x2100] =	vst v63  }
0xb: {  	s9 =	sadd.s32 $0x8800, s8;
	s8 =	simm.s32 $0x1  }
0xc: {  	[tilespmem:s3], [sflag:$0x1] =	stream.linear.gather [hbm4b:s9+s3], $0x2000, $0x38;
	[tilespmem:$0x2100] =	vst v63  }
0xd: {  	_ =	swait.ge [sflag:s8], $0x40  }
0xe: {  	[sflag:s8] =	ssyncset.done $0x0  }
0xf: {  	[sflag:s8] =	ssyncadd.s32 $0xFFFFFFC0  }
0x10: {  	_ =	swait.ge [sflag:s8], $0x40  }
0x11: {  	[sflag:s8] =	ssyncset.done $0x0  }
0x12: {  	s11 =	ssub.s32 $0x2, s11;
	[sflag:s8] =	ssyncadd.s32 $0xFFFFFFC0  }
0x13: {  	s12 =	sshrl.u32 s11, $0x1;
	_ =	swait.ge [sflag:s8], $0x2000  }
0x14: {  	s11 =	ssub.s32 s11, s12;
	[sflag:s8] =	ssyncset.done $0x0  }
0x15: {  	s10 =	simm.s32 $0x40;
	s11 =	smax.u32 s11, $0x1;
	[sflag:s8] =	ssyncadd.s32 $0xFFFFE000  }
0x16: {  	[hbm4b:s2+s10] =	stream.indirect.scatter [tilespmem:s3], [sflag:$0x1], $0x80, s5, s10, $0xb8;
	[tilespmem:$0x2100] =	vst v63  }
0x17: {  	p0 =	sne.s32 s11, $0x1  }
0x18: {  	[hbm4b:s2+s10] =	stream.indirect.scatter [tilespmem:s3], [sflag:$0x1], $0x80, s7, s10, $0xb8;
	[tilespmem:$0x2100] =	vst v63  }
.Ltmp0:
0x19: {  	_ =	swait.ge [sflag:s8], $0x2000;
	(pc) =	sbr.rel @!p0 .LBB2_2-.Ltmp0, $4  }
0x1a: {  	[sflag:s8] =	ssyncset.done $0x0  }
0x1b: {  	[sflag:s8] =	ssyncadd.s32 $0xFFFFE000  }
0x1c: {  	_ =	swait.ge [sflag:s8], $0x2000  }
0x1d: {  	s11 =	sadd.s32 $0xFFFFFFFF, s11;
	[sflag:s8] =	ssyncset.done $0x0  }
.LBB2_1:
0x1e: {  	p0 =	sne.s32 s11, $0x1;
	s11 =	sadd.s32 $0xFFFFFFFF, s11;
	[sflag:s8] =	ssyncadd.s32 $0xFFFFE000  }
0x1f: {  	[tilespmem:s5], [sflag:$0x1] =	stream.linear.gather [hbm4b:s4+s3], $0x40, $0x38;
	[tilespmem:$0x2100] =	vst v63  }
0x20: {  	_ = 	snop  }
0x21: {  	[tilespmem:s7], [sflag:$0x1] =	stream.linear.gather [hbm4b:s6+s3], $0x40, $0x38;
	[tilespmem:$0x2100] =	vst v63  }
0x22: {  	_ = 	snop  }
0x23: {  	[tilespmem:s3], [sflag:$0x1] =	stream.linear.gather [hbm4b:s9+s3], $0x2000, $0x38;
	[tilespmem:$0x2100] =	vst v63  }
0x24: {  	_ =	swait.ge [sflag:s8], $0x40  }
0x25: {  	[sflag:s8] =	ssyncset.done $0x0  }
0x26: {  	[sflag:s8] =	ssyncadd.s32 $0xFFFFFFC0  }
0x27: {  	_ =	swait.ge [sflag:s8], $0x40  }
0x28: {  	[sflag:s8] =	ssyncset.done $0x0  }
0x29: {  	[sflag:s8] =	ssyncadd.s32 $0xFFFFFFC0  }
0x2a: {  	_ =	swait.ge [sflag:s8], $0x2000  }
0x2b: {  	[sflag:s8] =	ssyncset.done $0x0  }
0x2c: {  	[sflag:s8] =	ssyncadd.s32 $0xFFFFE000  }
0x2d: {  	[hbm4b:s2+s10] =	stream.indirect.scatter [tilespmem:s3], [sflag:$0x1], $0x80, s5, s10, $0xb8;
	[tilespmem:$0x2100] =	vst v63  }
0x2e: {  	_ = 	snop  }
0x2f: {  	[hbm4b:s2+s10] =	stream.indirect.scatter [tilespmem:s3], [sflag:$0x1], $0x80, s7, s10, $0xb8;
	[tilespmem:$0x2100] =	vst v63  }
.Ltmp1:
0x30: {  	_ =	swait.ge [sflag:s8], $0x2000;
	(pc) =	sbr.rel @p0 .LBB2_1-.Ltmp1, $4  }
0x31: {  	[sflag:s8] =	ssyncset.done $0x0  }
0x32: {  	[sflag:s8] =	ssyncadd.s32 $0xFFFFE000  }
0x33: {  	_ =	swait.ge [sflag:s8], $0x2000  }
0x34: {  	[sflag:s8] =	ssyncset.done $0x0  }
.LBB2_2:
0x35: {  	[sflag:s8] =	ssyncadd.s32 $0xFFFFE000  }
0x36: {  	_ =	sfence.sel $0x180000  }
0x37: {  	[bflag:$0x0] =	sbarrier.arrive $0xFFFF  }
0x38: {  	p0 =	sne.s32 s0, $0x0;
	_ =	strace $0x90000047  }
0x39: {  	s0 =	sadd.s32 @!p0 $0x100000, s1;
	[bflag:$0x2] =	sbarrier.arrive $0xFFFF  }
0x3a: {  	[sflag:s0] =	ssyncadd.tile.s32 @!p0 $0x1;
	_ =	shalt  }
.Lfunc_end2:
_tile_overlayer_lowered:
.L_overlay_start_2:
0x3b: {  	(tag) =	ssettag $0x2  }
0x3c: {  	s0 =	rddreg [dreg:$0x0];
	s2 =	stileid.u32  }
0x3d: {  	s1 =	rddreg [dreg:$0x1];
	p0 =	sne.s32 s2, $0x0  }
0x3e: {  	s3 =	rddreg [dreg:$0x2];
	[bflag:$0x3] =	sbarrier.arrive $0xFFFF;
	s2 =	simm.s32 @!p0 $0x1C02  }
0x3f: {  	[timem:s3], [sflag:s2] =	dma.local @!p0 [hbm:s0], s1  }
0x40: {  	s0 =	simm.s32 @!p0 $0x2  }
0x41: {  	_ =	swait.ge @!p0 [sflag:s0], s1  }
0x42: {  	s1 =	ssub.s32 @!p0 $0x0, s1;
	[sflag:s0] =	ssyncset.done @!p0 $0x0  }
0x43: {  	[sflag:s0] =	ssyncadd.s32 @!p0 s1  }
0x44: {  	[bflag:$0x3] =	sbarrier.arrive $0xFFFF  }
0x45: {  	_ =	shalt  }

// kernel: kernel.9.cloned.1.call-start
scs
__scs_entry_jumppad:
0x0: {  	(pc) =	sbr.rel $0x88, $3  }
0x1: {  	(tag) =	ssettag $0x0;
	lr =	simm.s32 $0x1  }
0x2: {  	[smem:$0x3F9C] =	sst lr;
	_ =	strace $0xD0000000  }
0x3: {  	_ = 	snop  }
0x4: {  	_ = 	snop  }
0x5: {  	_ = 	snop  }
0x6: {  	_ = 	snop  }
0x7: {  	_ = 	snop  }
__scs_overlays_trampoline_lowered:
0x8: {  	[smem:$0x3FAB] =	sst s0  }
0x9: {  	[smem:$0x3FAC] =	sst s1  }
0xa: {  	[smem:$0x3FAD] =	sst s2  }
0xb: {  	[smem:$0x3FAE] =	sst s3  }
0xc: {  	[smem:$0x3FAF] =	sst s4  }
0xd: {  	[smem:$0x3FB0] =	sst s5  }
0xe: {  	[smem:$0x3FB1] =	sst s6  }
0xf: {  	[smem:$0x3FB2] =	sst s7  }
0x10: {  	[smem:$0x3FB3] =	sst s8  }
0x11: {  	[smem:$0x3FB4] =	sst s9;
	s0 =	simm.s32 @!p0 $0x0  }
0x12: {  	s1 =	sld [smem:$0x3F9A];
	s0 =	simm.s32 @p0 $0x1  }
0x13: {  	[smem:$0x3FB5] =	sst s0;
	s0 =	simm.s32 @!p1 $0x0  }
0x14: {  	s2 =	sld [smem:$0x3F99];
	s0 =	simm.s32 @p1 $0x1  }
0x15: {  	[smem:$0x3FB6] =	sst s0;
	s0 =	simm.s32 @!p2 $0x0  }
0x16: {  	s3 =	sld [smem:$0x3FDB];
	s0 =	simm.s32 @p2 $0x1  }
0x17: {  	s4 =	simm.s32 $0x1BF5;
	[smem:$0x3FB8] =	sst s0  }
0x18: {  	s0 =	sld [smem:$0x3F9B];
	_ =	swait.ge [sflag:s4], $0x0  }
0x19: {  	s7 =	sld [smem:$0x3F9C]  }
0x1a: {  	s8 =	sadd.s32 $0xFFFFE003, lr  }
0x1b: {  	s9 =	sadd.s32 $0xFFFFFEF7, lr;
	s5 =	simm.s32 $0xFFFFFFFF;
	p2 =	slt.u32 s8, $0xFFFFF086  }
0x1c: {  	p1 =	slt.u32 s9, $0xF7A;
	s5 =	simm.s32 @!p2 $0x0  }
0x1d: {  	s5 =	simm.s32 @p1 $0x1;
	p0 =	seq.s32 s7, s2  }
0x1e: {  	s7 =	smul.u32 @!p0 $0xF7A, s2;
	p2 =	seq.s32 @!p0 s5, $0x0  }
0x1f: {  	s9 =	smul.u32 $0xF7A, s1;
	s8 =	simm.s32 @!p0 $0x1BF5;
	p2 =	por !p2, p0  }
0x20: {  	[sflag:s8] =	ssyncset.s32 @!p0 $0xFFFFF086;
	s6 =	sadd.s32 @!p0 s3, s7;
	s7 =	simm.s32 @!p0 $0x108  }
0x21: {  	s3 =	sadd.s32 s3, s9;
	s6 =	sadd.s32 @!p0 $0x88, s6;
	s7 =	simm.s32 @p2 $0x1082  }
0x22: {  	[simem:s7], [sflag:s8] =	dma.local @!p0 [hbm:s6], $0xF7A  }
0x23: {  	s9 =	sor.u32 $0xD0000000, s2;
	s6 =	simm.s32 $0x108;
	_ =	swait.ge @!p0 [sflag:s8], $0x0  }
0x24: {  	s3 =	sadd.s32 $0x88, s3;
	s6 =	simm.s32 @!p1 $0x1082;
	[sflag:s4] =	ssyncset.s32 $0xFFFFF086  }
0x25: {  	[simem:s6], [sflag:s4] =	dma.local [hbm:s3], $0xF7A  }
0x26: {  	[smem:$0x3F9C] =	sst s1;
	(tag) =	ssettag s2;
	_ =	strace s9  }
0x27: {  	s1 =	sld [smem:$0x3FAC]  }
0x28: {  	s2 =	sld [smem:$0x3FAD]  }
0x29: {  	s4 =	sld [smem:$0x3FAF]  }
0x2a: {  	p0 =	seq.s32 s5, $0x0;
	s5 =	sld [smem:$0x3FB0]  }
0x2b: {  	s6 =	sld [smem:$0x3FB1]  }
0x2c: {  	s7 =	sld [smem:$0x3FB2]  }
0x2d: {  	s3 =	simm.s32 $0x108;
	s8 =	sld [smem:$0x3FB3]  }
0x2e: {  	s3 =	simm.s32 @!p0 $0x1082;
	s9 =	sld [smem:$0x3FB4]  }
0x2f: {  	lr =	sadd.s32 s0, s3;
	s0 =	sld [smem:$0x3FAB]  }
0x30: {  	s3 =	sld [smem:$0x3FAE]  }
0x31: {  	[smem:$0x3FB7] =	sst s10  }
0x32: {  	s10 =	sld [smem:$0x3FB5];
	_ =	sdelay $0x3  }
0x33: {  	p0 =	seq.s32 s10, $0x1;
	s10 =	sld [smem:$0x3FB7];
	_ =	sdelay $0x3  }
0x34: {  	[smem:$0x3FB7] =	sst s10  }
0x35: {  	s10 =	sld [smem:$0x3FB6];
	_ =	sdelay $0x3  }
0x36: {  	p1 =	seq.s32 s10, $0x1;
	s10 =	sld [smem:$0x3FB7];
	_ =	sdelay $0x3  }
0x37: {  	[smem:$0x3FB7] =	sst s10  }
0x38: {  	s10 =	sld [smem:$0x3FB8]  }
0x39: {  	_ = 	snop;
	(pc) =	sbr.ind lr, $3  }
0x3a: {  	_ = 	snop  }
0x3b: {  	_ = 	snop  }
0x3c: {  	p2 =	seq.s32 s10, $0x1;
	s10 =	sld [smem:$0x3FB7]  }
0x3d: {  	_ =	shalt  }
0x3e: {  	_ =	shalt  }
0x3f: {  	_ =	shalt  }
0x40: {  	_ =	shalt  }
0x41: {  	_ =	shalt  }
0x42: {  	_ =	shalt  }
0x43: {  	_ =	shalt  }
0x44: {  	_ =	shalt  }
0x45: {  	_ =	shalt  }
0x46: {  	_ =	shalt  }
0x47: {  	_ =	shalt  }
0x48: {  	_ =	shalt  }
0x49: {  	_ =	shalt  }
0x4a: {  	_ =	shalt  }
0x4b: {  	_ =	shalt  }
0x4c: {  	_ =	shalt  }
0x4d: {  	_ =	shalt  }
0x4e: {  	_ =	shalt  }
0x4f: {  	_ =	shalt  }
0x50: {  	_ =	shalt  }
0x51: {  	_ =	shalt  }
0x52: {  	_ =	shalt  }
0x53: {  	_ =	shalt  }
0x54: {  	_ =	shalt  }
0x55: {  	_ =	shalt  }
0x56: {  	_ =	shalt  }
0x57: {  	_ =	shalt  }
0x58: {  	_ =	shalt  }
0x59: {  	_ =	shalt  }
0x5a: {  	_ =	shalt  }
0x5b: {  	_ =	shalt  }
0x5c: {  	_ =	shalt  }
0x5d: {  	_ =	shalt  }
0x5e: {  	_ =	shalt  }
0x5f: {  	_ =	shalt  }
0x60: {  	_ =	shalt  }
0x61: {  	_ =	shalt  }
0x62: {  	_ =	shalt  }
0x63: {  	_ =	shalt  }
0x64: {  	_ =	shalt  }
0x65: {  	_ =	shalt  }
0x66: {  	_ =	shalt  }
0x67: {  	_ =	shalt  }
0x68: {  	_ =	shalt  }
0x69: {  	_ =	shalt  }
0x6a: {  	_ =	shalt  }
0x6b: {  	_ =	shalt  }
0x6c: {  	_ =	shalt  }
0x6d: {  	_ =	shalt  }
0x6e: {  	_ =	shalt  }
0x6f: {  	_ =	shalt  }
0x70: {  	_ =	shalt  }
0x71: {  	_ =	shalt  }
0x72: {  	_ =	shalt  }
0x73: {  	_ =	shalt  }
0x74: {  	_ =	shalt  }
0x75: {  	_ =	shalt  }
0x76: {  	_ =	shalt  }
0x77: {  	_ =	shalt  }
0x78: {  	_ =	shalt  }
0x79: {  	_ =	shalt  }
0x7a: {  	_ =	shalt  }
0x7b: {  	_ =	shalt  }
0x7c: {  	_ =	shalt  }
0x7d: {  	_ =	shalt  }
0x7e: {  	_ =	shalt  }
0x7f: {  	_ =	shalt  }
0x80: {  	_ =	shalt  }
0x81: {  	_ =	shalt  }
0x82: {  	_ =	shalt  }
0x83: {  	_ =	shalt  }
0x84: {  	_ =	shalt  }
0x85: {  	_ =	shalt  }
0x86: {  	_ =	shalt  }
0x87: {  	_ =	shalt  }
.Lfunc_end0:
.L_simem_size_0:
called_computation.1_lowered:
.L_overlay_start_0:
0x88: {  	s2 =	sld [smem:$0x3FD9]  }
0x89: {  	s3 =	sld [smem:$0x3FFE];
	_ =	sdelay $0x1  }
0x8a: {  	s1 =	srdreg.scid  }
0x8b: {  	s0 =	sand.u32 $0x1, s1  }
0x8c: {  	s14 =	sshll.u32 s0, $0xA;
	s2 =	sadd.s32 s3, s2  }
0x8d: {  	s2 =	sadd.s32 s2, s14  }
0x8e: {  	[smem:$0x3FC3] =	sst s2  }
0x8f: {  	_ = 	snop  }
0x90: {  	s2 =	sld [smem:$0x3FD0];
	_ =	sdelay $0x2  }
0x91: {  	s15 =	simm.s32 $0xA;
	s4 =	simm.s32 $0x10  }
0x92: {  	[smem:s4], [sflag:s15] =	dma.local [hbm:s2], $0x1  }
0x93: {  	_ =	swait.eq [sflag:s15], $0x1  }
0x94: {  	[sflag:s15] =	ssyncset.done $0x0  }
0x95: {  	[sflag:s15] =	ssyncadd.s32 $0xFFFFFFFF  }
0x96: {  	s16 =	sld [smem:$0x10];
	(tm) =	ssettm $0x1  }
0x97: {  	s17 =	sld [smem:$0x3FFB];
	_ =	sdelay $0x3  }
0x98: {  	_ =	strace s17  }
0x99: {  	s3 =	sld [smem:$0x3FFC];
	_ =	sdelay $0x3  }
0x9a: {  	_ =	strace s3  }
0x9b: {  	s3 =	sld [smem:$0x3FFD];
	_ =	sdelay $0x3  }
0x9c: {  	_ =	strace s3  }
0x9d: {  	_ =	strace $0x8FFFFFFF  }
0x9e: {  	s18 =	sld [smem:$0x3FDB];
	_ =	sdelay $0x1  }
0x9f: {  	s19 =	simm.s32 $_scs_section_size  }
0xa0: {  	s5 =	simm.s32 $_size__tile_overlayer_lowered;
	s6 =	simm.s32 $_tile_overlayer_lowered  }
0xa1: {  	s22 =	simm.s32 $0x1BFF;
	s21 =	sshll.u32 s6, $0x1;
	s3 =	sadd.s32 s19, s18  }
0xa2: {  	s7 =	simm.s32 $0x0;
	s20 =	sshll.u32 s5, $0x1;
	s5 =	sadd.s32 s21, s3  }
0xa3: {  	[timem:s7], [sflag:s22] =	dma.local [hbm:s5], s20  }
0xa4: {  	_ =	swait.ge [sflag:s22], s20  }
0xa5: {  	s4 =	ssub.s32 $0x0, s20;
	[sflag:s22] =	ssyncset.done $0x0  }
0xa6: {  	[sflag:s22] =	ssyncadd.s32 s4;
	_ =	sdelay $0x1  }
0xa7: {  	s23 =	simm.s32 $0x1B8B  }
0xa8: {  	_ =	swait.ge [sflag:s23], $0x1  }
0xa9: {  	[sflag:s23] =	ssyncset.done $0x0  }
0xaa: {  	s25 =	simm.s32 $0x1B8E;
	s24 =	sld [smem:$0x3FFE];
	[sflag:s23] =	ssyncadd.s32 $0xFFFFFFFF  }
0xab: {  	s26 =	simm.s32 $execute0_lowered;
	[smem:$0x3FD2] =	sst s25  }
0xac: {  	s5 =	sshll.u32 s26, $0x1;
	_ =	strace $0x80000049;
	[dreg:$0x1] =	wrdreg $0xFFFFFFFF  }
0xad: {  	s28 =	simm.s32 $_size_execute0_lowered;
	s3 =	sadd.s32 s3, s5;
	[dreg:$0x0] =	wrdreg $0x0  }
0xae: {  	s5 =	sshll.u32 s28, $0x1;
	[dreg:$0x2] =	wrdreg s3  }
0xaf: {  	[dreg:$0x3] =	wrdreg s5  }
0xb0: {  	[dreg:$0x4] =	wrdreg $0xC0  }
0xb1: {  	_ =	task [dreg:s7], $0x5FFFF  }
0xb2: {  	[dreg:$0x1] =	wrdreg $0xFFFFFFFF  }
0xb3: {  	[dreg:$0x0] =	wrdreg $0x60  }
0xb4: {  	[dreg:$0x2] =	wrdreg s24  }
0xb5: {  	[dreg:$0x3] =	wrdreg s16  }
0xb6: {  	[dreg:$0x4] =	wrdreg $0x9  }
0xb7: {  	_ =	task.clear_ibuf [dreg:s7], $0x5FFFF;
	_ =	strace $0x90000049  }
0xb8: {  	s29 =	simm.s32 $0x9;
	_ =	strace $0x8000004B  }
0xb9: {  	_ =	swait.ge [sflag:s29], $0x1  }
0xba: {  	[sflag:s29] =	ssyncadd.s32 $0xFFFFFFFF  }
0xbb: {  	_ =	strace $0x9000004B  }
0xbc: {  	_ =	sfence  }
0xbd: {  	s30 =	sld [smem:$0x0];
	_ =	sdelay $0x2  }
0xbe: {  	s31 =	sshll.u32 s1, $0xD;
	s1 =	sshrl.u32 s1, $0x2  }
0xbf: {  	s3 =	sand.u32 $0x4000, s31;
	s1 =	sadd.s32 s1, s30  }
0xc0: {  	s0 =	sor.u32 s3, s0;
	s1 =	sshll.u32 s1, $0x11  }
0xc1: {  	s0 =	sor.u32 s1, s0  }
0xc2: {  	s0 =	sadd.s32 $0x8F2B, s0  }
0xc3: {  	[sflag:s0] =	ssyncadd.remote.s32 $0x1  }
0xc4: {  	_ =	sfence.sel $0xFFFF  }
0xc5: {  	[dreg:$0x0] =	wrdreg $0xFFFFFFFF;
	(pc) =	sbr.abs _section_cstart, $3  }
0xc6: {  	[dreg:$0x1] =	wrdreg $0xFFFFFFFF  }
0xc7: {  	_ =	task.clear_ibuf [dreg:s7], $0x2FFFF;
	_ =	strace $0x9FFFFFFF  }
0xc8: {  	(tm) =	ssettm $0x7FFFFFFF  }
0xc9: {  	_ =	shalt  }
tec
execute0_lowered:
.L_overlay_start_1:
0x0: {  	(tag) =	ssettag $0x1  }
0x1: {  	s0 =	rddreg [dreg:$0x0]  }
0x2: {  	s1 =	rddreg [dreg:$0x1];
	s3 =	srdreg.scid  }
0x3: {  	s2 =	simm.s32 $0x0;
	s5 =	stileid.u32;
	s15 =	simm.s32 $0x3  }
0x4: {  	s20 =	simm.s32 $0x6000;
	s18 =	simm.s32 $0x14800;
	s19 =	simm.s32 $0x15000  }
0x5: {  	s21 =	simm.s32 $0x15800;
	s22 =	simm.s32 $0x16000;
	s23 =	simm.s32 $0x16800  }
0x6: {  	s24 =	simm.s32 $0x17000;
	s25 =	simm.s32 $0x17800;
	s26 =	simm.s32 $0x1  }
0x7: {  	s28 =	simm.s32 $0x2;
	s29 =	simm.s32 $0x4;
	s30 =	simm.s32 $0x0  }
0x8: {  	s4 =	sand.u32 $0x1, s3;
	[smem:$0x7FF] =	sst s2;
	s5 =	sshll.u32 s5, $0x6  }
0x9: {  	s3 =	sshll.u32 s4, $0xA;
	_ =	strace $0x8000004A;
	s4 =	ssub.s32 $0x2, s4  }
0xa: {  	s5 =	sor.u32 s5, s3;
	s3 =	sadd.s32 $0x20C00, s0;
	s7 =	sshrl.u32 s4, $0x1  }
0xb: {  	s8 =	sshrl.u32 s5, $0x3;
	s5 =	sshll.u32 s5, $0x4;
	s12 =	ssub.s32 s4, s7  }
0xc: {  	s6 =	sadd.s32 s8, s0;
	s9 =	sadd.s32 s5, s0;
	s10 =	smul.u32 $0x1800, s8  }
0xd: {  	s11 =	smul.u32 $0x300, s8;
	s8 =	sadd.s32 $0x20D00, s0;
	s12 =	smax.u32 s12, $0x1  }
0xe: {  	v2 =	vlaneseq.u32;
	s4 =	sadd.s32 $0x20800, s6;
	s5 =	sadd.s32 $0x20A00, s6;
	s10 =	sshrl.u32 s10, $0x3  }
0xf: {  	vm0 =	vmmov $0xffff;
	v1 =	vshrl.u32 v2, $0x3;
	s6 =	sadd.s32 $0x10800, s9;
	s7 =	sadd.s32 $0x800, s9;
	s31 =	sadd.s32 s1, s10  }
0x10: {  	v0 =	vand.u32 $0x7, v2;
	v2 =	vor.u32 $0x8, v2;
	v1 =	vmul.u32 $0x8, v1;
	s9 =	sadd.s32 $0x20E00, s0;
	s10 =	sadd.s32 s1, s11;
	s11 =	sadd.s32 $0xC00, s31  }
.LBB2_1:
0x11: {  	s0 =	simm.s32 $0x1C000  }
0x12: {  	[tilespmem:s0], [sflag:$0x3] =	stream.linear.gather [hbm4b:s4+s2], $0x40, $0x38;
	[tilespmem:$0x1C100] =	vst v63  }
0x13: {  	s1 =	simm.s32 $0x1C080  }
0x14: {  	[tilespmem:s1], [sflag:$0x3] =	stream.linear.gather [hbm4b:s5+s2], $0x40, $0x38;
	[tilespmem:$0x1C100] =	vst v63  }
0x15: {  	s31 =	simm.s32 $0x18000  }
0x16: {  	[tilespmem:s31], [sflag:$0x3] =	stream.linear.gather [hbm4b:s6+s2], $0x2000, $0x38;
	[tilespmem:$0x1C100] =	vst v63  }
0x17: {  	s0 =	simm.s32 $0x1A000  }
0x18: {  	[tilespmem:s0], [sflag:$0x3] =	stream.linear.gather [hbm4b:s7+s2], $0x2000, $0x38;
	[tilespmem:$0x1C100] =	vst v63  }
0x19: {  	_ =	swait.ge [sflag:s15], $0x40  }
0x1a: {  	[sflag:s15] =	ssyncset.done $0x0  }
0x1b: {  	[sflag:s15] =	ssyncadd.s32 $0xFFFFFFC0  }
0x1c: {  	_ =	swait.ge [sflag:s15], $0x40  }
0x1d: {  	[sflag:s15] =	ssyncset.done $0x0  }
0x1e: {  	[sflag:s15] =	ssyncadd.s32 $0xFFFFFFC0  }
0x1f: {  	v3 =	vld [tilespmem:$0x1C000];
	_ =	sdelay $0x4  }
0x20: {  	v4 =	vshrl.u32 v3, $0x3  }
0x21: {  	v4 =	vmul.u32 $0x30, v4  }
0x22: {  	v3 =	vand.u32 $0x7, v3  }
0x23: {  	v3 =	vor.u32 v3, v4  }
0x24: {  	v4 =	vperm.xlane v3, v0;
	_ =	sdelay $0x1  }
0x25: {  	v4 =	vadd.s32 v1, v4;
	_ =	sdelay $0x3  }
0x26: {  	v3 =	vperm.xlane v3, v2  }
0x27: {  	[tilespmem:s2], [sflag:$0x1] =	stream.indirect_vreg.gather [hbm4b:s3+s2], $0x80, v4, vm0, $0xb8;
	[tilespmem:$0x1C100] =	vst v63  }
0x28: {  	s1 =	simm.s32 $0x800;
	v3 =	vadd.s32 v1, v3  }
0x29: {  	[tilespmem:s1], [sflag:$0x1] =	stream.indirect_vreg.gather [hbm4b:s8+s2], $0x80, v4, vm0, $0xb8;
	[tilespmem:$0x1C100] =	vst v63  }
0x2a: {  	s13 =	simm.s32 $0x1000  }
0x2b: {  	[tilespmem:s13], [sflag:$0x1] =	stream.indirect_vreg.gather [hbm4b:s9+s2], $0x80, v4, vm0, $0xb8;
	[tilespmem:$0x1C100] =	vst v63  }
0x2c: {  	s14 =	simm.s32 $0x1800  }
0x2d: {  	[tilespmem:s14], [sflag:$0x1] =	stream.indirect_vreg.gather [hbm4b:s3+s2], $0x80, v3, vm0, $0xb8;
	[tilespmem:$0x1C100] =	vst v63  }
0x2e: {  	s16 =	simm.s32 $0x2000  }
0x2f: {  	[tilespmem:s16], [sflag:$0x1] =	stream.indirect_vreg.gather [hbm4b:s8+s2], $0x80, v3, vm0, $0xb8;
	[tilespmem:$0x1C100] =	vst v63  }
0x30: {  	s17 =	simm.s32 $0x2800  }
0x31: {  	[tilespmem:s17], [sflag:$0x1] =	stream.indirect_vreg.gather [hbm4b:s9+s2], $0x80, v3, vm0, $0xb8;
	[tilespmem:$0x1C100] =	vst v63  }
0x32: {  	v3 =	vld [tilespmem:$0x1C010];
	_ =	sdelay $0x4  }
0x33: {  	v4 =	vshrl.u32 v3, $0x3  }
0x34: {  	v4 =	vmul.u32 $0x30, v4  }
0x35: {  	v3 =	vand.u32 $0x7, v3  }
0x36: {  	v3 =	vor.u32 v3, v4  }
0x37: {  	v4 =	vperm.xlane v3, v0;
	_ =	sdelay $0x1  }
0x38: {  	v4 =	vadd.s32 v1, v4;
	_ =	sdelay $0x3  }
0x39: {  	s13 =	simm.s32 $0x3000;
	v3 =	vperm.xlane v3, v2  }
0x3a: {  	[tilespmem:s13], [sflag:$0x1] =	stream.indirect_vreg.gather [hbm4b:s3+s2], $0x80, v4, vm0, $0xb8;
	[tilespmem:$0x1C100] =	vst v63  }
0x3b: {  	s14 =	simm.s32 $0x3800;
	v3 =	vadd.s32 v1, v3  }
0x3c: {  	[tilespmem:s14], [sflag:$0x1] =	stream.indirect_vreg.gather [hbm4b:s8+s2], $0x80, v4, vm0, $0xb8;
	[tilespmem:$0x1C100] =	vst v63  }
0x3d: {  	s16 =	simm.s32 $0x4000  }
0x3e: {  	[tilespmem:s16], [sflag:$0x1] =	stream.indirect_vreg.gather [hbm4b:s9+s2], $0x80, v4, vm0, $0xb8;
	[tilespmem:$0x1C100] =	vst v63  }
0x3f: {  	s17 =	simm.s32 $0x4800  }
0x40: {  	[tilespmem:s17], [sflag:$0x1] =	stream.indirect_vreg.gather [hbm4b:s3+s2], $0x80, v3, vm0, $0xb8;
	[tilespmem:$0x1C100] =	vst v63  }
0x41: {  	s13 =	simm.s32 $0x5000  }
0x42: {  	[tilespmem:s13], [sflag:$0x1] =	stream.indirect_vreg.gather [hbm4b:s8+s2], $0x80, v3, vm0, $0xb8;
	[tilespmem:$0x1C100] =	vst v63  }
0x43: {  	s14 =	simm.s32 $0x5800  }
0x44: {  	[tilespmem:s14], [sflag:$0x1] =	stream.indirect_vreg.gather [hbm4b:s9+s2], $0x80, v3, vm0, $0xb8;
	[tilespmem:$0x1C100] =	vst v63  }
0x45: {  	v3 =	vld [tilespmem:$0x1C080];
	_ =	sdelay $0x4  }
0x46: {  	v4 =	vshrl.u32 v3, $0x3  }
0x47: {  	v4 =	vmul.u32 $0x30, v4  }
0x48: {  	v3 =	vand.u32 $0x7, v3  }
0x49: {  	v3 =	vor.u32 v3, v4  }
0x4a: {  	v4 =	vperm.xlane v3, v0;
	_ =	sdelay $0x1  }
0x4b: {  	v4 =	vadd.s32 v1, v4;
	_ =	sdelay $0x3  }
0x4c: {  	s16 =	simm.s32 $0xC000;
	v3 =	vperm.xlane v3, v2  }
0x4d: {  	[tilespmem:s16], [sflag:$0x1] =	stream.indirect_vreg.gather [hbm4b:s3+s2], $0x80, v4, vm0, $0xb8;
	[tilespmem:$0x1C100] =	vst v63  }
0x4e: {  	s17 =	simm.s32 $0xC800;
	v3 =	vadd.s32 v1, v3  }
0x4f: {  	[tilespmem:s17], [sflag:$0x1] =	stream.indirect_vreg.gather [hbm4b:s8+s2], $0x80, v4, vm0, $0xb8;
	[tilespmem:$0x1C100] =	vst v63  }
0x50: {  	s13 =	simm.s32 $0xD000  }
0x51: {  	[tilespmem:s13], [sflag:$0x1] =	stream.indirect_vreg.gather [hbm4b:s9+s2], $0x80, v4, vm0, $0xb8;
	[tilespmem:$0x1C100] =	vst v63  }
0x52: {  	s14 =	simm.s32 $0xD800  }
0x53: {  	[tilespmem:s14], [sflag:$0x1] =	stream.indirect_vreg.gather [hbm4b:s3+s2], $0x80, v3, vm0, $0xb8;
	[tilespmem:$0x1C100] =	vst v63  }
0x54: {  	s16 =	simm.s32 $0xE000  }
0x55: {  	[tilespmem:s16], [sflag:$0x1] =	stream.indirect_vreg.gather [hbm4b:s8+s2], $0x80, v3, vm0, $0xb8;
	[tilespmem:$0x1C100] =	vst v63  }
0x56: {  	s17 =	simm.s32 $0xE800  }
0x57: {  	[tilespmem:s17], [sflag:$0x1] =	stream.indirect_vreg.gather [hbm4b:s9+s2], $0x80, v3, vm0, $0xb8;
	[tilespmem:$0x1C100] =	vst v63  }
0x58: {  	v3 =	vld [tilespmem:$0x1C090];
	_ =	sdelay $0x4  }
0x59: {  	v4 =	vshrl.u32 v3, $0x3  }
0x5a: {  	v4 =	vmul.u32 $0x30, v4  }
0x5b: {  	v3 =	vand.u32 $0x7, v3  }
0x5c: {  	v3 =	vor.u32 v3, v4  }
0x5d: {  	v4 =	vperm.xlane v3, v0;
	_ =	sdelay $0x1  }
0x5e: {  	v4 =	vadd.s32 v1, v4;
	_ =	sdelay $0x3  }
0x5f: {  	s13 =	simm.s32 $0xF000;
	v3 =	vperm.xlane v3, v2  }
0x60: {  	[tilespmem:s13], [sflag:$0x1] =	stream.indirect_vreg.gather [hbm4b:s3+s2], $0x80, v4, vm0, $0xb8;
	[tilespmem:$0x1C100] =	vst v63  }
0x61: {  	s14 =	simm.s32 $0xF800;
	v3 =	vadd.s32 v1, v3  }
0x62: {  	[tilespmem:s14], [sflag:$0x1] =	stream.indirect_vreg.gather [hbm4b:s8+s2], $0x80, v4, vm0, $0xb8;
	[tilespmem:$0x1C100] =	vst v63  }
0x63: {  	s16 =	simm.s32 $0x10000  }
0x64: {  	[tilespmem:s16], [sflag:$0x1] =	stream.indirect_vreg.gather [hbm4b:s9+s2], $0x80, v4, vm0, $0xb8;
	[tilespmem:$0x1C100] =	vst v63  }
0x65: {  	s17 =	simm.s32 $0x10800  }
0x66: {  	[tilespmem:s17], [sflag:$0x1] =	stream.indirect_vreg.gather [hbm4b:s3+s2], $0x80, v3, vm0, $0xb8;
	[tilespmem:$0x1C100] =	vst v63  }
0x67: {  	s13 =	simm.s32 $0x11000  }
0x68: {  	[tilespmem:s13], [sflag:$0x1] =	stream.indirect_vreg.gather [hbm4b:s8+s2], $0x80, v3, vm0, $0xb8;
	[tilespmem:$0x1C100] =	vst v63  }
0x69: {  	s14 =	simm.s32 $0x11800  }
0x6a: {  	[tilespmem:s14], [sflag:$0x1] =	stream.indirect_vreg.gather [hbm4b:s9+s2], $0x80, v3, vm0, $0xb8;
	[tilespmem:$0x1C100] =	vst v63  }
0x6b: {  	v3 =	vld [tilespmem:$0x1C020];
	_ =	sdelay $0x4  }
0x6c: {  	v4 =	vshrl.u32 v3, $0x3  }
0x6d: {  	v4 =	vmul.u32 $0x30, v4  }
0x6e: {  	v3 =	vand.u32 $0x7, v3  }
0x6f: {  	v3 =	vor.u32 v3, v4  }
0x70: {  	v4 =	vperm.xlane v3, v0;
	_ =	sdelay $0x1  }
0x71: {  	v4 =	vadd.s32 v1, v4;
	_ =	sdelay $0x3  }
0x72: {  	v3 =	vperm.xlane v3, v2  }
0x73: {  	[tilespmem:s20], [sflag:$0x2] =	stream.indirect_vreg.gather [hbm4b:s3+s2], $0x80, v4, vm0, $0xb8;
	[tilespmem:$0x1C100] =	vst v63  }
0x74: {  	s16 =	simm.s32 $0x6800;
	v3 =	vadd.s32 v1, v3  }
0x75: {  	[tilespmem:s16], [sflag:$0x2] =	stream.indirect_vreg.gather [hbm4b:s8+s2], $0x80, v4, vm0, $0xb8;
	[tilespmem:$0x1C100] =	vst v63  }
0x76: {  	s17 =	simm.s32 $0x7000  }
0x77: {  	[tilespmem:s17], [sflag:$0x2] =	stream.indirect_vreg.gather [hbm4b:s9+s2], $0x80, v4, vm0, $0xb8;
	[tilespmem:$0x1C100] =	vst v63  }
0x78: {  	s13 =	simm.s32 $0x7800  }
0x79: {  	[tilespmem:s13], [sflag:$0x2] =	stream.indirect_vreg.gather [hbm4b:s3+s2], $0x80, v3, vm0, $0xb8;
	[tilespmem:$0x1C100] =	vst v63  }
0x7a: {  	s14 =	simm.s32 $0x8000  }
0x7b: {  	[tilespmem:s14], [sflag:$0x2] =	stream.indirect_vreg.gather [hbm4b:s8+s2], $0x80, v3, vm0, $0xb8;
	[tilespmem:$0x1C100] =	vst v63  }
0x7c: {  	s16 =	simm.s32 $0x8800  }
0x7d: {  	[tilespmem:s16], [sflag:$0x2] =	stream.indirect_vreg.gather [hbm4b:s9+s2], $0x80, v3, vm0, $0xb8;
	[tilespmem:$0x1C100] =	vst v63  }
0x7e: {  	v3 =	vld [tilespmem:$0x1C030];
	_ =	sdelay $0x4  }
0x7f: {  	v4 =	vshrl.u32 v3, $0x3  }
0x80: {  	v4 =	vmul.u32 $0x30, v4  }
0x81: {  	v3 =	vand.u32 $0x7, v3  }
0x82: {  	v3 =	vor.u32 v3, v4  }
0x83: {  	v4 =	vperm.xlane v3, v0;
	_ =	sdelay $0x1  }
0x84: {  	v4 =	vadd.s32 v1, v4;
	_ =	sdelay $0x3  }
0x85: {  	s17 =	simm.s32 $0x9000;
	v3 =	vperm.xlane v3, v2  }
0x86: {  	[tilespmem:s17], [sflag:$0x2] =	stream.indirect_vreg.gather [hbm4b:s3+s2], $0x80, v4, vm0, $0xb8;
	[tilespmem:$0x1C100] =	vst v63  }
0x87: {  	s13 =	simm.s32 $0x9800;
	v3 =	vadd.s32 v1, v3  }
0x88: {  	[tilespmem:s13], [sflag:$0x2] =	stream.indirect_vreg.gather [hbm4b:s8+s2], $0x80, v4, vm0, $0xb8;
	[tilespmem:$0x1C100] =	vst v63  }
0x89: {  	s14 =	simm.s32 $0xA000  }
0x8a: {  	[tilespmem:s14], [sflag:$0x2] =	stream.indirect_vreg.gather [hbm4b:s9+s2], $0x80, v4, vm0, $0xb8;
	[tilespmem:$0x1C100] =	vst v63  }
0x8b: {  	s16 =	simm.s32 $0xA800  }
0x8c: {  	[tilespmem:s16], [sflag:$0x2] =	stream.indirect_vreg.gather [hbm4b:s3+s2], $0x80, v3, vm0, $0xb8;
	[tilespmem:$0x1C100] =	vst v63  }
0x8d: {  	s17 =	simm.s32 $0xB000  }
0x8e: {  	[tilespmem:s17], [sflag:$0x2] =	stream.indirect_vreg.gather [hbm4b:s8+s2], $0x80, v3, vm0, $0xb8;
	[tilespmem:$0x1C100] =	vst v63  }
0x8f: {  	s13 =	simm.s32 $0xB800  }
0x90: {  	[tilespmem:s13], [sflag:$0x2] =	stream.indirect_vreg.gather [hbm4b:s9+s2], $0x80, v3, vm0, $0xb8;
	[tilespmem:$0x1C100] =	vst v63  }
0x91: {  	v3 =	vld [tilespmem:$0x1C0A0];
	_ =	sdelay $0x4  }
0x92: {  	v4 =	vshrl.u32 v3, $0x3  }
0x93: {  	v4 =	vmul.u32 $0x30, v4  }
0x94: {  	v3 =	vand.u32 $0x7, v3  }
0x95: {  	v3 =	vor.u32 v3, v4  }
0x96: {  	v4 =	vperm.xlane v3, v0;
	_ =	sdelay $0x1  }
0x97: {  	v4 =	vadd.s32 v1, v4;
	_ =	sdelay $0x3  }
0x98: {  	s14 =	simm.s32 $0x12000;
	v3 =	vperm.xlane v3, v2  }
0x99: {  	[tilespmem:s14], [sflag:$0x2] =	stream.indirect_vreg.gather [hbm4b:s3+s2], $0x80, v4, vm0, $0xb8;
	[tilespmem:$0x1C100] =	vst v63  }
0x9a: {  	s16 =	simm.s32 $0x12800;
	v3 =	vadd.s32 v1, v3  }
0x9b: {  	[tilespmem:s16], [sflag:$0x2] =	stream.indirect_vreg.gather [hbm4b:s8+s2], $0x80, v4, vm0, $0xb8;
	[tilespmem:$0x1C100] =	vst v63  }
0x9c: {  	s17 =	simm.s32 $0x13000  }
0x9d: {  	[tilespmem:s17], [sflag:$0x2] =	stream.indirect_vreg.gather [hbm4b:s9+s2], $0x80, v4, vm0, $0xb8;
	[tilespmem:$0x1C100] =	vst v63  }
0x9e: {  	s13 =	simm.s32 $0x13800  }
0x9f: {  	[tilespmem:s13], [sflag:$0x2] =	stream.indirect_vreg.gather [hbm4b:s3+s2], $0x80, v3, vm0, $0xb8;
	[tilespmem:$0x1C100] =	vst v63  }
0xa0: {  	s14 =	simm.s32 $0x14000  }
0xa1: {  	[tilespmem:s14], [sflag:$0x2] =	stream.indirect_vreg.gather [hbm4b:s8+s2], $0x80, v3, vm0, $0xb8;
	[tilespmem:$0x1C100] =	vst v63  }
0xa2: {  	_ = 	snop  }
0xa3: {  	[tilespmem:s18], [sflag:$0x2] =	stream.indirect_vreg.gather [hbm4b:s9+s2], $0x80, v3, vm0, $0xb8;
	[tilespmem:$0x1C100] =	vst v63  }
0xa4: {  	v3 =	vld [tilespmem:$0x1C0B0];
	_ =	sdelay $0x4  }
0xa5: {  	v4 =	vshrl.u32 v3, $0x3  }
0xa6: {  	v4 =	vmul.u32 $0x30, v4  }
0xa7: {  	v3 =	vand.u32 $0x7, v3  }
0xa8: {  	v3 =	vor.u32 v3, v4  }
0xa9: {  	v4 =	vperm.xlane v3, v0;
	_ =	sdelay $0x1  }
0xaa: {  	v4 =	vadd.s32 v1, v4;
	_ =	sdelay $0x3  }
0xab: {  	v3 =	vperm.xlane v3, v2  }
0xac: {  	[tilespmem:s19], [sflag:$0x2] =	stream.indirect_vreg.gather [hbm4b:s3+s2], $0x80, v4, vm0, $0xb8;
	[tilespmem:$0x1C100] =	vst v63  }
0xad: {  	v3 =	vadd.s32 v1, v3  }
0xae: {  	[tilespmem:s21], [sflag:$0x2] =	stream.indirect_vreg.gather [hbm4b:s8+s2], $0x80, v4, vm0, $0xb8;
	[tilespmem:$0x1C100] =	vst v63  }
0xaf: {  	_ = 	snop  }
0xb0: {  	[tilespmem:s22], [sflag:$0x2] =	stream.indirect_vreg.gather [hbm4b:s9+s2], $0x80, v4, vm0, $0xb8;
	[tilespmem:$0x1C100] =	vst v63  }
0xb1: {  	_ = 	snop  }
0xb2: {  	[tilespmem:s23], [sflag:$0x2] =	stream.indirect_vreg.gather [hbm4b:s3+s2], $0x80, v3, vm0, $0xb8;
	[tilespmem:$0x1C100] =	vst v63  }
0xb3: {  	_ = 	snop  }
0xb4: {  	[tilespmem:s24], [sflag:$0x2] =	stream.indirect_vreg.gather [hbm4b:s8+s2], $0x80, v3, vm0, $0xb8;
	[tilespmem:$0x1C100] =	vst v63  }
0xb5: {  	_ = 	snop  }
0xb6: {  	[tilespmem:s25], [sflag:$0x2] =	stream.indirect_vreg.gather [hbm4b:s9+s2], $0x80, v3, vm0, $0xb8;
	[tilespmem:$0x1C100] =	vst v63  }
0xb7: {  	_ =	swait.ge [sflag:s15], $0x2000  }
0xb8: {  	[sflag:s15] =	ssyncset.done $0x0  }
0xb9: {  	[sflag:s15] =	ssyncadd.s32 $0xFFFFE000  }
0xba: {  	_ =	swait.ge [sflag:s15], $0x2000  }
0xbb: {  	[sflag:s15] =	ssyncset.done $0x0  }
0xbc: {  	[sflag:s15] =	ssyncadd.s32 $0xFFFFE000  }
0xbd: {  	_ =	swait.ge [sflag:s26], $0x6000  }
0xbe: {  	[sflag:s26] =	ssyncset.done $0x0  }
0xbf: {  	s16 =	simm.s32 $0x0;
	[sflag:s26] =	ssyncadd.s32 $0xFFFFA000  }
0xc0: {  	s1 =	smul.u32 $0x1800, s16;
	_ =	swait.ge [sflag:s26], $0x6000  }
0xc1: {  	s13 =	sand.u32 $0x380, s2;
	[sflag:s26] =	ssyncset.done $0x0  }
0xc2: {  	s14 =	sor.u32 s13, s1;
	[sflag:s26] =	ssyncadd.s32 $0xFFFFA000  }
0xc3: {  	v4 =	vld [tilespmem:s14+$0x10]  }
0xc4: {  	v3 =	vld [tilespmem:s14+$0xC010]  }
0xc5: {  	v6 =	vld [tilespmem:s14+$0x20]  }
0xc6: {  	v5 =	vld [tilespmem:s14+$0xC020]  }
0xc7: {  	v10 =	vld [tilespmem:s14+$0x30]  }
0xc8: {  	v9 =	vld [tilespmem:s14+$0xC030]  }
0xc9: {  	v12 =	vld [tilespmem:s14+$0x40]  }
0xca: {  	v11 =	vld [tilespmem:s14+$0xC040]  }
0xcb: {  	v13 =	vld [tilespmem:s14+$0x60]  }
0xcc: {  	v14 =	vld [tilespmem:s14+$0x70]  }
0xcd: {  	v15 =	vld [tilespmem:s14+$0x400]  }
0xce: {  	v16 =	vld [tilespmem:s14+$0x410]  }
0xcf: {  	v17 =	vld [tilespmem:s14+$0x420]  }
0xd0: {  	v18 =	vld [tilespmem:s14+$0x430]  }
0xd1: {  	v19 =	vld [tilespmem:s14+$0x440]  }
0xd2: {  	v20 =	vld [tilespmem:s14+$0x450]  }
0xd3: {  	v21 =	vld [tilespmem:s14+$0x460]  }
0xd4: {  	v22 =	vld [tilespmem:s14+$0x470]  }
0xd5: {  	v23 =	vld [tilespmem:s14+$0x800]  }
0xd6: {  	v24 =	vld [tilespmem:s14+$0x810]  }
0xd7: {  	v25 =	vld [tilespmem:s14+$0x820]  }
0xd8: {  	v26 =	vld [tilespmem:s14+$0x830]  }
0xd9: {  	v27 =	vld [tilespmem:s14+$0x840]  }
0xda: {  	v28 =	vld [tilespmem:s14+$0x850]  }
0xdb: {  	v29 =	vld [tilespmem:s14+$0x860]  }
0xdc: {  	v30 =	vld [tilespmem:s14+$0x870]  }
0xdd: {  	v31 =	vld [tilespmem:s14+$0xC00]  }
0xde: {  	v32 =	vld [tilespmem:s14+$0xC10]  }
0xdf: {  	v33 =	vld [tilespmem:s14+$0xC20]  }
0xe0: {  	v34 =	vld [tilespmem:s14+$0xC30]  }
0xe1: {  	v35 =	vld [tilespmem:s14+$0xC40]  }
0xe2: {  	v36 =	vld [tilespmem:s14+$0xC50]  }
0xe3: {  	v37 =	vld [tilespmem:s14+$0xC60]  }
0xe4: {  	v38 =	vld [tilespmem:s14+$0xC70]  }
0xe5: {  	v39 =	vld [tilespmem:s14+$0x1000]  }
0xe6: {  	v40 =	vld [tilespmem:s14+$0x1010]  }
0xe7: {  	v41 =	vld [tilespmem:s14+$0x1020]  }
0xe8: {  	v42 =	vld [tilespmem:s14+$0x1030]  }
0xe9: {  	v43 =	vld [tilespmem:s14+$0x1040]  }
0xea: {  	v44 =	vld [tilespmem:s14+$0x1050]  }
0xeb: {  	v45 =	vld [tilespmem:s14+$0x1060]  }
0xec: {  	v46 =	vld [tilespmem:s14+$0x1400]  }
0xed: {  	v47 =	vld [tilespmem:s14+$0x1410]  }
0xee: {  	v48 =	vld [tilespmem:s14+$0xD410]  }
0xef: {  	v49 =	vld [tilespmem:s14+$0xD430]  }
0xf0: {  	v50 =	vld [tilespmem:s14+$0x1430]  }
0xf1: {  	v51 =	vld [tilespmem:s14+$0x1420]  }
0xf2: {  	v7 =	vld [tilespmem:s31+$0x0]  }
0xf3: {  	v8 =	vld [tilespmem:s0+$0x0]  }
0xf4: {  	v52 =	vld [tilespmem:s14+$0xD420]  }
0xf5: {  	v53 =	vld [tilespmem:s14+$0xD400]  }
0xf6: {  	v54 =	vld [tilespmem:s14+$0x1070]  }
0xf7: {  	v55 =	vld [tilespmem:s14+$0xD070];
	v50 =	vmul.f32 v50, v7  }
0xf8: {  	v56 =	vld [tilespmem:s14+$0xD060];
	v49 =	vmul.f32 v49, v8;
	v51 =	vmul.f32 v51, v7  }
0xf9: {  	v57 =	vld [tilespmem:s14+$0xD050];
	v52 =	vmul.f32 v52, v8;
	v47 =	vmul.f32 v47, v7  }
0xfa: {  	v61 =	vld [tilespmem:s14+$0xD000];
	v48 =	vmul.f32 v48, v8;
	v46 =	vmul.f32 v46, v7  }
0xfb: {  	v58 =	vld [tilespmem:s14+$0xD040];
	v62 =	vmul.f32 v53, v8;
	v63 =	vmul.f32 v54, v7;
	v49 =	vadd.f32 v49, v50  }
0xfc: {  	v53 =	vld [tilespmem:s14+$0xD030];
	v59 =	vmul.f32 v55, v8;
	v45 =	vmul.f32 v45, v7;
	v51 =	vadd.f32 v52, v51  }
0xfd: {  	v60 =	vmul.f32 v56, v8;
	v44 =	vmul.f32 v44, v7;
	v56 =	vld [tilespmem:s14+$0xCC60];
	v47 =	vadd.f32 v48, v47;
	[tilespmem:s14+$0x1430] =	vst v49  }
0xfe: {  	v43 =	vmul.f32 v43, v7;
	v39 =	vmul.f32 v39, v7;
	v55 =	vld [tilespmem:s14+$0xC870];
	v46 =	vadd.f32 v62, v46;
	[tilespmem:s14+$0x1420] =	vst v51  }
0xff: {  	v61 =	vmul.f32 v61, v8;
	v12 =	vmul.f32 v12, v7;
	v48 =	vld [tilespmem:s14+$0xD020];
	v52 =	vadd.f32 v59, v63;
	[tilespmem:s14+$0x1410] =	vst v47  }
0x100: {  	v11 =	vmul.f32 v11, v8;
	v63 =	vmul.f32 v58, v8;
	v45 =	vadd.f32 v60, v45;
	v58 =	vld [tilespmem:s14+$0xCC50];
	[tilespmem:s14+$0x1400] =	vst v46  }
0x101: {  	v42 =	vmul.f32 v42, v7;
	v62 =	vmul.f32 v57, v8;
	v59 =	vld [tilespmem:s14+$0xCC40];
	v39 =	vadd.f32 v61, v39;
	[tilespmem:s14+$0x1070] =	vst v52  }
0x102: {  	v41 =	vmul.f32 v41, v7;
	v40 =	vmul.f32 v40, v7;
	v60 =	vld [tilespmem:s14+$0xCC30];
	v11 =	vadd.f32 v11, v12;
	[tilespmem:s14+$0x1060] =	vst v45  }
0x103: {  	v38 =	vmul.f32 v38, v7;
	v61 =	vld [tilespmem:s14+$0xC810];
	v44 =	vadd.f32 v62, v44;
	[tilespmem:s14+$0x1000] =	vst v39;
	v57 =	vmul.f32 v53, v8  }
0x104: {  	v37 =	vmul.f32 v37, v7;
	v49 =	vld [tilespmem:s14+$0xD010];
	v43 =	vadd.f32 v63, v43;
	[tilespmem:s14+$0x40] =	vst v11;
	v46 =	vmul.f32 v56, v8  }
0x105: {  	v36 =	vmul.f32 v36, v7;
	v47 =	vld [tilespmem:s14+$0xCC70];
	[tilespmem:s14+$0x1050] =	vst v44;
	v48 =	vmul.f32 v48, v8;
	v42 =	vadd.f32 v57, v42  }
0x106: {  	v35 =	vmul.f32 v35, v7;
	v62 =	vld [tilespmem:s14+$0xCC20];
	[tilespmem:s14+$0x1040] =	vst v43;
	v54 =	vmul.f32 v58, v8;
	v37 =	vadd.f32 v46, v37  }
0x107: {  	v34 =	vmul.f32 v34, v7;
	v63 =	vld [tilespmem:s14+$0xCC10];
	v45 =	vmul.f32 v59, v8;
	v41 =	vadd.f32 v48, v41;
	[tilespmem:s14+$0x1030] =	vst v42  }
0x108: {  	v33 =	vmul.f32 v33, v7;
	v56 =	vld [tilespmem:s14+$0xC860];
	v44 =	vmul.f32 v60, v8;
	v36 =	vadd.f32 v54, v36;
	[tilespmem:s14+$0xC60] =	vst v37  }
0x109: {  	v32 =	vmul.f32 v32, v7;
	v53 =	vld [tilespmem:s14+$0xCC00];
	v49 =	vmul.f32 v49, v8;
	v35 =	vadd.f32 v45, v35;
	[tilespmem:s14+$0x1020] =	vst v41  }
0x10a: {  	v6 =	vmul.f32 v6, v7;
	v12 =	vld [tilespmem:s14+$0x1460];
	v47 =	vmul.f32 v47, v8;
	v34 =	vadd.f32 v44, v34;
	[tilespmem:s14+$0xC50] =	vst v36  }
0x10b: {  	v5 =	vmul.f32 v5, v8;
	v58 =	vld [tilespmem:s14+$0xC840];
	v43 =	vmul.f32 v62, v8;
	v40 =	vadd.f32 v49, v40;
	[tilespmem:s14+$0xC40] =	vst v35  }
0x10c: {  	v29 =	vmul.f32 v29, v7;
	v59 =	vld [tilespmem:s14+$0xC830];
	v42 =	vmul.f32 v63, v8;
	v38 =	vadd.f32 v47, v38;
	[tilespmem:s14+$0xC30] =	vst v34  }
0x10d: {  	v5 =	vadd.f32 v5, v6;
	v6 =	vld [tilespmem:s14+$0x0];
	v39 =	vmul.f32 v56, v8;
	v33 =	vadd.f32 v43, v33;
	[tilespmem:s14+$0x1010] =	vst v40  }
0x10e: {  	v31 =	vmul.f32 v31, v7;
	v60 =	vld [tilespmem:s14+$0xC820];
	v41 =	vmul.f32 v53, v8;
	v32 =	vadd.f32 v42, v32;
	[tilespmem:s14+$0xC70] =	vst v38  }
0x10f: {  	v24 =	vmul.f32 v24, v7;
	v57 =	vld [tilespmem:s14+$0xC850];
	v34 =	vmul.f32 v61, v8;
	v29 =	vadd.f32 v39, v29;
	[tilespmem:s14+$0xC20] =	vst v33  }
0x110: {  	v27 =	vmul.f32 v27, v7;
	v62 =	vld [tilespmem:s14+$0xC800];
	v37 =	vmul.f32 v58, v8;
	v31 =	vadd.f32 v41, v31;
	[tilespmem:s14+$0xC10] =	vst v32  }
0x111: {  	v26 =	vmul.f32 v26, v7;
	v63 =	vld [tilespmem:s14+$0xC470];
	v36 =	vmul.f32 v59, v8;
	v24 =	vadd.f32 v34, v24;
	[tilespmem:s14+$0x860] =	vst v29  }
0x112: {  	v30 =	vmul.f32 v30, v7;
	v40 =	vmul.f32 v55, v8;
	v27 =	vadd.f32 v37, v27;
	v29 =	vld [tilespmem:s14+$0xC440];
	[tilespmem:s14+$0xC00] =	vst v31  }
0x113: {  	v25 =	vmul.f32 v25, v7;
	v35 =	vmul.f32 v60, v8;
	v26 =	vadd.f32 v36, v26;
	v31 =	vld [tilespmem:s14+$0xC460];
	[tilespmem:s14+$0x810] =	vst v24  }
0x114: {  	v28 =	vmul.f32 v28, v7;
	v38 =	vmul.f32 v57, v8;
	v30 =	vadd.f32 v40, v30;
	v24 =	vld [tilespmem:s14+$0xC070];
	[tilespmem:s14+$0x840] =	vst v27  }
0x115: {  	v23 =	vmul.f32 v23, v7;
	v33 =	vmul.f32 v62, v8;
	v25 =	vadd.f32 v35, v25;
	v27 =	vld [tilespmem:s14+$0xC420];
	[tilespmem:s14+$0x830] =	vst v26  }
0x116: {  	v22 =	vmul.f32 v22, v7;
	v32 =	vmul.f32 v63, v8;
	v28 =	vadd.f32 v38, v28;
	[tilespmem:s14+$0x870] =	vst v30;
	v30 =	vld [tilespmem:s14+$0xC450]  }
0x117: {  	v19 =	vmul.f32 v19, v7;
	v23 =	vadd.f32 v33, v23;
	[tilespmem:s14+$0x820] =	vst v25;
	v25 =	vld [tilespmem:s14+$0xC400];
	v29 =	vmul.f32 v29, v8  }
0x118: {  	v21 =	vmul.f32 v21, v7;
	v22 =	vadd.f32 v32, v22;
	[tilespmem:s14+$0x850] =	vst v28;
	v28 =	vld [tilespmem:s14+$0xC430];
	v31 =	vmul.f32 v31, v8  }
0x119: {  	v14 =	vmul.f32 v14, v7;
	[tilespmem:s14+$0x800] =	vst v23;
	v23 =	vld [tilespmem:s14+$0xC060];
	v24 =	vmul.f32 v24, v8;
	v19 =	vadd.f32 v29, v19  }
0x11a: {  	v17 =	vmul.f32 v17, v7;
	v26 =	vld [tilespmem:s14+$0xC410];
	[tilespmem:s14+$0x470] =	vst v22;
	v27 =	vmul.f32 v27, v8;
	v21 =	vadd.f32 v31, v21  }
0x11b: {  	v20 =	vmul.f32 v20, v7;
	v22 =	vld [tilespmem:s14+$0x50];
	v30 =	vmul.f32 v30, v8;
	v14 =	vadd.f32 v24, v14;
	[tilespmem:s14+$0x440] =	vst v19  }
0x11c: {  	v15 =	vmul.f32 v15, v7;
	v25 =	vmul.f32 v25, v8;
	v17 =	vadd.f32 v27, v17;
	v19 =	vld [tilespmem:s14+$0xD450];
	[tilespmem:s14+$0x460] =	vst v21  }
0x11d: {  	v18 =	vmul.f32 v18, v7;
	v28 =	vmul.f32 v28, v8;
	v20 =	vadd.f32 v30, v20;
	v21 =	vld [tilespmem:s14+$0xC050];
	[tilespmem:s14+$0x70] =	vst v14  }
0x11e: {  	v13 =	vmul.f32 v13, v7;
	v23 =	vmul.f32 v23, v8;
	v15 =	vadd.f32 v25, v15;
	[tilespmem:s14+$0x420] =	vst v17;
	v17 =	vld [tilespmem:s14+$0x1440]  }
0x11f: {  	v16 =	vmul.f32 v16, v7;
	v26 =	vmul.f32 v26, v8;
	v18 =	vadd.f32 v28, v18;
	[tilespmem:s14+$0x450] =	vst v20;
	v20 =	vld [tilespmem:s14+$0xD440]  }
0x120: {  	v10 =	vmul.f32 v10, v7;
	v9 =	vmul.f32 v9, v8;
	v13 =	vadd.f32 v23, v13;
	[tilespmem:s14+$0x400] =	vst v15;
	v15 =	vld [tilespmem:s14+$0x1450]  }
0x121: {  	v4 =	vmul.f32 v4, v7;
	v3 =	vmul.f32 v3, v8;
	v16 =	vadd.f32 v26, v16;
	[tilespmem:s14+$0x430] =	vst v18;
	v18 =	vld [tilespmem:s14+$0xD460]  }
0x122: {  	v9 =	vadd.f32 v9, v10;
	v10 =	vmul.f32 v22, v7;
	v14 =	vld [tilespmem:s14+$0x1470];
	[tilespmem:s14+$0x60] =	vst v13;
	v13 =	vmul.f32 v21, v8  }
0x123: {  	v3 =	vadd.f32 v3, v4;
	[tilespmem:s14+$0x410] =	vst v16;
	v16 =	vld [tilespmem:s14+$0xD470]  }
0x124: {  	s17 =	simm.s32 $0x0;
	[tilespmem:s14+$0x30] =	vst v9;
	v9 =	vld [tilespmem:s14+$0xC000];
	v11 =	vmul.f32 v17, v7;
	v17 =	vmul.f32 v20, v8;
	v4 =	vadd.f32 v13, v10  }
0x125: {  	s1 =	smul.u32 $0x1800, s17;
	s13 =	simm.s32 $0x80;
	[tilespmem:s14+$0x20] =	vst v5;
	v5 =	vmul.f32 v15, v7;
	v10 =	vmul.f32 v19, v8  }
0x126: {  	s16 =	sand.u32 $0x380, s13;
	v11 =	vadd.f32 v17, v11;
	[tilespmem:s14+$0x50] =	vst v4;
	v4 =	vmul.f32 v12, v7;
	v12 =	vmul.f32 v18, v8  }
0x127: {  	s1 =	sor.u32 s16, s1;
	[tilespmem:s14+$0x10] =	vst v3;
	v5 =	vadd.f32 v10, v5  }
0x128: {  	v3 =	vld [tilespmem:s1+$0x10];
	v10 =	vmul.f32 v14, v7;
	[tilespmem:s14+$0x1440] =	vst v11;
	v11 =	vmul.f32 v16, v8;
	v12 =	vadd.f32 v12, v4  }
0x129: {  	v7 =	vmul.f32 v6, v7;
	v8 =	vmul.f32 v9, v8;
	v4 =	vld [tilespmem:s1+$0xC010];
	[tilespmem:s14+$0x1450] =	vst v5  }
0x12a: {  	v9 =	vadd.f32 v11, v10;
	v6 =	vld [tilespmem:s1+$0x20];
	[tilespmem:s14+$0x1460] =	vst v12  }
0x12b: {  	v7 =	vadd.f32 v8, v7;
	v5 =	vld [tilespmem:s1+$0xC020]  }
0x12c: {  	v8 =	vld [tilespmem:s1+$0x30];
	[tilespmem:s14+$0x1470] =	vst v9  }
0x12d: {  	v18 =	vld [tilespmem:s1+$0x430];
	[tilespmem:s14+$0x0] =	vst v7  }
0x12e: {  	v7 =	vld [tilespmem:s1+$0xC030]  }
0x12f: {  	v10 =	vld [tilespmem:s1+$0x40]  }
0x130: {  	v9 =	vld [tilespmem:s1+$0xC040]  }
0x131: {  	v12 =	vld [tilespmem:s1+$0x50]  }
0x132: {  	v11 =	vld [tilespmem:s1+$0xC050]  }
0x133: {  	v13 =	vld [tilespmem:s1+$0x60]  }
0x134: {  	v14 =	vld [tilespmem:s1+$0x70]  }
0x135: {  	v15 =	vld [tilespmem:s1+$0x400]  }
0x136: {  	v16 =	vld [tilespmem:s1+$0x410]  }
0x137: {  	v17 =	vld [tilespmem:s1+$0x420]  }
0x138: {  	v19 =	vld [tilespmem:s1+$0x440]  }
0x139: {  	v20 =	vld [tilespmem:s1+$0x450]  }
0x13a: {  	v21 =	vld [tilespmem:s1+$0x460]  }
0x13b: {  	v22 =	vld [tilespmem:s1+$0x470]  }
0x13c: {  	v23 =	vld [tilespmem:s1+$0x800]  }
0x13d: {  	v24 =	vld [tilespmem:s1+$0x810]  }
0x13e: {  	v25 =	vld [tilespmem:s1+$0x820]  }
0x13f: {  	v26 =	vld [tilespmem:s1+$0x830]  }
0x140: {  	v27 =	vld [tilespmem:s1+$0x840]  }
0x141: {  	v28 =	vld [tilespmem:s1+$0x850]  }
0x142: {  	v29 =	vld [tilespmem:s1+$0x860]  }
0x143: {  	v30 =	vld [tilespmem:s1+$0x870]  }
0x144: {  	v31 =	vld [tilespmem:s1+$0xC00]  }
0x145: {  	v34 =	vld [tilespmem:s1+$0xC10]  }
0x146: {  	v35 =	vld [tilespmem:s1+$0xC20]  }
0x147: {  	v36 =	vld [tilespmem:s1+$0xC30]  }
0x148: {  	v37 =	vld [tilespmem:s1+$0xC40]  }
0x149: {  	v38 =	vld [tilespmem:s1+$0xC50]  }
0x14a: {  	v39 =	vld [tilespmem:s1+$0xC60]  }
0x14b: {  	v40 =	vld [tilespmem:s1+$0xC70]  }
0x14c: {  	v41 =	vld [tilespmem:s1+$0x1000]  }
0x14d: {  	v42 =	vld [tilespmem:s1+$0x1010]  }
0x14e: {  	v43 =	vld [tilespmem:s1+$0x1020]  }
0x14f: {  	v44 =	vld [tilespmem:s1+$0x1030]  }
0x150: {  	v45 =	vld [tilespmem:s1+$0x1040]  }
0x151: {  	v46 =	vld [tilespmem:s1+$0x1050]  }
0x152: {  	v47 =	vld [tilespmem:s1+$0x1060]  }
0x153: {  	v48 =	vld [tilespmem:s1+$0x1400]  }
0x154: {  	v50 =	vld [tilespmem:s1+$0x1410]  }
0x155: {  	v49 =	vld [tilespmem:s1+$0xD410]  }
0x156: {  	s14 =	simm.s32 $0x2;
	v51 =	vld [tilespmem:s1+$0xD430]  }
.LBB2_2:
0x157: {  	p0 =	sne.s32 s14, $0x1F;
	v52 =	vld [tilespmem:s1+$0x1430]  }
0x158: {  	s31 =	sadd.s32 $0x80, s31;
	v53 =	vld [tilespmem:s1+$0x1420]  }
0x159: {  	s0 =	sadd.s32 $0x80, s0;
	v33 =	vld [tilespmem:s31+$0x0]  }
0x15a: {  	v32 =	vld [tilespmem:s0+$0x0]  }
0x15b: {  	v54 =	vld [tilespmem:s1+$0xD420]  }
0x15c: {  	v55 =	vld [tilespmem:s1+$0xD400]  }
0x15d: {  	v56 =	vld [tilespmem:s1+$0x1070]  }
0x15e: {  	v57 =	vld [tilespmem:s1+$0xD070];
	v50 =	vmul.f32 v50, v33;
	v53 =	vmul.f32 v53, v33  }
0x15f: {  	v52 =	vmul.f32 v52, v33;
	v58 =	vld [tilespmem:s1+$0xD060];
	v51 =	vmul.f32 v51, v32  }
0x160: {  	v49 =	vmul.f32 v49, v32;
	v59 =	vld [tilespmem:s1+$0xD050];
	v54 =	vmul.f32 v54, v32  }
0x161: {  	v48 =	vmul.f32 v48, v33;
	v60 =	vld [tilespmem:s1+$0xD040];
	v55 =	vmul.f32 v55, v32;
	v51 =	vadd.f32 v51, v52  }
0x162: {  	v49 =	vadd.f32 v49, v50;
	v52 =	vld [tilespmem:s1+$0xD030];
	v56 =	vmul.f32 v56, v33;
	v50 =	vadd.f32 v54, v53  }
0x163: {  	v47 =	vmul.f32 v47, v33;
	v53 =	vld [tilespmem:s1+$0xD020];
	v54 =	vmul.f32 v57, v32;
	v48 =	vadd.f32 v55, v48;
	[tilespmem:s1+$0x1430] =	vst v51  }
0x164: {  	v46 =	vmul.f32 v46, v33;
	v51 =	vld [tilespmem:s1+$0xD010];
	v55 =	vmul.f32 v58, v32;
	[tilespmem:s1+$0x1420] =	vst v50  }
0x165: {  	v45 =	vmul.f32 v45, v33;
	v50 =	vld [tilespmem:s1+$0xD000];
	v57 =	vmul.f32 v59, v32;
	v54 =	vadd.f32 v54, v56;
	[tilespmem:s1+$0x1410] =	vst v49  }
0x166: {  	v44 =	vmul.f32 v44, v33;
	v49 =	vld [tilespmem:s1+$0xCC70];
	v56 =	vmul.f32 v60, v32;
	v47 =	vadd.f32 v55, v47;
	[tilespmem:s1+$0x1400] =	vst v48  }
0x167: {  	v43 =	vmul.f32 v43, v33;
	v48 =	vld [tilespmem:s1+$0xCC60];
	v52 =	vmul.f32 v52, v32;
	v46 =	vadd.f32 v57, v46;
	[tilespmem:s1+$0x1070] =	vst v54  }
0x168: {  	v42 =	vmul.f32 v42, v33;
	v54 =	vld [tilespmem:s1+$0xCC50];
	v53 =	vmul.f32 v53, v32;
	v45 =	vadd.f32 v56, v45;
	[tilespmem:s1+$0x1060] =	vst v47  }
0x169: {  	v41 =	vmul.f32 v41, v33;
	v47 =	vld [tilespmem:s1+$0xCC40];
	v51 =	vmul.f32 v51, v32;
	v44 =	vadd.f32 v52, v44;
	[tilespmem:s1+$0x1050] =	vst v46  }
0x16a: {  	v40 =	vmul.f32 v40, v33;
	v46 =	vld [tilespmem:s1+$0xCC30];
	v50 =	vmul.f32 v50, v32;
	v43 =	vadd.f32 v53, v43;
	[tilespmem:s1+$0x1040] =	vst v45  }
0x16b: {  	v39 =	vmul.f32 v39, v33;
	v45 =	vld [tilespmem:s1+$0xCC20];
	v49 =	vmul.f32 v49, v32;
	v42 =	vadd.f32 v51, v42;
	[tilespmem:s1+$0x1030] =	vst v44  }
0x16c: {  	v38 =	vmul.f32 v38, v33;
	v44 =	vld [tilespmem:s1+$0xCC10];
	v48 =	vmul.f32 v48, v32;
	v41 =	vadd.f32 v50, v41;
	[tilespmem:s1+$0x1020] =	vst v43  }
0x16d: {  	v37 =	vmul.f32 v37, v33;
	v43 =	vld [tilespmem:s1+$0xCC00];
	v50 =	vmul.f32 v54, v32;
	v40 =	vadd.f32 v49, v40;
	[tilespmem:s1+$0x1010] =	vst v42  }
0x16e: {  	v36 =	vmul.f32 v36, v33;
	v42 =	vld [tilespmem:s1+$0xC870];
	v47 =	vmul.f32 v47, v32;
	v39 =	vadd.f32 v48, v39;
	[tilespmem:s1+$0x1000] =	vst v41  }
0x16f: {  	v35 =	vmul.f32 v35, v33;
	v41 =	vld [tilespmem:s1+$0xC860];
	v46 =	vmul.f32 v46, v32;
	v38 =	vadd.f32 v50, v38;
	[tilespmem:s1+$0xC70] =	vst v40  }
0x170: {  	v34 =	vmul.f32 v34, v33;
	v40 =	vld [tilespmem:s1+$0xC850];
	v45 =	vmul.f32 v45, v32;
	v37 =	vadd.f32 v47, v37;
	[tilespmem:s1+$0xC60] =	vst v39  }
0x171: {  	v31 =	vmul.f32 v31, v33;
	v39 =	vld [tilespmem:s1+$0xC840];
	v44 =	vmul.f32 v44, v32;
	v36 =	vadd.f32 v46, v36;
	[tilespmem:s1+$0xC50] =	vst v38  }
0x172: {  	v30 =	vmul.f32 v30, v33;
	v38 =	vld [tilespmem:s1+$0xC830];
	v43 =	vmul.f32 v43, v32;
	v35 =	vadd.f32 v45, v35;
	[tilespmem:s1+$0xC40] =	vst v37  }
0x173: {  	v29 =	vmul.f32 v29, v33;
	v37 =	vld [tilespmem:s1+$0xC820];
	v42 =	vmul.f32 v42, v32;
	v34 =	vadd.f32 v44, v34;
	[tilespmem:s1+$0xC30] =	vst v36  }
0x174: {  	v28 =	vmul.f32 v28, v33;
	v36 =	vld [tilespmem:s1+$0xC810];
	v41 =	vmul.f32 v41, v32;
	v31 =	vadd.f32 v43, v31;
	[tilespmem:s1+$0xC20] =	vst v35  }
0x175: {  	v27 =	vmul.f32 v27, v33;
	v35 =	vld [tilespmem:s1+$0xC800];
	v40 =	vmul.f32 v40, v32;
	v30 =	vadd.f32 v42, v30;
	[tilespmem:s1+$0xC10] =	vst v34  }
0x176: {  	v26 =	vmul.f32 v26, v33;
	v34 =	vld [tilespmem:s1+$0xC470];
	v39 =	vmul.f32 v39, v32;
	v29 =	vadd.f32 v41, v29;
	[tilespmem:s1+$0xC00] =	vst v31  }
0x177: {  	v25 =	vmul.f32 v25, v33;
	v31 =	vld [tilespmem:s1+$0xC460];
	v38 =	vmul.f32 v38, v32;
	v28 =	vadd.f32 v40, v28;
	[tilespmem:s1+$0x870] =	vst v30  }
0x178: {  	v24 =	vmul.f32 v24, v33;
	v30 =	vld [tilespmem:s1+$0xC450];
	v37 =	vmul.f32 v37, v32;
	v27 =	vadd.f32 v39, v27;
	[tilespmem:s1+$0x860] =	vst v29  }
0x179: {  	v23 =	vmul.f32 v23, v33;
	v29 =	vld [tilespmem:s1+$0xC440];
	v36 =	vmul.f32 v36, v32;
	v26 =	vadd.f32 v38, v26;
	[tilespmem:s1+$0x850] =	vst v28  }
0x17a: {  	v22 =	vmul.f32 v22, v33;
	v28 =	vld [tilespmem:s1+$0xC430];
	v35 =	vmul.f32 v35, v32;
	v25 =	vadd.f32 v37, v25;
	[tilespmem:s1+$0x840] =	vst v27  }
0x17b: {  	v21 =	vmul.f32 v21, v33;
	v27 =	vld [tilespmem:s1+$0xC420];
	v34 =	vmul.f32 v34, v32;
	v24 =	vadd.f32 v36, v24;
	[tilespmem:s1+$0x830] =	vst v26  }
0x17c: {  	v20 =	vmul.f32 v20, v33;
	v26 =	vld [tilespmem:s1+$0xC410];
	v31 =	vmul.f32 v31, v32;
	v23 =	vadd.f32 v35, v23;
	[tilespmem:s1+$0x820] =	vst v25  }
0x17d: {  	v19 =	vmul.f32 v19, v33;
	v25 =	vld [tilespmem:s1+$0xC400];
	v30 =	vmul.f32 v30, v32;
	v22 =	vadd.f32 v34, v22;
	[tilespmem:s1+$0x810] =	vst v24  }
0x17e: {  	v18 =	vmul.f32 v18, v33;
	v24 =	vld [tilespmem:s1+$0xC070];
	v29 =	vmul.f32 v29, v32;
	v21 =	vadd.f32 v31, v21;
	[tilespmem:s1+$0x800] =	vst v23  }
0x17f: {  	v17 =	vmul.f32 v17, v33;
	v23 =	vld [tilespmem:s1+$0xC060];
	v28 =	vmul.f32 v28, v32;
	v20 =	vadd.f32 v30, v20;
	[tilespmem:s1+$0x470] =	vst v22  }
0x180: {  	v16 =	vmul.f32 v16, v33;
	v22 =	vmul.f32 v27, v32;
	v19 =	vadd.f32 v29, v19;
	[tilespmem:s1+$0x460] =	vst v21;
	v21 =	vld [tilespmem:s1+$0xD440]  }
0x181: {  	v15 =	vmul.f32 v15, v33;
	v26 =	vmul.f32 v26, v32;
	v18 =	vadd.f32 v28, v18;
	[tilespmem:s1+$0x450] =	vst v20;
	v20 =	vld [tilespmem:s1+$0xD450]  }
0x182: {  	v14 =	vmul.f32 v14, v33;
	v25 =	vmul.f32 v25, v32;
	v17 =	vadd.f32 v22, v17;
	[tilespmem:s1+$0x440] =	vst v19;
	v19 =	vld [tilespmem:s1+$0xD460]  }
0x183: {  	v13 =	vmul.f32 v13, v33;
	v22 =	vmul.f32 v24, v32;
	v16 =	vadd.f32 v26, v16;
	[tilespmem:s1+$0x430] =	vst v18;
	v18 =	vld [tilespmem:s1+$0xD470]  }
0x184: {  	v12 =	vmul.f32 v12, v33;
	v23 =	vmul.f32 v23, v32;
	v15 =	vadd.f32 v25, v15;
	[tilespmem:s1+$0x420] =	vst v17;
	v17 =	vld [tilespmem:s1+$0x1440]  }
0x185: {  	v10 =	vmul.f32 v10, v33;
	v11 =	vmul.f32 v11, v32;
	v14 =	vadd.f32 v22, v14;
	[tilespmem:s1+$0x410] =	vst v16;
	v16 =	vld [tilespmem:s1+$0x1450]  }
0x186: {  	v8 =	vmul.f32 v8, v33;
	v9 =	vmul.f32 v9, v32;
	v13 =	vadd.f32 v23, v13;
	[tilespmem:s1+$0x400] =	vst v15;
	v15 =	vld [tilespmem:s1+$0x1460]  }
0x187: {  	v6 =	vmul.f32 v6, v33;
	v7 =	vmul.f32 v7, v32;
	v11 =	vadd.f32 v11, v12;
	[tilespmem:s1+$0x70] =	vst v14;
	v12 =	vld [tilespmem:s1+$0x1470]  }
0x188: {  	v3 =	vmul.f32 v3, v33;
	v5 =	vmul.f32 v5, v32;
	v9 =	vadd.f32 v9, v10;
	v14 =	vld [tilespmem:s1+$0x0];
	[tilespmem:s1+$0x60] =	vst v13  }
0x189: {  	v4 =	vmul.f32 v4, v32;
	v7 =	vadd.f32 v7, v8;
	v10 =	vld [tilespmem:s1+$0xC000];
	[tilespmem:s1+$0x50] =	vst v11;
	v8 =	vmul.f32 v17, v33  }
0x18a: {  	s16 =	sshrl.u32 s14, $0x3;
	v5 =	vadd.f32 v5, v6;
	v6 =	vmul.f32 v21, v32;
	[tilespmem:s1+$0x40] =	vst v9;
	v9 =	vmul.f32 v16, v33  }
0x18b: {  	s13 =	sadd.s32 $0x80, s13;
	s16 =	smul.u32 $0x1800, s16;
	v3 =	vadd.f32 v4, v3;
	v4 =	vmul.f32 v20, v32;
	[tilespmem:s1+$0x30] =	vst v7;
	v7 =	vmul.f32 v15, v33  }
0x18c: {  	s17 =	sand.u32 $0x380, s13;
	[tilespmem:s1+$0x20] =	vst v5;
	v5 =	vadd.f32 v6, v8;
	v6 =	vmul.f32 v19, v32;
	v8 =	vmul.f32 v12, v33  }
0x18d: {  	s16 =	sor.u32 s17, s16;
	v9 =	vadd.f32 v4, v9;
	v12 =	vmul.f32 v18, v32;
	v11 =	vmul.f32 v14, v33;
	[tilespmem:s1+$0x10] =	vst v3  }
0x18e: {  	v3 =	vld [tilespmem:s16+$0x10];
	v10 =	vmul.f32 v10, v32;
	[tilespmem:s1+$0x1440] =	vst v5;
	v5 =	vadd.f32 v6, v7  }
0x18f: {  	v7 =	vadd.f32 v12, v8;
	v4 =	vld [tilespmem:s16+$0xC010];
	[tilespmem:s1+$0x1450] =	vst v9  }
0x190: {  	v6 =	vld [tilespmem:s16+$0x20];
	v9 =	vadd.f32 v10, v11;
	[tilespmem:s1+$0x1460] =	vst v5  }
0x191: {  	v5 =	vld [tilespmem:s16+$0xC020];
	[tilespmem:s1+$0x1470] =	vst v7  }
0x192: {  	v8 =	vld [tilespmem:s16+$0x30];
	[tilespmem:s1+$0x0] =	vst v9;
	s1 =	smov.u32 s16  }
0x193: {  	v7 =	vld [tilespmem:s1+$0xC030]  }
0x194: {  	v10 =	vld [tilespmem:s1+$0x40]  }
0x195: {  	v9 =	vld [tilespmem:s1+$0xC040]  }
0x196: {  	v12 =	vld [tilespmem:s1+$0x50]  }
0x197: {  	v11 =	vld [tilespmem:s1+$0xC050]  }
0x198: {  	v13 =	vld [tilespmem:s1+$0x60]  }
0x199: {  	v14 =	vld [tilespmem:s1+$0x70]  }
0x19a: {  	v15 =	vld [tilespmem:s1+$0x400]  }
0x19b: {  	v16 =	vld [tilespmem:s1+$0x410]  }
0x19c: {  	v17 =	vld [tilespmem:s1+$0x420]  }
0x19d: {  	v18 =	vld [tilespmem:s1+$0x430]  }
0x19e: {  	v19 =	vld [tilespmem:s1+$0x440]  }
0x19f: {  	v20 =	vld [tilespmem:s1+$0x450]  }
0x1a0: {  	v21 =	vld [tilespmem:s1+$0x460]  }
0x1a1: {  	v22 =	vld [tilespmem:s1+$0x470]  }
0x1a2: {  	v23 =	vld [tilespmem:s1+$0x800]  }
0x1a3: {  	v24 =	vld [tilespmem:s1+$0x810]  }
0x1a4: {  	v25 =	vld [tilespmem:s1+$0x820]  }
0x1a5: {  	v26 =	vld [tilespmem:s1+$0x830]  }
0x1a6: {  	v27 =	vld [tilespmem:s1+$0x840]  }
0x1a7: {  	v28 =	vld [tilespmem:s1+$0x850]  }
0x1a8: {  	v29 =	vld [tilespmem:s1+$0x860]  }
0x1a9: {  	v30 =	vld [tilespmem:s1+$0x870]  }
0x1aa: {  	v31 =	vld [tilespmem:s1+$0xC00]  }
0x1ab: {  	v34 =	vld [tilespmem:s1+$0xC10]  }
0x1ac: {  	v35 =	vld [tilespmem:s1+$0xC20]  }
0x1ad: {  	v36 =	vld [tilespmem:s1+$0xC30]  }
0x1ae: {  	v37 =	vld [tilespmem:s1+$0xC40]  }
0x1af: {  	v38 =	vld [tilespmem:s1+$0xC50]  }
0x1b0: {  	v39 =	vld [tilespmem:s1+$0xC60]  }
0x1b1: {  	v40 =	vld [tilespmem:s1+$0xC70]  }
0x1b2: {  	v41 =	vld [tilespmem:s1+$0x1000]  }
0x1b3: {  	v42 =	vld [tilespmem:s1+$0x1010]  }
0x1b4: {  	v43 =	vld [tilespmem:s1+$0x1020]  }
0x1b5: {  	v44 =	vld [tilespmem:s1+$0x1030]  }
0x1b6: {  	v45 =	vld [tilespmem:s1+$0x1040]  }
0x1b7: {  	v46 =	vld [tilespmem:s1+$0x1050]  }
.Ltmp0:
0x1b8: {  	v47 =	vld [tilespmem:s1+$0x1060];
	(pc) =	sbr.rel @p0 .LBB2_2-.Ltmp0, $4  }
0x1b9: {  	v48 =	vld [tilespmem:s1+$0x1400]  }
0x1ba: {  	v50 =	vld [tilespmem:s1+$0x1410]  }
0x1bb: {  	v49 =	vld [tilespmem:s1+$0xD410]  }
0x1bc: {  	s14 =	sadd.s32 $0x1, s14;
	v51 =	vld [tilespmem:s1+$0xD430]  }
0x1bd: {  	v52 =	vld [tilespmem:s1+$0x1430]  }
0x1be: {  	v53 =	vld [tilespmem:s1+$0x1420];
	s13 =	sadd.s32 $0x80, s31  }
0x1bf: {  	s0 =	sadd.s32 $0x80, s0;
	v32 =	vld [tilespmem:s13+$0x0]  }
0x1c0: {  	v33 =	vld [tilespmem:s0+$0x0]  }
0x1c1: {  	v54 =	vld [tilespmem:s1+$0xD420]  }
0x1c2: {  	v55 =	vld [tilespmem:s1+$0xD400]  }
0x1c3: {  	v56 =	vld [tilespmem:s1+$0x1070]  }
0x1c4: {  	v57 =	vld [tilespmem:s1+$0xD070]  }
0x1c5: {  	v58 =	vld [tilespmem:s1+$0xD060];
	v52 =	vmul.f32 v52, v32;
	v51 =	vmul.f32 v51, v33  }
0x1c6: {  	v53 =	vmul.f32 v53, v32;
	v54 =	vmul.f32 v54, v33  }
0x1c7: {  	v59 =	vld [tilespmem:s1+$0xD050];
	v50 =	vmul.f32 v50, v32;
	v49 =	vmul.f32 v49, v33  }
0x1c8: {  	v61 =	vld [tilespmem:s1+$0xD020];
	v48 =	vmul.f32 v48, v32;
	v62 =	vmul.f32 v55, v33;
	v51 =	vadd.f32 v51, v52  }
0x1c9: {  	v60 =	vld [tilespmem:s1+$0xD040];
	v63 =	vmul.f32 v56, v32;
	v57 =	vmul.f32 v57, v33;
	v53 =	vadd.f32 v54, v53  }
0x1ca: {  	v47 =	vmul.f32 v47, v32;
	v58 =	vmul.f32 v58, v33;
	v52 =	vld [tilespmem:s1+$0xD030];
	v49 =	vadd.f32 v49, v50;
	[tilespmem:s1+$0x1430] =	vst v51  }
0x1cb: {  	v46 =	vmul.f32 v46, v32;
	v45 =	vmul.f32 v45, v32;
	v50 =	vld [tilespmem:s1+$0xD000];
	v48 =	vadd.f32 v62, v48;
	[tilespmem:s1+$0x1420] =	vst v53  }
0x1cc: {  	v44 =	vmul.f32 v44, v32;
	v62 =	vmul.f32 v59, v33;
	v47 =	vadd.f32 v58, v47;
	v58 =	vld [tilespmem:s1+$0xCC30];
	[tilespmem:s1+$0x1410] =	vst v49  }
0x1cd: {  	v43 =	vmul.f32 v43, v32;
	v59 =	vmul.f32 v61, v33;
	v51 =	vld [tilespmem:s1+$0xD010];
	v53 =	vadd.f32 v57, v63;
	[tilespmem:s1+$0x1400] =	vst v48  }
0x1ce: {  	v42 =	vmul.f32 v42, v32;
	v49 =	vld [tilespmem:s1+$0xCC70];
	v63 =	vmul.f32 v60, v33;
	v46 =	vadd.f32 v62, v46;
	[tilespmem:s1+$0x1060] =	vst v47  }
0x1cf: {  	v41 =	vmul.f32 v41, v32;
	v48 =	vld [tilespmem:s1+$0xCC60];
	v43 =	vadd.f32 v59, v43;
	[tilespmem:s1+$0x1070] =	vst v53;
	v52 =	vmul.f32 v52, v33  }
0x1d0: {  	v40 =	vmul.f32 v40, v32;
	v57 =	vld [tilespmem:s1+$0xCC40];
	v45 =	vadd.f32 v63, v45;
	[tilespmem:s1+$0x1050] =	vst v46;
	v50 =	vmul.f32 v50, v33  }
0x1d1: {  	v36 =	vmul.f32 v36, v32;
	v60 =	vld [tilespmem:s1+$0xCC20];
	[tilespmem:s1+$0x1020] =	vst v43;
	v46 =	vmul.f32 v58, v33;
	v44 =	vadd.f32 v52, v44  }
0x1d2: {  	v39 =	vmul.f32 v39, v32;
	v62 =	vld [tilespmem:s1+$0xCC00];
	[tilespmem:s1+$0x1040] =	vst v45;
	v51 =	vmul.f32 v51, v33;
	v41 =	vadd.f32 v50, v41  }
0x1d3: {  	v38 =	vmul.f32 v38, v32;
	v53 =	vld [tilespmem:s1+$0xCC50];
	v49 =	vmul.f32 v49, v33;
	v36 =	vadd.f32 v46, v36;
	[tilespmem:s1+$0x1030] =	vst v44  }
0x1d4: {  	v37 =	vmul.f32 v37, v32;
	v61 =	vld [tilespmem:s1+$0xCC10];
	v48 =	vmul.f32 v48, v33;
	v42 =	vadd.f32 v51, v42;
	[tilespmem:s1+$0x1000] =	vst v41  }
0x1d5: {  	v35 =	vmul.f32 v35, v32;
	v59 =	vld [tilespmem:s1+$0xC810];
	v47 =	vmul.f32 v57, v33;
	v40 =	vadd.f32 v49, v40;
	[tilespmem:s1+$0xC30] =	vst v36  }
0x1d6: {  	v34 =	vmul.f32 v34, v32;
	v63 =	vld [tilespmem:s1+$0xC870];
	v45 =	vmul.f32 v60, v33;
	v39 =	vadd.f32 v48, v39;
	[tilespmem:s1+$0x1010] =	vst v42  }
0x1d7: {  	v55 =	vld [tilespmem:s1+$0xC850];
	v31 =	vmul.f32 v31, v32;
	v43 =	vmul.f32 v62, v33;
	v37 =	vadd.f32 v47, v37;
	[tilespmem:s1+$0xC70] =	vst v40  }
0x1d8: {  	v30 =	vmul.f32 v30, v32;
	v52 =	vld [tilespmem:s1+$0xC860];
	v54 =	vmul.f32 v53, v33;
	v35 =	vadd.f32 v45, v35;
	[tilespmem:s1+$0xC60] =	vst v39  }
0x1d9: {  	v56 =	vld [tilespmem:s1+$0xC840];
	v29 =	vmul.f32 v29, v32;
	v44 =	vmul.f32 v61, v33;
	v31 =	vadd.f32 v43, v31;
	[tilespmem:s1+$0xC40] =	vst v37  }
0x1da: {  	v24 =	vmul.f32 v24, v32;
	v58 =	vld [tilespmem:s1+$0xC820];
	v36 =	vmul.f32 v59, v33;
	v38 =	vadd.f32 v54, v38;
	[tilespmem:s1+$0xC20] =	vst v35  }
0x1db: {  	v28 =	vmul.f32 v28, v32;
	v60 =	vld [tilespmem:s1+$0xC800];
	v34 =	vadd.f32 v44, v34;
	v42 =	vmul.f32 v63, v33;
	[tilespmem:s1+$0xC00] =	vst v31  }
0x1dc: {  	v27 =	vmul.f32 v27, v32;
	v57 =	vld [tilespmem:s1+$0xC830];
	v40 =	vmul.f32 v55, v33;
	v24 =	vadd.f32 v36, v24;
	[tilespmem:s1+$0xC50] =	vst v38  }
0x1dd: {  	v26 =	vmul.f32 v26, v32;
	v61 =	vld [tilespmem:s1+$0xC470];
	v41 =	vmul.f32 v52, v33;
	[tilespmem:s1+$0xC10] =	vst v34;
	v30 =	vadd.f32 v42, v30  }
0x1de: {  	v25 =	vmul.f32 v25, v32;
	v39 =	vmul.f32 v56, v33;
	v28 =	vadd.f32 v40, v28;
	[tilespmem:s1+$0x810] =	vst v24  }
0x1df: {  	v23 =	vmul.f32 v23, v32;
	v31 =	vld [tilespmem:s1+$0xC460];
	v37 =	vmul.f32 v58, v33;
	v29 =	vadd.f32 v41, v29;
	[tilespmem:s1+$0x870] =	vst v30  }
0x1e0: {  	v22 =	vmul.f32 v22, v32;
	v35 =	vmul.f32 v60, v33;
	v27 =	vadd.f32 v39, v27;
	v30 =	vld [tilespmem:s1+$0xC450];
	[tilespmem:s1+$0x850] =	vst v28  }
0x1e1: {  	v10 =	vmul.f32 v10, v32;
	v38 =	vmul.f32 v57, v33;
	v25 =	vadd.f32 v37, v25;
	[tilespmem:s1+$0x860] =	vst v29;
	v29 =	vld [tilespmem:s1+$0xC440]  }
0x1e2: {  	v9 =	vmul.f32 v9, v33;
	v34 =	vmul.f32 v61, v33;
	v23 =	vadd.f32 v35, v23;
	v28 =	vld [tilespmem:s1+$0xC430];
	[tilespmem:s1+$0x840] =	vst v27  }
0x1e3: {  	v21 =	vmul.f32 v21, v32;
	v26 =	vadd.f32 v38, v26;
	v27 =	vld [tilespmem:s1+$0xC420];
	[tilespmem:s1+$0x820] =	vst v25  }
0x1e4: {  	v9 =	vadd.f32 v9, v10;
	v10 =	vld [tilespmem:s1+$0xC000];
	v24 =	vmul.f32 v31, v33;
	v22 =	vadd.f32 v34, v22;
	[tilespmem:s1+$0x800] =	vst v23  }
0x1e5: {  	v20 =	vmul.f32 v20, v32;
	[tilespmem:s1+$0x830] =	vst v26;
	v26 =	vld [tilespmem:s1+$0xC410];
	v23 =	vmul.f32 v30, v33  }
0x1e6: {  	v19 =	vmul.f32 v19, v32;
	v25 =	vld [tilespmem:s1+$0xC400];
	v21 =	vadd.f32 v24, v21;
	[tilespmem:s1+$0x470] =	vst v22;
	v22 =	vmul.f32 v29, v33  }
0x1e7: {  	v18 =	vmul.f32 v18, v32;
	v31 =	vld [tilespmem:s1+$0xC070];
	v20 =	vadd.f32 v23, v20;
	v23 =	vmul.f32 v28, v33  }
0x1e8: {  	v17 =	vmul.f32 v17, v32;
	v24 =	vld [tilespmem:s1+$0xC060];
	[tilespmem:s1+$0x460] =	vst v21;
	v19 =	vadd.f32 v22, v19;
	v22 =	vmul.f32 v27, v33  }
0x1e9: {  	v12 =	vmul.f32 v12, v32;
	v11 =	vmul.f32 v11, v33;
	v21 =	vld [tilespmem:s1+$0xD440];
	[tilespmem:s1+$0x450] =	vst v20;
	v18 =	vadd.f32 v23, v18  }
0x1ea: {  	v16 =	vmul.f32 v16, v32;
	v20 =	vld [tilespmem:s1+$0xD450];
	v23 =	vmul.f32 v26, v33;
	[tilespmem:s1+$0x440] =	vst v19;
	v17 =	vadd.f32 v22, v17  }
0x1eb: {  	v15 =	vmul.f32 v15, v32;
	v11 =	vadd.f32 v11, v12;
	v19 =	vld [tilespmem:s1+$0xD460];
	[tilespmem:s1+$0x430] =	vst v18;
	v18 =	vmul.f32 v25, v33  }
0x1ec: {  	v14 =	vmul.f32 v14, v32;
	v22 =	vld [tilespmem:s1+$0xD470];
	v16 =	vadd.f32 v23, v16;
	[tilespmem:s1+$0x420] =	vst v17;
	v17 =	vmul.f32 v31, v33  }
0x1ed: {  	[tilespmem:s1+$0x50] =	vst v11;
	v15 =	vadd.f32 v18, v15;
	v18 =	vld [tilespmem:s1+$0x1440]  }
0x1ee: {  	v8 =	vmul.f32 v8, v32;
	v7 =	vmul.f32 v7, v33;
	[tilespmem:s1+$0x410] =	vst v16;
	v16 =	vld [tilespmem:s1+$0x1450];
	v14 =	vadd.f32 v17, v14  }
0x1ef: {  	v6 =	vmul.f32 v6, v32;
	v5 =	vmul.f32 v5, v33;
	[tilespmem:s1+$0x400] =	vst v15;
	v15 =	vld [tilespmem:s1+$0x1460]  }
0x1f0: {  	v3 =	vmul.f32 v3, v32;
	v4 =	vmul.f32 v4, v33;
	v7 =	vadd.f32 v7, v8;
	[tilespmem:s1+$0x70] =	vst v14;
	v14 =	vld [tilespmem:s1+$0x1470]  }
0x1f1: {  	v13 =	vmul.f32 v13, v32;
	v12 =	vld [tilespmem:s1+$0x0];
	v5 =	vadd.f32 v5, v6;
	[tilespmem:s1+$0x40] =	vst v9;
	v23 =	vmul.f32 v24, v33  }
0x1f2: {  	v3 =	vadd.f32 v4, v3;
	[tilespmem:s1+$0x30] =	vst v7;
	v6 =	vmul.f32 v21, v33;
	v8 =	vmul.f32 v18, v32  }
0x1f3: {  	[tilespmem:s1+$0x20] =	vst v5;
	v13 =	vadd.f32 v23, v13;
	v4 =	vmul.f32 v20, v33;
	v9 =	vmul.f32 v16, v32  }
0x1f4: {  	[tilespmem:s1+$0x10] =	vst v3;
	v7 =	vmul.f32 v15, v32;
	v5 =	vadd.f32 v6, v8;
	v6 =	vmul.f32 v19, v33  }
0x1f5: {  	[tilespmem:s1+$0x60] =	vst v13;
	v3 =	vadd.f32 v4, v9;
	v4 =	vmul.f32 v22, v33;
	v8 =	vmul.f32 v14, v32  }
0x1f6: {  	v10 =	vmul.f32 v10, v33;
	v9 =	vmul.f32 v12, v32;
	[tilespmem:s1+$0x1440] =	vst v5;
	v5 =	vadd.f32 v6, v7  }
0x1f7: {  	[tilespmem:s1+$0x1450] =	vst v3;
	v3 =	vadd.f32 v4, v8  }
0x1f8: {  	v4 =	vadd.f32 v10, v9;
	[tilespmem:s1+$0x1460] =	vst v5  }
0x1f9: {  	[tilespmem:s1+$0x1470] =	vst v3  }
0x1fa: {  	[tilespmem:s1+$0x0] =	vst v4  }
0x1fb: {  	[hbm4b:s10+s2] =	stream.linear.scatter [tilespmem:s2], [sflag:$0x4], $0x6000, $0x38;
	[tilespmem:$0x1C100] =	vst v63  }
0x1fc: {  	_ =	swait.ge [sflag:s28], $0x6000  }
0x1fd: {  	[sflag:s28] =	ssyncset.done $0x0  }
0x1fe: {  	s13 =	simm.s32 $0x4;
	[sflag:s28] =	ssyncadd.s32 $0xFFFFA000  }
0x1ff: {  	s14 =	simm.s32 $0x1000;
	s0 =	smul.u32 $0x1800, s13;
	_ =	swait.ge [sflag:s28], $0x6000  }
0x200: {  	s1 =	sand.u32 $0x380, s14;
	[sflag:s28] =	ssyncset.done $0x0  }
0x201: {  	s16 =	sor.u32 s1, s0;
	[sflag:s28] =	ssyncadd.s32 $0xFFFFA000  }
0x202: {  	v4 =	vld [tilespmem:s16+$0x10]  }
0x203: {  	v3 =	vld [tilespmem:s16+$0xC010]  }
0x204: {  	v6 =	vld [tilespmem:s16+$0x20]  }
0x205: {  	v5 =	vld [tilespmem:s16+$0xC020]  }
0x206: {  	v10 =	vld [tilespmem:s16+$0x30]  }
0x207: {  	v7 =	vld [tilespmem:s16+$0xC030]  }
0x208: {  	v12 =	vld [tilespmem:s16+$0x40]  }
0x209: {  	v11 =	vld [tilespmem:s16+$0xC040]  }
0x20a: {  	v13 =	vld [tilespmem:s16+$0x60]  }
0x20b: {  	v14 =	vld [tilespmem:s16+$0x70]  }
0x20c: {  	v15 =	vld [tilespmem:s16+$0x400]  }
0x20d: {  	v16 =	vld [tilespmem:s16+$0x410]  }
0x20e: {  	v17 =	vld [tilespmem:s16+$0x420]  }
0x20f: {  	v18 =	vld [tilespmem:s16+$0x430]  }
0x210: {  	v19 =	vld [tilespmem:s16+$0x440]  }
0x211: {  	v20 =	vld [tilespmem:s16+$0x450]  }
0x212: {  	v21 =	vld [tilespmem:s16+$0x460]  }
0x213: {  	v22 =	vld [tilespmem:s16+$0x470]  }
0x214: {  	v23 =	vld [tilespmem:s16+$0x800]  }
0x215: {  	v24 =	vld [tilespmem:s16+$0x810]  }
0x216: {  	v25 =	vld [tilespmem:s16+$0x820]  }
0x217: {  	v26 =	vld [tilespmem:s16+$0x830]  }
0x218: {  	v27 =	vld [tilespmem:s16+$0x840]  }
0x219: {  	v28 =	vld [tilespmem:s16+$0x850]  }
0x21a: {  	v29 =	vld [tilespmem:s16+$0x860]  }
0x21b: {  	v30 =	vld [tilespmem:s16+$0x870]  }
0x21c: {  	v31 =	vld [tilespmem:s16+$0xC00]  }
0x21d: {  	v32 =	vld [tilespmem:s16+$0xC10]  }
0x21e: {  	v33 =	vld [tilespmem:s16+$0xC20]  }
0x21f: {  	v34 =	vld [tilespmem:s16+$0xC30]  }
0x220: {  	v35 =	vld [tilespmem:s16+$0xC40]  }
0x221: {  	v36 =	vld [tilespmem:s16+$0xC50]  }
0x222: {  	v37 =	vld [tilespmem:s16+$0xC60]  }
0x223: {  	v38 =	vld [tilespmem:s16+$0xC70]  }
0x224: {  	v39 =	vld [tilespmem:s16+$0x1000]  }
0x225: {  	v40 =	vld [tilespmem:s16+$0x1010]  }
0x226: {  	v41 =	vld [tilespmem:s16+$0x1020]  }
0x227: {  	v42 =	vld [tilespmem:s16+$0x1030]  }
0x228: {  	v43 =	vld [tilespmem:s16+$0x1040]  }
0x229: {  	v44 =	vld [tilespmem:s16+$0x1050]  }
0x22a: {  	v45 =	vld [tilespmem:s16+$0x1060]  }
0x22b: {  	v46 =	vld [tilespmem:s16+$0x1400]  }
0x22c: {  	v47 =	vld [tilespmem:s16+$0x1410]  }
0x22d: {  	v48 =	vld [tilespmem:s16+$0xD410]  }
0x22e: {  	v49 =	vld [tilespmem:s16+$0xD430]  }
0x22f: {  	v50 =	vld [tilespmem:s16+$0x1430]  }
0x230: {  	s1 =	simm.s32 $0x19000;
	v51 =	vld [tilespmem:s16+$0x1420]  }
0x231: {  	s31 =	simm.s32 $0x1B000;
	v8 =	vld [tilespmem:s1+$0x0]  }
0x232: {  	v9 =	vld [tilespmem:s31+$0x0]  }
0x233: {  	v52 =	vld [tilespmem:s16+$0xD420]  }
0x234: {  	v62 =	vld [tilespmem:s16+$0xD400]  }
0x235: {  	v63 =	vld [tilespmem:s16+$0x1070]  }
0x236: {  	v60 =	vld [tilespmem:s16+$0xD070];
	v50 =	vmul.f32 v50, v8  }
0x237: {  	v61 =	vld [tilespmem:s16+$0xD060];
	v49 =	vmul.f32 v49, v9;
	v51 =	vmul.f32 v51, v8  }
0x238: {  	v57 =	vld [tilespmem:s16+$0xD050];
	v52 =	vmul.f32 v52, v9;
	v47 =	vmul.f32 v47, v8  }
0x239: {  	v58 =	vld [tilespmem:s16+$0xD040];
	v48 =	vmul.f32 v48, v9;
	v46 =	vmul.f32 v46, v8;
	v49 =	vadd.f32 v49, v50  }
0x23a: {  	v53 =	vld [tilespmem:s16+$0xD030];
	v62 =	vmul.f32 v62, v9;
	v63 =	vmul.f32 v63, v8;
	v51 =	vadd.f32 v52, v51  }
0x23b: {  	v56 =	vld [tilespmem:s16+$0xCC60];
	v59 =	vmul.f32 v60, v9;
	v45 =	vmul.f32 v45, v8;
	v47 =	vadd.f32 v48, v47;
	[tilespmem:s16+$0x1430] =	vst v49  }
0x23c: {  	v55 =	vld [tilespmem:s16+$0xC870];
	v60 =	vmul.f32 v61, v9;
	v44 =	vmul.f32 v44, v8;
	v46 =	vadd.f32 v62, v46;
	[tilespmem:s16+$0x1420] =	vst v51  }
0x23d: {  	v61 =	vld [tilespmem:s16+$0xD000];
	v12 =	vmul.f32 v12, v8;
	v11 =	vmul.f32 v11, v9;
	v52 =	vadd.f32 v59, v63;
	[tilespmem:s16+$0x1410] =	vst v47  }
0x23e: {  	v10 =	vmul.f32 v10, v8;
	v7 =	vmul.f32 v7, v9;
	v48 =	vld [tilespmem:s16+$0xD020];
	v45 =	vadd.f32 v60, v45;
	[tilespmem:s16+$0x1400] =	vst v46  }
0x23f: {  	v62 =	vmul.f32 v57, v9;
	v63 =	vmul.f32 v58, v9;
	v58 =	vld [tilespmem:s16+$0xCC50];
	v11 =	vadd.f32 v11, v12;
	[tilespmem:s16+$0x1070] =	vst v52  }
0x240: {  	v43 =	vmul.f32 v43, v8;
	v59 =	vld [tilespmem:s16+$0xCC40];
	v7 =	vadd.f32 v7, v10;
	[tilespmem:s16+$0x1060] =	vst v45  }
0x241: {  	v42 =	vmul.f32 v42, v8;
	v57 =	vmul.f32 v53, v9;
	v60 =	vld [tilespmem:s16+$0xCC30];
	v44 =	vadd.f32 v62, v44;
	[tilespmem:s16+$0x40] =	vst v11  }
0x242: {  	v37 =	vmul.f32 v37, v8;
	v53 =	vld [tilespmem:s16+$0xCC00];
	v43 =	vadd.f32 v63, v43;
	v46 =	vmul.f32 v56, v9;
	[tilespmem:s16+$0x30] =	vst v7  }
0x243: {  	v39 =	vmul.f32 v39, v8;
	v49 =	vld [tilespmem:s16+$0xD010];
	v42 =	vadd.f32 v57, v42;
	v61 =	vmul.f32 v61, v9;
	[tilespmem:s16+$0x1050] =	vst v44  }
0x244: {  	v41 =	vmul.f32 v41, v8;
	v47 =	vld [tilespmem:s16+$0xCC70];
	[tilespmem:s16+$0x1040] =	vst v43;
	v37 =	vadd.f32 v46, v37;
	v48 =	vmul.f32 v48, v9  }
0x245: {  	v36 =	vmul.f32 v36, v8;
	v62 =	vld [tilespmem:s16+$0xCC20];
	[tilespmem:s16+$0x1030] =	vst v42;
	v39 =	vadd.f32 v61, v39;
	v54 =	vmul.f32 v58, v9  }
0x246: {  	v35 =	vmul.f32 v35, v8;
	v63 =	vld [tilespmem:s16+$0xCC10];
	v45 =	vmul.f32 v59, v9;
	[tilespmem:s16+$0xC60] =	vst v37;
	v41 =	vadd.f32 v48, v41  }
0x247: {  	v34 =	vmul.f32 v34, v8;
	v56 =	vld [tilespmem:s16+$0xC860];
	v44 =	vmul.f32 v60, v9;
	[tilespmem:s16+$0x1000] =	vst v39;
	v36 =	vadd.f32 v54, v36  }
0x248: {  	v40 =	vmul.f32 v40, v8;
	v12 =	vld [tilespmem:s16+$0x1460];
	v49 =	vmul.f32 v49, v9;
	v35 =	vadd.f32 v45, v35;
	[tilespmem:s16+$0x1020] =	vst v41  }
0x249: {  	v38 =	vmul.f32 v38, v8;
	v58 =	vld [tilespmem:s16+$0xC840];
	v47 =	vmul.f32 v47, v9;
	v34 =	vadd.f32 v44, v34;
	[tilespmem:s16+$0xC50] =	vst v36  }
0x24a: {  	v33 =	vmul.f32 v33, v8;
	v59 =	vld [tilespmem:s16+$0xC830];
	v43 =	vmul.f32 v62, v9;
	v40 =	vadd.f32 v49, v40;
	[tilespmem:s16+$0xC40] =	vst v35  }
0x24b: {  	v32 =	vmul.f32 v32, v8;
	v57 =	vld [tilespmem:s16+$0xC850];
	v42 =	vmul.f32 v63, v9;
	v38 =	vadd.f32 v47, v38;
	[tilespmem:s16+$0xC30] =	vst v34  }
0x24c: {  	v29 =	vmul.f32 v29, v8;
	v60 =	vld [tilespmem:s16+$0xC820];
	v39 =	vmul.f32 v56, v9;
	v33 =	vadd.f32 v43, v33;
	[tilespmem:s16+$0x1010] =	vst v40  }
0x24d: {  	v31 =	vmul.f32 v31, v8;
	v61 =	vld [tilespmem:s16+$0xC810];
	v41 =	vmul.f32 v53, v9;
	v32 =	vadd.f32 v42, v32;
	[tilespmem:s16+$0xC70] =	vst v38  }
0x24e: {  	v27 =	vmul.f32 v27, v8;
	v62 =	vld [tilespmem:s16+$0xC800];
	v29 =	vadd.f32 v39, v29;
	v37 =	vmul.f32 v58, v9;
	[tilespmem:s16+$0xC20] =	vst v33  }
0x24f: {  	v26 =	vmul.f32 v26, v8;
	v63 =	vld [tilespmem:s16+$0xC470];
	v36 =	vmul.f32 v59, v9;
	v31 =	vadd.f32 v41, v31;
	[tilespmem:s16+$0xC10] =	vst v32  }
0x250: {  	v30 =	vmul.f32 v30, v8;
	v40 =	vmul.f32 v55, v9;
	[tilespmem:s16+$0x860] =	vst v29;
	v29 =	vld [tilespmem:s16+$0xC440];
	v27 =	vadd.f32 v37, v27  }
0x251: {  	v25 =	vmul.f32 v25, v8;
	v35 =	vmul.f32 v60, v9;
	v26 =	vadd.f32 v36, v26;
	[tilespmem:s16+$0xC00] =	vst v31;
	v31 =	vld [tilespmem:s16+$0xC460]  }
0x252: {  	v28 =	vmul.f32 v28, v8;
	v38 =	vmul.f32 v57, v9;
	v30 =	vadd.f32 v40, v30;
	[tilespmem:s16+$0x840] =	vst v27;
	v27 =	vld [tilespmem:s16+$0xC420]  }
0x253: {  	v23 =	vmul.f32 v23, v8;
	v33 =	vmul.f32 v62, v9;
	v25 =	vadd.f32 v35, v25;
	[tilespmem:s16+$0x830] =	vst v26;
	v26 =	vld [tilespmem:s16+$0xC410]  }
0x254: {  	v24 =	vmul.f32 v24, v8;
	v34 =	vmul.f32 v61, v9;
	v28 =	vadd.f32 v38, v28;
	[tilespmem:s16+$0x870] =	vst v30;
	v30 =	vld [tilespmem:s16+$0xC450]  }
0x255: {  	v22 =	vmul.f32 v22, v8;
	v32 =	vmul.f32 v63, v9;
	v23 =	vadd.f32 v33, v23;
	[tilespmem:s16+$0x820] =	vst v25;
	v25 =	vld [tilespmem:s16+$0xC400]  }
0x256: {  	v19 =	vmul.f32 v19, v8;
	v24 =	vadd.f32 v34, v24;
	[tilespmem:s16+$0x850] =	vst v28;
	v28 =	vld [tilespmem:s16+$0xC430];
	v29 =	vmul.f32 v29, v9  }
0x257: {  	v21 =	vmul.f32 v21, v8;
	v22 =	vadd.f32 v32, v22;
	[tilespmem:s16+$0x800] =	vst v23;
	v23 =	vld [tilespmem:s16+$0xC060];
	v31 =	vmul.f32 v31, v9  }
0x258: {  	v17 =	vmul.f32 v17, v8;
	[tilespmem:s16+$0x810] =	vst v24;
	v24 =	vld [tilespmem:s16+$0xC070];
	v19 =	vadd.f32 v29, v19;
	v27 =	vmul.f32 v27, v9  }
0x259: {  	v20 =	vmul.f32 v20, v8;
	[tilespmem:s16+$0x470] =	vst v22;
	v22 =	vld [tilespmem:s16+$0x50];
	v30 =	vmul.f32 v30, v9;
	v21 =	vadd.f32 v31, v21  }
0x25a: {  	v15 =	vmul.f32 v15, v8;
	v25 =	vmul.f32 v25, v9;
	[tilespmem:s16+$0x440] =	vst v19;
	v19 =	vld [tilespmem:s16+$0xD450];
	v17 =	vadd.f32 v27, v17  }
0x25b: {  	v18 =	vmul.f32 v18, v8;
	v28 =	vmul.f32 v28, v9;
	v20 =	vadd.f32 v30, v20;
	[tilespmem:s16+$0x460] =	vst v21;
	v21 =	vld [tilespmem:s16+$0xC050]  }
0x25c: {  	v13 =	vmul.f32 v13, v8;
	v23 =	vmul.f32 v23, v9;
	v15 =	vadd.f32 v25, v15;
	[tilespmem:s16+$0x420] =	vst v17;
	v17 =	vld [tilespmem:s16+$0x1440]  }
0x25d: {  	v6 =	vmul.f32 v6, v8;
	v5 =	vmul.f32 v5, v9;
	v18 =	vadd.f32 v28, v18;
	[tilespmem:s16+$0x450] =	vst v20;
	v20 =	vld [tilespmem:s16+$0xD440]  }
0x25e: {  	v14 =	vmul.f32 v14, v8;
	v24 =	vmul.f32 v24, v9;
	v13 =	vadd.f32 v23, v13;
	[tilespmem:s16+$0x400] =	vst v15;
	v15 =	vld [tilespmem:s16+$0x1450]  }
0x25f: {  	v4 =	vmul.f32 v4, v8;
	v3 =	vmul.f32 v3, v9;
	v5 =	vadd.f32 v5, v6;
	[tilespmem:s16+$0x430] =	vst v18;
	v18 =	vld [tilespmem:s16+$0xD460]  }
0x260: {  	v6 =	vld [tilespmem:s16+$0x0];
	v14 =	vadd.f32 v24, v14;
	v10 =	vmul.f32 v22, v8;
	[tilespmem:s16+$0x60] =	vst v13;
	v13 =	vmul.f32 v21, v9  }
0x261: {  	s17 =	simm.s32 $0x4;
	v16 =	vmul.f32 v16, v8;
	v3 =	vadd.f32 v3, v4;
	v7 =	vld [tilespmem:s16+$0xC000];
	[tilespmem:s16+$0x20] =	vst v5;
	v26 =	vmul.f32 v26, v9  }
0x262: {  	s14 =	simm.s32 $0x1080;
	s0 =	smul.u32 $0x1800, s17;
	[tilespmem:s16+$0x70] =	vst v14;
	v14 =	vld [tilespmem:s16+$0x1470];
	v11 =	vmul.f32 v17, v8;
	v17 =	vmul.f32 v20, v9;
	v4 =	vadd.f32 v13, v10  }
0x263: {  	s14 =	sand.u32 $0x380, s14;
	[tilespmem:s16+$0x10] =	vst v3;
	v16 =	vadd.f32 v26, v16;
	v5 =	vmul.f32 v15, v8;
	v10 =	vmul.f32 v19, v9  }
0x264: {  	s0 =	sor.u32 s14, s0;
	v11 =	vadd.f32 v17, v11;
	[tilespmem:s16+$0x50] =	vst v4;
	v4 =	vmul.f32 v12, v8;
	v12 =	vmul.f32 v18, v9  }
0x265: {  	v3 =	vld [tilespmem:s0+$0x10];
	[tilespmem:s16+$0x410] =	vst v16;
	v5 =	vadd.f32 v10, v5  }
0x266: {  	v7 =	vmul.f32 v7, v9;
	v16 =	vld [tilespmem:s16+$0xD470];
	[tilespmem:s16+$0x1440] =	vst v11;
	v12 =	vadd.f32 v12, v4  }
0x267: {  	v10 =	vmul.f32 v14, v8;
	v8 =	vmul.f32 v6, v8;
	v4 =	vld [tilespmem:s0+$0xC010];
	[tilespmem:s16+$0x1450] =	vst v5  }
0x268: {  	v6 =	vld [tilespmem:s0+$0x20];
	[tilespmem:s16+$0x1460] =	vst v12  }
0x269: {  	v7 =	vadd.f32 v7, v8;
	v5 =	vld [tilespmem:s0+$0xC020]  }
0x26a: {  	v8 =	vld [tilespmem:s0+$0x30]  }
0x26b: {  	[tilespmem:s16+$0x0] =	vst v7;
	v18 =	vld [tilespmem:s0+$0x430]  }
0x26c: {  	v11 =	vmul.f32 v16, v9;
	v26 =	vld [tilespmem:s0+$0x830]  }
0x26d: {  	v36 =	vld [tilespmem:s0+$0xC30]  }
0x26e: {  	v9 =	vadd.f32 v11, v10;
	v44 =	vld [tilespmem:s0+$0x1030]  }
0x26f: {  	v48 =	vld [tilespmem:s0+$0x1400]  }
0x270: {  	[tilespmem:s16+$0x1470] =	vst v9;
	v50 =	vld [tilespmem:s0+$0x1410]  }
0x271: {  	v7 =	vld [tilespmem:s0+$0xC030]  }
0x272: {  	v10 =	vld [tilespmem:s0+$0x40]  }
0x273: {  	v9 =	vld [tilespmem:s0+$0xC040]  }
0x274: {  	v12 =	vld [tilespmem:s0+$0x50]  }
0x275: {  	v11 =	vld [tilespmem:s0+$0xC050]  }
0x276: {  	v13 =	vld [tilespmem:s0+$0x60]  }
0x277: {  	v14 =	vld [tilespmem:s0+$0x70]  }
0x278: {  	v15 =	vld [tilespmem:s0+$0x400]  }
0x279: {  	v16 =	vld [tilespmem:s0+$0x410]  }
0x27a: {  	v17 =	vld [tilespmem:s0+$0x420]  }
0x27b: {  	v19 =	vld [tilespmem:s0+$0x440]  }
0x27c: {  	v20 =	vld [tilespmem:s0+$0x450]  }
0x27d: {  	v21 =	vld [tilespmem:s0+$0x460]  }
0x27e: {  	v22 =	vld [tilespmem:s0+$0x470]  }
0x27f: {  	v23 =	vld [tilespmem:s0+$0x800]  }
0x280: {  	v24 =	vld [tilespmem:s0+$0x810]  }
0x281: {  	v25 =	vld [tilespmem:s0+$0x820]  }
0x282: {  	v27 =	vld [tilespmem:s0+$0x840]  }
0x283: {  	v28 =	vld [tilespmem:s0+$0x850]  }
0x284: {  	v29 =	vld [tilespmem:s0+$0x860]  }
0x285: {  	v30 =	vld [tilespmem:s0+$0x870]  }
0x286: {  	v31 =	vld [tilespmem:s0+$0xC00]  }
0x287: {  	v34 =	vld [tilespmem:s0+$0xC10]  }
0x288: {  	v35 =	vld [tilespmem:s0+$0xC20]  }
0x289: {  	v37 =	vld [tilespmem:s0+$0xC40]  }
0x28a: {  	v38 =	vld [tilespmem:s0+$0xC50]  }
0x28b: {  	v39 =	vld [tilespmem:s0+$0xC60]  }
0x28c: {  	v40 =	vld [tilespmem:s0+$0xC70]  }
0x28d: {  	v41 =	vld [tilespmem:s0+$0x1000]  }
0x28e: {  	v42 =	vld [tilespmem:s0+$0x1010]  }
0x28f: {  	v43 =	vld [tilespmem:s0+$0x1020]  }
0x290: {  	v45 =	vld [tilespmem:s0+$0x1040]  }
0x291: {  	v46 =	vld [tilespmem:s0+$0x1050]  }
0x292: {  	v47 =	vld [tilespmem:s0+$0x1060]  }
0x293: {  	v49 =	vld [tilespmem:s0+$0xD410]  }
0x294: {  	s13 =	simm.s32 $0x21;
	s14 =	simm.s32 $0x1100;
	v51 =	vld [tilespmem:s0+$0xD430]  }
.LBB2_4:
0x295: {  	p0 =	sne.s32 s14, $0x1F80;
	v52 =	vld [tilespmem:s0+$0x1430]  }
0x296: {  	s1 =	sadd.s32 $0x80, s1;
	v53 =	vld [tilespmem:s0+$0x1420]  }
0x297: {  	s31 =	sadd.s32 $0x80, s31;
	v33 =	vld [tilespmem:s1+$0x0]  }
0x298: {  	v32 =	vld [tilespmem:s31+$0x0]  }
0x299: {  	v54 =	vld [tilespmem:s0+$0xD420]  }
0x29a: {  	v55 =	vld [tilespmem:s0+$0xD400]  }
0x29b: {  	v56 =	vld [tilespmem:s0+$0x1070]  }
0x29c: {  	v57 =	vld [tilespmem:s0+$0xD070];
	v50 =	vmul.f32 v50, v33;
	v53 =	vmul.f32 v53, v33  }
0x29d: {  	v52 =	vmul.f32 v52, v33;
	v58 =	vld [tilespmem:s0+$0xD060];
	v51 =	vmul.f32 v51, v32  }
0x29e: {  	v49 =	vmul.f32 v49, v32;
	v59 =	vld [tilespmem:s0+$0xD050];
	v54 =	vmul.f32 v54, v32  }
0x29f: {  	v48 =	vmul.f32 v48, v33;
	v60 =	vld [tilespmem:s0+$0xD040];
	v55 =	vmul.f32 v55, v32;
	v51 =	vadd.f32 v51, v52  }
0x2a0: {  	v49 =	vadd.f32 v49, v50;
	v52 =	vld [tilespmem:s0+$0xD030];
	v56 =	vmul.f32 v56, v33;
	v50 =	vadd.f32 v54, v53  }
0x2a1: {  	v47 =	vmul.f32 v47, v33;
	v53 =	vld [tilespmem:s0+$0xD020];
	v54 =	vmul.f32 v57, v32;
	v48 =	vadd.f32 v55, v48;
	[tilespmem:s0+$0x1430] =	vst v51  }
0x2a2: {  	v46 =	vmul.f32 v46, v33;
	v51 =	vld [tilespmem:s0+$0xD010];
	v55 =	vmul.f32 v58, v32;
	[tilespmem:s0+$0x1420] =	vst v50  }
0x2a3: {  	v45 =	vmul.f32 v45, v33;
	v50 =	vld [tilespmem:s0+$0xD000];
	v57 =	vmul.f32 v59, v32;
	v54 =	vadd.f32 v54, v56;
	[tilespmem:s0+$0x1410] =	vst v49  }
0x2a4: {  	v44 =	vmul.f32 v44, v33;
	v49 =	vld [tilespmem:s0+$0xCC70];
	v56 =	vmul.f32 v60, v32;
	v47 =	vadd.f32 v55, v47;
	[tilespmem:s0+$0x1400] =	vst v48  }
0x2a5: {  	v43 =	vmul.f32 v43, v33;
	v48 =	vld [tilespmem:s0+$0xCC60];
	v52 =	vmul.f32 v52, v32;
	v46 =	vadd.f32 v57, v46;
	[tilespmem:s0+$0x1070] =	vst v54  }
0x2a6: {  	v42 =	vmul.f32 v42, v33;
	v54 =	vld [tilespmem:s0+$0xCC50];
	v53 =	vmul.f32 v53, v32;
	v45 =	vadd.f32 v56, v45;
	[tilespmem:s0+$0x1060] =	vst v47  }
0x2a7: {  	v41 =	vmul.f32 v41, v33;
	v47 =	vld [tilespmem:s0+$0xCC40];
	v51 =	vmul.f32 v51, v32;
	v44 =	vadd.f32 v52, v44;
	[tilespmem:s0+$0x1050] =	vst v46  }
0x2a8: {  	v40 =	vmul.f32 v40, v33;
	v46 =	vld [tilespmem:s0+$0xCC30];
	v50 =	vmul.f32 v50, v32;
	v43 =	vadd.f32 v53, v43;
	[tilespmem:s0+$0x1040] =	vst v45  }
0x2a9: {  	v39 =	vmul.f32 v39, v33;
	v45 =	vld [tilespmem:s0+$0xCC20];
	v49 =	vmul.f32 v49, v32;
	v42 =	vadd.f32 v51, v42;
	[tilespmem:s0+$0x1030] =	vst v44  }
0x2aa: {  	v38 =	vmul.f32 v38, v33;
	v44 =	vld [tilespmem:s0+$0xCC10];
	v48 =	vmul.f32 v48, v32;
	v41 =	vadd.f32 v50, v41;
	[tilespmem:s0+$0x1020] =	vst v43  }
0x2ab: {  	v37 =	vmul.f32 v37, v33;
	v43 =	vld [tilespmem:s0+$0xCC00];
	v50 =	vmul.f32 v54, v32;
	v40 =	vadd.f32 v49, v40;
	[tilespmem:s0+$0x1010] =	vst v42  }
0x2ac: {  	v36 =	vmul.f32 v36, v33;
	v42 =	vld [tilespmem:s0+$0xC870];
	v47 =	vmul.f32 v47, v32;
	v39 =	vadd.f32 v48, v39;
	[tilespmem:s0+$0x1000] =	vst v41  }
0x2ad: {  	v35 =	vmul.f32 v35, v33;
	v41 =	vld [tilespmem:s0+$0xC860];
	v46 =	vmul.f32 v46, v32;
	v38 =	vadd.f32 v50, v38;
	[tilespmem:s0+$0xC70] =	vst v40  }
0x2ae: {  	v34 =	vmul.f32 v34, v33;
	v40 =	vld [tilespmem:s0+$0xC850];
	v45 =	vmul.f32 v45, v32;
	v37 =	vadd.f32 v47, v37;
	[tilespmem:s0+$0xC60] =	vst v39  }
0x2af: {  	v31 =	vmul.f32 v31, v33;
	v39 =	vld [tilespmem:s0+$0xC840];
	v44 =	vmul.f32 v44, v32;
	v36 =	vadd.f32 v46, v36;
	[tilespmem:s0+$0xC50] =	vst v38  }
0x2b0: {  	v30 =	vmul.f32 v30, v33;
	v38 =	vld [tilespmem:s0+$0xC830];
	v43 =	vmul.f32 v43, v32;
	v35 =	vadd.f32 v45, v35;
	[tilespmem:s0+$0xC40] =	vst v37  }
0x2b1: {  	v29 =	vmul.f32 v29, v33;
	v37 =	vld [tilespmem:s0+$0xC820];
	v42 =	vmul.f32 v42, v32;
	v34 =	vadd.f32 v44, v34;
	[tilespmem:s0+$0xC30] =	vst v36  }
0x2b2: {  	v28 =	vmul.f32 v28, v33;
	v36 =	vld [tilespmem:s0+$0xC810];
	v41 =	vmul.f32 v41, v32;
	v31 =	vadd.f32 v43, v31;
	[tilespmem:s0+$0xC20] =	vst v35  }
0x2b3: {  	v27 =	vmul.f32 v27, v33;
	v35 =	vld [tilespmem:s0+$0xC800];
	v40 =	vmul.f32 v40, v32;
	v30 =	vadd.f32 v42, v30;
	[tilespmem:s0+$0xC10] =	vst v34  }
0x2b4: {  	v26 =	vmul.f32 v26, v33;
	v34 =	vld [tilespmem:s0+$0xC470];
	v39 =	vmul.f32 v39, v32;
	v29 =	vadd.f32 v41, v29;
	[tilespmem:s0+$0xC00] =	vst v31  }
0x2b5: {  	v25 =	vmul.f32 v25, v33;
	v31 =	vld [tilespmem:s0+$0xC460];
	v38 =	vmul.f32 v38, v32;
	v28 =	vadd.f32 v40, v28;
	[tilespmem:s0+$0x870] =	vst v30  }
0x2b6: {  	v24 =	vmul.f32 v24, v33;
	v30 =	vld [tilespmem:s0+$0xC450];
	v37 =	vmul.f32 v37, v32;
	v27 =	vadd.f32 v39, v27;
	[tilespmem:s0+$0x860] =	vst v29  }
0x2b7: {  	v23 =	vmul.f32 v23, v33;
	v29 =	vld [tilespmem:s0+$0xC440];
	v36 =	vmul.f32 v36, v32;
	v26 =	vadd.f32 v38, v26;
	[tilespmem:s0+$0x850] =	vst v28  }
0x2b8: {  	v22 =	vmul.f32 v22, v33;
	v28 =	vld [tilespmem:s0+$0xC430];
	v35 =	vmul.f32 v35, v32;
	v25 =	vadd.f32 v37, v25;
	[tilespmem:s0+$0x840] =	vst v27  }
0x2b9: {  	v21 =	vmul.f32 v21, v33;
	v27 =	vld [tilespmem:s0+$0xC420];
	v34 =	vmul.f32 v34, v32;
	v24 =	vadd.f32 v36, v24;
	[tilespmem:s0+$0x830] =	vst v26  }
0x2ba: {  	v20 =	vmul.f32 v20, v33;
	v26 =	vld [tilespmem:s0+$0xC410];
	v31 =	vmul.f32 v31, v32;
	v23 =	vadd.f32 v35, v23;
	[tilespmem:s0+$0x820] =	vst v25  }
0x2bb: {  	v19 =	vmul.f32 v19, v33;
	v25 =	vld [tilespmem:s0+$0xC400];
	v30 =	vmul.f32 v30, v32;
	v22 =	vadd.f32 v34, v22;
	[tilespmem:s0+$0x810] =	vst v24  }
0x2bc: {  	v18 =	vmul.f32 v18, v33;
	v24 =	vld [tilespmem:s0+$0xC070];
	v29 =	vmul.f32 v29, v32;
	v21 =	vadd.f32 v31, v21;
	[tilespmem:s0+$0x800] =	vst v23  }
0x2bd: {  	v17 =	vmul.f32 v17, v33;
	v23 =	vld [tilespmem:s0+$0xC060];
	v28 =	vmul.f32 v28, v32;
	v20 =	vadd.f32 v30, v20;
	[tilespmem:s0+$0x470] =	vst v22  }
0x2be: {  	v16 =	vmul.f32 v16, v33;
	v22 =	vmul.f32 v27, v32;
	v19 =	vadd.f32 v29, v19;
	[tilespmem:s0+$0x460] =	vst v21;
	v21 =	vld [tilespmem:s0+$0xD440]  }
0x2bf: {  	v15 =	vmul.f32 v15, v33;
	v26 =	vmul.f32 v26, v32;
	v18 =	vadd.f32 v28, v18;
	[tilespmem:s0+$0x450] =	vst v20;
	v20 =	vld [tilespmem:s0+$0xD450]  }
0x2c0: {  	v14 =	vmul.f32 v14, v33;
	v25 =	vmul.f32 v25, v32;
	v17 =	vadd.f32 v22, v17;
	[tilespmem:s0+$0x440] =	vst v19;
	v19 =	vld [tilespmem:s0+$0xD460]  }
0x2c1: {  	v13 =	vmul.f32 v13, v33;
	v22 =	vmul.f32 v24, v32;
	v16 =	vadd.f32 v26, v16;
	[tilespmem:s0+$0x430] =	vst v18;
	v18 =	vld [tilespmem:s0+$0xD470]  }
0x2c2: {  	v12 =	vmul.f32 v12, v33;
	v23 =	vmul.f32 v23, v32;
	v15 =	vadd.f32 v25, v15;
	[tilespmem:s0+$0x420] =	vst v17;
	v17 =	vld [tilespmem:s0+$0x1440]  }
0x2c3: {  	v10 =	vmul.f32 v10, v33;
	v11 =	vmul.f32 v11, v32;
	v14 =	vadd.f32 v22, v14;
	[tilespmem:s0+$0x410] =	vst v16;
	v16 =	vld [tilespmem:s0+$0x1450]  }
0x2c4: {  	v8 =	vmul.f32 v8, v33;
	v9 =	vmul.f32 v9, v32;
	v13 =	vadd.f32 v23, v13;
	[tilespmem:s0+$0x400] =	vst v15;
	v15 =	vld [tilespmem:s0+$0x1460]  }
0x2c5: {  	v6 =	vmul.f32 v6, v33;
	v7 =	vmul.f32 v7, v32;
	v11 =	vadd.f32 v11, v12;
	[tilespmem:s0+$0x70] =	vst v14;
	v12 =	vld [tilespmem:s0+$0x1470]  }
0x2c6: {  	v3 =	vmul.f32 v3, v33;
	v5 =	vmul.f32 v5, v32;
	v9 =	vadd.f32 v9, v10;
	v14 =	vld [tilespmem:s0+$0x0];
	[tilespmem:s0+$0x60] =	vst v13  }
0x2c7: {  	s13 =	sadd.s32 $0x1, s13;
	v4 =	vmul.f32 v4, v32;
	v7 =	vadd.f32 v7, v8;
	v10 =	vld [tilespmem:s0+$0xC000];
	[tilespmem:s0+$0x50] =	vst v11;
	v8 =	vmul.f32 v17, v33  }
0x2c8: {  	s16 =	sshrl.u32 s13, $0x3;
	v5 =	vadd.f32 v5, v6;
	v6 =	vmul.f32 v21, v32;
	[tilespmem:s0+$0x40] =	vst v9;
	v9 =	vmul.f32 v16, v33  }
0x2c9: {  	s16 =	smul.u32 $0x1800, s16;
	v3 =	vadd.f32 v4, v3;
	v4 =	vmul.f32 v20, v32;
	[tilespmem:s0+$0x30] =	vst v7;
	v7 =	vmul.f32 v15, v33  }
0x2ca: {  	s17 =	sand.u32 $0x380, s14;
	[tilespmem:s0+$0x20] =	vst v5;
	v5 =	vadd.f32 v6, v8;
	v6 =	vmul.f32 v19, v32;
	v8 =	vmul.f32 v12, v33  }
0x2cb: {  	s16 =	sor.u32 s17, s16;
	v9 =	vadd.f32 v4, v9;
	v12 =	vmul.f32 v18, v32;
	v11 =	vmul.f32 v14, v33;
	[tilespmem:s0+$0x10] =	vst v3  }
0x2cc: {  	v3 =	vld [tilespmem:s16+$0x10];
	v10 =	vmul.f32 v10, v32;
	[tilespmem:s0+$0x1440] =	vst v5;
	v5 =	vadd.f32 v6, v7  }
0x2cd: {  	v7 =	vadd.f32 v12, v8;
	v4 =	vld [tilespmem:s16+$0xC010];
	[tilespmem:s0+$0x1450] =	vst v9  }
0x2ce: {  	v6 =	vld [tilespmem:s16+$0x20];
	v9 =	vadd.f32 v10, v11;
	[tilespmem:s0+$0x1460] =	vst v5  }
0x2cf: {  	v5 =	vld [tilespmem:s16+$0xC020];
	[tilespmem:s0+$0x1470] =	vst v7  }
0x2d0: {  	v8 =	vld [tilespmem:s16+$0x30];
	[tilespmem:s0+$0x0] =	vst v9;
	s0 =	smov.u32 s16  }
0x2d1: {  	v7 =	vld [tilespmem:s0+$0xC030]  }
0x2d2: {  	v10 =	vld [tilespmem:s0+$0x40]  }
0x2d3: {  	v9 =	vld [tilespmem:s0+$0xC040]  }
0x2d4: {  	v12 =	vld [tilespmem:s0+$0x50]  }
0x2d5: {  	v11 =	vld [tilespmem:s0+$0xC050]  }
0x2d6: {  	v13 =	vld [tilespmem:s0+$0x60]  }
0x2d7: {  	v14 =	vld [tilespmem:s0+$0x70]  }
0x2d8: {  	v15 =	vld [tilespmem:s0+$0x400]  }
0x2d9: {  	v16 =	vld [tilespmem:s0+$0x410]  }
0x2da: {  	v17 =	vld [tilespmem:s0+$0x420]  }
0x2db: {  	v18 =	vld [tilespmem:s0+$0x430]  }
0x2dc: {  	v19 =	vld [tilespmem:s0+$0x440]  }
0x2dd: {  	v20 =	vld [tilespmem:s0+$0x450]  }
0x2de: {  	v21 =	vld [tilespmem:s0+$0x460]  }
0x2df: {  	v22 =	vld [tilespmem:s0+$0x470]  }
0x2e0: {  	v23 =	vld [tilespmem:s0+$0x800]  }
0x2e1: {  	v24 =	vld [tilespmem:s0+$0x810]  }
0x2e2: {  	v25 =	vld [tilespmem:s0+$0x820]  }
0x2e3: {  	v26 =	vld [tilespmem:s0+$0x830]  }
0x2e4: {  	v27 =	vld [tilespmem:s0+$0x840]  }
0x2e5: {  	v28 =	vld [tilespmem:s0+$0x850]  }
0x2e6: {  	v29 =	vld [tilespmem:s0+$0x860]  }
0x2e7: {  	v30 =	vld [tilespmem:s0+$0x870]  }
0x2e8: {  	v31 =	vld [tilespmem:s0+$0xC00]  }
0x2e9: {  	v34 =	vld [tilespmem:s0+$0xC10]  }
0x2ea: {  	v35 =	vld [tilespmem:s0+$0xC20]  }
0x2eb: {  	v36 =	vld [tilespmem:s0+$0xC30]  }
0x2ec: {  	v37 =	vld [tilespmem:s0+$0xC40]  }
0x2ed: {  	v38 =	vld [tilespmem:s0+$0xC50]  }
0x2ee: {  	v39 =	vld [tilespmem:s0+$0xC60]  }
0x2ef: {  	v40 =	vld [tilespmem:s0+$0xC70]  }
0x2f0: {  	v41 =	vld [tilespmem:s0+$0x1000]  }
0x2f1: {  	v42 =	vld [tilespmem:s0+$0x1010]  }
0x2f2: {  	v43 =	vld [tilespmem:s0+$0x1020]  }
0x2f3: {  	v44 =	vld [tilespmem:s0+$0x1030]  }
0x2f4: {  	v45 =	vld [tilespmem:s0+$0x1040]  }
0x2f5: {  	v46 =	vld [tilespmem:s0+$0x1050]  }
.Ltmp1:
0x2f6: {  	v47 =	vld [tilespmem:s0+$0x1060];
	(pc) =	sbr.rel @p0 .LBB2_4-.Ltmp1, $4  }
0x2f7: {  	v48 =	vld [tilespmem:s0+$0x1400]  }
0x2f8: {  	v50 =	vld [tilespmem:s0+$0x1410]  }
0x2f9: {  	v49 =	vld [tilespmem:s0+$0xD410]  }
0x2fa: {  	s14 =	sadd.s32 $0x80, s14;
	v51 =	vld [tilespmem:s0+$0xD430]  }
0x2fb: {  	v52 =	vld [tilespmem:s0+$0x1430]  }
0x2fc: {  	v53 =	vld [tilespmem:s0+$0x1420];
	s1 =	sadd.s32 $0x80, s1  }
0x2fd: {  	s31 =	sadd.s32 $0x80, s31;
	v32 =	vld [tilespmem:s1+$0x0]  }
0x2fe: {  	v33 =	vld [tilespmem:s31+$0x0]  }
0x2ff: {  	v54 =	vld [tilespmem:s0+$0xD420];
	_ =	sdelay $0x1  }
0x300: {  	v55 =	vld [tilespmem:s0+$0xD400]  }
0x301: {  	v56 =	vld [tilespmem:s0+$0x1070]  }
0x302: {  	v58 =	vld [tilespmem:s0+$0xD060];
	v52 =	vmul.f32 v52, v32;
	v51 =	vmul.f32 v51, v33  }
0x303: {  	v57 =	vld [tilespmem:s0+$0xD070];
	v53 =	vmul.f32 v53, v32;
	v54 =	vmul.f32 v54, v33  }
0x304: {  	v59 =	vld [tilespmem:s0+$0xD050];
	v50 =	vmul.f32 v50, v32;
	v49 =	vmul.f32 v49, v33  }
0x305: {  	v60 =	vld [tilespmem:s0+$0xD040];
	v48 =	vmul.f32 v48, v32;
	v62 =	vmul.f32 v55, v33;
	v51 =	vadd.f32 v51, v52  }
0x306: {  	v61 =	vld [tilespmem:s0+$0xD020];
	v63 =	vmul.f32 v56, v32;
	v47 =	vmul.f32 v47, v32;
	v53 =	vadd.f32 v54, v53  }
0x307: {  	v58 =	vmul.f32 v58, v33;
	v55 =	vld [tilespmem:s0+$0xC460];
	v12 =	vmul.f32 v12, v32;
	v49 =	vadd.f32 v49, v50;
	[tilespmem:s0+$0x1430] =	vst v51  }
0x308: {  	v56 =	vld [tilespmem:s0+$0xC450];
	v11 =	vmul.f32 v11, v33;
	v10 =	vmul.f32 v10, v32;
	v48 =	vadd.f32 v62, v48;
	[tilespmem:s0+$0x1420] =	vst v53  }
0x309: {  	v9 =	vmul.f32 v9, v33;
	v8 =	vmul.f32 v8, v32;
	v52 =	vld [tilespmem:s0+$0xD030];
	v47 =	vadd.f32 v58, v47;
	[tilespmem:s0+$0x1410] =	vst v49  }
0x30a: {  	v7 =	vmul.f32 v7, v33;
	v6 =	vmul.f32 v6, v32;
	v50 =	vld [tilespmem:s0+$0xD000];
	v11 =	vadd.f32 v11, v12;
	[tilespmem:s0+$0x1400] =	vst v48  }
0x30b: {  	v5 =	vmul.f32 v5, v33;
	v3 =	vmul.f32 v3, v32;
	v58 =	vld [tilespmem:s0+$0xCC20];
	v9 =	vadd.f32 v9, v10;
	[tilespmem:s0+$0x1060] =	vst v47  }
0x30c: {  	v4 =	vmul.f32 v4, v33;
	v62 =	vmul.f32 v59, v33;
	v59 =	vld [tilespmem:s0+$0xCC10];
	v7 =	vadd.f32 v7, v8;
	[tilespmem:s0+$0x50] =	vst v11  }
0x30d: {  	v57 =	vmul.f32 v57, v33;
	v54 =	vld [tilespmem:s0+$0xC470];
	v5 =	vadd.f32 v5, v6;
	[tilespmem:s0+$0x40] =	vst v9  }
0x30e: {  	v46 =	vmul.f32 v46, v32;
	v3 =	vadd.f32 v4, v3;
	v51 =	vld [tilespmem:s0+$0xD010];
	[tilespmem:s0+$0x30] =	vst v7  }
0x30f: {  	v45 =	vmul.f32 v45, v32;
	v49 =	vld [tilespmem:s0+$0xCC70];
	v53 =	vadd.f32 v57, v63;
	v63 =	vmul.f32 v60, v33;
	[tilespmem:s0+$0x20] =	vst v5  }
0x310: {  	v43 =	vmul.f32 v43, v32;
	v48 =	vld [tilespmem:s0+$0xCC60];
	v46 =	vadd.f32 v62, v46;
	v57 =	vmul.f32 v61, v33;
	[tilespmem:s0+$0x10] =	vst v3  }
0x311: {  	v44 =	vmul.f32 v44, v32;
	v47 =	vld [tilespmem:s0+$0xCC40];
	[tilespmem:s0+$0x1070] =	vst v53;
	v45 =	vadd.f32 v63, v45;
	v52 =	vmul.f32 v52, v33  }
0x312: {  	v41 =	vmul.f32 v41, v32;
	v60 =	vld [tilespmem:s0+$0xCC00];
	[tilespmem:s0+$0x1050] =	vst v46;
	v43 =	vadd.f32 v57, v43;
	v50 =	vmul.f32 v50, v33  }
0x313: {  	v35 =	vmul.f32 v35, v32;
	v61 =	vld [tilespmem:s0+$0xC870];
	[tilespmem:s0+$0x1040] =	vst v45;
	v45 =	vmul.f32 v58, v33;
	v44 =	vadd.f32 v52, v44  }
0x314: {  	v42 =	vmul.f32 v42, v32;
	v53 =	vld [tilespmem:s0+$0xCC50];
	[tilespmem:s0+$0x1020] =	vst v43;
	v51 =	vmul.f32 v51, v33;
	v41 =	vadd.f32 v50, v41  }
0x315: {  	v40 =	vmul.f32 v40, v32;
	v46 =	vld [tilespmem:s0+$0xCC30];
	v49 =	vmul.f32 v49, v33;
	v35 =	vadd.f32 v45, v35;
	[tilespmem:s0+$0x1030] =	vst v44  }
0x316: {  	v39 =	vmul.f32 v39, v32;
	v62 =	vld [tilespmem:s0+$0xC860];
	v48 =	vmul.f32 v48, v33;
	v42 =	vadd.f32 v51, v42;
	[tilespmem:s0+$0x1000] =	vst v41  }
0x317: {  	v37 =	vmul.f32 v37, v32;
	v57 =	vld [tilespmem:s0+$0xC440];
	v47 =	vmul.f32 v47, v33;
	v40 =	vadd.f32 v49, v40;
	[tilespmem:s0+$0xC20] =	vst v35  }
0x318: {  	v31 =	vmul.f32 v31, v32;
	v58 =	vld [tilespmem:s0+$0xC430];
	v43 =	vmul.f32 v60, v33;
	v39 =	vadd.f32 v48, v39;
	[tilespmem:s0+$0x1010] =	vst v42  }
0x319: {  	v38 =	vmul.f32 v38, v32;
	v50 =	vld [tilespmem:s0+$0xC830];
	v63 =	vmul.f32 v53, v33;
	v37 =	vadd.f32 v47, v37;
	[tilespmem:s0+$0xC70] =	vst v40  }
0x31a: {  	v36 =	vmul.f32 v36, v32;
	v60 =	vld [tilespmem:s0+$0xC410];
	v46 =	vmul.f32 v46, v33;
	v31 =	vadd.f32 v43, v31;
	[tilespmem:s0+$0xC60] =	vst v39  }
0x31b: {  	v34 =	vmul.f32 v34, v32;
	v52 =	vld [tilespmem:s0+$0xC810];
	v44 =	vmul.f32 v59, v33;
	v38 =	vadd.f32 v63, v38;
	[tilespmem:s0+$0xC40] =	vst v37  }
0x31c: {  	v29 =	vmul.f32 v29, v32;
	v45 =	vld [tilespmem:s0+$0x1440];
	v41 =	vmul.f32 v62, v33;
	v36 =	vadd.f32 v46, v36;
	[tilespmem:s0+$0xC00] =	vst v31  }
0x31d: {  	v21 =	vmul.f32 v21, v32;
	v48 =	vld [tilespmem:s0+$0xC850];
	v62 =	vmul.f32 v55, v33;
	v34 =	vadd.f32 v44, v34;
	[tilespmem:s0+$0xC50] =	vst v38  }
0x31e: {  	v30 =	vmul.f32 v30, v32;
	v49 =	vld [tilespmem:s0+$0xC840];
	v42 =	vmul.f32 v61, v33;
	v29 =	vadd.f32 v41, v29;
	[tilespmem:s0+$0xC30] =	vst v36  }
0x31f: {  	v16 =	vmul.f32 v16, v32;
	v51 =	vld [tilespmem:s0+$0xC820];
	v21 =	vadd.f32 v62, v21;
	v41 =	vmul.f32 v60, v33;
	[tilespmem:s0+$0xC10] =	vst v34  }
0x320: {  	v26 =	vmul.f32 v26, v32;
	v53 =	vld [tilespmem:s0+$0xC800];
	v30 =	vadd.f32 v42, v30;
	[tilespmem:s0+$0x860] =	vst v29;
	v38 =	vmul.f32 v50, v33  }
0x321: {  	v24 =	vmul.f32 v24, v32;
	v59 =	vld [tilespmem:s0+$0xC420];
	v36 =	vmul.f32 v52, v33;
	[tilespmem:s0+$0x460] =	vst v21;
	v16 =	vadd.f32 v41, v16  }
0x322: {  	v22 =	vmul.f32 v22, v32;
	v43 =	vld [tilespmem:s0+$0xD470];
	v34 =	vmul.f32 v54, v33;
	[tilespmem:s0+$0x870] =	vst v30;
	v26 =	vadd.f32 v38, v26  }
0x323: {  	v28 =	vmul.f32 v28, v32;
	v61 =	vld [tilespmem:s0+$0xC400];
	v40 =	vmul.f32 v48, v33;
	v24 =	vadd.f32 v36, v24;
	[tilespmem:s0+$0x410] =	vst v16  }
0x324: {  	v27 =	vmul.f32 v27, v32;
	v63 =	vld [tilespmem:s0+$0xC070];
	v39 =	vmul.f32 v49, v33;
	v22 =	vadd.f32 v34, v22;
	[tilespmem:s0+$0x830] =	vst v26  }
0x325: {  	v25 =	vmul.f32 v25, v32;
	v46 =	vld [tilespmem:s0+$0x1450];
	v37 =	vmul.f32 v51, v33;
	v28 =	vadd.f32 v40, v28;
	[tilespmem:s0+$0x810] =	vst v24  }
0x326: {  	v23 =	vmul.f32 v23, v32;
	v50 =	vld [tilespmem:s0+$0xC000];
	v35 =	vmul.f32 v53, v33;
	v27 =	vadd.f32 v39, v27;
	[tilespmem:s0+$0x470] =	vst v22  }
0x327: {  	v20 =	vmul.f32 v20, v32;
	v48 =	vld [tilespmem:s0+$0x1460];
	v30 =	vmul.f32 v56, v33;
	v25 =	vadd.f32 v37, v25;
	[tilespmem:s0+$0x850] =	vst v28  }
0x328: {  	v19 =	vmul.f32 v19, v32;
	v51 =	vld [tilespmem:s0+$0x0];
	v23 =	vadd.f32 v35, v23;
	v35 =	vmul.f32 v57, v33;
	[tilespmem:s0+$0x840] =	vst v27  }
0x329: {  	v18 =	vmul.f32 v18, v32;
	v34 =	vld [tilespmem:s0+$0xC060];
	v37 =	vmul.f32 v58, v33;
	v20 =	vadd.f32 v30, v20;
	[tilespmem:s0+$0x820] =	vst v25  }
0x32a: {  	v17 =	vmul.f32 v17, v32;
	v36 =	vld [tilespmem:s0+$0xD440];
	v39 =	vmul.f32 v59, v33;
	[tilespmem:s0+$0x800] =	vst v23;
	v19 =	vadd.f32 v35, v19  }
0x32b: {  	v15 =	vmul.f32 v15, v32;
	v38 =	vld [tilespmem:s0+$0xD450];
	v42 =	vmul.f32 v61, v33;
	v18 =	vadd.f32 v37, v18;
	[tilespmem:s0+$0x450] =	vst v20  }
0x32c: {  	v14 =	vmul.f32 v14, v32;
	v40 =	vld [tilespmem:s0+$0xD460];
	v44 =	vmul.f32 v63, v33;
	v17 =	vadd.f32 v39, v17;
	[tilespmem:s0+$0x440] =	vst v19  }
0x32d: {  	v49 =	vld [tilespmem:s0+$0x1470];
	v15 =	vadd.f32 v42, v15;
	v10 =	vmul.f32 v50, v33;
	v61 =	vmul.f32 v51, v32;
	[tilespmem:s0+$0x430] =	vst v18  }
0x32e: {  	v13 =	vmul.f32 v13, v32;
	v14 =	vadd.f32 v44, v14;
	[tilespmem:s0+$0x420] =	vst v17;
	v47 =	vmul.f32 v34, v33  }
0x32f: {  	v52 =	vmul.f32 v45, v32;
	[tilespmem:s0+$0x400] =	vst v15;
	v53 =	vmul.f32 v36, v33;
	v63 =	vadd.f32 v10, v61  }
0x330: {  	v54 =	vmul.f32 v46, v32;
	[tilespmem:s0+$0x70] =	vst v14;
	v55 =	vmul.f32 v38, v33;
	v13 =	vadd.f32 v47, v13  }
0x331: {  	v56 =	vmul.f32 v48, v32;
	v58 =	vmul.f32 v40, v33;
	v57 =	vadd.f32 v53, v52;
	[tilespmem:s0+$0x0] =	vst v63  }
0x332: {  	v60 =	vmul.f32 v43, v33;
	v59 =	vmul.f32 v49, v32;
	v3 =	vadd.f32 v55, v54;
	[tilespmem:s0+$0x60] =	vst v13  }
0x333: {  	v62 =	vadd.f32 v58, v56;
	[tilespmem:s0+$0x1440] =	vst v57  }
0x334: {  	[tilespmem:s0+$0x1450] =	vst v3;
	v3 =	vadd.f32 v60, v59  }
0x335: {  	[tilespmem:s0+$0x1460] =	vst v62  }
0x336: {  	s30 =	sadd.s32 $0x1, s30;
	[tilespmem:s0+$0x1470] =	vst v3  }
0x337: {  	[hbm4b:s11+s2] =	stream.linear.scatter [tilespmem:s20], [sflag:$0x4], $0x6000, $0x38;
	[tilespmem:$0x1C100] =	vst v63  }
0x338: {  	p0 =	sne.s32 s30, s12;
	_ =	swait.ge [sflag:s29], $0x6000  }
.Ltmp2:
0x339: {  	[sflag:s29] =	ssyncset.done $0x0;
	(pc) =	sbr.rel @p0 .LBB2_1-.Ltmp2, $4  }
0x33a: {  	[sflag:s29] =	ssyncadd.s32 $0xFFFFA000  }
0x33b: {  	_ =	swait.ge [sflag:s29], $0x6000  }
0x33c: {  	[sflag:s29] =	ssyncset.done $0x0  }
0x33d: {  	[sflag:s29] =	ssyncadd.s32 $0xFFFFA000  }
0x33e: {  	_ =	sfence.sel $0x180000  }
0x33f: {  	[bflag:$0x0] =	sbarrier.arrive $0xFFFF  }
0x340: {  	_ =	strace $0x9000004A  }
0x341: {  	s0 =	stileid.u32;
	[bflag:$0x2] =	sbarrier.arrive $0xFFFF  }
0x342: {  	p0 =	sne.s32 s0, $0x0;
	s0 =	rddreg [dreg:$0x2]  }
0x343: {  	s0 =	sadd.s32 @!p0 $0x100000, s0  }
0x344: {  	[sflag:s0] =	ssyncadd.tile.s32 @!p0 $0x1;
	_ =	shalt  }
.Lfunc_end2:
_tile_overlayer_lowered:
.L_overlay_start_2:
0x345: {  	(tag) =	ssettag $0x2  }
0x346: {  	s0 =	rddreg [dreg:$0x0];
	s2 =	stileid.u32  }
0x347: {  	s1 =	rddreg [dreg:$0x1];
	p0 =	sne.s32 s2, $0x0  }
0x348: {  	s3 =	rddreg [dreg:$0x2];
	[bflag:$0x3] =	sbarrier.arrive $0xFFFF;
	s2 =	simm.s32 @!p0 $0x1C05  }
0x349: {  	[timem:s3], [sflag:s2] =	dma.local @!p0 [hbm:s0], s1  }
0x34a: {  	s0 =	simm.s32 @!p0 $0x5  }
0x34b: {  	_ =	swait.ge @!p0 [sflag:s0], s1  }
0x34c: {  	s1 =	ssub.s32 @!p0 $0x0, s1;
	[sflag:s0] =	ssyncset.done @!p0 $0x0  }
0x34d: {  	[sflag:s0] =	ssyncadd.s32 @!p0 s1  }
0x34e: {  	[bflag:$0x3] =	sbarrier.arrive $0xFFFF  }
0x34f: {  	_ =	shalt  }

</sc_bundles>
